<compile_context>
chip_gen: v7x
topology: tpu7x:2x2x1
jax: 0.10.2.dev20260603
libtpu: 0.0.44.dev20260713+nightly
codegen_flags: <defaults>
</compile_context>

<pallas_src>
import functools

import jax
import jax.numpy as jnp
import numpy as np
from jax import lax
from jax.experimental import pallas as pl
from jax.experimental.pallas import tpu as pltpu
from jax.experimental.pallas import tpu_sc as plsc

_N = 10000
_E = 320000
_NPAD = 10240
_NC = 2
_NS = 16
_K = 128
_CHP = 160
_CHB = 80
_EP = _NS * _CHP * _K
_TRASH = 10200
_RSUB = _NPAD // _NS
_R = 2048
_BN_SCALE = float(1.0 / np.sqrt(1.0 + 1e-5))

_mesh = plsc.VectorSubcoreMesh(
    core_axis_name="c", subcore_axis_name="s", num_cores=_NC, num_subcores=_NS)



def _make_sc_segsum(W):

    @functools.partial(
        pl.kernel,
        out_type=[jax.ShapeDtypeStruct((_NPAD, W), jnp.float32),
                  jax.ShapeDtypeStruct((_NPAD, W), jnp.float32)],
        mesh=_mesh,
        compiler_params=pltpu.CompilerParams(use_tc_tiling_on_sc=False),
        scratch_types=[pltpu.VMEM((_CHB, _K), jnp.int32),
                       pltpu.VMEM((_CHB, _K), jnp.int32),
                       pltpu.VMEM((_K, W), jnp.float32),
                       pltpu.VMEM((_K, W), jnp.float32),
                       pltpu.VMEM_SHARED((_NPAD, W), jnp.float32),
                       pltpu.VMEM_SHARED((_NPAD, W), jnp.float32),
                       pltpu.SemaphoreType.DMA,
                       pltpu.SemaphoreType.DMA,
                       pltpu.SemaphoreType.DMA])
    def _seg(tl_hbm, tr_hbm, gidx_hbm, sidx_hbm, zrows_hbm, outl_hbm,
             outr_hbm, gbuf, sbuf, r0, r1, tsp, acc, g0, g1, zsem):
        cid = lax.axis_index("c")
        sid = lax.axis_index("s")
        rows = [r0, r1]
        gsem = [g0, g1]
        row0 = pl.multiple_of(sid * _RSUB, 8)
        zcopy = pltpu.async_copy(zrows_hbm, acc.at[pl.ds(row0, _RSUB)], zsem)

        @pl.when(cid == 0)
        def _():
            pltpu.sync_copy(tl_hbm.at[pl.ds(row0, _RSUB)],
                            tsp.at[pl.ds(row0, _RSUB)])

        @pl.when(cid == 1)
        def _():
            pltpu.sync_copy(tr_hbm.at[pl.ds(row0, _RSUB)],
                            tsp.at[pl.ds(row0, _RSUB)])
        zcopy.wait()
        plsc.subcore_barrier()

        def gather_start(j, b):
            pltpu.async_copy(tsp.at[gbuf.at[j]], rows[b], gsem[b])

        def gather_wait(j, b):
            pltpu.make_async_copy(tsp.at[gbuf.at[j]], rows[b], gsem[b]).wait()

        for h in range(_CHP // _CHB):
            pltpu.sync_copy(gidx_hbm.at[sid, pl.ds(h * _CHB, _CHB)], gbuf)
            pltpu.sync_copy(sidx_hbm.at[sid, pl.ds(h * _CHB, _CHB)], sbuf)
            gather_start(0, 0)
            gather_start(1, 1)

            def pair(i, carry):
                for b in range(2):
                    j = i * 2 + b
                    gather_wait(j, b)
                    pltpu.sync_copy(rows[b], acc.at[sbuf.at[j]], add=True)

                    @pl.when(i < _CHB // 2 - 1)
                    def _():
                        gather_start(j + 2, b)
                return carry
            lax.fori_loop(0, _CHB // 2, pair, 0)

        plsc.subcore_barrier()

        @pl.when(cid == 0)
        def _():
            pltpu.sync_copy(acc.at[pl.ds(row0, _RSUB)],
                            outl_hbm.at[pl.ds(row0, _RSUB)])

        @pl.when(cid == 1)
        def _():
            pltpu.sync_copy(acc.at[pl.ds(row0, _RSUB)],
                            outr_hbm.at[pl.ds(row0, _RSUB)])

    return _seg


_sc_seg64 = _make_sc_segsum(64)
_sc_seg24 = _make_sc_segsum(24)


@functools.partial(
    pl.kernel,
    out_type=[jax.ShapeDtypeStruct((_NPAD, 16), jnp.float32),
              jax.ShapeDtypeStruct((_NPAD, 16), jnp.float32)],
    mesh=_mesh,
    compiler_params=pltpu.CompilerParams(use_tc_tiling_on_sc=False),
    scratch_types=[pltpu.VMEM((_CHB, _K), jnp.int32),
                   pltpu.VMEM((_K, 16), jnp.float32),
                   pltpu.VMEM_SHARED((_NPAD, 16), jnp.float32),
                   pltpu.SemaphoreType.DMA])
def _sc_counts(eidx_hbm, vidx_hbm, ones_hbm, zrows_hbm, oute_hbm, outv_hbm,
               sbuf, ones_sp, acc, zsem):
    cid = lax.axis_index("c")
    sid = lax.axis_index("s")
    row0 = pl.multiple_of(sid * _RSUB, 8)
    zcopy = pltpu.async_copy(zrows_hbm, acc.at[pl.ds(row0, _RSUB)], zsem)
    pltpu.sync_copy(ones_hbm, ones_sp)
    zcopy.wait()
    plsc.subcore_barrier()

    for h in range(_CHP // _CHB):
        @pl.when(cid == 0)
        def _():
            pltpu.sync_copy(eidx_hbm.at[sid, pl.ds(h * _CHB, _CHB)], sbuf)

        @pl.when(cid == 1)
        def _():
            pltpu.sync_copy(vidx_hbm.at[sid, pl.ds(h * _CHB, _CHB)], sbuf)

        def chunk(j, carry):
            pltpu.sync_copy(ones_sp, acc.at[sbuf.at[j]], add=True)
            return carry
        lax.fori_loop(0, _CHB, chunk, 0)

    plsc.subcore_barrier()

    @pl.when(cid == 0)
    def _():
        pltpu.sync_copy(acc.at[pl.ds(row0, _RSUB)],
                        oute_hbm.at[pl.ds(row0, _RSUB)])

    @pl.when(cid == 1)
    def _():
        pltpu.sync_copy(acc.at[pl.ds(row0, _RSUB)],
                        outv_hbm.at[pl.ds(row0, _RSUB)])



def _tc1_body(x_ref, w_ref, ol_ref, or_ref):
    d = jnp.dot(x_ref[...], w_ref[...], preferred_element_type=jnp.float32)
    ol_ref[...] = d[:, :64]
    or_ref[...] = d[:, 64:]


def _mean(pl_ref, pr_ref, c_ref):
    cnt = c_ref[...][:, :1]
    s = jnp.concatenate([pl_ref[...], pr_ref[...]], axis=1)
    return s / jnp.maximum(cnt, 1.0)


def _tc2_body(pl_ref, pr_ref, c_ref, w_ref, ol_ref, or_ref):
    yc = jnp.maximum(_mean(pl_ref, pr_ref, c_ref), 0.0)
    d = jnp.dot(yc, w_ref[...], preferred_element_type=jnp.float32)
    ol_ref[...] = d[:, :64]
    or_ref[...] = d[:, 64:]


def _tc3_body(pl_ref, pr_ref, c_ref, g_ref, b_ref, w_ref, ol_ref, or_ref):
    xv = jnp.maximum(_mean(pl_ref, pr_ref, c_ref), 0.0)
    xv = xv * (g_ref[...] * _BN_SCALE) + b_ref[...]
    d = jnp.dot(xv, w_ref[...], preferred_element_type=jnp.float32)
    ol_ref[...] = d[:, :24]
    or_ref[...] = d[:, 24:48]


def _tc4_body(rl_ref, rr_ref, c_ref, w_ref, ol_ref, or_ref):
    yc = jnp.maximum(_mean(rl_ref, rr_ref, c_ref), 0.0)
    d = jnp.dot(yc, w_ref[...], preferred_element_type=jnp.float32)
    ol_ref[...] = d[:, :24]
    or_ref[...] = d[:, 24:48]


def _tc5_body(rl_ref, rr_ref, c_ref, o_ref):
    z = _mean(rl_ref, rr_ref, c_ref)
    col = lax.broadcasted_iota(jnp.int32, (_R, 48), 1)
    valid = col < 40
    zm = jnp.where(valid, z, -jnp.inf)
    m = jnp.max(zm, axis=1, keepdims=True)
    ez = jnp.where(valid, jnp.exp(z - m), 0.0)
    lse = jnp.log(jnp.sum(ez, axis=1, keepdims=True))
    o_ref[...] = jnp.where(valid, z - m - lse, 0.0)


_GRID = (_NPAD // _R,)


def _blk(c):
    return pl.BlockSpec((_R, c), lambda i: (i, 0))


def _wblk(cin, cout):
    return pl.BlockSpec((cin, cout), lambda i: (0, 0))


def _f32(*shape):
    return jax.ShapeDtypeStruct(shape, jnp.float32)


def _tc_matmul(xp, w):
    return pl.pallas_call(
        _tc1_body, grid=_GRID,
        in_specs=[_blk(128), _wblk(128, 128)],
        out_specs=[_blk(64), _blk(64)],
        out_shape=[_f32(_NPAD, 64), _f32(_NPAD, 64)],
    )(xp, w)


def _tc_mean_relu_mm(pL, pR, cnt, w):
    return pl.pallas_call(
        _tc2_body, grid=_GRID,
        in_specs=[_blk(64), _blk(64), _blk(16), _wblk(128, 128)],
        out_specs=[_blk(64), _blk(64)],
        out_shape=[_f32(_NPAD, 64), _f32(_NPAD, 64)],
    )(pL, pR, cnt, w)


def _tc_mean_relu_bn_mm(pL, pR, cnt, gam, bet, w):
    return pl.pallas_call(
        _tc3_body, grid=_GRID,
        in_specs=[_blk(64), _blk(64), _blk(16),
                  pl.BlockSpec((1, 128), lambda i: (0, 0)),
                  pl.BlockSpec((1, 128), lambda i: (0, 0)),
                  _wblk(128, 48)],
        out_specs=[_blk(24), _blk(24)],
        out_shape=[_f32(_NPAD, 24), _f32(_NPAD, 24)],
    )(pL, pR, cnt, gam, bet, w)


def _tc_mean_relu_mm48(rL, rR, cnt, w):
    return pl.pallas_call(
        _tc4_body, grid=_GRID,
        in_specs=[_blk(24), _blk(24), _blk(16), _wblk(48, 48)],
        out_specs=[_blk(24), _blk(24)],
        out_shape=[_f32(_NPAD, 24), _f32(_NPAD, 24)],
    )(rL, rR, cnt, w)


def _tc_mean_logsoftmax(rL, rR, cnt):
    return pl.pallas_call(
        _tc5_body, grid=_GRID,
        in_specs=[_blk(24), _blk(24), _blk(16)],
        out_specs=_blk(48),
        out_shape=_f32(_NPAD, 48),
    )(rL, rR, cnt)



def kernel(x, edge_index, W1_v2e, W1_e2v, bn1_gamma, bn1_beta, W2_v2e, W2_e2v):
    f32 = jnp.float32
    i32 = jnp.int32
    vidx = edge_index[0]
    eidx = edge_index[1]
    gpad = jnp.zeros((_EP - _E,), i32)
    spad = jnp.full((_EP - _E,), _TRASH, i32)
    v3 = jnp.concatenate([vidx, gpad]).reshape(_NS, _CHP, _K)
    e3 = jnp.concatenate([eidx, gpad]).reshape(_NS, _CHP, _K)
    vs3 = jnp.concatenate([vidx, spad]).reshape(_NS, _CHP, _K)
    es3 = jnp.concatenate([eidx, spad]).reshape(_NS, _CHP, _K)
    xp = jnp.zeros((_NPAD, 128), f32).at[:_N, :].set(x)
    w2v = jnp.zeros((128, 48), f32).at[:, :40].set(W2_v2e)
    w2e = jnp.zeros((48, 48), f32).at[:40, :40].set(W2_e2v)
    gam = bn1_gamma.reshape(1, 128)
    bet = bn1_beta.reshape(1, 128)
    ones16 = jnp.zeros((_K, 16), f32).at[:, 0].set(1.0)
    z16 = jnp.zeros((_RSUB, 16), f32)
    z64 = jnp.zeros((_RSUB, 64), f32)
    z24 = jnp.zeros((_RSUB, 24), f32)

    ce, cv = _sc_counts(es3, vs3, ones16, z16)
    tL, tR = _tc_matmul(xp, W1_v2e)
    p1L, p1R = _sc_seg64(tL, tR, v3, es3, z64)
    yL, yR = _tc_mean_relu_mm(p1L, p1R, ce, W1_e2v)
    p2L, p2R = _sc_seg64(yL, yR, e3, vs3, z64)
    qL, qR = _tc_mean_relu_bn_mm(p2L, p2R, cv, gam, bet, w2v)
    r1L, r1R = _sc_seg24(qL, qR, v3, es3, z24)
    sL, sR = _tc_mean_relu_mm48(r1L, r1R, ce, w2e)
    r2L, r2R = _sc_seg24(sL, sR, e3, vs3, z24)
    out = _tc_mean_logsoftmax(r2L, r2R, cv)
    return out[:_N, :40]

# --- scband reference (transcript-rebuilt; emitter-appended) ---
"""Pipeline reference for scband-hnhn-62242666053887 (READ-ONLY COPY).

The authoritative reference and input builder live on the scoring server;
editing this copy changes nothing except your own understanding.
"""

import jax, jax.numpy as jnp
import numpy as np

N = 10000       # num vertices
E = 320000      # num incidence pairs (vertex, hyperedge)
M = 10000       # num hyperedges
C_IN = 128
C_HID = 128
N_CLASS = 40


def setup_inputs(seed: int = 0) -> dict:
    key = jax.random.key(seed)
    ks = jax.random.split(key, 8)
    x = jax.random.normal(ks[0], (N, C_IN), dtype=jnp.float32)
    edge_index = jax.random.randint(ks[1], (2, E), 0, N, dtype=jnp.int32)
    W1_v2e = jax.random.normal(ks[2], (C_IN, C_HID), dtype=jnp.float32) / np.sqrt(C_IN)
    W1_e2v = jax.random.normal(ks[3], (C_HID, C_HID), dtype=jnp.float32) / np.sqrt(C_HID)
    bn1_gamma = jnp.ones((C_HID,), jnp.float32)
    bn1_beta = jnp.zeros((C_HID,), jnp.float32)
    W2_v2e = jax.random.normal(ks[4], (C_HID, N_CLASS), dtype=jnp.float32) / np.sqrt(C_HID)
    W2_e2v = jax.random.normal(ks[5], (N_CLASS, N_CLASS), dtype=jnp.float32) / np.sqrt(N_CLASS)
    return {"x": x, "edge_index": edge_index,
            "W1_v2e": W1_v2e, "W1_e2v": W1_e2v,
            "bn1_gamma": bn1_gamma, "bn1_beta": bn1_beta,
            "W2_v2e": W2_v2e, "W2_e2v": W2_e2v}


def _seg_mean(vals, idx, num_segments):
    s = jax.ops.segment_sum(vals, idx, num_segments=num_segments)
    c = jax.ops.segment_sum(jnp.ones((vals.shape[0],), vals.dtype), idx, num_segments=num_segments)
    return s / jnp.clip(c, 1.0)[:, None]


def _hnhn_forward(x, vidx, eidx, W1_v2e, W1_e2v, bn1_gamma, bn1_beta, W2_v2e, W2_e2v):
    # layer 1 (HNHNConv, is_last=False)
    X = x @ W1_v2e                               # theta_v2e
    Yc = jax.nn.relu(_seg_mean(X[vidx], eidx, M))  # hg.v2e mean + ReLU
    Yc = Yc @ W1_e2v                             # theta_e2v
    X = _seg_mean(Yc[eidx], vidx, N)             # hg.e2v mean
    X = jax.nn.relu(X)
    # BatchNorm1d in eval mode: running_mean=0, running_var=1
    X = (X / jnp.sqrt(1.0 + 1e-5)) * bn1_gamma + bn1_beta
    # dropout inactive in eval
    # layer 2 (HNHNConv, is_last=True)
    X = X @ W2_v2e
    Yc = jax.nn.relu(_seg_mean(X[vidx], eidx, M))
    Yc = Yc @ W2_e2v
    X = _seg_mean(Yc[eidx], vidx, N)
    return jax.nn.log_softmax(X, axis=-1)


def reference(x, edge_index, W1_v2e, W1_e2v, bn1_gamma, bn1_beta, W2_v2e, W2_e2v):
    vidx = edge_index[0]
    eidx = edge_index[1]
    return _hnhn_forward(x, vidx, eidx, W1_v2e, W1_e2v, bn1_gamma, bn1_beta, W2_v2e, W2_e2v)

if __name__ == "__main__":
    import jax
    _d = setup_inputs()
    print(jax.jit(kernel)(*tuple(_d.values())))

</pallas_src>

<mosaic_0001>
#map = affine_map<(d0, d1) -> (0, 0)>
#map1 = affine_map<(d0, d1) -> (0, 0, 0)>
module attributes {stable_mosaic.version = 14 : i64} {
  func.func @_seg(%arg0: i32, %arg1: i32, %arg2: memref<10240x64xf32, #tpu.memory_space<hbm>>, %arg3: memref<10240x64xf32, #tpu.memory_space<hbm>>, %arg4: memref<16x160x128xi32, #tpu.memory_space<hbm>>, %arg5: memref<16x160x128xi32, #tpu.memory_space<hbm>>, %arg6: memref<640x64xf32, #tpu.memory_space<hbm>>, %arg7: memref<10240x64xf32, #tpu.memory_space<hbm>>, %arg8: memref<10240x64xf32, #tpu.memory_space<hbm>>, %arg9: memref<80x128xi32, #tpu.memory_space<vmem>>, %arg10: memref<80x128xi32, #tpu.memory_space<vmem>>, %arg11: memref<128x64xf32, #tpu.memory_space<vmem>>, %arg12: memref<128x64xf32, #tpu.memory_space<vmem>>, %arg13: memref<10240x64xf32, #tpu.memory_space<vmem_shared>>, %arg14: memref<10240x64xf32, #tpu.memory_space<vmem_shared>>, %arg15: memref<!tpu.dma_semaphore, #tpu.memory_space<semaphore_mem>>, %arg16: memref<!tpu.dma_semaphore, #tpu.memory_space<semaphore_mem>>, %arg17: memref<!tpu.dma_semaphore, #tpu.memory_space<semaphore_mem>>) attributes {dimension_semantics = [#tpu.dimension_semantics<core_parallel>, #tpu.dimension_semantics<subcore_parallel>], iteration_bounds = array<i64: 2, 16>, scalar_prefetch = 0 : i64, scratch_operands = 9 : i64, tpu.core_type = #tpu.core_type<sc_vector_subcore>, window_params = [{transform_indices = #map}, {transform_indices = #map}, {transform_indices = #map1}, {transform_indices = #map1}, {transform_indices = #map}, {transform_indices = #map}, {transform_indices = #map}]} {
    %mul3A = arith.constant 640 : i32
    %mul3A_0 = arith.muli %arg1, %mul3A : i32
    %multiple_of3A = tpu.assume_multiple %mul3A_0, 8 : i32
    %dma_start3A = arith.constant 0 : i32
    %dma_start3A_1 = tpu.memref_slice %arg14[%multiple_of3A, %dma_start3A] : memref<10240x64xf32, #tpu.memory_space<vmem_shared>> -> memref<640x64xf32, #tpu.memory_space<vmem_shared>>
    tpu.enqueue_dma source(%arg6 : memref<640x64xf32, #tpu.memory_space<hbm>>) target(%dma_start3A_1 : memref<640x64xf32, #tpu.memory_space<vmem_shared>>) target_semaphore(%arg17 : memref<!tpu.dma_semaphore, #tpu.memory_space<semaphore_mem>>)
    %eq3A = arith.constant 0 : i32
    %eq3A_2 = arith.cmpi eq, %arg0, %eq3A : i32
    %convert_element_type3A = arith.extui %eq3A_2 : i1 to i32
    %cond3A = arith.constant 0 : i32
    %cond3A_3 = arith.cmpi ne, %convert_element_type3A, %cond3A : i32
    scf.if %cond3A_3 {
      "tpu.region"() ({
        %run_scoped3A = tpu.sem_alloc : memref<!tpu.dma_semaphore, #tpu.memory_space<semaphore_mem>>
        %dma_start3A_60 = arith.constant 0 : i32
        %dma_start3A_61 = tpu.memref_slice %arg13[%multiple_of3A, %dma_start3A_60] : memref<10240x64xf32, #tpu.memory_space<vmem_shared>> -> memref<640x64xf32, #tpu.memory_space<vmem_shared>>
        %dma_start3A_62 = arith.constant 0 : i32
        %dma_start3A_63 = tpu.memref_slice %arg2[%multiple_of3A, %dma_start3A_62] : memref<10240x64xf32, #tpu.memory_space<hbm>> -> memref<640x64xf32, #tpu.memory_space<hbm>>
        tpu.enqueue_dma source(%dma_start3A_63 : memref<640x64xf32, #tpu.memory_space<hbm>>) target(%dma_start3A_61 : memref<640x64xf32, #tpu.memory_space<vmem_shared>>) target_semaphore(%run_scoped3A : memref<!tpu.dma_semaphore, #tpu.memory_space<semaphore_mem>>)
        %dma_wait3A_64 = arith.constant 0 : i32
        %dma_wait3A_65 = tpu.memref_slice %arg13[%multiple_of3A, %dma_wait3A_64] : memref<10240x64xf32, #tpu.memory_space<vmem_shared>> -> memref<640x64xf32, #tpu.memory_space<vmem_shared>>
        %dma_wait3A_66 = arith.constant 0 : i32
        %dma_wait3A_67 = tpu.memref_slice %arg2[%multiple_of3A, %dma_wait3A_66] : memref<10240x64xf32, #tpu.memory_space<hbm>> -> memref<640x64xf32, #tpu.memory_space<hbm>>
        tpu.wait_dma2 semaphore(%run_scoped3A : memref<!tpu.dma_semaphore, #tpu.memory_space<semaphore_mem>>) src(%dma_wait3A_67 : memref<640x64xf32, #tpu.memory_space<hbm>>) dst(%dma_wait3A_65 : memref<640x64xf32, #tpu.memory_space<vmem_shared>>)
        tpu.yield
      }) : () -> ()
    } else {
    }
    %eq3A_4 = arith.constant 1 : i32
    %eq3A_5 = arith.cmpi eq, %arg0, %eq3A_4 : i32
    %convert_element_type3A_6 = arith.extui %eq3A_5 : i1 to i32
    %cond3A_7 = arith.constant 0 : i32
    %cond3A_8 = arith.cmpi ne, %convert_element_type3A_6, %cond3A_7 : i32
    scf.if %cond3A_8 {
      "tpu.region"() ({
        %run_scoped3A = tpu.sem_alloc : memref<!tpu.dma_semaphore, #tpu.memory_space<semaphore_mem>>
        %dma_start3A_60 = arith.constant 0 : i32
        %dma_start3A_61 = tpu.memref_slice %arg13[%multiple_of3A, %dma_start3A_60] : memref<10240x64xf32, #tpu.memory_space<vmem_shared>> -> memref<640x64xf32, #tpu.memory_space<vmem_shared>>
        %dma_start3A_62 = arith.constant 0 : i32
        %dma_start3A_63 = tpu.memref_slice %arg3[%multiple_of3A, %dma_start3A_62] : memref<10240x64xf32, #tpu.memory_space<hbm>> -> memref<640x64xf32, #tpu.memory_space<hbm>>
        tpu.enqueue_dma source(%dma_start3A_63 : memref<640x64xf32, #tpu.memory_space<hbm>>) target(%dma_start3A_61 : memref<640x64xf32, #tpu.memory_space<vmem_shared>>) target_semaphore(%run_scoped3A : memref<!tpu.dma_semaphore, #tpu.memory_space<semaphore_mem>>)
        %dma_wait3A_64 = arith.constant 0 : i32
        %dma_wait3A_65 = tpu.memref_slice %arg13[%multiple_of3A, %dma_wait3A_64] : memref<10240x64xf32, #tpu.memory_space<vmem_shared>> -> memref<640x64xf32, #tpu.memory_space<vmem_shared>>
        %dma_wait3A_66 = arith.constant 0 : i32
        %dma_wait3A_67 = tpu.memref_slice %arg3[%multiple_of3A, %dma_wait3A_66] : memref<10240x64xf32, #tpu.memory_space<hbm>> -> memref<640x64xf32, #tpu.memory_space<hbm>>
        tpu.wait_dma2 semaphore(%run_scoped3A : memref<!tpu.dma_semaphore, #tpu.memory_space<semaphore_mem>>) src(%dma_wait3A_67 : memref<640x64xf32, #tpu.memory_space<hbm>>) dst(%dma_wait3A_65 : memref<640x64xf32, #tpu.memory_space<vmem_shared>>)
        tpu.yield
      }) : () -> ()
    } else {
    }
    %dma_wait3A = arith.constant 0 : i32
    %dma_wait3A_9 = tpu.memref_slice %arg14[%multiple_of3A, %dma_wait3A] : memref<10240x64xf32, #tpu.memory_space<vmem_shared>> -> memref<640x64xf32, #tpu.memory_space<vmem_shared>>
    tpu.wait_dma2 semaphore(%arg17 : memref<!tpu.dma_semaphore, #tpu.memory_space<semaphore_mem>>) src(%arg6 : memref<640x64xf32, #tpu.memory_space<hbm>>) dst(%dma_wait3A_9 : memref<640x64xf32, #tpu.memory_space<vmem_shared>>)
    %barrier3A = arith.constant 0 : index
    tpu.barrier barrier_id(%barrier3A)
    "tpu.region"() ({
      %run_scoped3A = tpu.sem_alloc : memref<!tpu.dma_semaphore, #tpu.memory_space<semaphore_mem>>
      %dma_start3A_60 = arith.constant 0 : i32
      %dma_start3A_61 = arith.constant 0 : i32
      %dma_start3A_62 = tpu.memref_slice %arg4[%arg1, %dma_start3A_60, %dma_start3A_61] : memref<16x160x128xi32, #tpu.memory_space<hbm>> -> memref<1x80x128xi32, #tpu.memory_space<hbm>>
      %dma_start3A_63 = tpu.memref_squeeze %dma_start3A_62 : memref<1x80x128xi32, #tpu.memory_space<hbm>> -> memref<80x128xi32, #tpu.memory_space<hbm>>
      %dma_start3A_64 = arith.constant 0 : i32
      %dma_start3A_65 = arith.constant 0 : i32
      %dma_start3A_66 = tpu.memref_slice %arg4[%arg1, %dma_start3A_64, %dma_start3A_65] : memref<16x160x128xi32, #tpu.memory_space<hbm>> -> memref<1x80x128xi32, #tpu.memory_space<hbm>>
      %dma_start3A_67 = tpu.memref_squeeze %dma_start3A_66 : memref<1x80x128xi32, #tpu.memory_space<hbm>> -> memref<80x128xi32, #tpu.memory_space<hbm>>
      tpu.enqueue_dma source(%dma_start3A_67 : memref<80x128xi32, #tpu.memory_space<hbm>>) target(%arg9 : memref<80x128xi32, #tpu.memory_space<vmem>>) target_semaphore(%run_scoped3A : memref<!tpu.dma_semaphore, #tpu.memory_space<semaphore_mem>>)
      %dma_wait3A_68 = arith.constant 0 : i32
      %dma_wait3A_69 = arith.constant 0 : i32
      %dma_wait3A_70 = tpu.memref_slice %arg4[%arg1, %dma_wait3A_68, %dma_wait3A_69] : memref<16x160x128xi32, #tpu.memory_space<hbm>> -> memref<1x80x128xi32, #tpu.memory_space<hbm>>
      %dma_wait3A_71 = tpu.memref_squeeze %dma_wait3A_70 : memref<1x80x128xi32, #tpu.memory_space<hbm>> -> memref<80x128xi32, #tpu.memory_space<hbm>>
      %dma_wait3A_72 = arith.constant 0 : i32
      %dma_wait3A_73 = arith.constant 0 : i32
      %dma_wait3A_74 = tpu.memref_slice %arg4[%arg1, %dma_wait3A_72, %dma_wait3A_73] : memref<16x160x128xi32, #tpu.memory_space<hbm>> -> memref<1x80x128xi32, #tpu.memory_space<hbm>>
      %dma_wait3A_75 = tpu.memref_squeeze %dma_wait3A_74 : memref<1x80x128xi32, #tpu.memory_space<hbm>> -> memref<80x128xi32, #tpu.memory_space<hbm>>
      tpu.wait_dma2 semaphore(%run_scoped3A : memref<!tpu.dma_semaphore, #tpu.memory_space<semaphore_mem>>) src(%dma_wait3A_75 : memref<80x128xi32, #tpu.memory_space<hbm>>) dst(%arg9 : memref<80x128xi32, #tpu.memory_space<vmem>>)
      tpu.yield
    }) : () -> ()
    "tpu.region"() ({
      %run_scoped3A = tpu.sem_alloc : memref<!tpu.dma_semaphore, #tpu.memory_space<semaphore_mem>>
      %dma_start3A_60 = arith.constant 0 : i32
      %dma_start3A_61 = arith.constant 0 : i32
      %dma_start3A_62 = tpu.memref_slice %arg5[%arg1, %dma_start3A_60, %dma_start3A_61] : memref<16x160x128xi32, #tpu.memory_space<hbm>> -> memref<1x80x128xi32, #tpu.memory_space<hbm>>
      %dma_start3A_63 = tpu.memref_squeeze %dma_start3A_62 : memref<1x80x128xi32, #tpu.memory_space<hbm>> -> memref<80x128xi32, #tpu.memory_space<hbm>>
      %dma_start3A_64 = arith.constant 0 : i32
      %dma_start3A_65 = arith.constant 0 : i32
      %dma_start3A_66 = tpu.memref_slice %arg5[%arg1, %dma_start3A_64, %dma_start3A_65] : memref<16x160x128xi32, #tpu.memory_space<hbm>> -> memref<1x80x128xi32, #tpu.memory_space<hbm>>
      %dma_start3A_67 = tpu.memref_squeeze %dma_start3A_66 : memref<1x80x128xi32, #tpu.memory_space<hbm>> -> memref<80x128xi32, #tpu.memory_space<hbm>>
      tpu.enqueue_dma source(%dma_start3A_67 : memref<80x128xi32, #tpu.memory_space<hbm>>) target(%arg10 : memref<80x128xi32, #tpu.memory_space<vmem>>) target_semaphore(%run_scoped3A : memref<!tpu.dma_semaphore, #tpu.memory_space<semaphore_mem>>)
      %dma_wait3A_68 = arith.constant 0 : i32
      %dma_wait3A_69 = arith.constant 0 : i32
      %dma_wait3A_70 = tpu.memref_slice %arg5[%arg1, %dma_wait3A_68, %dma_wait3A_69] : memref<16x160x128xi32, #tpu.memory_space<hbm>> -> memref<1x80x128xi32, #tpu.memory_space<hbm>>
      %dma_wait3A_71 = tpu.memref_squeeze %dma_wait3A_70 : memref<1x80x128xi32, #tpu.memory_space<hbm>> -> memref<80x128xi32, #tpu.memory_space<hbm>>
      %dma_wait3A_72 = arith.constant 0 : i32
      %dma_wait3A_73 = arith.constant 0 : i32
      %dma_wait3A_74 = tpu.memref_slice %arg5[%arg1, %dma_wait3A_72, %dma_wait3A_73] : memref<16x160x128xi32, #tpu.memory_space<hbm>> -> memref<1x80x128xi32, #tpu.memory_space<hbm>>
      %dma_wait3A_75 = tpu.memref_squeeze %dma_wait3A_74 : memref<1x80x128xi32, #tpu.memory_space<hbm>> -> memref<80x128xi32, #tpu.memory_space<hbm>>
      tpu.wait_dma2 semaphore(%run_scoped3A : memref<!tpu.dma_semaphore, #tpu.memory_space<semaphore_mem>>) src(%dma_wait3A_75 : memref<80x128xi32, #tpu.memory_space<hbm>>) dst(%arg10 : memref<80x128xi32, #tpu.memory_space<vmem>>)
      tpu.yield
    }) : () -> ()
    %dma_start3A_10 = arith.constant 0 : i32
    %dma_start3A_11 = arith.constant 0 : i32
    %dma_start3A_12 = tpu.memref_slice %arg9[%dma_start3A_10, %dma_start3A_11] : memref<80x128xi32, #tpu.memory_space<vmem>> -> memref<1x128xi32, #tpu.memory_space<vmem>>
    %dma_start3A_13 = tpu.memref_squeeze %dma_start3A_12 : memref<1x128xi32, #tpu.memory_space<vmem>> -> memref<128xi32, #tpu.memory_space<vmem>>
    %dma_start3A_14 = arith.constant 0 : i32
    %dma_start3A_15 = arith.constant 0 : i32
    %dma_start3A_16 = tpu.memref_slice %arg13[%dma_start3A_14, %dma_start3A_15] : memref<10240x64xf32, #tpu.memory_space<vmem_shared>> -> memref<10240x64xf32, #tpu.memory_space<vmem_shared>>
    tpu.enqueue_indirect_dma source(%dma_start3A_16 : memref<10240x64xf32, #tpu.memory_space<vmem_shared>>) target(%arg11 : memref<128x64xf32, #tpu.memory_space<vmem>>) offsets(%dma_start3A_13 : memref<128xi32, #tpu.memory_space<vmem>>) semaphore(%arg15 : memref<!tpu.dma_semaphore, #tpu.memory_space<semaphore_mem>>)
    %dma_start3A_17 = arith.constant 1 : i32
    %dma_start3A_18 = arith.constant 0 : i32
    %dma_start3A_19 = tpu.memref_slice %arg9[%dma_start3A_17, %dma_start3A_18] : memref<80x128xi32, #tpu.memory_space<vmem>> -> memref<1x128xi32, #tpu.memory_space<vmem>>
    %dma_start3A_20 = tpu.memref_squeeze %dma_start3A_19 : memref<1x128xi32, #tpu.memory_space<vmem>> -> memref<128xi32, #tpu.memory_space<vmem>>
    %dma_start3A_21 = arith.constant 0 : i32
    %dma_start3A_22 = arith.constant 0 : i32
    %dma_start3A_23 = tpu.memref_slice %arg13[%dma_start3A_21, %dma_start3A_22] : memref<10240x64xf32, #tpu.memory_space<vmem_shared>> -> memref<10240x64xf32, #tpu.memory_space<vmem_shared>>
    tpu.enqueue_indirect_dma source(%dma_start3A_23 : memref<10240x64xf32, #tpu.memory_space<vmem_shared>>) target(%arg12 : memref<128x64xf32, #tpu.memory_space<vmem>>) offsets(%dma_start3A_20 : memref<128xi32, #tpu.memory_space<vmem>>) semaphore(%arg16 : memref<!tpu.dma_semaphore, #tpu.memory_space<semaphore_mem>>)
    %scan3A = arith.constant 0 : i32
    %scan3A_24 = arith.constant 0 : i32
    %scan3A_25 = arith.constant 40 : i32
    %scan3A_26 = arith.addi %scan3A_24, %scan3A_25 : i32
    %scan3A_27 = arith.constant 1 : i32
    scf.for %scan3A_60 = %scan3A_24 to %scan3A_26 step %scan3A_27  : i32 {
      %mul3A_61 = arith.constant 2 : i32
      %mul3A_62 = arith.muli %scan3A_60, %mul3A_61 : i32
      %add3A = arith.constant 0 : i32
      %add3A_63 = arith.addi %mul3A_62, %add3A : i32
      %dma_wait3A_64 = arith.constant 0 : i32
      %dma_wait3A_65 = tpu.memref_slice %arg9[%add3A_63, %dma_wait3A_64] : memref<80x128xi32, #tpu.memory_space<vmem>> -> memref<1x128xi32, #tpu.memory_space<vmem>>
      %dma_wait3A_66 = tpu.memref_squeeze %dma_wait3A_65 : memref<1x128xi32, #tpu.memory_space<vmem>> -> memref<128xi32, #tpu.memory_space<vmem>>
      %dma_wait3A_67 = arith.constant 0 : i32
      %dma_wait3A_68 = arith.constant 0 : i32
      %dma_wait3A_69 = tpu.memref_slice %arg13[%dma_wait3A_67, %dma_wait3A_68] : memref<10240x64xf32, #tpu.memory_space<vmem_shared>> -> memref<10240x64xf32, #tpu.memory_space<vmem_shared>>
      tpu.wait_indirect_dma semaphore(%arg15 : memref<!tpu.dma_semaphore, #tpu.memory_space<semaphore_mem>>) src(%dma_wait3A_69 : memref<10240x64xf32, #tpu.memory_space<vmem_shared>>) dst(%arg11 : memref<128x64xf32, #tpu.memory_space<vmem>>)
      "tpu.region"() ({
        %run_scoped3A = tpu.sem_alloc : memref<!tpu.dma_semaphore, #tpu.memory_space<semaphore_mem>>
        %dma_start3A_89 = arith.constant 0 : i32
        %dma_start3A_90 = tpu.memref_slice %arg10[%add3A_63, %dma_start3A_89] : memref<80x128xi32, #tpu.memory_space<vmem>> -> memref<1x128xi32, #tpu.memory_space<vmem>>
        %dma_start3A_91 = tpu.memref_squeeze %dma_start3A_90 : memref<1x128xi32, #tpu.memory_space<vmem>> -> memref<128xi32, #tpu.memory_space<vmem>>
        %dma_start3A_92 = arith.constant 0 : i32
        %dma_start3A_93 = arith.constant 0 : i32
        %dma_start3A_94 = tpu.memref_slice %arg14[%dma_start3A_92, %dma_start3A_93] : memref<10240x64xf32, #tpu.memory_space<vmem_shared>> -> memref<10240x64xf32, #tpu.memory_space<vmem_shared>>
        tpu.enqueue_indirect_dma source(%arg11 : memref<128x64xf32, #tpu.memory_space<vmem>>) target(%dma_start3A_94 : memref<10240x64xf32, #tpu.memory_space<vmem_shared>>) offsets(%dma_start3A_91 : memref<128xi32, #tpu.memory_space<vmem>>) semaphore(%run_scoped3A : memref<!tpu.dma_semaphore, #tpu.memory_space<semaphore_mem>>) {add = true}
        %dma_wait3A_95 = arith.constant 0 : i32
        %dma_wait3A_96 = tpu.memref_slice %arg10[%add3A_63, %dma_wait3A_95] : memref<80x128xi32, #tpu.memory_space<vmem>> -> memref<1x128xi32, #tpu.memory_space<vmem>>
        %dma_wait3A_97 = tpu.memref_squeeze %dma_wait3A_96 : memref<1x128xi32, #tpu.memory_space<vmem>> -> memref<128xi32, #tpu.memory_space<vmem>>
        %dma_wait3A_98 = arith.constant 0 : i32
        %dma_wait3A_99 = arith.constant 0 : i32
        %dma_wait3A_100 = tpu.memref_slice %arg14[%dma_wait3A_98, %dma_wait3A_99] : memref<10240x64xf32, #tpu.memory_space<vmem_shared>> -> memref<10240x64xf32, #tpu.memory_space<vmem_shared>>
        tpu.wait_indirect_dma semaphore(%run_scoped3A : memref<!tpu.dma_semaphore, #tpu.memory_space<semaphore_mem>>) src(%arg11 : memref<128x64xf32, #tpu.memory_space<vmem>>) dst(%dma_wait3A_100 : memref<10240x64xf32, #tpu.memory_space<vmem_shared>>)
        tpu.yield
      }) : () -> ()
      %lt3A = arith.constant 39 : i32
      %lt3A_70 = arith.cmpi slt, %scan3A_60, %lt3A : i32
      %convert_element_type3A_71 = arith.extui %lt3A_70 : i1 to i32
      %cond3A_72 = arith.constant 0 : i32
      %cond3A_73 = arith.cmpi ne, %convert_element_type3A_71, %cond3A_72 : i32
      scf.if %cond3A_73 {
        %add3A_89 = arith.constant 2 : i32
        %add3A_90 = arith.addi %add3A_63, %add3A_89 : i32
        %dma_start3A_91 = arith.constant 0 : i32
        %dma_start3A_92 = tpu.memref_slice %arg9[%add3A_90, %dma_start3A_91] : memref<80x128xi32, #tpu.memory_space<vmem>> -> memref<1x128xi32, #tpu.memory_space<vmem>>
        %dma_start3A_93 = tpu.memref_squeeze %dma_start3A_92 : memref<1x128xi32, #tpu.memory_space<vmem>> -> memref<128xi32, #tpu.memory_space<vmem>>
        %dma_start3A_94 = arith.constant 0 : i32
        %dma_start3A_95 = arith.constant 0 : i32
        %dma_start3A_96 = tpu.memref_slice %arg13[%dma_start3A_94, %dma_start3A_95] : memref<10240x64xf32, #tpu.memory_space<vmem_shared>> -> memref<10240x64xf32, #tpu.memory_space<vmem_shared>>
        tpu.enqueue_indirect_dma source(%dma_start3A_96 : memref<10240x64xf32, #tpu.memory_space<vmem_shared>>) target(%arg11 : memref<128x64xf32, #tpu.memory_space<vmem>>) offsets(%dma_start3A_93 : memref<128xi32, #tpu.memory_space<vmem>>) semaphore(%arg15 : memref<!tpu.dma_semaphore, #tpu.memory_space<semaphore_mem>>)
      } else {
      }
      %mul3A_74 = arith.constant 2 : i32
      %mul3A_75 = arith.muli %scan3A_60, %mul3A_74 : i32
      %add3A_76 = arith.constant 1 : i32
      %add3A_77 = arith.addi %mul3A_75, %add3A_76 : i32
      %dma_wait3A_78 = arith.constant 0 : i32
      %dma_wait3A_79 = tpu.memref_slice %arg9[%add3A_77, %dma_wait3A_78] : memref<80x128xi32, #tpu.memory_space<vmem>> -> memref<1x128xi32, #tpu.memory_space<vmem>>
      %dma_wait3A_80 = tpu.memref_squeeze %dma_wait3A_79 : memref<1x128xi32, #tpu.memory_space<vmem>> -> memref<128xi32, #tpu.memory_space<vmem>>
      %dma_wait3A_81 = arith.constant 0 : i32
      %dma_wait3A_82 = arith.constant 0 : i32
      %dma_wait3A_83 = tpu.memref_slice %arg13[%dma_wait3A_81, %dma_wait3A_82] : memref<10240x64xf32, #tpu.memory_space<vmem_shared>> -> memref<10240x64xf32, #tpu.memory_space<vmem_shared>>
      tpu.wait_indirect_dma semaphore(%arg16 : memref<!tpu.dma_semaphore, #tpu.memory_space<semaphore_mem>>) src(%dma_wait3A_83 : memref<10240x64xf32, #tpu.memory_space<vmem_shared>>) dst(%arg12 : memref<128x64xf32, #tpu.memory_space<vmem>>)
      "tpu.region"() ({
        %run_scoped3A = tpu.sem_alloc : memref<!tpu.dma_semaphore, #tpu.memory_space<semaphore_mem>>
        %dma_start3A_89 = arith.constant 0 : i32
        %dma_start3A_90 = tpu.memref_slice %arg10[%add3A_77, %dma_start3A_89] : memref<80x128xi32, #tpu.memory_space<vmem>> -> memref<1x128xi32, #tpu.memory_space<vmem>>
        %dma_start3A_91 = tpu.memref_squeeze %dma_start3A_90 : memref<1x128xi32, #tpu.memory_space<vmem>> -> memref<128xi32, #tpu.memory_space<vmem>>
        %dma_start3A_92 = arith.constant 0 : i32
        %dma_start3A_93 = arith.constant 0 : i32
        %dma_start3A_94 = tpu.memref_slice %arg14[%dma_start3A_92, %dma_start3A_93] : memref<10240x64xf32, #tpu.memory_space<vmem_shared>> -> memref<10240x64xf32, #tpu.memory_space<vmem_shared>>
        tpu.enqueue_indirect_dma source(%arg12 : memref<128x64xf32, #tpu.memory_space<vmem>>) target(%dma_start3A_94 : memref<10240x64xf32, #tpu.memory_space<vmem_shared>>) offsets(%dma_start3A_91 : memref<128xi32, #tpu.memory_space<vmem>>) semaphore(%run_scoped3A : memref<!tpu.dma_semaphore, #tpu.memory_space<semaphore_mem>>) {add = true}
        %dma_wait3A_95 = arith.constant 0 : i32
        %dma_wait3A_96 = tpu.memref_slice %arg10[%add3A_77, %dma_wait3A_95] : memref<80x128xi32, #tpu.memory_space<vmem>> -> memref<1x128xi32, #tpu.memory_space<vmem>>
        %dma_wait3A_97 = tpu.memref_squeeze %dma_wait3A_96 : memref<1x128xi32, #tpu.memory_space<vmem>> -> memref<128xi32, #tpu.memory_space<vmem>>
        %dma_wait3A_98 = arith.constant 0 : i32
        %dma_wait3A_99 = arith.constant 0 : i32
        %dma_wait3A_100 = tpu.memref_slice %arg14[%dma_wait3A_98, %dma_wait3A_99] : memref<10240x64xf32, #tpu.memory_space<vmem_shared>> -> memref<10240x64xf32, #tpu.memory_space<vmem_shared>>
        tpu.wait_indirect_dma semaphore(%run_scoped3A : memref<!tpu.dma_semaphore, #tpu.memory_space<semaphore_mem>>) src(%arg12 : memref<128x64xf32, #tpu.memory_space<vmem>>) dst(%dma_wait3A_100 : memref<10240x64xf32, #tpu.memory_space<vmem_shared>>)
        tpu.yield
      }) : () -> ()
      %lt3A_84 = arith.constant 39 : i32
      %lt3A_85 = arith.cmpi slt, %scan3A_60, %lt3A_84 : i32
      %convert_element_type3A_86 = arith.extui %lt3A_85 : i1 to i32
      %cond3A_87 = arith.constant 0 : i32
      %cond3A_88 = arith.cmpi ne, %convert_element_type3A_86, %cond3A_87 : i32
      scf.if %cond3A_88 {
        %add3A_89 = arith.constant 2 : i32
        %add3A_90 = arith.addi %add3A_77, %add3A_89 : i32
        %dma_start3A_91 = arith.constant 0 : i32
        %dma_start3A_92 = tpu.memref_slice %arg9[%add3A_90, %dma_start3A_91] : memref<80x128xi32, #tpu.memory_space<vmem>> -> memref<1x128xi32, #tpu.memory_space<vmem>>
        %dma_start3A_93 = tpu.memref_squeeze %dma_start3A_92 : memref<1x128xi32, #tpu.memory_space<vmem>> -> memref<128xi32, #tpu.memory_space<vmem>>
        %dma_start3A_94 = arith.constant 0 : i32
        %dma_start3A_95 = arith.constant 0 : i32
        %dma_start3A_96 = tpu.memref_slice %arg13[%dma_start3A_94, %dma_start3A_95] : memref<10240x64xf32, #tpu.memory_space<vmem_shared>> -> memref<10240x64xf32, #tpu.memory_space<vmem_shared>>
        tpu.enqueue_indirect_dma source(%dma_start3A_96 : memref<10240x64xf32, #tpu.memory_space<vmem_shared>>) target(%arg12 : memref<128x64xf32, #tpu.memory_space<vmem>>) offsets(%dma_start3A_93 : memref<128xi32, #tpu.memory_space<vmem>>) semaphore(%arg16 : memref<!tpu.dma_semaphore, #tpu.memory_space<semaphore_mem>>)
      } else {
      }
    }
    %scan3A_28 = arith.constant 40 : i32
    "tpu.region"() ({
      %run_scoped3A = tpu.sem_alloc : memref<!tpu.dma_semaphore, #tpu.memory_space<semaphore_mem>>
      %dma_start3A_60 = arith.constant 80 : i32
      %dma_start3A_61 = arith.constant 0 : i32
      %dma_start3A_62 = tpu.memref_slice %arg4[%arg1, %dma_start3A_60, %dma_start3A_61] : memref<16x160x128xi32, #tpu.memory_space<hbm>> -> memref<1x80x128xi32, #tpu.memory_space<hbm>>
      %dma_start3A_63 = tpu.memref_squeeze %dma_start3A_62 : memref<1x80x128xi32, #tpu.memory_space<hbm>> -> memref<80x128xi32, #tpu.memory_space<hbm>>
      %dma_start3A_64 = arith.constant 80 : i32
      %dma_start3A_65 = arith.constant 0 : i32
      %dma_start3A_66 = tpu.memref_slice %arg4[%arg1, %dma_start3A_64, %dma_start3A_65] : memref<16x160x128xi32, #tpu.memory_space<hbm>> -> memref<1x80x128xi32, #tpu.memory_space<hbm>>
      %dma_start3A_67 = tpu.memref_squeeze %dma_start3A_66 : memref<1x80x128xi32, #tpu.memory_space<hbm>> -> memref<80x128xi32, #tpu.memory_space<hbm>>
      tpu.enqueue_dma source(%dma_start3A_67 : memref<80x128xi32, #tpu.memory_space<hbm>>) target(%arg9 : memref<80x128xi32, #tpu.memory_space<vmem>>) target_semaphore(%run_scoped3A : memref<!tpu.dma_semaphore, #tpu.memory_space<semaphore_mem>>)
      %dma_wait3A_68 = arith.constant 80 : i32
      %dma_wait3A_69 = arith.constant 0 : i32
      %dma_wait3A_70 = tpu.memref_slice %arg4[%arg1, %dma_wait3A_68, %dma_wait3A_69] : memref<16x160x128xi32, #tpu.memory_space<hbm>> -> memref<1x80x128xi32, #tpu.memory_space<hbm>>
      %dma_wait3A_71 = tpu.memref_squeeze %dma_wait3A_70 : memref<1x80x128xi32, #tpu.memory_space<hbm>> -> memref<80x128xi32, #tpu.memory_space<hbm>>
      %dma_wait3A_72 = arith.constant 80 : i32
      %dma_wait3A_73 = arith.constant 0 : i32
      %dma_wait3A_74 = tpu.memref_slice %arg4[%arg1, %dma_wait3A_72, %dma_wait3A_73] : memref<16x160x128xi32, #tpu.memory_space<hbm>> -> memref<1x80x128xi32, #tpu.memory_space<hbm>>
      %dma_wait3A_75 = tpu.memref_squeeze %dma_wait3A_74 : memref<1x80x128xi32, #tpu.memory_space<hbm>> -> memref<80x128xi32, #tpu.memory_space<hbm>>
      tpu.wait_dma2 semaphore(%run_scoped3A : memref<!tpu.dma_semaphore, #tpu.memory_space<semaphore_mem>>) src(%dma_wait3A_75 : memref<80x128xi32, #tpu.memory_space<hbm>>) dst(%arg9 : memref<80x128xi32, #tpu.memory_space<vmem>>)
      tpu.yield
    }) : () -> ()
    "tpu.region"() ({
      %run_scoped3A = tpu.sem_alloc : memref<!tpu.dma_semaphore, #tpu.memory_space<semaphore_mem>>
      %dma_start3A_60 = arith.constant 80 : i32
      %dma_start3A_61 = arith.constant 0 : i32
      %dma_start3A_62 = tpu.memref_slice %arg5[%arg1, %dma_start3A_60, %dma_start3A_61] : memref<16x160x128xi32, #tpu.memory_space<hbm>> -> memref<1x80x128xi32, #tpu.memory_space<hbm>>
      %dma_start3A_63 = tpu.memref_squeeze %dma_start3A_62 : memref<1x80x128xi32, #tpu.memory_space<hbm>> -> memref<80x128xi32, #tpu.memory_space<hbm>>
      %dma_start3A_64 = arith.constant 80 : i32
      %dma_start3A_65 = arith.constant 0 : i32
      %dma_start3A_66 = tpu.memref_slice %arg5[%arg1, %dma_start3A_64, %dma_start3A_65] : memref<16x160x128xi32, #tpu.memory_space<hbm>> -> memref<1x80x128xi32, #tpu.memory_space<hbm>>
      %dma_start3A_67 = tpu.memref_squeeze %dma_start3A_66 : memref<1x80x128xi32, #tpu.memory_space<hbm>> -> memref<80x128xi32, #tpu.memory_space<hbm>>
      tpu.enqueue_dma source(%dma_start3A_67 : memref<80x128xi32, #tpu.memory_space<hbm>>) target(%arg10 : memref<80x128xi32, #tpu.memory_space<vmem>>) target_semaphore(%run_scoped3A : memref<!tpu.dma_semaphore, #tpu.memory_space<semaphore_mem>>)
      %dma_wait3A_68 = arith.constant 80 : i32
      %dma_wait3A_69 = arith.constant 0 : i32
      %dma_wait3A_70 = tpu.memref_slice %arg5[%arg1, %dma_wait3A_68, %dma_wait3A_69] : memref<16x160x128xi32, #tpu.memory_space<hbm>> -> memref<1x80x128xi32, #tpu.memory_space<hbm>>
      %dma_wait3A_71 = tpu.memref_squeeze %dma_wait3A_70 : memref<1x80x128xi32, #tpu.memory_space<hbm>> -> memref<80x128xi32, #tpu.memory_space<hbm>>
      %dma_wait3A_72 = arith.constant 80 : i32
      %dma_wait3A_73 = arith.constant 0 : i32
      %dma_wait3A_74 = tpu.memref_slice %arg5[%arg1, %dma_wait3A_72, %dma_wait3A_73] : memref<16x160x128xi32, #tpu.memory_space<hbm>> -> memref<1x80x128xi32, #tpu.memory_space<hbm>>
      %dma_wait3A_75 = tpu.memref_squeeze %dma_wait3A_74 : memref<1x80x128xi32, #tpu.memory_space<hbm>> -> memref<80x128xi32, #tpu.memory_space<hbm>>
      tpu.wait_dma2 semaphore(%run_scoped3A : memref<!tpu.dma_semaphore, #tpu.memory_space<semaphore_mem>>) src(%dma_wait3A_75 : memref<80x128xi32, #tpu.memory_space<hbm>>) dst(%arg10 : memref<80x128xi32, #tpu.memory_space<vmem>>)
      tpu.yield
    }) : () -> ()
    %dma_start3A_29 = arith.constant 0 : i32
    %dma_start3A_30 = arith.constant 0 : i32
    %dma_start3A_31 = tpu.memref_slice %arg9[%dma_start3A_29, %dma_start3A_30] : memref<80x128xi32, #tpu.memory_space<vmem>> -> memref<1x128xi32, #tpu.memory_space<vmem>>
    %dma_start3A_32 = tpu.memref_squeeze %dma_start3A_31 : memref<1x128xi32, #tpu.memory_space<vmem>> -> memref<128xi32, #tpu.memory_space<vmem>>
    %dma_start3A_33 = arith.constant 0 : i32
    %dma_start3A_34 = arith.constant 0 : i32
    %dma_start3A_35 = tpu.memref_slice %arg13[%dma_start3A_33, %dma_start3A_34] : memref<10240x64xf32, #tpu.memory_space<vmem_shared>> -> memref<10240x64xf32, #tpu.memory_space<vmem_shared>>
    tpu.enqueue_indirect_dma source(%dma_start3A_35 : memref<10240x64xf32, #tpu.memory_space<vmem_shared>>) target(%arg11 : memref<128x64xf32, #tpu.memory_space<vmem>>) offsets(%dma_start3A_32 : memref<128xi32, #tpu.memory_space<vmem>>) semaphore(%arg15 : memref<!tpu.dma_semaphore, #tpu.memory_space<semaphore_mem>>)
    %dma_start3A_36 = arith.constant 1 : i32
    %dma_start3A_37 = arith.constant 0 : i32
    %dma_start3A_38 = tpu.memref_slice %arg9[%dma_start3A_36, %dma_start3A_37] : memref<80x128xi32, #tpu.memory_space<vmem>> -> memref<1x128xi32, #tpu.memory_space<vmem>>
    %dma_start3A_39 = tpu.memref_squeeze %dma_start3A_38 : memref<1x128xi32, #tpu.memory_space<vmem>> -> memref<128xi32, #tpu.memory_space<vmem>>
    %dma_start3A_40 = arith.constant 0 : i32
    %dma_start3A_41 = arith.constant 0 : i32
    %dma_start3A_42 = tpu.memref_slice %arg13[%dma_start3A_40, %dma_start3A_41] : memref<10240x64xf32, #tpu.memory_space<vmem_shared>> -> memref<10240x64xf32, #tpu.memory_space<vmem_shared>>
    tpu.enqueue_indirect_dma source(%dma_start3A_42 : memref<10240x64xf32, #tpu.memory_space<vmem_shared>>) target(%arg12 : memref<128x64xf32, #tpu.memory_space<vmem>>) offsets(%dma_start3A_39 : memref<128xi32, #tpu.memory_space<vmem>>) semaphore(%arg16 : memref<!tpu.dma_semaphore, #tpu.memory_space<semaphore_mem>>)
    %scan3A_43 = arith.constant 0 : i32
    %scan3A_44 = arith.constant 0 : i32
    %scan3A_45 = arith.constant 40 : i32
    %scan3A_46 = arith.addi %scan3A_44, %scan3A_45 : i32
    %scan3A_47 = arith.constant 1 : i32
    scf.for %scan3A_60 = %scan3A_44 to %scan3A_46 step %scan3A_47  : i32 {
      %mul3A_61 = arith.constant 2 : i32
      %mul3A_62 = arith.muli %scan3A_60, %mul3A_61 : i32
      %add3A = arith.constant 0 : i32
      %add3A_63 = arith.addi %mul3A_62, %add3A : i32
      %dma_wait3A_64 = arith.constant 0 : i32
      %dma_wait3A_65 = tpu.memref_slice %arg9[%add3A_63, %dma_wait3A_64] : memref<80x128xi32, #tpu.memory_space<vmem>> -> memref<1x128xi32, #tpu.memory_space<vmem>>
      %dma_wait3A_66 = tpu.memref_squeeze %dma_wait3A_65 : memref<1x128xi32, #tpu.memory_space<vmem>> -> memref<128xi32, #tpu.memory_space<vmem>>
      %dma_wait3A_67 = arith.constant 0 : i32
      %dma_wait3A_68 = arith.constant 0 : i32
      %dma_wait3A_69 = tpu.memref_slice %arg13[%dma_wait3A_67, %dma_wait3A_68] : memref<10240x64xf32, #tpu.memory_space<vmem_shared>> -> memref<10240x64xf32, #tpu.memory_space<vmem_shared>>
      tpu.wait_indirect_dma semaphore(%arg15 : memref<!tpu.dma_semaphore, #tpu.memory_space<semaphore_mem>>) src(%dma_wait3A_69 : memref<10240x64xf32, #tpu.memory_space<vmem_shared>>) dst(%arg11 : memref<128x64xf32, #tpu.memory_space<vmem>>)
      "tpu.region"() ({
        %run_scoped3A = tpu.sem_alloc : memref<!tpu.dma_semaphore, #tpu.memory_space<semaphore_mem>>
        %dma_start3A_89 = arith.constant 0 : i32
        %dma_start3A_90 = tpu.memref_slice %arg10[%add3A_63, %dma_start3A_89] : memref<80x128xi32, #tpu.memory_space<vmem>> -> memref<1x128xi32, #tpu.memory_space<vmem>>
        %dma_start3A_91 = tpu.memref_squeeze %dma_start3A_90 : memref<1x128xi32, #tpu.memory_space<vmem>> -> memref<128xi32, #tpu.memory_space<vmem>>
        %dma_start3A_92 = arith.constant 0 : i32
        %dma_start3A_93 = arith.constant 0 : i32
        %dma_start3A_94 = tpu.memref_slice %arg14[%dma_start3A_92, %dma_start3A_93] : memref<10240x64xf32, #tpu.memory_space<vmem_shared>> -> memref<10240x64xf32, #tpu.memory_space<vmem_shared>>
        tpu.enqueue_indirect_dma source(%arg11 : memref<128x64xf32, #tpu.memory_space<vmem>>) target(%dma_start3A_94 : memref<10240x64xf32, #tpu.memory_space<vmem_shared>>) offsets(%dma_start3A_91 : memref<128xi32, #tpu.memory_space<vmem>>) semaphore(%run_scoped3A : memref<!tpu.dma_semaphore, #tpu.memory_space<semaphore_mem>>) {add = true}
        %dma_wait3A_95 = arith.constant 0 : i32
        %dma_wait3A_96 = tpu.memref_slice %arg10[%add3A_63, %dma_wait3A_95] : memref<80x128xi32, #tpu.memory_space<vmem>> -> memref<1x128xi32, #tpu.memory_space<vmem>>
        %dma_wait3A_97 = tpu.memref_squeeze %dma_wait3A_96 : memref<1x128xi32, #tpu.memory_space<vmem>> -> memref<128xi32, #tpu.memory_space<vmem>>
        %dma_wait3A_98 = arith.constant 0 : i32
        %dma_wait3A_99 = arith.constant 0 : i32
        %dma_wait3A_100 = tpu.memref_slice %arg14[%dma_wait3A_98, %dma_wait3A_99] : memref<10240x64xf32, #tpu.memory_space<vmem_shared>> -> memref<10240x64xf32, #tpu.memory_space<vmem_shared>>
        tpu.wait_indirect_dma semaphore(%run_scoped3A : memref<!tpu.dma_semaphore, #tpu.memory_space<semaphore_mem>>) src(%arg11 : memref<128x64xf32, #tpu.memory_space<vmem>>) dst(%dma_wait3A_100 : memref<10240x64xf32, #tpu.memory_space<vmem_shared>>)
        tpu.yield
      }) : () -> ()
      %lt3A = arith.constant 39 : i32
      %lt3A_70 = arith.cmpi slt, %scan3A_60, %lt3A : i32
      %convert_element_type3A_71 = arith.extui %lt3A_70 : i1 to i32
      %cond3A_72 = arith.constant 0 : i32
      %cond3A_73 = arith.cmpi ne, %convert_element_type3A_71, %cond3A_72 : i32
      scf.if %cond3A_73 {
        %add3A_89 = arith.constant 2 : i32
        %add3A_90 = arith.addi %add3A_63, %add3A_89 : i32
        %dma_start3A_91 = arith.constant 0 : i32
        %dma_start3A_92 = tpu.memref_slice %arg9[%add3A_90, %dma_start3A_91] : memref<80x128xi32, #tpu.memory_space<vmem>> -> memref<1x128xi32, #tpu.memory_space<vmem>>
        %dma_start3A_93 = tpu.memref_squeeze %dma_start3A_92 : memref<1x128xi32, #tpu.memory_space<vmem>> -> memref<128xi32, #tpu.memory_space<vmem>>
        %dma_start3A_94 = arith.constant 0 : i32
        %dma_start3A_95 = arith.constant 0 : i32
        %dma_start3A_96 = tpu.memref_slice %arg13[%dma_start3A_94, %dma_start3A_95] : memref<10240x64xf32, #tpu.memory_space<vmem_shared>> -> memref<10240x64xf32, #tpu.memory_space<vmem_shared>>
        tpu.enqueue_indirect_dma source(%dma_start3A_96 : memref<10240x64xf32, #tpu.memory_space<vmem_shared>>) target(%arg11 : memref<128x64xf32, #tpu.memory_space<vmem>>) offsets(%dma_start3A_93 : memref<128xi32, #tpu.memory_space<vmem>>) semaphore(%arg15 : memref<!tpu.dma_semaphore, #tpu.memory_space<semaphore_mem>>)
      } else {
      }
      %mul3A_74 = arith.constant 2 : i32
      %mul3A_75 = arith.muli %scan3A_60, %mul3A_74 : i32
      %add3A_76 = arith.constant 1 : i32
      %add3A_77 = arith.addi %mul3A_75, %add3A_76 : i32
      %dma_wait3A_78 = arith.constant 0 : i32
      %dma_wait3A_79 = tpu.memref_slice %arg9[%add3A_77, %dma_wait3A_78] : memref<80x128xi32, #tpu.memory_space<vmem>> -> memref<1x128xi32, #tpu.memory_space<vmem>>
      %dma_wait3A_80 = tpu.memref_squeeze %dma_wait3A_79 : memref<1x128xi32, #tpu.memory_space<vmem>> -> memref<128xi32, #tpu.memory_space<vmem>>
      %dma_wait3A_81 = arith.constant 0 : i32
      %dma_wait3A_82 = arith.constant 0 : i32
      %dma_wait3A_83 = tpu.memref_slice %arg13[%dma_wait3A_81, %dma_wait3A_82] : memref<10240x64xf32, #tpu.memory_space<vmem_shared>> -> memref<10240x64xf32, #tpu.memory_space<vmem_shared>>
      tpu.wait_indirect_dma semaphore(%arg16 : memref<!tpu.dma_semaphore, #tpu.memory_space<semaphore_mem>>) src(%dma_wait3A_83 : memref<10240x64xf32, #tpu.memory_space<vmem_shared>>) dst(%arg12 : memref<128x64xf32, #tpu.memory_space<vmem>>)
      "tpu.region"() ({
        %run_scoped3A = tpu.sem_alloc : memref<!tpu.dma_semaphore, #tpu.memory_space<semaphore_mem>>
        %dma_start3A_89 = arith.constant 0 : i32
        %dma_start3A_90 = tpu.memref_slice %arg10[%add3A_77, %dma_start3A_89] : memref<80x128xi32, #tpu.memory_space<vmem>> -> memref<1x128xi32, #tpu.memory_space<vmem>>
        %dma_start3A_91 = tpu.memref_squeeze %dma_start3A_90 : memref<1x128xi32, #tpu.memory_space<vmem>> -> memref<128xi32, #tpu.memory_space<vmem>>
        %dma_start3A_92 = arith.constant 0 : i32
        %dma_start3A_93 = arith.constant 0 : i32
        %dma_start3A_94 = tpu.memref_slice %arg14[%dma_start3A_92, %dma_start3A_93] : memref<10240x64xf32, #tpu.memory_space<vmem_shared>> -> memref<10240x64xf32, #tpu.memory_space<vmem_shared>>
        tpu.enqueue_indirect_dma source(%arg12 : memref<128x64xf32, #tpu.memory_space<vmem>>) target(%dma_start3A_94 : memref<10240x64xf32, #tpu.memory_space<vmem_shared>>) offsets(%dma_start3A_91 : memref<128xi32, #tpu.memory_space<vmem>>) semaphore(%run_scoped3A : memref<!tpu.dma_semaphore, #tpu.memory_space<semaphore_mem>>) {add = true}
        %dma_wait3A_95 = arith.constant 0 : i32
        %dma_wait3A_96 = tpu.memref_slice %arg10[%add3A_77, %dma_wait3A_95] : memref<80x128xi32, #tpu.memory_space<vmem>> -> memref<1x128xi32, #tpu.memory_space<vmem>>
        %dma_wait3A_97 = tpu.memref_squeeze %dma_wait3A_96 : memref<1x128xi32, #tpu.memory_space<vmem>> -> memref<128xi32, #tpu.memory_space<vmem>>
        %dma_wait3A_98 = arith.constant 0 : i32
        %dma_wait3A_99 = arith.constant 0 : i32
        %dma_wait3A_100 = tpu.memref_slice %arg14[%dma_wait3A_98, %dma_wait3A_99] : memref<10240x64xf32, #tpu.memory_space<vmem_shared>> -> memref<10240x64xf32, #tpu.memory_space<vmem_shared>>
        tpu.wait_indirect_dma semaphore(%run_scoped3A : memref<!tpu.dma_semaphore, #tpu.memory_space<semaphore_mem>>) src(%arg12 : memref<128x64xf32, #tpu.memory_space<vmem>>) dst(%dma_wait3A_100 : memref<10240x64xf32, #tpu.memory_space<vmem_shared>>)
        tpu.yield
      }) : () -> ()
      %lt3A_84 = arith.constant 39 : i32
      %lt3A_85 = arith.cmpi slt, %scan3A_60, %lt3A_84 : i32
      %convert_element_type3A_86 = arith.extui %lt3A_85 : i1 to i32
      %cond3A_87 = arith.constant 0 : i32
      %cond3A_88 = arith.cmpi ne, %convert_element_type3A_86, %cond3A_87 : i32
      scf.if %cond3A_88 {
        %add3A_89 = arith.constant 2 : i32
        %add3A_90 = arith.addi %add3A_77, %add3A_89 : i32
        %dma_start3A_91 = arith.constant 0 : i32
        %dma_start3A_92 = tpu.memref_slice %arg9[%add3A_90, %dma_start3A_91] : memref<80x128xi32, #tpu.memory_space<vmem>> -> memref<1x128xi32, #tpu.memory_space<vmem>>
        %dma_start3A_93 = tpu.memref_squeeze %dma_start3A_92 : memref<1x128xi32, #tpu.memory_space<vmem>> -> memref<128xi32, #tpu.memory_space<vmem>>
        %dma_start3A_94 = arith.constant 0 : i32
        %dma_start3A_95 = arith.constant 0 : i32
        %dma_start3A_96 = tpu.memref_slice %arg13[%dma_start3A_94, %dma_start3A_95] : memref<10240x64xf32, #tpu.memory_space<vmem_shared>> -> memref<10240x64xf32, #tpu.memory_space<vmem_shared>>
        tpu.enqueue_indirect_dma source(%dma_start3A_96 : memref<10240x64xf32, #tpu.memory_space<vmem_shared>>) target(%arg12 : memref<128x64xf32, #tpu.memory_space<vmem>>) offsets(%dma_start3A_93 : memref<128xi32, #tpu.memory_space<vmem>>) semaphore(%arg16 : memref<!tpu.dma_semaphore, #tpu.memory_space<semaphore_mem>>)
      } else {
      }
    }
    %scan3A_48 = arith.constant 40 : i32
    %barrier3A_49 = arith.constant 0 : index
    tpu.barrier barrier_id(%barrier3A_49)
    %eq3A_50 = arith.constant 0 : i32
    %eq3A_51 = arith.cmpi eq, %arg0, %eq3A_50 : i32
    %convert_element_type3A_52 = arith.extui %eq3A_51 : i1 to i32
    %cond3A_53 = arith.constant 0 : i32
    %cond3A_54 = arith.cmpi ne, %convert_element_type3A_52, %cond3A_53 : i32
    scf.if %cond3A_54 {
      "tpu.region"() ({
        %run_scoped3A = tpu.sem_alloc : memref<!tpu.dma_semaphore, #tpu.memory_space<semaphore_mem>>
        %dma_start3A_60 = arith.constant 0 : i32
        %dma_start3A_61 = tpu.memref_slice %arg7[%multiple_of3A, %dma_start3A_60] : memref<10240x64xf32, #tpu.memory_space<hbm>> -> memref<640x64xf32, #tpu.memory_space<hbm>>
        %dma_start3A_62 = arith.constant 0 : i32
        %dma_start3A_63 = tpu.memref_slice %arg14[%multiple_of3A, %dma_start3A_62] : memref<10240x64xf32, #tpu.memory_space<vmem_shared>> -> memref<640x64xf32, #tpu.memory_space<vmem_shared>>
        tpu.enqueue_dma source(%dma_start3A_63 : memref<640x64xf32, #tpu.memory_space<vmem_shared>>) target(%dma_start3A_61 : memref<640x64xf32, #tpu.memory_space<hbm>>) target_semaphore(%run_scoped3A : memref<!tpu.dma_semaphore, #tpu.memory_space<semaphore_mem>>)
        %dma_wait3A_64 = arith.constant 0 : i32
        %dma_wait3A_65 = tpu.memref_slice %arg7[%multiple_of3A, %dma_wait3A_64] : memref<10240x64xf32, #tpu.memory_space<hbm>> -> memref<640x64xf32, #tpu.memory_space<hbm>>
        %dma_wait3A_66 = arith.constant 0 : i32
        %dma_wait3A_67 = tpu.memref_slice %arg14[%multiple_of3A, %dma_wait3A_66] : memref<10240x64xf32, #tpu.memory_space<vmem_shared>> -> memref<640x64xf32, #tpu.memory_space<vmem_shared>>
        tpu.wait_dma2 semaphore(%run_scoped3A : memref<!tpu.dma_semaphore, #tpu.memory_space<semaphore_mem>>) src(%dma_wait3A_67 : memref<640x64xf32, #tpu.memory_space<vmem_shared>>) dst(%dma_wait3A_65 : memref<640x64xf32, #tpu.memory_space<hbm>>)
        tpu.yield
      }) : () -> ()
    } else {
    }
    %eq3A_55 = arith.constant 1 : i32
    %eq3A_56 = arith.cmpi eq, %arg0, %eq3A_55 : i32
    %convert_element_type3A_57 = arith.extui %eq3A_56 : i1 to i32
    %cond3A_58 = arith.constant 0 : i32
    %cond3A_59 = arith.cmpi ne, %convert_element_type3A_57, %cond3A_58 : i32
    scf.if %cond3A_59 {
      "tpu.region"() ({
        %run_scoped3A = tpu.sem_alloc : memref<!tpu.dma_semaphore, #tpu.memory_space<semaphore_mem>>
        %dma_start3A_60 = arith.constant 0 : i32
        %dma_start3A_61 = tpu.memref_slice %arg8[%multiple_of3A, %dma_start3A_60] : memref<10240x64xf32, #tpu.memory_space<hbm>> -> memref<640x64xf32, #tpu.memory_space<hbm>>
        %dma_start3A_62 = arith.constant 0 : i32
        %dma_start3A_63 = tpu.memref_slice %arg14[%multiple_of3A, %dma_start3A_62] : memref<10240x64xf32, #tpu.memory_space<vmem_shared>> -> memref<640x64xf32, #tpu.memory_space<vmem_shared>>
        tpu.enqueue_dma source(%dma_start3A_63 : memref<640x64xf32, #tpu.memory_space<vmem_shared>>) target(%dma_start3A_61 : memref<640x64xf32, #tpu.memory_space<hbm>>) target_semaphore(%run_scoped3A : memref<!tpu.dma_semaphore, #tpu.memory_space<semaphore_mem>>)
        %dma_wait3A_64 = arith.constant 0 : i32
        %dma_wait3A_65 = tpu.memref_slice %arg8[%multiple_of3A, %dma_wait3A_64] : memref<10240x64xf32, #tpu.memory_space<hbm>> -> memref<640x64xf32, #tpu.memory_space<hbm>>
        %dma_wait3A_66 = arith.constant 0 : i32
        %dma_wait3A_67 = tpu.memref_slice %arg14[%multiple_of3A, %dma_wait3A_66] : memref<10240x64xf32, #tpu.memory_space<vmem_shared>> -> memref<640x64xf32, #tpu.memory_space<vmem_shared>>
        tpu.wait_dma2 semaphore(%run_scoped3A : memref<!tpu.dma_semaphore, #tpu.memory_space<semaphore_mem>>) src(%dma_wait3A_67 : memref<640x64xf32, #tpu.memory_space<vmem_shared>>) dst(%dma_wait3A_65 : memref<640x64xf32, #tpu.memory_space<hbm>>)
        tpu.yield
      }) : () -> ()
    } else {
    }
    return
  }
}

#map = affine_map<(d0, d1) -> (0, 0, 0)>
#map1 = affine_map<(d0, d1) -> (0, 0)>
module attributes {stable_mosaic.version = 14 : i64} {
  func.func @_sc_counts(%arg0: i32, %arg1: i32, %arg2: memref<16x160x128xi32, #tpu.memory_space<hbm>>, %arg3: memref<16x160x128xi32, #tpu.memory_space<hbm>>, %arg4: memref<128x16xf32, #tpu.memory_space<hbm>>, %arg5: memref<640x16xf32, #tpu.memory_space<hbm>>, %arg6: memref<10240x16xf32, #tpu.memory_space<hbm>>, %arg7: memref<10240x16xf32, #tpu.memory_space<hbm>>, %arg8: memref<80x128xi32, #tpu.memory_space<vmem>>, %arg9: memref<128x16xf32, #tpu.memory_space<vmem>>, %arg10: memref<10240x16xf32, #tpu.memory_space<vmem_shared>>, %arg11: memref<!tpu.dma_semaphore, #tpu.memory_space<semaphore_mem>>) attributes {dimension_semantics = [#tpu.dimension_semantics<core_parallel>, #tpu.dimension_semantics<subcore_parallel>], iteration_bounds = array<i64: 2, 16>, scalar_prefetch = 0 : i64, scratch_operands = 4 : i64, tpu.core_type = #tpu.core_type<sc_vector_subcore>, window_params = [{transform_indices = #map}, {transform_indices = #map}, {transform_indices = #map1}, {transform_indices = #map1}, {transform_indices = #map1}, {transform_indices = #map1}]} {
    %mul3A = arith.constant 640 : i32
    %mul3A_0 = arith.muli %arg1, %mul3A : i32
    %multiple_of3A = tpu.assume_multiple %mul3A_0, 8 : i32
    %dma_start3A = arith.constant 0 : i32
    %dma_start3A_1 = tpu.memref_slice %arg10[%multiple_of3A, %dma_start3A] : memref<10240x16xf32, #tpu.memory_space<vmem_shared>> -> memref<640x16xf32, #tpu.memory_space<vmem_shared>>
    tpu.enqueue_dma source(%arg5 : memref<640x16xf32, #tpu.memory_space<hbm>>) target(%dma_start3A_1 : memref<640x16xf32, #tpu.memory_space<vmem_shared>>) target_semaphore(%arg11 : memref<!tpu.dma_semaphore, #tpu.memory_space<semaphore_mem>>)
    "tpu.region"() ({
      %run_scoped3A = tpu.sem_alloc : memref<!tpu.dma_semaphore, #tpu.memory_space<semaphore_mem>>
      tpu.enqueue_dma source(%arg4 : memref<128x16xf32, #tpu.memory_space<hbm>>) target(%arg9 : memref<128x16xf32, #tpu.memory_space<vmem>>) target_semaphore(%run_scoped3A : memref<!tpu.dma_semaphore, #tpu.memory_space<semaphore_mem>>)
      tpu.wait_dma2 semaphore(%run_scoped3A : memref<!tpu.dma_semaphore, #tpu.memory_space<semaphore_mem>>) src(%arg4 : memref<128x16xf32, #tpu.memory_space<hbm>>) dst(%arg9 : memref<128x16xf32, #tpu.memory_space<vmem>>)
      tpu.yield
    }) : () -> ()
    %dma_wait3A = arith.constant 0 : i32
    %dma_wait3A_2 = tpu.memref_slice %arg10[%multiple_of3A, %dma_wait3A] : memref<10240x16xf32, #tpu.memory_space<vmem_shared>> -> memref<640x16xf32, #tpu.memory_space<vmem_shared>>
    tpu.wait_dma2 semaphore(%arg11 : memref<!tpu.dma_semaphore, #tpu.memory_space<semaphore_mem>>) src(%arg5 : memref<640x16xf32, #tpu.memory_space<hbm>>) dst(%dma_wait3A_2 : memref<640x16xf32, #tpu.memory_space<vmem_shared>>)
    %barrier3A = arith.constant 0 : index
    tpu.barrier barrier_id(%barrier3A)
    %eq3A = arith.constant 0 : i32
    %eq3A_3 = arith.cmpi eq, %arg0, %eq3A : i32
    %convert_element_type3A = arith.extui %eq3A_3 : i1 to i32
    %cond3A = arith.constant 0 : i32
    %cond3A_4 = arith.cmpi ne, %convert_element_type3A, %cond3A : i32
    scf.if %cond3A_4 {
      "tpu.region"() ({
        %run_scoped3A = tpu.sem_alloc : memref<!tpu.dma_semaphore, #tpu.memory_space<semaphore_mem>>
        %dma_start3A_42 = arith.constant 0 : i32
        %dma_start3A_43 = arith.constant 0 : i32
        %dma_start3A_44 = tpu.memref_slice %arg2[%arg1, %dma_start3A_42, %dma_start3A_43] : memref<16x160x128xi32, #tpu.memory_space<hbm>> -> memref<1x80x128xi32, #tpu.memory_space<hbm>>
        %dma_start3A_45 = tpu.memref_squeeze %dma_start3A_44 : memref<1x80x128xi32, #tpu.memory_space<hbm>> -> memref<80x128xi32, #tpu.memory_space<hbm>>
        %dma_start3A_46 = arith.constant 0 : i32
        %dma_start3A_47 = arith.constant 0 : i32
        %dma_start3A_48 = tpu.memref_slice %arg2[%arg1, %dma_start3A_46, %dma_start3A_47] : memref<16x160x128xi32, #tpu.memory_space<hbm>> -> memref<1x80x128xi32, #tpu.memory_space<hbm>>
        %dma_start3A_49 = tpu.memref_squeeze %dma_start3A_48 : memref<1x80x128xi32, #tpu.memory_space<hbm>> -> memref<80x128xi32, #tpu.memory_space<hbm>>
        tpu.enqueue_dma source(%dma_start3A_49 : memref<80x128xi32, #tpu.memory_space<hbm>>) target(%arg8 : memref<80x128xi32, #tpu.memory_space<vmem>>) target_semaphore(%run_scoped3A : memref<!tpu.dma_semaphore, #tpu.memory_space<semaphore_mem>>)
        %dma_wait3A_50 = arith.constant 0 : i32
        %dma_wait3A_51 = arith.constant 0 : i32
        %dma_wait3A_52 = tpu.memref_slice %arg2[%arg1, %dma_wait3A_50, %dma_wait3A_51] : memref<16x160x128xi32, #tpu.memory_space<hbm>> -> memref<1x80x128xi32, #tpu.memory_space<hbm>>
        %dma_wait3A_53 = tpu.memref_squeeze %dma_wait3A_52 : memref<1x80x128xi32, #tpu.memory_space<hbm>> -> memref<80x128xi32, #tpu.memory_space<hbm>>
        %dma_wait3A_54 = arith.constant 0 : i32
        %dma_wait3A_55 = arith.constant 0 : i32
        %dma_wait3A_56 = tpu.memref_slice %arg2[%arg1, %dma_wait3A_54, %dma_wait3A_55] : memref<16x160x128xi32, #tpu.memory_space<hbm>> -> memref<1x80x128xi32, #tpu.memory_space<hbm>>
        %dma_wait3A_57 = tpu.memref_squeeze %dma_wait3A_56 : memref<1x80x128xi32, #tpu.memory_space<hbm>> -> memref<80x128xi32, #tpu.memory_space<hbm>>
        tpu.wait_dma2 semaphore(%run_scoped3A : memref<!tpu.dma_semaphore, #tpu.memory_space<semaphore_mem>>) src(%dma_wait3A_57 : memref<80x128xi32, #tpu.memory_space<hbm>>) dst(%arg8 : memref<80x128xi32, #tpu.memory_space<vmem>>)
        tpu.yield
      }) : () -> ()
    } else {
    }
    %eq3A_5 = arith.constant 1 : i32
    %eq3A_6 = arith.cmpi eq, %arg0, %eq3A_5 : i32
    %convert_element_type3A_7 = arith.extui %eq3A_6 : i1 to i32
    %cond3A_8 = arith.constant 0 : i32
    %cond3A_9 = arith.cmpi ne, %convert_element_type3A_7, %cond3A_8 : i32
    scf.if %cond3A_9 {
      "tpu.region"() ({
        %run_scoped3A = tpu.sem_alloc : memref<!tpu.dma_semaphore, #tpu.memory_space<semaphore_mem>>
        %dma_start3A_42 = arith.constant 0 : i32
        %dma_start3A_43 = arith.constant 0 : i32
        %dma_start3A_44 = tpu.memref_slice %arg3[%arg1, %dma_start3A_42, %dma_start3A_43] : memref<16x160x128xi32, #tpu.memory_space<hbm>> -> memref<1x80x128xi32, #tpu.memory_space<hbm>>
        %dma_start3A_45 = tpu.memref_squeeze %dma_start3A_44 : memref<1x80x128xi32, #tpu.memory_space<hbm>> -> memref<80x128xi32, #tpu.memory_space<hbm>>
        %dma_start3A_46 = arith.constant 0 : i32
        %dma_start3A_47 = arith.constant 0 : i32
        %dma_start3A_48 = tpu.memref_slice %arg3[%arg1, %dma_start3A_46, %dma_start3A_47] : memref<16x160x128xi32, #tpu.memory_space<hbm>> -> memref<1x80x128xi32, #tpu.memory_space<hbm>>
        %dma_start3A_49 = tpu.memref_squeeze %dma_start3A_48 : memref<1x80x128xi32, #tpu.memory_space<hbm>> -> memref<80x128xi32, #tpu.memory_space<hbm>>
        tpu.enqueue_dma source(%dma_start3A_49 : memref<80x128xi32, #tpu.memory_space<hbm>>) target(%arg8 : memref<80x128xi32, #tpu.memory_space<vmem>>) target_semaphore(%run_scoped3A : memref<!tpu.dma_semaphore, #tpu.memory_space<semaphore_mem>>)
        %dma_wait3A_50 = arith.constant 0 : i32
        %dma_wait3A_51 = arith.constant 0 : i32
        %dma_wait3A_52 = tpu.memref_slice %arg3[%arg1, %dma_wait3A_50, %dma_wait3A_51] : memref<16x160x128xi32, #tpu.memory_space<hbm>> -> memref<1x80x128xi32, #tpu.memory_space<hbm>>
        %dma_wait3A_53 = tpu.memref_squeeze %dma_wait3A_52 : memref<1x80x128xi32, #tpu.memory_space<hbm>> -> memref<80x128xi32, #tpu.memory_space<hbm>>
        %dma_wait3A_54 = arith.constant 0 : i32
        %dma_wait3A_55 = arith.constant 0 : i32
        %dma_wait3A_56 = tpu.memref_slice %arg3[%arg1, %dma_wait3A_54, %dma_wait3A_55] : memref<16x160x128xi32, #tpu.memory_space<hbm>> -> memref<1x80x128xi32, #tpu.memory_space<hbm>>
        %dma_wait3A_57 = tpu.memref_squeeze %dma_wait3A_56 : memref<1x80x128xi32, #tpu.memory_space<hbm>> -> memref<80x128xi32, #tpu.memory_space<hbm>>
        tpu.wait_dma2 semaphore(%run_scoped3A : memref<!tpu.dma_semaphore, #tpu.memory_space<semaphore_mem>>) src(%dma_wait3A_57 : memref<80x128xi32, #tpu.memory_space<hbm>>) dst(%arg8 : memref<80x128xi32, #tpu.memory_space<vmem>>)
        tpu.yield
      }) : () -> ()
    } else {
    }
    %scan3A = arith.constant 0 : i32
    %scan3A_10 = arith.constant 0 : i32
    %scan3A_11 = arith.constant 80 : i32
    %scan3A_12 = arith.addi %scan3A_10, %scan3A_11 : i32
    %scan3A_13 = arith.constant 1 : i32
    scf.for %scan3A_42 = %scan3A_10 to %scan3A_12 step %scan3A_13  : i32 {
      "tpu.region"() ({
        %run_scoped3A = tpu.sem_alloc : memref<!tpu.dma_semaphore, #tpu.memory_space<semaphore_mem>>
        %dma_start3A_43 = arith.constant 0 : i32
        %dma_start3A_44 = tpu.memref_slice %arg8[%scan3A_42, %dma_start3A_43] : memref<80x128xi32, #tpu.memory_space<vmem>> -> memref<1x128xi32, #tpu.memory_space<vmem>>
        %dma_start3A_45 = tpu.memref_squeeze %dma_start3A_44 : memref<1x128xi32, #tpu.memory_space<vmem>> -> memref<128xi32, #tpu.memory_space<vmem>>
        %dma_start3A_46 = arith.constant 0 : i32
        %dma_start3A_47 = arith.constant 0 : i32
        %dma_start3A_48 = tpu.memref_slice %arg10[%dma_start3A_46, %dma_start3A_47] : memref<10240x16xf32, #tpu.memory_space<vmem_shared>> -> memref<10240x16xf32, #tpu.memory_space<vmem_shared>>
        tpu.enqueue_indirect_dma source(%arg9 : memref<128x16xf32, #tpu.memory_space<vmem>>) target(%dma_start3A_48 : memref<10240x16xf32, #tpu.memory_space<vmem_shared>>) offsets(%dma_start3A_45 : memref<128xi32, #tpu.memory_space<vmem>>) semaphore(%run_scoped3A : memref<!tpu.dma_semaphore, #tpu.memory_space<semaphore_mem>>) {add = true}
        %dma_wait3A_49 = arith.constant 0 : i32
        %dma_wait3A_50 = tpu.memref_slice %arg8[%scan3A_42, %dma_wait3A_49] : memref<80x128xi32, #tpu.memory_space<vmem>> -> memref<1x128xi32, #tpu.memory_space<vmem>>
        %dma_wait3A_51 = tpu.memref_squeeze %dma_wait3A_50 : memref<1x128xi32, #tpu.memory_space<vmem>> -> memref<128xi32, #tpu.memory_space<vmem>>
        %dma_wait3A_52 = arith.constant 0 : i32
        %dma_wait3A_53 = arith.constant 0 : i32
        %dma_wait3A_54 = tpu.memref_slice %arg10[%dma_wait3A_52, %dma_wait3A_53] : memref<10240x16xf32, #tpu.memory_space<vmem_shared>> -> memref<10240x16xf32, #tpu.memory_space<vmem_shared>>
        tpu.wait_indirect_dma semaphore(%run_scoped3A : memref<!tpu.dma_semaphore, #tpu.memory_space<semaphore_mem>>) src(%arg9 : memref<128x16xf32, #tpu.memory_space<vmem>>) dst(%dma_wait3A_54 : memref<10240x16xf32, #tpu.memory_space<vmem_shared>>)
        tpu.yield
      }) : () -> ()
    }
    %scan3A_14 = arith.constant 80 : i32
    %eq3A_15 = arith.constant 0 : i32
    %eq3A_16 = arith.cmpi eq, %arg0, %eq3A_15 : i32
    %convert_element_type3A_17 = arith.extui %eq3A_16 : i1 to i32
    %cond3A_18 = arith.constant 0 : i32
    %cond3A_19 = arith.cmpi ne, %convert_element_type3A_17, %cond3A_18 : i32
    scf.if %cond3A_19 {
      "tpu.region"() ({
        %run_scoped3A = tpu.sem_alloc : memref<!tpu.dma_semaphore, #tpu.memory_space<semaphore_mem>>
        %dma_start3A_42 = arith.constant 80 : i32
        %dma_start3A_43 = arith.constant 0 : i32
        %dma_start3A_44 = tpu.memref_slice %arg2[%arg1, %dma_start3A_42, %dma_start3A_43] : memref<16x160x128xi32, #tpu.memory_space<hbm>> -> memref<1x80x128xi32, #tpu.memory_space<hbm>>
        %dma_start3A_45 = tpu.memref_squeeze %dma_start3A_44 : memref<1x80x128xi32, #tpu.memory_space<hbm>> -> memref<80x128xi32, #tpu.memory_space<hbm>>
        %dma_start3A_46 = arith.constant 80 : i32
        %dma_start3A_47 = arith.constant 0 : i32
        %dma_start3A_48 = tpu.memref_slice %arg2[%arg1, %dma_start3A_46, %dma_start3A_47] : memref<16x160x128xi32, #tpu.memory_space<hbm>> -> memref<1x80x128xi32, #tpu.memory_space<hbm>>
        %dma_start3A_49 = tpu.memref_squeeze %dma_start3A_48 : memref<1x80x128xi32, #tpu.memory_space<hbm>> -> memref<80x128xi32, #tpu.memory_space<hbm>>
        tpu.enqueue_dma source(%dma_start3A_49 : memref<80x128xi32, #tpu.memory_space<hbm>>) target(%arg8 : memref<80x128xi32, #tpu.memory_space<vmem>>) target_semaphore(%run_scoped3A : memref<!tpu.dma_semaphore, #tpu.memory_space<semaphore_mem>>)
        %dma_wait3A_50 = arith.constant 80 : i32
        %dma_wait3A_51 = arith.constant 0 : i32
        %dma_wait3A_52 = tpu.memref_slice %arg2[%arg1, %dma_wait3A_50, %dma_wait3A_51] : memref<16x160x128xi32, #tpu.memory_space<hbm>> -> memref<1x80x128xi32, #tpu.memory_space<hbm>>
        %dma_wait3A_53 = tpu.memref_squeeze %dma_wait3A_52 : memref<1x80x128xi32, #tpu.memory_space<hbm>> -> memref<80x128xi32, #tpu.memory_space<hbm>>
        %dma_wait3A_54 = arith.constant 80 : i32
        %dma_wait3A_55 = arith.constant 0 : i32
        %dma_wait3A_56 = tpu.memref_slice %arg2[%arg1, %dma_wait3A_54, %dma_wait3A_55] : memref<16x160x128xi32, #tpu.memory_space<hbm>> -> memref<1x80x128xi32, #tpu.memory_space<hbm>>
        %dma_wait3A_57 = tpu.memref_squeeze %dma_wait3A_56 : memref<1x80x128xi32, #tpu.memory_space<hbm>> -> memref<80x128xi32, #tpu.memory_space<hbm>>
        tpu.wait_dma2 semaphore(%run_scoped3A : memref<!tpu.dma_semaphore, #tpu.memory_space<semaphore_mem>>) src(%dma_wait3A_57 : memref<80x128xi32, #tpu.memory_space<hbm>>) dst(%arg8 : memref<80x128xi32, #tpu.memory_space<vmem>>)
        tpu.yield
      }) : () -> ()
    } else {
    }
    %eq3A_20 = arith.constant 1 : i32
    %eq3A_21 = arith.cmpi eq, %arg0, %eq3A_20 : i32
    %convert_element_type3A_22 = arith.extui %eq3A_21 : i1 to i32
    %cond3A_23 = arith.constant 0 : i32
    %cond3A_24 = arith.cmpi ne, %convert_element_type3A_22, %cond3A_23 : i32
    scf.if %cond3A_24 {
      "tpu.region"() ({
        %run_scoped3A = tpu.sem_alloc : memref<!tpu.dma_semaphore, #tpu.memory_space<semaphore_mem>>
        %dma_start3A_42 = arith.constant 80 : i32
        %dma_start3A_43 = arith.constant 0 : i32
        %dma_start3A_44 = tpu.memref_slice %arg3[%arg1, %dma_start3A_42, %dma_start3A_43] : memref<16x160x128xi32, #tpu.memory_space<hbm>> -> memref<1x80x128xi32, #tpu.memory_space<hbm>>
        %dma_start3A_45 = tpu.memref_squeeze %dma_start3A_44 : memref<1x80x128xi32, #tpu.memory_space<hbm>> -> memref<80x128xi32, #tpu.memory_space<hbm>>
        %dma_start3A_46 = arith.constant 80 : i32
        %dma_start3A_47 = arith.constant 0 : i32
        %dma_start3A_48 = tpu.memref_slice %arg3[%arg1, %dma_start3A_46, %dma_start3A_47] : memref<16x160x128xi32, #tpu.memory_space<hbm>> -> memref<1x80x128xi32, #tpu.memory_space<hbm>>
        %dma_start3A_49 = tpu.memref_squeeze %dma_start3A_48 : memref<1x80x128xi32, #tpu.memory_space<hbm>> -> memref<80x128xi32, #tpu.memory_space<hbm>>
        tpu.enqueue_dma source(%dma_start3A_49 : memref<80x128xi32, #tpu.memory_space<hbm>>) target(%arg8 : memref<80x128xi32, #tpu.memory_space<vmem>>) target_semaphore(%run_scoped3A : memref<!tpu.dma_semaphore, #tpu.memory_space<semaphore_mem>>)
        %dma_wait3A_50 = arith.constant 80 : i32
        %dma_wait3A_51 = arith.constant 0 : i32
        %dma_wait3A_52 = tpu.memref_slice %arg3[%arg1, %dma_wait3A_50, %dma_wait3A_51] : memref<16x160x128xi32, #tpu.memory_space<hbm>> -> memref<1x80x128xi32, #tpu.memory_space<hbm>>
        %dma_wait3A_53 = tpu.memref_squeeze %dma_wait3A_52 : memref<1x80x128xi32, #tpu.memory_space<hbm>> -> memref<80x128xi32, #tpu.memory_space<hbm>>
        %dma_wait3A_54 = arith.constant 80 : i32
        %dma_wait3A_55 = arith.constant 0 : i32
        %dma_wait3A_56 = tpu.memref_slice %arg3[%arg1, %dma_wait3A_54, %dma_wait3A_55] : memref<16x160x128xi32, #tpu.memory_space<hbm>> -> memref<1x80x128xi32, #tpu.memory_space<hbm>>
        %dma_wait3A_57 = tpu.memref_squeeze %dma_wait3A_56 : memref<1x80x128xi32, #tpu.memory_space<hbm>> -> memref<80x128xi32, #tpu.memory_space<hbm>>
        tpu.wait_dma2 semaphore(%run_scoped3A : memref<!tpu.dma_semaphore, #tpu.memory_space<semaphore_mem>>) src(%dma_wait3A_57 : memref<80x128xi32, #tpu.memory_space<hbm>>) dst(%arg8 : memref<80x128xi32, #tpu.memory_space<vmem>>)
        tpu.yield
      }) : () -> ()
    } else {
    }
    %scan3A_25 = arith.constant 0 : i32
    %scan3A_26 = arith.constant 0 : i32
    %scan3A_27 = arith.constant 80 : i32
    %scan3A_28 = arith.addi %scan3A_26, %scan3A_27 : i32
    %scan3A_29 = arith.constant 1 : i32
    scf.for %scan3A_42 = %scan3A_26 to %scan3A_28 step %scan3A_29  : i32 {
      "tpu.region"() ({
        %run_scoped3A = tpu.sem_alloc : memref<!tpu.dma_semaphore, #tpu.memory_space<semaphore_mem>>
        %dma_start3A_43 = arith.constant 0 : i32
        %dma_start3A_44 = tpu.memref_slice %arg8[%scan3A_42, %dma_start3A_43] : memref<80x128xi32, #tpu.memory_space<vmem>> -> memref<1x128xi32, #tpu.memory_space<vmem>>
        %dma_start3A_45 = tpu.memref_squeeze %dma_start3A_44 : memref<1x128xi32, #tpu.memory_space<vmem>> -> memref<128xi32, #tpu.memory_space<vmem>>
        %dma_start3A_46 = arith.constant 0 : i32
        %dma_start3A_47 = arith.constant 0 : i32
        %dma_start3A_48 = tpu.memref_slice %arg10[%dma_start3A_46, %dma_start3A_47] : memref<10240x16xf32, #tpu.memory_space<vmem_shared>> -> memref<10240x16xf32, #tpu.memory_space<vmem_shared>>
        tpu.enqueue_indirect_dma source(%arg9 : memref<128x16xf32, #tpu.memory_space<vmem>>) target(%dma_start3A_48 : memref<10240x16xf32, #tpu.memory_space<vmem_shared>>) offsets(%dma_start3A_45 : memref<128xi32, #tpu.memory_space<vmem>>) semaphore(%run_scoped3A : memref<!tpu.dma_semaphore, #tpu.memory_space<semaphore_mem>>) {add = true}
        %dma_wait3A_49 = arith.constant 0 : i32
        %dma_wait3A_50 = tpu.memref_slice %arg8[%scan3A_42, %dma_wait3A_49] : memref<80x128xi32, #tpu.memory_space<vmem>> -> memref<1x128xi32, #tpu.memory_space<vmem>>
        %dma_wait3A_51 = tpu.memref_squeeze %dma_wait3A_50 : memref<1x128xi32, #tpu.memory_space<vmem>> -> memref<128xi32, #tpu.memory_space<vmem>>
        %dma_wait3A_52 = arith.constant 0 : i32
        %dma_wait3A_53 = arith.constant 0 : i32
        %dma_wait3A_54 = tpu.memref_slice %arg10[%dma_wait3A_52, %dma_wait3A_53] : memref<10240x16xf32, #tpu.memory_space<vmem_shared>> -> memref<10240x16xf32, #tpu.memory_space<vmem_shared>>
        tpu.wait_indirect_dma semaphore(%run_scoped3A : memref<!tpu.dma_semaphore, #tpu.memory_space<semaphore_mem>>) src(%arg9 : memref<128x16xf32, #tpu.memory_space<vmem>>) dst(%dma_wait3A_54 : memref<10240x16xf32, #tpu.memory_space<vmem_shared>>)
        tpu.yield
      }) : () -> ()
    }
    %scan3A_30 = arith.constant 80 : i32
    %barrier3A_31 = arith.constant 0 : index
    tpu.barrier barrier_id(%barrier3A_31)
    %eq3A_32 = arith.constant 0 : i32
    %eq3A_33 = arith.cmpi eq, %arg0, %eq3A_32 : i32
    %convert_element_type3A_34 = arith.extui %eq3A_33 : i1 to i32
    %cond3A_35 = arith.constant 0 : i32
    %cond3A_36 = arith.cmpi ne, %convert_element_type3A_34, %cond3A_35 : i32
    scf.if %cond3A_36 {
      "tpu.region"() ({
        %run_scoped3A = tpu.sem_alloc : memref<!tpu.dma_semaphore, #tpu.memory_space<semaphore_mem>>
        %dma_start3A_42 = arith.constant 0 : i32
        %dma_start3A_43 = tpu.memref_slice %arg6[%multiple_of3A, %dma_start3A_42] : memref<10240x16xf32, #tpu.memory_space<hbm>> -> memref<640x16xf32, #tpu.memory_space<hbm>>
        %dma_start3A_44 = arith.constant 0 : i32
        %dma_start3A_45 = tpu.memref_slice %arg10[%multiple_of3A, %dma_start3A_44] : memref<10240x16xf32, #tpu.memory_space<vmem_shared>> -> memref<640x16xf32, #tpu.memory_space<vmem_shared>>
        tpu.enqueue_dma source(%dma_start3A_45 : memref<640x16xf32, #tpu.memory_space<vmem_shared>>) target(%dma_start3A_43 : memref<640x16xf32, #tpu.memory_space<hbm>>) target_semaphore(%run_scoped3A : memref<!tpu.dma_semaphore, #tpu.memory_space<semaphore_mem>>)
        %dma_wait3A_46 = arith.constant 0 : i32
        %dma_wait3A_47 = tpu.memref_slice %arg6[%multiple_of3A, %dma_wait3A_46] : memref<10240x16xf32, #tpu.memory_space<hbm>> -> memref<640x16xf32, #tpu.memory_space<hbm>>
        %dma_wait3A_48 = arith.constant 0 : i32
        %dma_wait3A_49 = tpu.memref_slice %arg10[%multiple_of3A, %dma_wait3A_48] : memref<10240x16xf32, #tpu.memory_space<vmem_shared>> -> memref<640x16xf32, #tpu.memory_space<vmem_shared>>
        tpu.wait_dma2 semaphore(%run_scoped3A : memref<!tpu.dma_semaphore, #tpu.memory_space<semaphore_mem>>) src(%dma_wait3A_49 : memref<640x16xf32, #tpu.memory_space<vmem_shared>>) dst(%dma_wait3A_47 : memref<640x16xf32, #tpu.memory_space<hbm>>)
        tpu.yield
      }) : () -> ()
    } else {
    }
    %eq3A_37 = arith.constant 1 : i32
    %eq3A_38 = arith.cmpi eq, %arg0, %eq3A_37 : i32
    %convert_element_type3A_39 = arith.extui %eq3A_38 : i1 to i32
    %cond3A_40 = arith.constant 0 : i32
    %cond3A_41 = arith.cmpi ne, %convert_element_type3A_39, %cond3A_40 : i32
    scf.if %cond3A_41 {
      "tpu.region"() ({
        %run_scoped3A = tpu.sem_alloc : memref<!tpu.dma_semaphore, #tpu.memory_space<semaphore_mem>>
        %dma_start3A_42 = arith.constant 0 : i32
        %dma_start3A_43 = tpu.memref_slice %arg7[%multiple_of3A, %dma_start3A_42] : memref<10240x16xf32, #tpu.memory_space<hbm>> -> memref<640x16xf32, #tpu.memory_space<hbm>>
        %dma_start3A_44 = arith.constant 0 : i32
        %dma_start3A_45 = tpu.memref_slice %arg10[%multiple_of3A, %dma_start3A_44] : memref<10240x16xf32, #tpu.memory_space<vmem_shared>> -> memref<640x16xf32, #tpu.memory_space<vmem_shared>>
        tpu.enqueue_dma source(%dma_start3A_45 : memref<640x16xf32, #tpu.memory_space<vmem_shared>>) target(%dma_start3A_43 : memref<640x16xf32, #tpu.memory_space<hbm>>) target_semaphore(%run_scoped3A : memref<!tpu.dma_semaphore, #tpu.memory_space<semaphore_mem>>)
        %dma_wait3A_46 = arith.constant 0 : i32
        %dma_wait3A_47 = tpu.memref_slice %arg7[%multiple_of3A, %dma_wait3A_46] : memref<10240x16xf32, #tpu.memory_space<hbm>> -> memref<640x16xf32, #tpu.memory_space<hbm>>
        %dma_wait3A_48 = arith.constant 0 : i32
        %dma_wait3A_49 = tpu.memref_slice %arg10[%multiple_of3A, %dma_wait3A_48] : memref<10240x16xf32, #tpu.memory_space<vmem_shared>> -> memref<640x16xf32, #tpu.memory_space<vmem_shared>>
        tpu.wait_dma2 semaphore(%run_scoped3A : memref<!tpu.dma_semaphore, #tpu.memory_space<semaphore_mem>>) src(%dma_wait3A_49 : memref<640x16xf32, #tpu.memory_space<vmem_shared>>) dst(%dma_wait3A_47 : memref<640x16xf32, #tpu.memory_space<hbm>>)
        tpu.yield
      }) : () -> ()
    } else {
    }
    return
  }
}

#map = affine_map<(d0, d1) -> (0, 0)>
#map1 = affine_map<(d0, d1) -> (0, 0, 0)>
module attributes {stable_mosaic.version = 14 : i64} {
  func.func @_seg(%arg0: i32, %arg1: i32, %arg2: memref<10240x64xf32, #tpu.memory_space<hbm>>, %arg3: memref<10240x64xf32, #tpu.memory_space<hbm>>, %arg4: memref<16x160x128xi32, #tpu.memory_space<hbm>>, %arg5: memref<16x160x128xi32, #tpu.memory_space<hbm>>, %arg6: memref<640x64xf32, #tpu.memory_space<hbm>>, %arg7: memref<10240x64xf32, #tpu.memory_space<hbm>>, %arg8: memref<10240x64xf32, #tpu.memory_space<hbm>>, %arg9: memref<80x128xi32, #tpu.memory_space<vmem>>, %arg10: memref<80x128xi32, #tpu.memory_space<vmem>>, %arg11: memref<128x64xf32, #tpu.memory_space<vmem>>, %arg12: memref<128x64xf32, #tpu.memory_space<vmem>>, %arg13: memref<10240x64xf32, #tpu.memory_space<vmem_shared>>, %arg14: memref<10240x64xf32, #tpu.memory_space<vmem_shared>>, %arg15: memref<!tpu.dma_semaphore, #tpu.memory_space<semaphore_mem>>, %arg16: memref<!tpu.dma_semaphore, #tpu.memory_space<semaphore_mem>>, %arg17: memref<!tpu.dma_semaphore, #tpu.memory_space<semaphore_mem>>) attributes {dimension_semantics = [#tpu.dimension_semantics<core_parallel>, #tpu.dimension_semantics<subcore_parallel>], iteration_bounds = array<i64: 2, 16>, scalar_prefetch = 0 : i64, scratch_operands = 9 : i64, tpu.core_type = #tpu.core_type<sc_vector_subcore>, window_params = [{transform_indices = #map}, {transform_indices = #map}, {transform_indices = #map1}, {transform_indices = #map1}, {transform_indices = #map}, {transform_indices = #map}, {transform_indices = #map}]} {
    %mul3A = arith.constant 640 : i32
    %mul3A_0 = arith.muli %arg1, %mul3A : i32
    %multiple_of3A = tpu.assume_multiple %mul3A_0, 8 : i32
    %dma_start3A = arith.constant 0 : i32
    %dma_start3A_1 = tpu.memref_slice %arg14[%multiple_of3A, %dma_start3A] : memref<10240x64xf32, #tpu.memory_space<vmem_shared>> -> memref<640x64xf32, #tpu.memory_space<vmem_shared>>
    tpu.enqueue_dma source(%arg6 : memref<640x64xf32, #tpu.memory_space<hbm>>) target(%dma_start3A_1 : memref<640x64xf32, #tpu.memory_space<vmem_shared>>) target_semaphore(%arg17 : memref<!tpu.dma_semaphore, #tpu.memory_space<semaphore_mem>>)
    %eq3A = arith.constant 0 : i32
    %eq3A_2 = arith.cmpi eq, %arg0, %eq3A : i32
    %convert_element_type3A = arith.extui %eq3A_2 : i1 to i32
    %cond3A = arith.constant 0 : i32
    %cond3A_3 = arith.cmpi ne, %convert_element_type3A, %cond3A : i32
    scf.if %cond3A_3 {
      "tpu.region"() ({
        %run_scoped3A = tpu.sem_alloc : memref<!tpu.dma_semaphore, #tpu.memory_space<semaphore_mem>>
        %dma_start3A_60 = arith.constant 0 : i32
        %dma_start3A_61 = tpu.memref_slice %arg13[%multiple_of3A, %dma_start3A_60] : memref<10240x64xf32, #tpu.memory_space<vmem_shared>> -> memref<640x64xf32, #tpu.memory_space<vmem_shared>>
        %dma_start3A_62 = arith.constant 0 : i32
        %dma_start3A_63 = tpu.memref_slice %arg2[%multiple_of3A, %dma_start3A_62] : memref<10240x64xf32, #tpu.memory_space<hbm>> -> memref<640x64xf32, #tpu.memory_space<hbm>>
        tpu.enqueue_dma source(%dma_start3A_63 : memref<640x64xf32, #tpu.memory_space<hbm>>) target(%dma_start3A_61 : memref<640x64xf32, #tpu.memory_space<vmem_shared>>) target_semaphore(%run_scoped3A : memref<!tpu.dma_semaphore, #tpu.memory_space<semaphore_mem>>)
        %dma_wait3A_64 = arith.constant 0 : i32
        %dma_wait3A_65 = tpu.memref_slice %arg13[%multiple_of3A, %dma_wait3A_64] : memref<10240x64xf32, #tpu.memory_space<vmem_shared>> -> memref<640x64xf32, #tpu.memory_space<vmem_shared>>
        %dma_wait3A_66 = arith.constant 0 : i32
        %dma_wait3A_67 = tpu.memref_slice %arg2[%multiple_of3A, %dma_wait3A_66] : memref<10240x64xf32, #tpu.memory_space<hbm>> -> memref<640x64xf32, #tpu.memory_space<hbm>>
        tpu.wait_dma2 semaphore(%run_scoped3A : memref<!tpu.dma_semaphore, #tpu.memory_space<semaphore_mem>>) src(%dma_wait3A_67 : memref<640x64xf32, #tpu.memory_space<hbm>>) dst(%dma_wait3A_65 : memref<640x64xf32, #tpu.memory_space<vmem_shared>>)
        tpu.yield
      }) : () -> ()
    } else {
    }
    %eq3A_4 = arith.constant 1 : i32
    %eq3A_5 = arith.cmpi eq, %arg0, %eq3A_4 : i32
    %convert_element_type3A_6 = arith.extui %eq3A_5 : i1 to i32
    %cond3A_7 = arith.constant 0 : i32
    %cond3A_8 = arith.cmpi ne, %convert_element_type3A_6, %cond3A_7 : i32
    scf.if %cond3A_8 {
      "tpu.region"() ({
        %run_scoped3A = tpu.sem_alloc : memref<!tpu.dma_semaphore, #tpu.memory_space<semaphore_mem>>
        %dma_start3A_60 = arith.constant 0 : i32
        %dma_start3A_61 = tpu.memref_slice %arg13[%multiple_of3A, %dma_start3A_60] : memref<10240x64xf32, #tpu.memory_space<vmem_shared>> -> memref<640x64xf32, #tpu.memory_space<vmem_shared>>
        %dma_start3A_62 = arith.constant 0 : i32
        %dma_start3A_63 = tpu.memref_slice %arg3[%multiple_of3A, %dma_start3A_62] : memref<10240x64xf32, #tpu.memory_space<hbm>> -> memref<640x64xf32, #tpu.memory_space<hbm>>
        tpu.enqueue_dma source(%dma_start3A_63 : memref<640x64xf32, #tpu.memory_space<hbm>>) target(%dma_start3A_61 : memref<640x64xf32, #tpu.memory_space<vmem_shared>>) target_semaphore(%run_scoped3A : memref<!tpu.dma_semaphore, #tpu.memory_space<semaphore_mem>>)
        %dma_wait3A_64 = arith.constant 0 : i32
        %dma_wait3A_65 = tpu.memref_slice %arg13[%multiple_of3A, %dma_wait3A_64] : memref<10240x64xf32, #tpu.memory_space<vmem_shared>> -> memref<640x64xf32, #tpu.memory_space<vmem_shared>>
        %dma_wait3A_66 = arith.constant 0 : i32
        %dma_wait3A_67 = tpu.memref_slice %arg3[%multiple_of3A, %dma_wait3A_66] : memref<10240x64xf32, #tpu.memory_space<hbm>> -> memref<640x64xf32, #tpu.memory_space<hbm>>
        tpu.wait_dma2 semaphore(%run_scoped3A : memref<!tpu.dma_semaphore, #tpu.memory_space<semaphore_mem>>) src(%dma_wait3A_67 : memref<640x64xf32, #tpu.memory_space<hbm>>) dst(%dma_wait3A_65 : memref<640x64xf32, #tpu.memory_space<vmem_shared>>)
        tpu.yield
      }) : () -> ()
    } else {
    }
    %dma_wait3A = arith.constant 0 : i32
    %dma_wait3A_9 = tpu.memref_slice %arg14[%multiple_of3A, %dma_wait3A] : memref<10240x64xf32, #tpu.memory_space<vmem_shared>> -> memref<640x64xf32, #tpu.memory_space<vmem_shared>>
    tpu.wait_dma2 semaphore(%arg17 : memref<!tpu.dma_semaphore, #tpu.memory_space<semaphore_mem>>) src(%arg6 : memref<640x64xf32, #tpu.memory_space<hbm>>) dst(%dma_wait3A_9 : memref<640x64xf32, #tpu.memory_space<vmem_shared>>)
    %barrier3A = arith.constant 0 : index
    tpu.barrier barrier_id(%barrier3A)
    "tpu.region"() ({
      %run_scoped3A = tpu.sem_alloc : memref<!tpu.dma_semaphore, #tpu.memory_space<semaphore_mem>>
      %dma_start3A_60 = arith.constant 0 : i32
      %dma_start3A_61 = arith.constant 0 : i32
      %dma_start3A_62 = tpu.memref_slice %arg4[%arg1, %dma_start3A_60, %dma_start3A_61] : memref<16x160x128xi32, #tpu.memory_space<hbm>> -> memref<1x80x128xi32, #tpu.memory_space<hbm>>
      %dma_start3A_63 = tpu.memref_squeeze %dma_start3A_62 : memref<1x80x128xi32, #tpu.memory_space<hbm>> -> memref<80x128xi32, #tpu.memory_space<hbm>>
      %dma_start3A_64 = arith.constant 0 : i32
      %dma_start3A_65 = arith.constant 0 : i32
      %dma_start3A_66 = tpu.memref_slice %arg4[%arg1, %dma_start3A_64, %dma_start3A_65] : memref<16x160x128xi32, #tpu.memory_space<hbm>> -> memref<1x80x128xi32, #tpu.memory_space<hbm>>
      %dma_start3A_67 = tpu.memref_squeeze %dma_start3A_66 : memref<1x80x128xi32, #tpu.memory_space<hbm>> -> memref<80x128xi32, #tpu.memory_space<hbm>>
      tpu.enqueue_dma source(%dma_start3A_67 : memref<80x128xi32, #tpu.memory_space<hbm>>) target(%arg9 : memref<80x128xi32, #tpu.memory_space<vmem>>) target_semaphore(%run_scoped3A : memref<!tpu.dma_semaphore, #tpu.memory_space<semaphore_mem>>)
      %dma_wait3A_68 = arith.constant 0 : i32
      %dma_wait3A_69 = arith.constant 0 : i32
      %dma_wait3A_70 = tpu.memref_slice %arg4[%arg1, %dma_wait3A_68, %dma_wait3A_69] : memref<16x160x128xi32, #tpu.memory_space<hbm>> -> memref<1x80x128xi32, #tpu.memory_space<hbm>>
      %dma_wait3A_71 = tpu.memref_squeeze %dma_wait3A_70 : memref<1x80x128xi32, #tpu.memory_space<hbm>> -> memref<80x128xi32, #tpu.memory_space<hbm>>
      %dma_wait3A_72 = arith.constant 0 : i32
      %dma_wait3A_73 = arith.constant 0 : i32
      %dma_wait3A_74 = tpu.memref_slice %arg4[%arg1, %dma_wait3A_72, %dma_wait3A_73] : memref<16x160x128xi32, #tpu.memory_space<hbm>> -> memref<1x80x128xi32, #tpu.memory_space<hbm>>
      %dma_wait3A_75 = tpu.memref_squeeze %dma_wait3A_74 : memref<1x80x128xi32, #tpu.memory_space<hbm>> -> memref<80x128xi32, #tpu.memory_space<hbm>>
      tpu.wait_dma2 semaphore(%run_scoped3A : memref<!tpu.dma_semaphore, #tpu.memory_space<semaphore_mem>>) src(%dma_wait3A_75 : memref<80x128xi32, #tpu.memory_space<hbm>>) dst(%arg9 : memref<80x128xi32, #tpu.memory_space<vmem>>)
      tpu.yield
    }) : () -> ()
    "tpu.region"() ({
      %run_scoped3A = tpu.sem_alloc : memref<!tpu.dma_semaphore, #tpu.memory_space<semaphore_mem>>
      %dma_start3A_60 = arith.constant 0 : i32
      %dma_start3A_61 = arith.constant 0 : i32
      %dma_start3A_62 = tpu.memref_slice %arg5[%arg1, %dma_start3A_60, %dma_start3A_61] : memref<16x160x128xi32, #tpu.memory_space<hbm>> -> memref<1x80x128xi32, #tpu.memory_space<hbm>>
      %dma_start3A_63 = tpu.memref_squeeze %dma_start3A_62 : memref<1x80x128xi32, #tpu.memory_space<hbm>> -> memref<80x128xi32, #tpu.memory_space<hbm>>
      %dma_start3A_64 = arith.constant 0 : i32
      %dma_start3A_65 = arith.constant 0 : i32
      %dma_start3A_66 = tpu.memref_slice %arg5[%arg1, %dma_start3A_64, %dma_start3A_65] : memref<16x160x128xi32, #tpu.memory_space<hbm>> -> memref<1x80x128xi32, #tpu.memory_space<hbm>>
      %dma_start3A_67 = tpu.memref_squeeze %dma_start3A_66 : memref<1x80x128xi32, #tpu.memory_space<hbm>> -> memref<80x128xi32, #tpu.memory_space<hbm>>
      tpu.enqueue_dma source(%dma_start3A_67 : memref<80x128xi32, #tpu.memory_space<hbm>>) target(%arg10 : memref<80x128xi32, #tpu.memory_space<vmem>>) target_semaphore(%run_scoped3A : memref<!tpu.dma_semaphore, #tpu.memory_space<semaphore_mem>>)
      %dma_wait3A_68 = arith.constant 0 : i32
      %dma_wait3A_69 = arith.constant 0 : i32
      %dma_wait3A_70 = tpu.memref_slice %arg5[%arg1, %dma_wait3A_68, %dma_wait3A_69] : memref<16x160x128xi32, #tpu.memory_space<hbm>> -> memref<1x80x128xi32, #tpu.memory_space<hbm>>
      %dma_wait3A_71 = tpu.memref_squeeze %dma_wait3A_70 : memref<1x80x128xi32, #tpu.memory_space<hbm>> -> memref<80x128xi32, #tpu.memory_space<hbm>>
      %dma_wait3A_72 = arith.constant 0 : i32
      %dma_wait3A_73 = arith.constant 0 : i32
      %dma_wait3A_74 = tpu.memref_slice %arg5[%arg1, %dma_wait3A_72, %dma_wait3A_73] : memref<16x160x128xi32, #tpu.memory_space<hbm>> -> memref<1x80x128xi32, #tpu.memory_space<hbm>>
      %dma_wait3A_75 = tpu.memref_squeeze %dma_wait3A_74 : memref<1x80x128xi32, #tpu.memory_space<hbm>> -> memref<80x128xi32, #tpu.memory_space<hbm>>
      tpu.wait_dma2 semaphore(%run_scoped3A : memref<!tpu.dma_semaphore, #tpu.memory_space<semaphore_mem>>) src(%dma_wait3A_75 : memref<80x128xi32, #tpu.memory_space<hbm>>) dst(%arg10 : memref<80x128xi32, #tpu.memory_space<vmem>>)
      tpu.yield
    }) : () -> ()
    %dma_start3A_10 = arith.constant 0 : i32
    %dma_start3A_11 = arith.constant 0 : i32
    %dma_start3A_12 = tpu.memref_slice %arg9[%dma_start3A_10, %dma_start3A_11] : memref<80x128xi32, #tpu.memory_space<vmem>> -> memref<1x128xi32, #tpu.memory_space<vmem>>
    %dma_start3A_13 = tpu.memref_squeeze %dma_start3A_12 : memref<1x128xi32, #tpu.memory_space<vmem>> -> memref<128xi32, #tpu.memory_space<vmem>>
    %dma_start3A_14 = arith.constant 0 : i32
    %dma_start3A_15 = arith.constant 0 : i32
    %dma_start3A_16 = tpu.memref_slice %arg13[%dma_start3A_14, %dma_start3A_15] : memref<10240x64xf32, #tpu.memory_space<vmem_shared>> -> memref<10240x64xf32, #tpu.memory_space<vmem_shared>>
    tpu.enqueue_indirect_dma source(%dma_start3A_16 : memref<10240x64xf32, #tpu.memory_space<vmem_shared>>) target(%arg11 : memref<128x64xf32, #tpu.memory_space<vmem>>) offsets(%dma_start3A_13 : memref<128xi32, #tpu.memory_space<vmem>>) semaphore(%arg15 : memref<!tpu.dma_semaphore, #tpu.memory_space<semaphore_mem>>)
    %dma_start3A_17 = arith.constant 1 : i32
    %dma_start3A_18 = arith.constant 0 : i32
    %dma_start3A_19 = tpu.memref_slice %arg9[%dma_start3A_17, %dma_start3A_18] : memref<80x128xi32, #tpu.memory_space<vmem>> -> memref<1x128xi32, #tpu.memory_space<vmem>>
    %dma_start3A_20 = tpu.memref_squeeze %dma_start3A_19 : memref<1x128xi32, #tpu.memory_space<vmem>> -> memref<128xi32, #tpu.memory_space<vmem>>
    %dma_start3A_21 = arith.constant 0 : i32
    %dma_start3A_22 = arith.constant 0 : i32
    %dma_start3A_23 = tpu.memref_slice %arg13[%dma_start3A_21, %dma_start3A_22] : memref<10240x64xf32, #tpu.memory_space<vmem_shared>> -> memref<10240x64xf32, #tpu.memory_space<vmem_shared>>
    tpu.enqueue_indirect_dma source(%dma_start3A_23 : memref<10240x64xf32, #tpu.memory_space<vmem_shared>>) target(%arg12 : memref<128x64xf32, #tpu.memory_space<vmem>>) offsets(%dma_start3A_20 : memref<128xi32, #tpu.memory_space<vmem>>) semaphore(%arg16 : memref<!tpu.dma_semaphore, #tpu.memory_space<semaphore_mem>>)
    %scan3A = arith.constant 0 : i32
    %scan3A_24 = arith.constant 0 : i32
    %scan3A_25 = arith.constant 40 : i32
    %scan3A_26 = arith.addi %scan3A_24, %scan3A_25 : i32
    %scan3A_27 = arith.constant 1 : i32
    scf.for %scan3A_60 = %scan3A_24 to %scan3A_26 step %scan3A_27  : i32 {
      %mul3A_61 = arith.constant 2 : i32
      %mul3A_62 = arith.muli %scan3A_60, %mul3A_61 : i32
      %add3A = arith.constant 0 : i32
      %add3A_63 = arith.addi %mul3A_62, %add3A : i32
      %dma_wait3A_64 = arith.constant 0 : i32
      %dma_wait3A_65 = tpu.memref_slice %arg9[%add3A_63, %dma_wait3A_64] : memref<80x128xi32, #tpu.memory_space<vmem>> -> memref<1x128xi32, #tpu.memory_space<vmem>>
      %dma_wait3A_66 = tpu.memref_squeeze %dma_wait3A_65 : memref<1x128xi32, #tpu.memory_space<vmem>> -> memref<128xi32, #tpu.memory_space<vmem>>
      %dma_wait3A_67 = arith.constant 0 : i32
      %dma_wait3A_68 = arith.constant 0 : i32
      %dma_wait3A_69 = tpu.memref_slice %arg13[%dma_wait3A_67, %dma_wait3A_68] : memref<10240x64xf32, #tpu.memory_space<vmem_shared>> -> memref<10240x64xf32, #tpu.memory_space<vmem_shared>>
      tpu.wait_indirect_dma semaphore(%arg15 : memref<!tpu.dma_semaphore, #tpu.memory_space<semaphore_mem>>) src(%dma_wait3A_69 : memref<10240x64xf32, #tpu.memory_space<vmem_shared>>) dst(%arg11 : memref<128x64xf32, #tpu.memory_space<vmem>>)
      "tpu.region"() ({
        %run_scoped3A = tpu.sem_alloc : memref<!tpu.dma_semaphore, #tpu.memory_space<semaphore_mem>>
        %dma_start3A_89 = arith.constant 0 : i32
        %dma_start3A_90 = tpu.memref_slice %arg10[%add3A_63, %dma_start3A_89] : memref<80x128xi32, #tpu.memory_space<vmem>> -> memref<1x128xi32, #tpu.memory_space<vmem>>
        %dma_start3A_91 = tpu.memref_squeeze %dma_start3A_90 : memref<1x128xi32, #tpu.memory_space<vmem>> -> memref<128xi32, #tpu.memory_space<vmem>>
        %dma_start3A_92 = arith.constant 0 : i32
        %dma_start3A_93 = arith.constant 0 : i32
        %dma_start3A_94 = tpu.memref_slice %arg14[%dma_start3A_92, %dma_start3A_93] : memref<10240x64xf32, #tpu.memory_space<vmem_shared>> -> memref<10240x64xf32, #tpu.memory_space<vmem_shared>>
        tpu.enqueue_indirect_dma source(%arg11 : memref<128x64xf32, #tpu.memory_space<vmem>>) target(%dma_start3A_94 : memref<10240x64xf32, #tpu.memory_space<vmem_shared>>) offsets(%dma_start3A_91 : memref<128xi32, #tpu.memory_space<vmem>>) semaphore(%run_scoped3A : memref<!tpu.dma_semaphore, #tpu.memory_space<semaphore_mem>>) {add = true}
        %dma_wait3A_95 = arith.constant 0 : i32
        %dma_wait3A_96 = tpu.memref_slice %arg10[%add3A_63, %dma_wait3A_95] : memref<80x128xi32, #tpu.memory_space<vmem>> -> memref<1x128xi32, #tpu.memory_space<vmem>>
        %dma_wait3A_97 = tpu.memref_squeeze %dma_wait3A_96 : memref<1x128xi32, #tpu.memory_space<vmem>> -> memref<128xi32, #tpu.memory_space<vmem>>
        %dma_wait3A_98 = arith.constant 0 : i32
        %dma_wait3A_99 = arith.constant 0 : i32
        %dma_wait3A_100 = tpu.memref_slice %arg14[%dma_wait3A_98, %dma_wait3A_99] : memref<10240x64xf32, #tpu.memory_space<vmem_shared>> -> memref<10240x64xf32, #tpu.memory_space<vmem_shared>>
        tpu.wait_indirect_dma semaphore(%run_scoped3A : memref<!tpu.dma_semaphore, #tpu.memory_space<semaphore_mem>>) src(%arg11 : memref<128x64xf32, #tpu.memory_space<vmem>>) dst(%dma_wait3A_100 : memref<10240x64xf32, #tpu.memory_space<vmem_shared>>)
        tpu.yield
      }) : () -> ()
      %lt3A = arith.constant 39 : i32
      %lt3A_70 = arith.cmpi slt, %scan3A_60, %lt3A : i32
      %convert_element_type3A_71 = arith.extui %lt3A_70 : i1 to i32
      %cond3A_72 = arith.constant 0 : i32
      %cond3A_73 = arith.cmpi ne, %convert_element_type3A_71, %cond3A_72 : i32
      scf.if %cond3A_73 {
        %add3A_89 = arith.constant 2 : i32
        %add3A_90 = arith.addi %add3A_63, %add3A_89 : i32
        %dma_start3A_91 = arith.constant 0 : i32
        %dma_start3A_92 = tpu.memref_slice %arg9[%add3A_90, %dma_start3A_91] : memref<80x128xi32, #tpu.memory_space<vmem>> -> memref<1x128xi32, #tpu.memory_space<vmem>>
        %dma_start3A_93 = tpu.memref_squeeze %dma_start3A_92 : memref<1x128xi32, #tpu.memory_space<vmem>> -> memref<128xi32, #tpu.memory_space<vmem>>
        %dma_start3A_94 = arith.constant 0 : i32
        %dma_start3A_95 = arith.constant 0 : i32
        %dma_start3A_96 = tpu.memref_slice %arg13[%dma_start3A_94, %dma_start3A_95] : memref<10240x64xf32, #tpu.memory_space<vmem_shared>> -> memref<10240x64xf32, #tpu.memory_space<vmem_shared>>
        tpu.enqueue_indirect_dma source(%dma_start3A_96 : memref<10240x64xf32, #tpu.memory_space<vmem_shared>>) target(%arg11 : memref<128x64xf32, #tpu.memory_space<vmem>>) offsets(%dma_start3A_93 : memref<128xi32, #tpu.memory_space<vmem>>) semaphore(%arg15 : memref<!tpu.dma_semaphore, #tpu.memory_space<semaphore_mem>>)
      } else {
      }
      %mul3A_74 = arith.constant 2 : i32
      %mul3A_75 = arith.muli %scan3A_60, %mul3A_74 : i32
      %add3A_76 = arith.constant 1 : i32
      %add3A_77 = arith.addi %mul3A_75, %add3A_76 : i32
      %dma_wait3A_78 = arith.constant 0 : i32
      %dma_wait3A_79 = tpu.memref_slice %arg9[%add3A_77, %dma_wait3A_78] : memref<80x128xi32, #tpu.memory_space<vmem>> -> memref<1x128xi32, #tpu.memory_space<vmem>>
      %dma_wait3A_80 = tpu.memref_squeeze %dma_wait3A_79 : memref<1x128xi32, #tpu.memory_space<vmem>> -> memref<128xi32, #tpu.memory_space<vmem>>
      %dma_wait3A_81 = arith.constant 0 : i32
      %dma_wait3A_82 = arith.constant 0 : i32
      %dma_wait3A_83 = tpu.memref_slice %arg13[%dma_wait3A_81, %dma_wait3A_82] : memref<10240x64xf32, #tpu.memory_space<vmem_shared>> -> memref<10240x64xf32, #tpu.memory_space<vmem_shared>>
      tpu.wait_indirect_dma semaphore(%arg16 : memref<!tpu.dma_semaphore, #tpu.memory_space<semaphore_mem>>) src(%dma_wait3A_83 : memref<10240x64xf32, #tpu.memory_space<vmem_shared>>) dst(%arg12 : memref<128x64xf32, #tpu.memory_space<vmem>>)
      "tpu.region"() ({
        %run_scoped3A = tpu.sem_alloc : memref<!tpu.dma_semaphore, #tpu.memory_space<semaphore_mem>>
        %dma_start3A_89 = arith.constant 0 : i32
        %dma_start3A_90 = tpu.memref_slice %arg10[%add3A_77, %dma_start3A_89] : memref<80x128xi32, #tpu.memory_space<vmem>> -> memref<1x128xi32, #tpu.memory_space<vmem>>
        %dma_start3A_91 = tpu.memref_squeeze %dma_start3A_90 : memref<1x128xi32, #tpu.memory_space<vmem>> -> memref<128xi32, #tpu.memory_space<vmem>>
        %dma_start3A_92 = arith.constant 0 : i32
        %dma_start3A_93 = arith.constant 0 : i32
        %dma_start3A_94 = tpu.memref_slice %arg14[%dma_start3A_92, %dma_start3A_93] : memref<10240x64xf32, #tpu.memory_space<vmem_shared>> -> memref<10240x64xf32, #tpu.memory_space<vmem_shared>>
        tpu.enqueue_indirect_dma source(%arg12 : memref<128x64xf32, #tpu.memory_space<vmem>>) target(%dma_start3A_94 : memref<10240x64xf32, #tpu.memory_space<vmem_shared>>) offsets(%dma_start3A_91 : memref<128xi32, #tpu.memory_space<vmem>>) semaphore(%run_scoped3A : memref<!tpu.dma_semaphore, #tpu.memory_space<semaphore_mem>>) {add = true}
        %dma_wait3A_95 = arith.constant 0 : i32
        %dma_wait3A_96 = tpu.memref_slice %arg10[%add3A_77, %dma_wait3A_95] : memref<80x128xi32, #tpu.memory_space<vmem>> -> memref<1x128xi32, #tpu.memory_space<vmem>>
        %dma_wait3A_97 = tpu.memref_squeeze %dma_wait3A_96 : memref<1x128xi32, #tpu.memory_space<vmem>> -> memref<128xi32, #tpu.memory_space<vmem>>
        %dma_wait3A_98 = arith.constant 0 : i32
        %dma_wait3A_99 = arith.constant 0 : i32
        %dma_wait3A_100 = tpu.memref_slice %arg14[%dma_wait3A_98, %dma_wait3A_99] : memref<10240x64xf32, #tpu.memory_space<vmem_shared>> -> memref<10240x64xf32, #tpu.memory_space<vmem_shared>>
        tpu.wait_indirect_dma semaphore(%run_scoped3A : memref<!tpu.dma_semaphore, #tpu.memory_space<semaphore_mem>>) src(%arg12 : memref<128x64xf32, #tpu.memory_space<vmem>>) dst(%dma_wait3A_100 : memref<10240x64xf32, #tpu.memory_space<vmem_shared>>)
        tpu.yield
      }) : () -> ()
      %lt3A_84 = arith.constant 39 : i32
      %lt3A_85 = arith.cmpi slt, %scan3A_60, %lt3A_84 : i32
      %convert_element_type3A_86 = arith.extui %lt3A_85 : i1 to i32
      %cond3A_87 = arith.constant 0 : i32
      %cond3A_88 = arith.cmpi ne, %convert_element_type3A_86, %cond3A_87 : i32
      scf.if %cond3A_88 {
        %add3A_89 = arith.constant 2 : i32
        %add3A_90 = arith.addi %add3A_77, %add3A_89 : i32
        %dma_start3A_91 = arith.constant 0 : i32
        %dma_start3A_92 = tpu.memref_slice %arg9[%add3A_90, %dma_start3A_91] : memref<80x128xi32, #tpu.memory_space<vmem>> -> memref<1x128xi32, #tpu.memory_space<vmem>>
        %dma_start3A_93 = tpu.memref_squeeze %dma_start3A_92 : memref<1x128xi32, #tpu.memory_space<vmem>> -> memref<128xi32, #tpu.memory_space<vmem>>
        %dma_start3A_94 = arith.constant 0 : i32
        %dma_start3A_95 = arith.constant 0 : i32
        %dma_start3A_96 = tpu.memref_slice %arg13[%dma_start3A_94, %dma_start3A_95] : memref<10240x64xf32, #tpu.memory_space<vmem_shared>> -> memref<10240x64xf32, #tpu.memory_space<vmem_shared>>
        tpu.enqueue_indirect_dma source(%dma_start3A_96 : memref<10240x64xf32, #tpu.memory_space<vmem_shared>>) target(%arg12 : memref<128x64xf32, #tpu.memory_space<vmem>>) offsets(%dma_start3A_93 : memref<128xi32, #tpu.memory_space<vmem>>) semaphore(%arg16 : memref<!tpu.dma_semaphore, #tpu.memory_space<semaphore_mem>>)
      } else {
      }
    }
    %scan3A_28 = arith.constant 40 : i32
    "tpu.region"() ({
      %run_scoped3A = tpu.sem_alloc : memref<!tpu.dma_semaphore, #tpu.memory_space<semaphore_mem>>
      %dma_start3A_60 = arith.constant 80 : i32
      %dma_start3A_61 = arith.constant 0 : i32
      %dma_start3A_62 = tpu.memref_slice %arg4[%arg1, %dma_start3A_60, %dma_start3A_61] : memref<16x160x128xi32, #tpu.memory_space<hbm>> -> memref<1x80x128xi32, #tpu.memory_space<hbm>>
      %dma_start3A_63 = tpu.memref_squeeze %dma_start3A_62 : memref<1x80x128xi32, #tpu.memory_space<hbm>> -> memref<80x128xi32, #tpu.memory_space<hbm>>
      %dma_start3A_64 = arith.constant 80 : i32
      %dma_start3A_65 = arith.constant 0 : i32
      %dma_start3A_66 = tpu.memref_slice %arg4[%arg1, %dma_start3A_64, %dma_start3A_65] : memref<16x160x128xi32, #tpu.memory_space<hbm>> -> memref<1x80x128xi32, #tpu.memory_space<hbm>>
      %dma_start3A_67 = tpu.memref_squeeze %dma_start3A_66 : memref<1x80x128xi32, #tpu.memory_space<hbm>> -> memref<80x128xi32, #tpu.memory_space<hbm>>
      tpu.enqueue_dma source(%dma_start3A_67 : memref<80x128xi32, #tpu.memory_space<hbm>>) target(%arg9 : memref<80x128xi32, #tpu.memory_space<vmem>>) target_semaphore(%run_scoped3A : memref<!tpu.dma_semaphore, #tpu.memory_space<semaphore_mem>>)
      %dma_wait3A_68 = arith.constant 80 : i32
      %dma_wait3A_69 = arith.constant 0 : i32
      %dma_wait3A_70 = tpu.memref_slice %arg4[%arg1, %dma_wait3A_68, %dma_wait3A_69] : memref<16x160x128xi32, #tpu.memory_space<hbm>> -> memref<1x80x128xi32, #tpu.memory_space<hbm>>
      %dma_wait3A_71 = tpu.memref_squeeze %dma_wait3A_70 : memref<1x80x128xi32, #tpu.memory_space<hbm>> -> memref<80x128xi32, #tpu.memory_space<hbm>>
      %dma_wait3A_72 = arith.constant 80 : i32
      %dma_wait3A_73 = arith.constant 0 : i32
      %dma_wait3A_74 = tpu.memref_slice %arg4[%arg1, %dma_wait3A_72, %dma_wait3A_73] : memref<16x160x128xi32, #tpu.memory_space<hbm>> -> memref<1x80x128xi32, #tpu.memory_space<hbm>>
      %dma_wait3A_75 = tpu.memref_squeeze %dma_wait3A_74 : memref<1x80x128xi32, #tpu.memory_space<hbm>> -> memref<80x128xi32, #tpu.memory_space<hbm>>
      tpu.wait_dma2 semaphore(%run_scoped3A : memref<!tpu.dma_semaphore, #tpu.memory_space<semaphore_mem>>) src(%dma_wait3A_75 : memref<80x128xi32, #tpu.memory_space<hbm>>) dst(%arg9 : memref<80x128xi32, #tpu.memory_space<vmem>>)
      tpu.yield
    }) : () -> ()
    "tpu.region"() ({
      %run_scoped3A = tpu.sem_alloc : memref<!tpu.dma_semaphore, #tpu.memory_space<semaphore_mem>>
      %dma_start3A_60 = arith.constant 80 : i32
      %dma_start3A_61 = arith.constant 0 : i32
      %dma_start3A_62 = tpu.memref_slice %arg5[%arg1, %dma_start3A_60, %dma_start3A_61] : memref<16x160x128xi32, #tpu.memory_space<hbm>> -> memref<1x80x128xi32, #tpu.memory_space<hbm>>
      %dma_start3A_63 = tpu.memref_squeeze %dma_start3A_62 : memref<1x80x128xi32, #tpu.memory_space<hbm>> -> memref<80x128xi32, #tpu.memory_space<hbm>>
      %dma_start3A_64 = arith.constant 80 : i32
      %dma_start3A_65 = arith.constant 0 : i32
      %dma_start3A_66 = tpu.memref_slice %arg5[%arg1, %dma_start3A_64, %dma_start3A_65] : memref<16x160x128xi32, #tpu.memory_space<hbm>> -> memref<1x80x128xi32, #tpu.memory_space<hbm>>
      %dma_start3A_67 = tpu.memref_squeeze %dma_start3A_66 : memref<1x80x128xi32, #tpu.memory_space<hbm>> -> memref<80x128xi32, #tpu.memory_space<hbm>>
      tpu.enqueue_dma source(%dma_start3A_67 : memref<80x128xi32, #tpu.memory_space<hbm>>) target(%arg10 : memref<80x128xi32, #tpu.memory_space<vmem>>) target_semaphore(%run_scoped3A : memref<!tpu.dma_semaphore, #tpu.memory_space<semaphore_mem>>)
      %dma_wait3A_68 = arith.constant 80 : i32
      %dma_wait3A_69 = arith.constant 0 : i32
      %dma_wait3A_70 = tpu.memref_slice %arg5[%arg1, %dma_wait3A_68, %dma_wait3A_69] : memref<16x160x128xi32, #tpu.memory_space<hbm>> -> memref<1x80x128xi32, #tpu.memory_space<hbm>>
      %dma_wait3A_71 = tpu.memref_squeeze %dma_wait3A_70 : memref<1x80x128xi32, #tpu.memory_space<hbm>> -> memref<80x128xi32, #tpu.memory_space<hbm>>
      %dma_wait3A_72 = arith.constant 80 : i32
      %dma_wait3A_73 = arith.constant 0 : i32
      %dma_wait3A_74 = tpu.memref_slice %arg5[%arg1, %dma_wait3A_72, %dma_wait3A_73] : memref<16x160x128xi32, #tpu.memory_space<hbm>> -> memref<1x80x128xi32, #tpu.memory_space<hbm>>
      %dma_wait3A_75 = tpu.memref_squeeze %dma_wait3A_74 : memref<1x80x128xi32, #tpu.memory_space<hbm>> -> memref<80x128xi32, #tpu.memory_space<hbm>>
      tpu.wait_dma2 semaphore(%run_scoped3A : memref<!tpu.dma_semaphore, #tpu.memory_space<semaphore_mem>>) src(%dma_wait3A_75 : memref<80x128xi32, #tpu.memory_space<hbm>>) dst(%arg10 : memref<80x128xi32, #tpu.memory_space<vmem>>)
      tpu.yield
    }) : () -> ()
    %dma_start3A_29 = arith.constant 0 : i32
    %dma_start3A_30 = arith.constant 0 : i32
    %dma_start3A_31 = tpu.memref_slice %arg9[%dma_start3A_29, %dma_start3A_30] : memref<80x128xi32, #tpu.memory_space<vmem>> -> memref<1x128xi32, #tpu.memory_space<vmem>>
    %dma_start3A_32 = tpu.memref_squeeze %dma_start3A_31 : memref<1x128xi32, #tpu.memory_space<vmem>> -> memref<128xi32, #tpu.memory_space<vmem>>
    %dma_start3A_33 = arith.constant 0 : i32
    %dma_start3A_34 = arith.constant 0 : i32
    %dma_start3A_35 = tpu.memref_slice %arg13[%dma_start3A_33, %dma_start3A_34] : memref<10240x64xf32, #tpu.memory_space<vmem_shared>> -> memref<10240x64xf32, #tpu.memory_space<vmem_shared>>
    tpu.enqueue_indirect_dma source(%dma_start3A_35 : memref<10240x64xf32, #tpu.memory_space<vmem_shared>>) target(%arg11 : memref<128x64xf32, #tpu.memory_space<vmem>>) offsets(%dma_start3A_32 : memref<128xi32, #tpu.memory_space<vmem>>) semaphore(%arg15 : memref<!tpu.dma_semaphore, #tpu.memory_space<semaphore_mem>>)
    %dma_start3A_36 = arith.constant 1 : i32
    %dma_start3A_37 = arith.constant 0 : i32
    %dma_start3A_38 = tpu.memref_slice %arg9[%dma_start3A_36, %dma_start3A_37] : memref<80x128xi32, #tpu.memory_space<vmem>> -> memref<1x128xi32, #tpu.memory_space<vmem>>
    %dma_start3A_39 = tpu.memref_squeeze %dma_start3A_38 : memref<1x128xi32, #tpu.memory_space<vmem>> -> memref<128xi32, #tpu.memory_space<vmem>>
    %dma_start3A_40 = arith.constant 0 : i32
    %dma_start3A_41 = arith.constant 0 : i32
    %dma_start3A_42 = tpu.memref_slice %arg13[%dma_start3A_40, %dma_start3A_41] : memref<10240x64xf32, #tpu.memory_space<vmem_shared>> -> memref<10240x64xf32, #tpu.memory_space<vmem_shared>>
    tpu.enqueue_indirect_dma source(%dma_start3A_42 : memref<10240x64xf32, #tpu.memory_space<vmem_shared>>) target(%arg12 : memref<128x64xf32, #tpu.memory_space<vmem>>) offsets(%dma_start3A_39 : memref<128xi32, #tpu.memory_space<vmem>>) semaphore(%arg16 : memref<!tpu.dma_semaphore, #tpu.memory_space<semaphore_mem>>)
    %scan3A_43 = arith.constant 0 : i32
    %scan3A_44 = arith.constant 0 : i32
    %scan3A_45 = arith.constant 40 : i32
    %scan3A_46 = arith.addi %scan3A_44, %scan3A_45 : i32
    %scan3A_47 = arith.constant 1 : i32
    scf.for %scan3A_60 = %scan3A_44 to %scan3A_46 step %scan3A_47  : i32 {
      %mul3A_61 = arith.constant 2 : i32
      %mul3A_62 = arith.muli %scan3A_60, %mul3A_61 : i32
      %add3A = arith.constant 0 : i32
      %add3A_63 = arith.addi %mul3A_62, %add3A : i32
      %dma_wait3A_64 = arith.constant 0 : i32
      %dma_wait3A_65 = tpu.memref_slice %arg9[%add3A_63, %dma_wait3A_64] : memref<80x128xi32, #tpu.memory_space<vmem>> -> memref<1x128xi32, #tpu.memory_space<vmem>>
      %dma_wait3A_66 = tpu.memref_squeeze %dma_wait3A_65 : memref<1x128xi32, #tpu.memory_space<vmem>> -> memref<128xi32, #tpu.memory_space<vmem>>
      %dma_wait3A_67 = arith.constant 0 : i32
      %dma_wait3A_68 = arith.constant 0 : i32
      %dma_wait3A_69 = tpu.memref_slice %arg13[%dma_wait3A_67, %dma_wait3A_68] : memref<10240x64xf32, #tpu.memory_space<vmem_shared>> -> memref<10240x64xf32, #tpu.memory_space<vmem_shared>>
      tpu.wait_indirect_dma semaphore(%arg15 : memref<!tpu.dma_semaphore, #tpu.memory_space<semaphore_mem>>) src(%dma_wait3A_69 : memref<10240x64xf32, #tpu.memory_space<vmem_shared>>) dst(%arg11 : memref<128x64xf32, #tpu.memory_space<vmem>>)
      "tpu.region"() ({
        %run_scoped3A = tpu.sem_alloc : memref<!tpu.dma_semaphore, #tpu.memory_space<semaphore_mem>>
        %dma_start3A_89 = arith.constant 0 : i32
        %dma_start3A_90 = tpu.memref_slice %arg10[%add3A_63, %dma_start3A_89] : memref<80x128xi32, #tpu.memory_space<vmem>> -> memref<1x128xi32, #tpu.memory_space<vmem>>
        %dma_start3A_91 = tpu.memref_squeeze %dma_start3A_90 : memref<1x128xi32, #tpu.memory_space<vmem>> -> memref<128xi32, #tpu.memory_space<vmem>>
        %dma_start3A_92 = arith.constant 0 : i32
        %dma_start3A_93 = arith.constant 0 : i32
        %dma_start3A_94 = tpu.memref_slice %arg14[%dma_start3A_92, %dma_start3A_93] : memref<10240x64xf32, #tpu.memory_space<vmem_shared>> -> memref<10240x64xf32, #tpu.memory_space<vmem_shared>>
        tpu.enqueue_indirect_dma source(%arg11 : memref<128x64xf32, #tpu.memory_space<vmem>>) target(%dma_start3A_94 : memref<10240x64xf32, #tpu.memory_space<vmem_shared>>) offsets(%dma_start3A_91 : memref<128xi32, #tpu.memory_space<vmem>>) semaphore(%run_scoped3A : memref<!tpu.dma_semaphore, #tpu.memory_space<semaphore_mem>>) {add = true}
        %dma_wait3A_95 = arith.constant 0 : i32
        %dma_wait3A_96 = tpu.memref_slice %arg10[%add3A_63, %dma_wait3A_95] : memref<80x128xi32, #tpu.memory_space<vmem>> -> memref<1x128xi32, #tpu.memory_space<vmem>>
        %dma_wait3A_97 = tpu.memref_squeeze %dma_wait3A_96 : memref<1x128xi32, #tpu.memory_space<vmem>> -> memref<128xi32, #tpu.memory_space<vmem>>
        %dma_wait3A_98 = arith.constant 0 : i32
        %dma_wait3A_99 = arith.constant 0 : i32
        %dma_wait3A_100 = tpu.memref_slice %arg14[%dma_wait3A_98, %dma_wait3A_99] : memref<10240x64xf32, #tpu.memory_space<vmem_shared>> -> memref<10240x64xf32, #tpu.memory_space<vmem_shared>>
        tpu.wait_indirect_dma semaphore(%run_scoped3A : memref<!tpu.dma_semaphore, #tpu.memory_space<semaphore_mem>>) src(%arg11 : memref<128x64xf32, #tpu.memory_space<vmem>>) dst(%dma_wait3A_100 : memref<10240x64xf32, #tpu.memory_space<vmem_shared>>)
        tpu.yield
      }) : () -> ()
      %lt3A = arith.constant 39 : i32
      %lt3A_70 = arith.cmpi slt, %scan3A_60, %lt3A : i32
      %convert_element_type3A_71 = arith.extui %lt3A_70 : i1 to i32
      %cond3A_72 = arith.constant 0 : i32
      %cond3A_73 = arith.cmpi ne, %convert_element_type3A_71, %cond3A_72 : i32
      scf.if %cond3A_73 {
        %add3A_89 = arith.constant 2 : i32
        %add3A_90 = arith.addi %add3A_63, %add3A_89 : i32
        %dma_start3A_91 = arith.constant 0 : i32
        %dma_start3A_92 = tpu.memref_slice %arg9[%add3A_90, %dma_start3A_91] : memref<80x128xi32, #tpu.memory_space<vmem>> -> memref<1x128xi32, #tpu.memory_space<vmem>>
        %dma_start3A_93 = tpu.memref_squeeze %dma_start3A_92 : memref<1x128xi32, #tpu.memory_space<vmem>> -> memref<128xi32, #tpu.memory_space<vmem>>
        %dma_start3A_94 = arith.constant 0 : i32
        %dma_start3A_95 = arith.constant 0 : i32
        %dma_start3A_96 = tpu.memref_slice %arg13[%dma_start3A_94, %dma_start3A_95] : memref<10240x64xf32, #tpu.memory_space<vmem_shared>> -> memref<10240x64xf32, #tpu.memory_space<vmem_shared>>
        tpu.enqueue_indirect_dma source(%dma_start3A_96 : memref<10240x64xf32, #tpu.memory_space<vmem_shared>>) target(%arg11 : memref<128x64xf32, #tpu.memory_space<vmem>>) offsets(%dma_start3A_93 : memref<128xi32, #tpu.memory_space<vmem>>) semaphore(%arg15 : memref<!tpu.dma_semaphore, #tpu.memory_space<semaphore_mem>>)
      } else {
      }
      %mul3A_74 = arith.constant 2 : i32
      %mul3A_75 = arith.muli %scan3A_60, %mul3A_74 : i32
      %add3A_76 = arith.constant 1 : i32
      %add3A_77 = arith.addi %mul3A_75, %add3A_76 : i32
      %dma_wait3A_78 = arith.constant 0 : i32
      %dma_wait3A_79 = tpu.memref_slice %arg9[%add3A_77, %dma_wait3A_78] : memref<80x128xi32, #tpu.memory_space<vmem>> -> memref<1x128xi32, #tpu.memory_space<vmem>>
      %dma_wait3A_80 = tpu.memref_squeeze %dma_wait3A_79 : memref<1x128xi32, #tpu.memory_space<vmem>> -> memref<128xi32, #tpu.memory_space<vmem>>
      %dma_wait3A_81 = arith.constant 0 : i32
      %dma_wait3A_82 = arith.constant 0 : i32
      %dma_wait3A_83 = tpu.memref_slice %arg13[%dma_wait3A_81, %dma_wait3A_82] : memref<10240x64xf32, #tpu.memory_space<vmem_shared>> -> memref<10240x64xf32, #tpu.memory_space<vmem_shared>>
      tpu.wait_indirect_dma semaphore(%arg16 : memref<!tpu.dma_semaphore, #tpu.memory_space<semaphore_mem>>) src(%dma_wait3A_83 : memref<10240x64xf32, #tpu.memory_space<vmem_shared>>) dst(%arg12 : memref<128x64xf32, #tpu.memory_space<vmem>>)
      "tpu.region"() ({
        %run_scoped3A = tpu.sem_alloc : memref<!tpu.dma_semaphore, #tpu.memory_space<semaphore_mem>>
        %dma_start3A_89 = arith.constant 0 : i32
        %dma_start3A_90 = tpu.memref_slice %arg10[%add3A_77, %dma_start3A_89] : memref<80x128xi32, #tpu.memory_space<vmem>> -> memref<1x128xi32, #tpu.memory_space<vmem>>
        %dma_start3A_91 = tpu.memref_squeeze %dma_start3A_90 : memref<1x128xi32, #tpu.memory_space<vmem>> -> memref<128xi32, #tpu.memory_space<vmem>>
        %dma_start3A_92 = arith.constant 0 : i32
        %dma_start3A_93 = arith.constant 0 : i32
        %dma_start3A_94 = tpu.memref_slice %arg14[%dma_start3A_92, %dma_start3A_93] : memref<10240x64xf32, #tpu.memory_space<vmem_shared>> -> memref<10240x64xf32, #tpu.memory_space<vmem_shared>>
        tpu.enqueue_indirect_dma source(%arg12 : memref<128x64xf32, #tpu.memory_space<vmem>>) target(%dma_start3A_94 : memref<10240x64xf32, #tpu.memory_space<vmem_shared>>) offsets(%dma_start3A_91 : memref<128xi32, #tpu.memory_space<vmem>>) semaphore(%run_scoped3A : memref<!tpu.dma_semaphore, #tpu.memory_space<semaphore_mem>>) {add = true}
        %dma_wait3A_95 = arith.constant 0 : i32
        %dma_wait3A_96 = tpu.memref_slice %arg10[%add3A_77, %dma_wait3A_95] : memref<80x128xi32, #tpu.memory_space<vmem>> -> memref<1x128xi32, #tpu.memory_space<vmem>>
        %dma_wait3A_97 = tpu.memref_squeeze %dma_wait3A_96 : memref<1x128xi32, #tpu.memory_space<vmem>> -> memref<128xi32, #tpu.memory_space<vmem>>
        %dma_wait3A_98 = arith.constant 0 : i32
        %dma_wait3A_99 = arith.constant 0 : i32
        %dma_wait3A_100 = tpu.memref_slice %arg14[%dma_wait3A_98, %dma_wait3A_99] : memref<10240x64xf32, #tpu.memory_space<vmem_shared>> -> memref<10240x64xf32, #tpu.memory_space<vmem_shared>>
        tpu.wait_indirect_dma semaphore(%run_scoped3A : memref<!tpu.dma_semaphore, #tpu.memory_space<semaphore_mem>>) src(%arg12 : memref<128x64xf32, #tpu.memory_space<vmem>>) dst(%dma_wait3A_100 : memref<10240x64xf32, #tpu.memory_space<vmem_shared>>)
        tpu.yield
      }) : () -> ()
      %lt3A_84 = arith.constant 39 : i32
      %lt3A_85 = arith.cmpi slt, %scan3A_60, %lt3A_84 : i32
      %convert_element_type3A_86 = arith.extui %lt3A_85 : i1 to i32
      %cond3A_87 = arith.constant 0 : i32
      %cond3A_88 = arith.cmpi ne, %convert_element_type3A_86, %cond3A_87 : i32
      scf.if %cond3A_88 {
        %add3A_89 = arith.constant 2 : i32
        %add3A_90 = arith.addi %add3A_77, %add3A_89 : i32
        %dma_start3A_91 = arith.constant 0 : i32
        %dma_start3A_92 = tpu.memref_slice %arg9[%add3A_90, %dma_start3A_91] : memref<80x128xi32, #tpu.memory_space<vmem>> -> memref<1x128xi32, #tpu.memory_space<vmem>>
        %dma_start3A_93 = tpu.memref_squeeze %dma_start3A_92 : memref<1x128xi32, #tpu.memory_space<vmem>> -> memref<128xi32, #tpu.memory_space<vmem>>
        %dma_start3A_94 = arith.constant 0 : i32
        %dma_start3A_95 = arith.constant 0 : i32
        %dma_start3A_96 = tpu.memref_slice %arg13[%dma_start3A_94, %dma_start3A_95] : memref<10240x64xf32, #tpu.memory_space<vmem_shared>> -> memref<10240x64xf32, #tpu.memory_space<vmem_shared>>
        tpu.enqueue_indirect_dma source(%dma_start3A_96 : memref<10240x64xf32, #tpu.memory_space<vmem_shared>>) target(%arg12 : memref<128x64xf32, #tpu.memory_space<vmem>>) offsets(%dma_start3A_93 : memref<128xi32, #tpu.memory_space<vmem>>) semaphore(%arg16 : memref<!tpu.dma_semaphore, #tpu.memory_space<semaphore_mem>>)
      } else {
      }
    }
    %scan3A_48 = arith.constant 40 : i32
    %barrier3A_49 = arith.constant 0 : index
    tpu.barrier barrier_id(%barrier3A_49)
    %eq3A_50 = arith.constant 0 : i32
    %eq3A_51 = arith.cmpi eq, %arg0, %eq3A_50 : i32
    %convert_element_type3A_52 = arith.extui %eq3A_51 : i1 to i32
    %cond3A_53 = arith.constant 0 : i32
    %cond3A_54 = arith.cmpi ne, %convert_element_type3A_52, %cond3A_53 : i32
    scf.if %cond3A_54 {
      "tpu.region"() ({
        %run_scoped3A = tpu.sem_alloc : memref<!tpu.dma_semaphore, #tpu.memory_space<semaphore_mem>>
        %dma_start3A_60 = arith.constant 0 : i32
        %dma_start3A_61 = tpu.memref_slice %arg7[%multiple_of3A, %dma_start3A_60] : memref<10240x64xf32, #tpu.memory_space<hbm>> -> memref<640x64xf32, #tpu.memory_space<hbm>>
        %dma_start3A_62 = arith.constant 0 : i32
        %dma_start3A_63 = tpu.memref_slice %arg14[%multiple_of3A, %dma_start3A_62] : memref<10240x64xf32, #tpu.memory_space<vmem_shared>> -> memref<640x64xf32, #tpu.memory_space<vmem_shared>>
        tpu.enqueue_dma source(%dma_start3A_63 : memref<640x64xf32, #tpu.memory_space<vmem_shared>>) target(%dma_start3A_61 : memref<640x64xf32, #tpu.memory_space<hbm>>) target_semaphore(%run_scoped3A : memref<!tpu.dma_semaphore, #tpu.memory_space<semaphore_mem>>)
        %dma_wait3A_64 = arith.constant 0 : i32
        %dma_wait3A_65 = tpu.memref_slice %arg7[%multiple_of3A, %dma_wait3A_64] : memref<10240x64xf32, #tpu.memory_space<hbm>> -> memref<640x64xf32, #tpu.memory_space<hbm>>
        %dma_wait3A_66 = arith.constant 0 : i32
        %dma_wait3A_67 = tpu.memref_slice %arg14[%multiple_of3A, %dma_wait3A_66] : memref<10240x64xf32, #tpu.memory_space<vmem_shared>> -> memref<640x64xf32, #tpu.memory_space<vmem_shared>>
        tpu.wait_dma2 semaphore(%run_scoped3A : memref<!tpu.dma_semaphore, #tpu.memory_space<semaphore_mem>>) src(%dma_wait3A_67 : memref<640x64xf32, #tpu.memory_space<vmem_shared>>) dst(%dma_wait3A_65 : memref<640x64xf32, #tpu.memory_space<hbm>>)
        tpu.yield
      }) : () -> ()
    } else {
    }
    %eq3A_55 = arith.constant 1 : i32
    %eq3A_56 = arith.cmpi eq, %arg0, %eq3A_55 : i32
    %convert_element_type3A_57 = arith.extui %eq3A_56 : i1 to i32
    %cond3A_58 = arith.constant 0 : i32
    %cond3A_59 = arith.cmpi ne, %convert_element_type3A_57, %cond3A_58 : i32
    scf.if %cond3A_59 {
      "tpu.region"() ({
        %run_scoped3A = tpu.sem_alloc : memref<!tpu.dma_semaphore, #tpu.memory_space<semaphore_mem>>
        %dma_start3A_60 = arith.constant 0 : i32
        %dma_start3A_61 = tpu.memref_slice %arg8[%multiple_of3A, %dma_start3A_60] : memref<10240x64xf32, #tpu.memory_space<hbm>> -> memref<640x64xf32, #tpu.memory_space<hbm>>
        %dma_start3A_62 = arith.constant 0 : i32
        %dma_start3A_63 = tpu.memref_slice %arg14[%multiple_of3A, %dma_start3A_62] : memref<10240x64xf32, #tpu.memory_space<vmem_shared>> -> memref<640x64xf32, #tpu.memory_space<vmem_shared>>
        tpu.enqueue_dma source(%dma_start3A_63 : memref<640x64xf32, #tpu.memory_space<vmem_shared>>) target(%dma_start3A_61 : memref<640x64xf32, #tpu.memory_space<hbm>>) target_semaphore(%run_scoped3A : memref<!tpu.dma_semaphore, #tpu.memory_space<semaphore_mem>>)
        %dma_wait3A_64 = arith.constant 0 : i32
        %dma_wait3A_65 = tpu.memref_slice %arg8[%multiple_of3A, %dma_wait3A_64] : memref<10240x64xf32, #tpu.memory_space<hbm>> -> memref<640x64xf32, #tpu.memory_space<hbm>>
        %dma_wait3A_66 = arith.constant 0 : i32
        %dma_wait3A_67 = tpu.memref_slice %arg14[%multiple_of3A, %dma_wait3A_66] : memref<10240x64xf32, #tpu.memory_space<vmem_shared>> -> memref<640x64xf32, #tpu.memory_space<vmem_shared>>
        tpu.wait_dma2 semaphore(%run_scoped3A : memref<!tpu.dma_semaphore, #tpu.memory_space<semaphore_mem>>) src(%dma_wait3A_67 : memref<640x64xf32, #tpu.memory_space<vmem_shared>>) dst(%dma_wait3A_65 : memref<640x64xf32, #tpu.memory_space<hbm>>)
        tpu.yield
      }) : () -> ()
    } else {
    }
    return
  }
}

#map = affine_map<(d0, d1) -> (0, 0)>
#map1 = affine_map<(d0, d1) -> (0, 0, 0)>
module attributes {stable_mosaic.version = 14 : i64} {
  func.func @_seg(%arg0: i32, %arg1: i32, %arg2: memref<10240x24xf32, #tpu.memory_space<hbm>>, %arg3: memref<10240x24xf32, #tpu.memory_space<hbm>>, %arg4: memref<16x160x128xi32, #tpu.memory_space<hbm>>, %arg5: memref<16x160x128xi32, #tpu.memory_space<hbm>>, %arg6: memref<640x24xf32, #tpu.memory_space<hbm>>, %arg7: memref<10240x24xf32, #tpu.memory_space<hbm>>, %arg8: memref<10240x24xf32, #tpu.memory_space<hbm>>, %arg9: memref<80x128xi32, #tpu.memory_space<vmem>>, %arg10: memref<80x128xi32, #tpu.memory_space<vmem>>, %arg11: memref<128x24xf32, #tpu.memory_space<vmem>>, %arg12: memref<128x24xf32, #tpu.memory_space<vmem>>, %arg13: memref<10240x24xf32, #tpu.memory_space<vmem_shared>>, %arg14: memref<10240x24xf32, #tpu.memory_space<vmem_shared>>, %arg15: memref<!tpu.dma_semaphore, #tpu.memory_space<semaphore_mem>>, %arg16: memref<!tpu.dma_semaphore, #tpu.memory_space<semaphore_mem>>, %arg17: memref<!tpu.dma_semaphore, #tpu.memory_space<semaphore_mem>>) attributes {dimension_semantics = [#tpu.dimension_semantics<core_parallel>, #tpu.dimension_semantics<subcore_parallel>], iteration_bounds = array<i64: 2, 16>, scalar_prefetch = 0 : i64, scratch_operands = 9 : i64, tpu.core_type = #tpu.core_type<sc_vector_subcore>, window_params = [{transform_indices = #map}, {transform_indices = #map}, {transform_indices = #map1}, {transform_indices = #map1}, {transform_indices = #map}, {transform_indices = #map}, {transform_indices = #map}]} {
    %mul3A = arith.constant 640 : i32
    %mul3A_0 = arith.muli %arg1, %mul3A : i32
    %multiple_of3A = tpu.assume_multiple %mul3A_0, 8 : i32
    %dma_start3A = arith.constant 0 : i32
    %dma_start3A_1 = tpu.memref_slice %arg14[%multiple_of3A, %dma_start3A] : memref<10240x24xf32, #tpu.memory_space<vmem_shared>> -> memref<640x24xf32, #tpu.memory_space<vmem_shared>>
    tpu.enqueue_dma source(%arg6 : memref<640x24xf32, #tpu.memory_space<hbm>>) target(%dma_start3A_1 : memref<640x24xf32, #tpu.memory_space<vmem_shared>>) target_semaphore(%arg17 : memref<!tpu.dma_semaphore, #tpu.memory_space<semaphore_mem>>)
    %eq3A = arith.constant 0 : i32
    %eq3A_2 = arith.cmpi eq, %arg0, %eq3A : i32
    %convert_element_type3A = arith.extui %eq3A_2 : i1 to i32
    %cond3A = arith.constant 0 : i32
    %cond3A_3 = arith.cmpi ne, %convert_element_type3A, %cond3A : i32
    scf.if %cond3A_3 {
      "tpu.region"() ({
        %run_scoped3A = tpu.sem_alloc : memref<!tpu.dma_semaphore, #tpu.memory_space<semaphore_mem>>
        %dma_start3A_60 = arith.constant 0 : i32
        %dma_start3A_61 = tpu.memref_slice %arg13[%multiple_of3A, %dma_start3A_60] : memref<10240x24xf32, #tpu.memory_space<vmem_shared>> -> memref<640x24xf32, #tpu.memory_space<vmem_shared>>
        %dma_start3A_62 = arith.constant 0 : i32
        %dma_start3A_63 = tpu.memref_slice %arg2[%multiple_of3A, %dma_start3A_62] : memref<10240x24xf32, #tpu.memory_space<hbm>> -> memref<640x24xf32, #tpu.memory_space<hbm>>
        tpu.enqueue_dma source(%dma_start3A_63 : memref<640x24xf32, #tpu.memory_space<hbm>>) target(%dma_start3A_61 : memref<640x24xf32, #tpu.memory_space<vmem_shared>>) target_semaphore(%run_scoped3A : memref<!tpu.dma_semaphore, #tpu.memory_space<semaphore_mem>>)
        %dma_wait3A_64 = arith.constant 0 : i32
        %dma_wait3A_65 = tpu.memref_slice %arg13[%multiple_of3A, %dma_wait3A_64] : memref<10240x24xf32, #tpu.memory_space<vmem_shared>> -> memref<640x24xf32, #tpu.memory_space<vmem_shared>>
        %dma_wait3A_66 = arith.constant 0 : i32
        %dma_wait3A_67 = tpu.memref_slice %arg2[%multiple_of3A, %dma_wait3A_66] : memref<10240x24xf32, #tpu.memory_space<hbm>> -> memref<640x24xf32, #tpu.memory_space<hbm>>
        tpu.wait_dma2 semaphore(%run_scoped3A : memref<!tpu.dma_semaphore, #tpu.memory_space<semaphore_mem>>) src(%dma_wait3A_67 : memref<640x24xf32, #tpu.memory_space<hbm>>) dst(%dma_wait3A_65 : memref<640x24xf32, #tpu.memory_space<vmem_shared>>)
        tpu.yield
      }) : () -> ()
    } else {
    }
    %eq3A_4 = arith.constant 1 : i32
    %eq3A_5 = arith.cmpi eq, %arg0, %eq3A_4 : i32
    %convert_element_type3A_6 = arith.extui %eq3A_5 : i1 to i32
    %cond3A_7 = arith.constant 0 : i32
    %cond3A_8 = arith.cmpi ne, %convert_element_type3A_6, %cond3A_7 : i32
    scf.if %cond3A_8 {
      "tpu.region"() ({
        %run_scoped3A = tpu.sem_alloc : memref<!tpu.dma_semaphore, #tpu.memory_space<semaphore_mem>>
        %dma_start3A_60 = arith.constant 0 : i32
        %dma_start3A_61 = tpu.memref_slice %arg13[%multiple_of3A, %dma_start3A_60] : memref<10240x24xf32, #tpu.memory_space<vmem_shared>> -> memref<640x24xf32, #tpu.memory_space<vmem_shared>>
        %dma_start3A_62 = arith.constant 0 : i32
        %dma_start3A_63 = tpu.memref_slice %arg3[%multiple_of3A, %dma_start3A_62] : memref<10240x24xf32, #tpu.memory_space<hbm>> -> memref<640x24xf32, #tpu.memory_space<hbm>>
        tpu.enqueue_dma source(%dma_start3A_63 : memref<640x24xf32, #tpu.memory_space<hbm>>) target(%dma_start3A_61 : memref<640x24xf32, #tpu.memory_space<vmem_shared>>) target_semaphore(%run_scoped3A : memref<!tpu.dma_semaphore, #tpu.memory_space<semaphore_mem>>)
        %dma_wait3A_64 = arith.constant 0 : i32
        %dma_wait3A_65 = tpu.memref_slice %arg13[%multiple_of3A, %dma_wait3A_64] : memref<10240x24xf32, #tpu.memory_space<vmem_shared>> -> memref<640x24xf32, #tpu.memory_space<vmem_shared>>
        %dma_wait3A_66 = arith.constant 0 : i32
        %dma_wait3A_67 = tpu.memref_slice %arg3[%multiple_of3A, %dma_wait3A_66] : memref<10240x24xf32, #tpu.memory_space<hbm>> -> memref<640x24xf32, #tpu.memory_space<hbm>>
        tpu.wait_dma2 semaphore(%run_scoped3A : memref<!tpu.dma_semaphore, #tpu.memory_space<semaphore_mem>>) src(%dma_wait3A_67 : memref<640x24xf32, #tpu.memory_space<hbm>>) dst(%dma_wait3A_65 : memref<640x24xf32, #tpu.memory_space<vmem_shared>>)
        tpu.yield
      }) : () -> ()
    } else {
    }
    %dma_wait3A = arith.constant 0 : i32
    %dma_wait3A_9 = tpu.memref_slice %arg14[%multiple_of3A, %dma_wait3A] : memref<10240x24xf32, #tpu.memory_space<vmem_shared>> -> memref<640x24xf32, #tpu.memory_space<vmem_shared>>
    tpu.wait_dma2 semaphore(%arg17 : memref<!tpu.dma_semaphore, #tpu.memory_space<semaphore_mem>>) src(%arg6 : memref<640x24xf32, #tpu.memory_space<hbm>>) dst(%dma_wait3A_9 : memref<640x24xf32, #tpu.memory_space<vmem_shared>>)
    %barrier3A = arith.constant 0 : index
    tpu.barrier barrier_id(%barrier3A)
    "tpu.region"() ({
      %run_scoped3A = tpu.sem_alloc : memref<!tpu.dma_semaphore, #tpu.memory_space<semaphore_mem>>
      %dma_start3A_60 = arith.constant 0 : i32
      %dma_start3A_61 = arith.constant 0 : i32
      %dma_start3A_62 = tpu.memref_slice %arg4[%arg1, %dma_start3A_60, %dma_start3A_61] : memref<16x160x128xi32, #tpu.memory_space<hbm>> -> memref<1x80x128xi32, #tpu.memory_space<hbm>>
      %dma_start3A_63 = tpu.memref_squeeze %dma_start3A_62 : memref<1x80x128xi32, #tpu.memory_space<hbm>> -> memref<80x128xi32, #tpu.memory_space<hbm>>
      %dma_start3A_64 = arith.constant 0 : i32
      %dma_start3A_65 = arith.constant 0 : i32
      %dma_start3A_66 = tpu.memref_slice %arg4[%arg1, %dma_start3A_64, %dma_start3A_65] : memref<16x160x128xi32, #tpu.memory_space<hbm>> -> memref<1x80x128xi32, #tpu.memory_space<hbm>>
      %dma_start3A_67 = tpu.memref_squeeze %dma_start3A_66 : memref<1x80x128xi32, #tpu.memory_space<hbm>> -> memref<80x128xi32, #tpu.memory_space<hbm>>
      tpu.enqueue_dma source(%dma_start3A_67 : memref<80x128xi32, #tpu.memory_space<hbm>>) target(%arg9 : memref<80x128xi32, #tpu.memory_space<vmem>>) target_semaphore(%run_scoped3A : memref<!tpu.dma_semaphore, #tpu.memory_space<semaphore_mem>>)
      %dma_wait3A_68 = arith.constant 0 : i32
      %dma_wait3A_69 = arith.constant 0 : i32
      %dma_wait3A_70 = tpu.memref_slice %arg4[%arg1, %dma_wait3A_68, %dma_wait3A_69] : memref<16x160x128xi32, #tpu.memory_space<hbm>> -> memref<1x80x128xi32, #tpu.memory_space<hbm>>
      %dma_wait3A_71 = tpu.memref_squeeze %dma_wait3A_70 : memref<1x80x128xi32, #tpu.memory_space<hbm>> -> memref<80x128xi32, #tpu.memory_space<hbm>>
      %dma_wait3A_72 = arith.constant 0 : i32
      %dma_wait3A_73 = arith.constant 0 : i32
      %dma_wait3A_74 = tpu.memref_slice %arg4[%arg1, %dma_wait3A_72, %dma_wait3A_73] : memref<16x160x128xi32, #tpu.memory_space<hbm>> -> memref<1x80x128xi32, #tpu.memory_space<hbm>>
      %dma_wait3A_75 = tpu.memref_squeeze %dma_wait3A_74 : memref<1x80x128xi32, #tpu.memory_space<hbm>> -> memref<80x128xi32, #tpu.memory_space<hbm>>
      tpu.wait_dma2 semaphore(%run_scoped3A : memref<!tpu.dma_semaphore, #tpu.memory_space<semaphore_mem>>) src(%dma_wait3A_75 : memref<80x128xi32, #tpu.memory_space<hbm>>) dst(%arg9 : memref<80x128xi32, #tpu.memory_space<vmem>>)
      tpu.yield
    }) : () -> ()
    "tpu.region"() ({
      %run_scoped3A = tpu.sem_alloc : memref<!tpu.dma_semaphore, #tpu.memory_space<semaphore_mem>>
      %dma_start3A_60 = arith.constant 0 : i32
      %dma_start3A_61 = arith.constant 0 : i32
      %dma_start3A_62 = tpu.memref_slice %arg5[%arg1, %dma_start3A_60, %dma_start3A_61] : memref<16x160x128xi32, #tpu.memory_space<hbm>> -> memref<1x80x128xi32, #tpu.memory_space<hbm>>
      %dma_start3A_63 = tpu.memref_squeeze %dma_start3A_62 : memref<1x80x128xi32, #tpu.memory_space<hbm>> -> memref<80x128xi32, #tpu.memory_space<hbm>>
      %dma_start3A_64 = arith.constant 0 : i32
      %dma_start3A_65 = arith.constant 0 : i32
      %dma_start3A_66 = tpu.memref_slice %arg5[%arg1, %dma_start3A_64, %dma_start3A_65] : memref<16x160x128xi32, #tpu.memory_space<hbm>> -> memref<1x80x128xi32, #tpu.memory_space<hbm>>
      %dma_start3A_67 = tpu.memref_squeeze %dma_start3A_66 : memref<1x80x128xi32, #tpu.memory_space<hbm>> -> memref<80x128xi32, #tpu.memory_space<hbm>>
      tpu.enqueue_dma source(%dma_start3A_67 : memref<80x128xi32, #tpu.memory_space<hbm>>) target(%arg10 : memref<80x128xi32, #tpu.memory_space<vmem>>) target_semaphore(%run_scoped3A : memref<!tpu.dma_semaphore, #tpu.memory_space<semaphore_mem>>)
      %dma_wait3A_68 = arith.constant 0 : i32
      %dma_wait3A_69 = arith.constant 0 : i32
      %dma_wait3A_70 = tpu.memref_slice %arg5[%arg1, %dma_wait3A_68, %dma_wait3A_69] : memref<16x160x128xi32, #tpu.memory_space<hbm>> -> memref<1x80x128xi32, #tpu.memory_space<hbm>>
      %dma_wait3A_71 = tpu.memref_squeeze %dma_wait3A_70 : memref<1x80x128xi32, #tpu.memory_space<hbm>> -> memref<80x128xi32, #tpu.memory_space<hbm>>
      %dma_wait3A_72 = arith.constant 0 : i32
      %dma_wait3A_73 = arith.constant 0 : i32
      %dma_wait3A_74 = tpu.memref_slice %arg5[%arg1, %dma_wait3A_72, %dma_wait3A_73] : memref<16x160x128xi32, #tpu.memory_space<hbm>> -> memref<1x80x128xi32, #tpu.memory_space<hbm>>
      %dma_wait3A_75 = tpu.memref_squeeze %dma_wait3A_74 : memref<1x80x128xi32, #tpu.memory_space<hbm>> -> memref<80x128xi32, #tpu.memory_space<hbm>>
      tpu.wait_dma2 semaphore(%run_scoped3A : memref<!tpu.dma_semaphore, #tpu.memory_space<semaphore_mem>>) src(%dma_wait3A_75 : memref<80x128xi32, #tpu.memory_space<hbm>>) dst(%arg10 : memref<80x128xi32, #tpu.memory_space<vmem>>)
      tpu.yield
    }) : () -> ()
    %dma_start3A_10 = arith.constant 0 : i32
    %dma_start3A_11 = arith.constant 0 : i32
    %dma_start3A_12 = tpu.memref_slice %arg9[%dma_start3A_10, %dma_start3A_11] : memref<80x128xi32, #tpu.memory_space<vmem>> -> memref<1x128xi32, #tpu.memory_space<vmem>>
    %dma_start3A_13 = tpu.memref_squeeze %dma_start3A_12 : memref<1x128xi32, #tpu.memory_space<vmem>> -> memref<128xi32, #tpu.memory_space<vmem>>
    %dma_start3A_14 = arith.constant 0 : i32
    %dma_start3A_15 = arith.constant 0 : i32
    %dma_start3A_16 = tpu.memref_slice %arg13[%dma_start3A_14, %dma_start3A_15] : memref<10240x24xf32, #tpu.memory_space<vmem_shared>> -> memref<10240x24xf32, #tpu.memory_space<vmem_shared>>
    tpu.enqueue_indirect_dma source(%dma_start3A_16 : memref<10240x24xf32, #tpu.memory_space<vmem_shared>>) target(%arg11 : memref<128x24xf32, #tpu.memory_space<vmem>>) offsets(%dma_start3A_13 : memref<128xi32, #tpu.memory_space<vmem>>) semaphore(%arg15 : memref<!tpu.dma_semaphore, #tpu.memory_space<semaphore_mem>>)
    %dma_start3A_17 = arith.constant 1 : i32
    %dma_start3A_18 = arith.constant 0 : i32
    %dma_start3A_19 = tpu.memref_slice %arg9[%dma_start3A_17, %dma_start3A_18] : memref<80x128xi32, #tpu.memory_space<vmem>> -> memref<1x128xi32, #tpu.memory_space<vmem>>
    %dma_start3A_20 = tpu.memref_squeeze %dma_start3A_19 : memref<1x128xi32, #tpu.memory_space<vmem>> -> memref<128xi32, #tpu.memory_space<vmem>>
    %dma_start3A_21 = arith.constant 0 : i32
    %dma_start3A_22 = arith.constant 0 : i32
    %dma_start3A_23 = tpu.memref_slice %arg13[%dma_start3A_21, %dma_start3A_22] : memref<10240x24xf32, #tpu.memory_space<vmem_shared>> -> memref<10240x24xf32, #tpu.memory_space<vmem_shared>>
    tpu.enqueue_indirect_dma source(%dma_start3A_23 : memref<10240x24xf32, #tpu.memory_space<vmem_shared>>) target(%arg12 : memref<128x24xf32, #tpu.memory_space<vmem>>) offsets(%dma_start3A_20 : memref<128xi32, #tpu.memory_space<vmem>>) semaphore(%arg16 : memref<!tpu.dma_semaphore, #tpu.memory_space<semaphore_mem>>)
    %scan3A = arith.constant 0 : i32
    %scan3A_24 = arith.constant 0 : i32
    %scan3A_25 = arith.constant 40 : i32
    %scan3A_26 = arith.addi %scan3A_24, %scan3A_25 : i32
    %scan3A_27 = arith.constant 1 : i32
    scf.for %scan3A_60 = %scan3A_24 to %scan3A_26 step %scan3A_27  : i32 {
      %mul3A_61 = arith.constant 2 : i32
      %mul3A_62 = arith.muli %scan3A_60, %mul3A_61 : i32
      %add3A = arith.constant 0 : i32
      %add3A_63 = arith.addi %mul3A_62, %add3A : i32
      %dma_wait3A_64 = arith.constant 0 : i32
      %dma_wait3A_65 = tpu.memref_slice %arg9[%add3A_63, %dma_wait3A_64] : memref<80x128xi32, #tpu.memory_space<vmem>> -> memref<1x128xi32, #tpu.memory_space<vmem>>
      %dma_wait3A_66 = tpu.memref_squeeze %dma_wait3A_65 : memref<1x128xi32, #tpu.memory_space<vmem>> -> memref<128xi32, #tpu.memory_space<vmem>>
      %dma_wait3A_67 = arith.constant 0 : i32
      %dma_wait3A_68 = arith.constant 0 : i32
      %dma_wait3A_69 = tpu.memref_slice %arg13[%dma_wait3A_67, %dma_wait3A_68] : memref<10240x24xf32, #tpu.memory_space<vmem_shared>> -> memref<10240x24xf32, #tpu.memory_space<vmem_shared>>
      tpu.wait_indirect_dma semaphore(%arg15 : memref<!tpu.dma_semaphore, #tpu.memory_space<semaphore_mem>>) src(%dma_wait3A_69 : memref<10240x24xf32, #tpu.memory_space<vmem_shared>>) dst(%arg11 : memref<128x24xf32, #tpu.memory_space<vmem>>)
      "tpu.region"() ({
        %run_scoped3A = tpu.sem_alloc : memref<!tpu.dma_semaphore, #tpu.memory_space<semaphore_mem>>
        %dma_start3A_89 = arith.constant 0 : i32
        %dma_start3A_90 = tpu.memref_slice %arg10[%add3A_63, %dma_start3A_89] : memref<80x128xi32, #tpu.memory_space<vmem>> -> memref<1x128xi32, #tpu.memory_space<vmem>>
        %dma_start3A_91 = tpu.memref_squeeze %dma_start3A_90 : memref<1x128xi32, #tpu.memory_space<vmem>> -> memref<128xi32, #tpu.memory_space<vmem>>
        %dma_start3A_92 = arith.constant 0 : i32
        %dma_start3A_93 = arith.constant 0 : i32
        %dma_start3A_94 = tpu.memref_slice %arg14[%dma_start3A_92, %dma_start3A_93] : memref<10240x24xf32, #tpu.memory_space<vmem_shared>> -> memref<10240x24xf32, #tpu.memory_space<vmem_shared>>
        tpu.enqueue_indirect_dma source(%arg11 : memref<128x24xf32, #tpu.memory_space<vmem>>) target(%dma_start3A_94 : memref<10240x24xf32, #tpu.memory_space<vmem_shared>>) offsets(%dma_start3A_91 : memref<128xi32, #tpu.memory_space<vmem>>) semaphore(%run_scoped3A : memref<!tpu.dma_semaphore, #tpu.memory_space<semaphore_mem>>) {add = true}
        %dma_wait3A_95 = arith.constant 0 : i32
        %dma_wait3A_96 = tpu.memref_slice %arg10[%add3A_63, %dma_wait3A_95] : memref<80x128xi32, #tpu.memory_space<vmem>> -> memref<1x128xi32, #tpu.memory_space<vmem>>
        %dma_wait3A_97 = tpu.memref_squeeze %dma_wait3A_96 : memref<1x128xi32, #tpu.memory_space<vmem>> -> memref<128xi32, #tpu.memory_space<vmem>>
        %dma_wait3A_98 = arith.constant 0 : i32
        %dma_wait3A_99 = arith.constant 0 : i32
        %dma_wait3A_100 = tpu.memref_slice %arg14[%dma_wait3A_98, %dma_wait3A_99] : memref<10240x24xf32, #tpu.memory_space<vmem_shared>> -> memref<10240x24xf32, #tpu.memory_space<vmem_shared>>
        tpu.wait_indirect_dma semaphore(%run_scoped3A : memref<!tpu.dma_semaphore, #tpu.memory_space<semaphore_mem>>) src(%arg11 : memref<128x24xf32, #tpu.memory_space<vmem>>) dst(%dma_wait3A_100 : memref<10240x24xf32, #tpu.memory_space<vmem_shared>>)
        tpu.yield
      }) : () -> ()
      %lt3A = arith.constant 39 : i32
      %lt3A_70 = arith.cmpi slt, %scan3A_60, %lt3A : i32
      %convert_element_type3A_71 = arith.extui %lt3A_70 : i1 to i32
      %cond3A_72 = arith.constant 0 : i32
      %cond3A_73 = arith.cmpi ne, %convert_element_type3A_71, %cond3A_72 : i32
      scf.if %cond3A_73 {
        %add3A_89 = arith.constant 2 : i32
        %add3A_90 = arith.addi %add3A_63, %add3A_89 : i32
        %dma_start3A_91 = arith.constant 0 : i32
        %dma_start3A_92 = tpu.memref_slice %arg9[%add3A_90, %dma_start3A_91] : memref<80x128xi32, #tpu.memory_space<vmem>> -> memref<1x128xi32, #tpu.memory_space<vmem>>
        %dma_start3A_93 = tpu.memref_squeeze %dma_start3A_92 : memref<1x128xi32, #tpu.memory_space<vmem>> -> memref<128xi32, #tpu.memory_space<vmem>>
        %dma_start3A_94 = arith.constant 0 : i32
        %dma_start3A_95 = arith.constant 0 : i32
        %dma_start3A_96 = tpu.memref_slice %arg13[%dma_start3A_94, %dma_start3A_95] : memref<10240x24xf32, #tpu.memory_space<vmem_shared>> -> memref<10240x24xf32, #tpu.memory_space<vmem_shared>>
        tpu.enqueue_indirect_dma source(%dma_start3A_96 : memref<10240x24xf32, #tpu.memory_space<vmem_shared>>) target(%arg11 : memref<128x24xf32, #tpu.memory_space<vmem>>) offsets(%dma_start3A_93 : memref<128xi32, #tpu.memory_space<vmem>>) semaphore(%arg15 : memref<!tpu.dma_semaphore, #tpu.memory_space<semaphore_mem>>)
      } else {
      }
      %mul3A_74 = arith.constant 2 : i32
      %mul3A_75 = arith.muli %scan3A_60, %mul3A_74 : i32
      %add3A_76 = arith.constant 1 : i32
      %add3A_77 = arith.addi %mul3A_75, %add3A_76 : i32
      %dma_wait3A_78 = arith.constant 0 : i32
      %dma_wait3A_79 = tpu.memref_slice %arg9[%add3A_77, %dma_wait3A_78] : memref<80x128xi32, #tpu.memory_space<vmem>> -> memref<1x128xi32, #tpu.memory_space<vmem>>
      %dma_wait3A_80 = tpu.memref_squeeze %dma_wait3A_79 : memref<1x128xi32, #tpu.memory_space<vmem>> -> memref<128xi32, #tpu.memory_space<vmem>>
      %dma_wait3A_81 = arith.constant 0 : i32
      %dma_wait3A_82 = arith.constant 0 : i32
      %dma_wait3A_83 = tpu.memref_slice %arg13[%dma_wait3A_81, %dma_wait3A_82] : memref<10240x24xf32, #tpu.memory_space<vmem_shared>> -> memref<10240x24xf32, #tpu.memory_space<vmem_shared>>
      tpu.wait_indirect_dma semaphore(%arg16 : memref<!tpu.dma_semaphore, #tpu.memory_space<semaphore_mem>>) src(%dma_wait3A_83 : memref<10240x24xf32, #tpu.memory_space<vmem_shared>>) dst(%arg12 : memref<128x24xf32, #tpu.memory_space<vmem>>)
      "tpu.region"() ({
        %run_scoped3A = tpu.sem_alloc : memref<!tpu.dma_semaphore, #tpu.memory_space<semaphore_mem>>
        %dma_start3A_89 = arith.constant 0 : i32
        %dma_start3A_90 = tpu.memref_slice %arg10[%add3A_77, %dma_start3A_89] : memref<80x128xi32, #tpu.memory_space<vmem>> -> memref<1x128xi32, #tpu.memory_space<vmem>>
        %dma_start3A_91 = tpu.memref_squeeze %dma_start3A_90 : memref<1x128xi32, #tpu.memory_space<vmem>> -> memref<128xi32, #tpu.memory_space<vmem>>
        %dma_start3A_92 = arith.constant 0 : i32
        %dma_start3A_93 = arith.constant 0 : i32
        %dma_start3A_94 = tpu.memref_slice %arg14[%dma_start3A_92, %dma_start3A_93] : memref<10240x24xf32, #tpu.memory_space<vmem_shared>> -> memref<10240x24xf32, #tpu.memory_space<vmem_shared>>
        tpu.enqueue_indirect_dma source(%arg12 : memref<128x24xf32, #tpu.memory_space<vmem>>) target(%dma_start3A_94 : memref<10240x24xf32, #tpu.memory_space<vmem_shared>>) offsets(%dma_start3A_91 : memref<128xi32, #tpu.memory_space<vmem>>) semaphore(%run_scoped3A : memref<!tpu.dma_semaphore, #tpu.memory_space<semaphore_mem>>) {add = true}
        %dma_wait3A_95 = arith.constant 0 : i32
        %dma_wait3A_96 = tpu.memref_slice %arg10[%add3A_77, %dma_wait3A_95] : memref<80x128xi32, #tpu.memory_space<vmem>> -> memref<1x128xi32, #tpu.memory_space<vmem>>
        %dma_wait3A_97 = tpu.memref_squeeze %dma_wait3A_96 : memref<1x128xi32, #tpu.memory_space<vmem>> -> memref<128xi32, #tpu.memory_space<vmem>>
        %dma_wait3A_98 = arith.constant 0 : i32
        %dma_wait3A_99 = arith.constant 0 : i32
        %dma_wait3A_100 = tpu.memref_slice %arg14[%dma_wait3A_98, %dma_wait3A_99] : memref<10240x24xf32, #tpu.memory_space<vmem_shared>> -> memref<10240x24xf32, #tpu.memory_space<vmem_shared>>
        tpu.wait_indirect_dma semaphore(%run_scoped3A : memref<!tpu.dma_semaphore, #tpu.memory_space<semaphore_mem>>) src(%arg12 : memref<128x24xf32, #tpu.memory_space<vmem>>) dst(%dma_wait3A_100 : memref<10240x24xf32, #tpu.memory_space<vmem_shared>>)
        tpu.yield
      }) : () -> ()
      %lt3A_84 = arith.constant 39 : i32
      %lt3A_85 = arith.cmpi slt, %scan3A_60, %lt3A_84 : i32
      %convert_element_type3A_86 = arith.extui %lt3A_85 : i1 to i32
      %cond3A_87 = arith.constant 0 : i32
      %cond3A_88 = arith.cmpi ne, %convert_element_type3A_86, %cond3A_87 : i32
      scf.if %cond3A_88 {
        %add3A_89 = arith.constant 2 : i32
        %add3A_90 = arith.addi %add3A_77, %add3A_89 : i32
        %dma_start3A_91 = arith.constant 0 : i32
        %dma_start3A_92 = tpu.memref_slice %arg9[%add3A_90, %dma_start3A_91] : memref<80x128xi32, #tpu.memory_space<vmem>> -> memref<1x128xi32, #tpu.memory_space<vmem>>
        %dma_start3A_93 = tpu.memref_squeeze %dma_start3A_92 : memref<1x128xi32, #tpu.memory_space<vmem>> -> memref<128xi32, #tpu.memory_space<vmem>>
        %dma_start3A_94 = arith.constant 0 : i32
        %dma_start3A_95 = arith.constant 0 : i32
        %dma_start3A_96 = tpu.memref_slice %arg13[%dma_start3A_94, %dma_start3A_95] : memref<10240x24xf32, #tpu.memory_space<vmem_shared>> -> memref<10240x24xf32, #tpu.memory_space<vmem_shared>>
        tpu.enqueue_indirect_dma source(%dma_start3A_96 : memref<10240x24xf32, #tpu.memory_space<vmem_shared>>) target(%arg12 : memref<128x24xf32, #tpu.memory_space<vmem>>) offsets(%dma_start3A_93 : memref<128xi32, #tpu.memory_space<vmem>>) semaphore(%arg16 : memref<!tpu.dma_semaphore, #tpu.memory_space<semaphore_mem>>)
      } else {
      }
    }
    %scan3A_28 = arith.constant 40 : i32
    "tpu.region"() ({
      %run_scoped3A = tpu.sem_alloc : memref<!tpu.dma_semaphore, #tpu.memory_space<semaphore_mem>>
      %dma_start3A_60 = arith.constant 80 : i32
      %dma_start3A_61 = arith.constant 0 : i32
      %dma_start3A_62 = tpu.memref_slice %arg4[%arg1, %dma_start3A_60, %dma_start3A_61] : memref<16x160x128xi32, #tpu.memory_space<hbm>> -> memref<1x80x128xi32, #tpu.memory_space<hbm>>
      %dma_start3A_63 = tpu.memref_squeeze %dma_start3A_62 : memref<1x80x128xi32, #tpu.memory_space<hbm>> -> memref<80x128xi32, #tpu.memory_space<hbm>>
      %dma_start3A_64 = arith.constant 80 : i32
      %dma_start3A_65 = arith.constant 0 : i32
      %dma_start3A_66 = tpu.memref_slice %arg4[%arg1, %dma_start3A_64, %dma_start3A_65] : memref<16x160x128xi32, #tpu.memory_space<hbm>> -> memref<1x80x128xi32, #tpu.memory_space<hbm>>
      %dma_start3A_67 = tpu.memref_squeeze %dma_start3A_66 : memref<1x80x128xi32, #tpu.memory_space<hbm>> -> memref<80x128xi32, #tpu.memory_space<hbm>>
      tpu.enqueue_dma source(%dma_start3A_67 : memref<80x128xi32, #tpu.memory_space<hbm>>) target(%arg9 : memref<80x128xi32, #tpu.memory_space<vmem>>) target_semaphore(%run_scoped3A : memref<!tpu.dma_semaphore, #tpu.memory_space<semaphore_mem>>)
      %dma_wait3A_68 = arith.constant 80 : i32
      %dma_wait3A_69 = arith.constant 0 : i32
      %dma_wait3A_70 = tpu.memref_slice %arg4[%arg1, %dma_wait3A_68, %dma_wait3A_69] : memref<16x160x128xi32, #tpu.memory_space<hbm>> -> memref<1x80x128xi32, #tpu.memory_space<hbm>>
      %dma_wait3A_71 = tpu.memref_squeeze %dma_wait3A_70 : memref<1x80x128xi32, #tpu.memory_space<hbm>> -> memref<80x128xi32, #tpu.memory_space<hbm>>
      %dma_wait3A_72 = arith.constant 80 : i32
      %dma_wait3A_73 = arith.constant 0 : i32
      %dma_wait3A_74 = tpu.memref_slice %arg4[%arg1, %dma_wait3A_72, %dma_wait3A_73] : memref<16x160x128xi32, #tpu.memory_space<hbm>> -> memref<1x80x128xi32, #tpu.memory_space<hbm>>
      %dma_wait3A_75 = tpu.memref_squeeze %dma_wait3A_74 : memref<1x80x128xi32, #tpu.memory_space<hbm>> -> memref<80x128xi32, #tpu.memory_space<hbm>>
      tpu.wait_dma2 semaphore(%run_scoped3A : memref<!tpu.dma_semaphore, #tpu.memory_space<semaphore_mem>>) src(%dma_wait3A_75 : memref<80x128xi32, #tpu.memory_space<hbm>>) dst(%arg9 : memref<80x128xi32, #tpu.memory_space<vmem>>)
      tpu.yield
    }) : () -> ()
    "tpu.region"() ({
      %run_scoped3A = tpu.sem_alloc : memref<!tpu.dma_semaphore, #tpu.memory_space<semaphore_mem>>
      %dma_start3A_60 = arith.constant 80 : i32
      %dma_start3A_61 = arith.constant 0 : i32
      %dma_start3A_62 = tpu.memref_slice %arg5[%arg1, %dma_start3A_60, %dma_start3A_61] : memref<16x160x128xi32, #tpu.memory_space<hbm>> -> memref<1x80x128xi32, #tpu.memory_space<hbm>>
      %dma_start3A_63 = tpu.memref_squeeze %dma_start3A_62 : memref<1x80x128xi32, #tpu.memory_space<hbm>> -> memref<80x128xi32, #tpu.memory_space<hbm>>
      %dma_start3A_64 = arith.constant 80 : i32
      %dma_start3A_65 = arith.constant 0 : i32
      %dma_start3A_66 = tpu.memref_slice %arg5[%arg1, %dma_start3A_64, %dma_start3A_65] : memref<16x160x128xi32, #tpu.memory_space<hbm>> -> memref<1x80x128xi32, #tpu.memory_space<hbm>>
      %dma_start3A_67 = tpu.memref_squeeze %dma_start3A_66 : memref<1x80x128xi32, #tpu.memory_space<hbm>> -> memref<80x128xi32, #tpu.memory_space<hbm>>
      tpu.enqueue_dma source(%dma_start3A_67 : memref<80x128xi32, #tpu.memory_space<hbm>>) target(%arg10 : memref<80x128xi32, #tpu.memory_space<vmem>>) target_semaphore(%run_scoped3A : memref<!tpu.dma_semaphore, #tpu.memory_space<semaphore_mem>>)
      %dma_wait3A_68 = arith.constant 80 : i32
      %dma_wait3A_69 = arith.constant 0 : i32
      %dma_wait3A_70 = tpu.memref_slice %arg5[%arg1, %dma_wait3A_68, %dma_wait3A_69] : memref<16x160x128xi32, #tpu.memory_space<hbm>> -> memref<1x80x128xi32, #tpu.memory_space<hbm>>
      %dma_wait3A_71 = tpu.memref_squeeze %dma_wait3A_70 : memref<1x80x128xi32, #tpu.memory_space<hbm>> -> memref<80x128xi32, #tpu.memory_space<hbm>>
      %dma_wait3A_72 = arith.constant 80 : i32
      %dma_wait3A_73 = arith.constant 0 : i32
      %dma_wait3A_74 = tpu.memref_slice %arg5[%arg1, %dma_wait3A_72, %dma_wait3A_73] : memref<16x160x128xi32, #tpu.memory_space<hbm>> -> memref<1x80x128xi32, #tpu.memory_space<hbm>>
      %dma_wait3A_75 = tpu.memref_squeeze %dma_wait3A_74 : memref<1x80x128xi32, #tpu.memory_space<hbm>> -> memref<80x128xi32, #tpu.memory_space<hbm>>
      tpu.wait_dma2 semaphore(%run_scoped3A : memref<!tpu.dma_semaphore, #tpu.memory_space<semaphore_mem>>) src(%dma_wait3A_75 : memref<80x128xi32, #tpu.memory_space<hbm>>) dst(%arg10 : memref<80x128xi32, #tpu.memory_space<vmem>>)
      tpu.yield
    }) : () -> ()
    %dma_start3A_29 = arith.constant 0 : i32
    %dma_start3A_30 = arith.constant 0 : i32
    %dma_start3A_31 = tpu.memref_slice %arg9[%dma_start3A_29, %dma_start3A_30] : memref<80x128xi32, #tpu.memory_space<vmem>> -> memref<1x128xi32, #tpu.memory_space<vmem>>
    %dma_start3A_32 = tpu.memref_squeeze %dma_start3A_31 : memref<1x128xi32, #tpu.memory_space<vmem>> -> memref<128xi32, #tpu.memory_space<vmem>>
    %dma_start3A_33 = arith.constant 0 : i32
    %dma_start3A_34 = arith.constant 0 : i32
    %dma_start3A_35 = tpu.memref_slice %arg13[%dma_start3A_33, %dma_start3A_34] : memref<10240x24xf32, #tpu.memory_space<vmem_shared>> -> memref<10240x24xf32, #tpu.memory_space<vmem_shared>>
    tpu.enqueue_indirect_dma source(%dma_start3A_35 : memref<10240x24xf32, #tpu.memory_space<vmem_shared>>) target(%arg11 : memref<128x24xf32, #tpu.memory_space<vmem>>) offsets(%dma_start3A_32 : memref<128xi32, #tpu.memory_space<vmem>>) semaphore(%arg15 : memref<!tpu.dma_semaphore, #tpu.memory_space<semaphore_mem>>)
    %dma_start3A_36 = arith.constant 1 : i32
    %dma_start3A_37 = arith.constant 0 : i32
    %dma_start3A_38 = tpu.memref_slice %arg9[%dma_start3A_36, %dma_start3A_37] : memref<80x128xi32, #tpu.memory_space<vmem>> -> memref<1x128xi32, #tpu.memory_space<vmem>>
    %dma_start3A_39 = tpu.memref_squeeze %dma_start3A_38 : memref<1x128xi32, #tpu.memory_space<vmem>> -> memref<128xi32, #tpu.memory_space<vmem>>
    %dma_start3A_40 = arith.constant 0 : i32
    %dma_start3A_41 = arith.constant 0 : i32
    %dma_start3A_42 = tpu.memref_slice %arg13[%dma_start3A_40, %dma_start3A_41] : memref<10240x24xf32, #tpu.memory_space<vmem_shared>> -> memref<10240x24xf32, #tpu.memory_space<vmem_shared>>
    tpu.enqueue_indirect_dma source(%dma_start3A_42 : memref<10240x24xf32, #tpu.memory_space<vmem_shared>>) target(%arg12 : memref<128x24xf32, #tpu.memory_space<vmem>>) offsets(%dma_start3A_39 : memref<128xi32, #tpu.memory_space<vmem>>) semaphore(%arg16 : memref<!tpu.dma_semaphore, #tpu.memory_space<semaphore_mem>>)
    %scan3A_43 = arith.constant 0 : i32
    %scan3A_44 = arith.constant 0 : i32
    %scan3A_45 = arith.constant 40 : i32
    %scan3A_46 = arith.addi %scan3A_44, %scan3A_45 : i32
    %scan3A_47 = arith.constant 1 : i32
    scf.for %scan3A_60 = %scan3A_44 to %scan3A_46 step %scan3A_47  : i32 {
      %mul3A_61 = arith.constant 2 : i32
      %mul3A_62 = arith.muli %scan3A_60, %mul3A_61 : i32
      %add3A = arith.constant 0 : i32
      %add3A_63 = arith.addi %mul3A_62, %add3A : i32
      %dma_wait3A_64 = arith.constant 0 : i32
      %dma_wait3A_65 = tpu.memref_slice %arg9[%add3A_63, %dma_wait3A_64] : memref<80x128xi32, #tpu.memory_space<vmem>> -> memref<1x128xi32, #tpu.memory_space<vmem>>
      %dma_wait3A_66 = tpu.memref_squeeze %dma_wait3A_65 : memref<1x128xi32, #tpu.memory_space<vmem>> -> memref<128xi32, #tpu.memory_space<vmem>>
      %dma_wait3A_67 = arith.constant 0 : i32
      %dma_wait3A_68 = arith.constant 0 : i32
      %dma_wait3A_69 = tpu.memref_slice %arg13[%dma_wait3A_67, %dma_wait3A_68] : memref<10240x24xf32, #tpu.memory_space<vmem_shared>> -> memref<10240x24xf32, #tpu.memory_space<vmem_shared>>
      tpu.wait_indirect_dma semaphore(%arg15 : memref<!tpu.dma_semaphore, #tpu.memory_space<semaphore_mem>>) src(%dma_wait3A_69 : memref<10240x24xf32, #tpu.memory_space<vmem_shared>>) dst(%arg11 : memref<128x24xf32, #tpu.memory_space<vmem>>)
      "tpu.region"() ({
        %run_scoped3A = tpu.sem_alloc : memref<!tpu.dma_semaphore, #tpu.memory_space<semaphore_mem>>
        %dma_start3A_89 = arith.constant 0 : i32
        %dma_start3A_90 = tpu.memref_slice %arg10[%add3A_63, %dma_start3A_89] : memref<80x128xi32, #tpu.memory_space<vmem>> -> memref<1x128xi32, #tpu.memory_space<vmem>>
        %dma_start3A_91 = tpu.memref_squeeze %dma_start3A_90 : memref<1x128xi32, #tpu.memory_space<vmem>> -> memref<128xi32, #tpu.memory_space<vmem>>
        %dma_start3A_92 = arith.constant 0 : i32
        %dma_start3A_93 = arith.constant 0 : i32
        %dma_start3A_94 = tpu.memref_slice %arg14[%dma_start3A_92, %dma_start3A_93] : memref<10240x24xf32, #tpu.memory_space<vmem_shared>> -> memref<10240x24xf32, #tpu.memory_space<vmem_shared>>
        tpu.enqueue_indirect_dma source(%arg11 : memref<128x24xf32, #tpu.memory_space<vmem>>) target(%dma_start3A_94 : memref<10240x24xf32, #tpu.memory_space<vmem_shared>>) offsets(%dma_start3A_91 : memref<128xi32, #tpu.memory_space<vmem>>) semaphore(%run_scoped3A : memref<!tpu.dma_semaphore, #tpu.memory_space<semaphore_mem>>) {add = true}
        %dma_wait3A_95 = arith.constant 0 : i32
        %dma_wait3A_96 = tpu.memref_slice %arg10[%add3A_63, %dma_wait3A_95] : memref<80x128xi32, #tpu.memory_space<vmem>> -> memref<1x128xi32, #tpu.memory_space<vmem>>
        %dma_wait3A_97 = tpu.memref_squeeze %dma_wait3A_96 : memref<1x128xi32, #tpu.memory_space<vmem>> -> memref<128xi32, #tpu.memory_space<vmem>>
        %dma_wait3A_98 = arith.constant 0 : i32
        %dma_wait3A_99 = arith.constant 0 : i32
        %dma_wait3A_100 = tpu.memref_slice %arg14[%dma_wait3A_98, %dma_wait3A_99] : memref<10240x24xf32, #tpu.memory_space<vmem_shared>> -> memref<10240x24xf32, #tpu.memory_space<vmem_shared>>
        tpu.wait_indirect_dma semaphore(%run_scoped3A : memref<!tpu.dma_semaphore, #tpu.memory_space<semaphore_mem>>) src(%arg11 : memref<128x24xf32, #tpu.memory_space<vmem>>) dst(%dma_wait3A_100 : memref<10240x24xf32, #tpu.memory_space<vmem_shared>>)
        tpu.yield
      }) : () -> ()
      %lt3A = arith.constant 39 : i32
      %lt3A_70 = arith.cmpi slt, %scan3A_60, %lt3A : i32
      %convert_element_type3A_71 = arith.extui %lt3A_70 : i1 to i32
      %cond3A_72 = arith.constant 0 : i32
      %cond3A_73 = arith.cmpi ne, %convert_element_type3A_71, %cond3A_72 : i32
      scf.if %cond3A_73 {
        %add3A_89 = arith.constant 2 : i32
        %add3A_90 = arith.addi %add3A_63, %add3A_89 : i32
        %dma_start3A_91 = arith.constant 0 : i32
        %dma_start3A_92 = tpu.memref_slice %arg9[%add3A_90, %dma_start3A_91] : memref<80x128xi32, #tpu.memory_space<vmem>> -> memref<1x128xi32, #tpu.memory_space<vmem>>
        %dma_start3A_93 = tpu.memref_squeeze %dma_start3A_92 : memref<1x128xi32, #tpu.memory_space<vmem>> -> memref<128xi32, #tpu.memory_space<vmem>>
        %dma_start3A_94 = arith.constant 0 : i32
        %dma_start3A_95 = arith.constant 0 : i32
        %dma_start3A_96 = tpu.memref_slice %arg13[%dma_start3A_94, %dma_start3A_95] : memref<10240x24xf32, #tpu.memory_space<vmem_shared>> -> memref<10240x24xf32, #tpu.memory_space<vmem_shared>>
        tpu.enqueue_indirect_dma source(%dma_start3A_96 : memref<10240x24xf32, #tpu.memory_space<vmem_shared>>) target(%arg11 : memref<128x24xf32, #tpu.memory_space<vmem>>) offsets(%dma_start3A_93 : memref<128xi32, #tpu.memory_space<vmem>>) semaphore(%arg15 : memref<!tpu.dma_semaphore, #tpu.memory_space<semaphore_mem>>)
      } else {
      }
      %mul3A_74 = arith.constant 2 : i32
      %mul3A_75 = arith.muli %scan3A_60, %mul3A_74 : i32
      %add3A_76 = arith.constant 1 : i32
      %add3A_77 = arith.addi %mul3A_75, %add3A_76 : i32
      %dma_wait3A_78 = arith.constant 0 : i32
      %dma_wait3A_79 = tpu.memref_slice %arg9[%add3A_77, %dma_wait3A_78] : memref<80x128xi32, #tpu.memory_space<vmem>> -> memref<1x128xi32, #tpu.memory_space<vmem>>
      %dma_wait3A_80 = tpu.memref_squeeze %dma_wait3A_79 : memref<1x128xi32, #tpu.memory_space<vmem>> -> memref<128xi32, #tpu.memory_space<vmem>>
      %dma_wait3A_81 = arith.constant 0 : i32
      %dma_wait3A_82 = arith.constant 0 : i32
      %dma_wait3A_83 = tpu.memref_slice %arg13[%dma_wait3A_81, %dma_wait3A_82] : memref<10240x24xf32, #tpu.memory_space<vmem_shared>> -> memref<10240x24xf32, #tpu.memory_space<vmem_shared>>
      tpu.wait_indirect_dma semaphore(%arg16 : memref<!tpu.dma_semaphore, #tpu.memory_space<semaphore_mem>>) src(%dma_wait3A_83 : memref<10240x24xf32, #tpu.memory_space<vmem_shared>>) dst(%arg12 : memref<128x24xf32, #tpu.memory_space<vmem>>)
      "tpu.region"() ({
        %run_scoped3A = tpu.sem_alloc : memref<!tpu.dma_semaphore, #tpu.memory_space<semaphore_mem>>
        %dma_start3A_89 = arith.constant 0 : i32
        %dma_start3A_90 = tpu.memref_slice %arg10[%add3A_77, %dma_start3A_89] : memref<80x128xi32, #tpu.memory_space<vmem>> -> memref<1x128xi32, #tpu.memory_space<vmem>>
        %dma_start3A_91 = tpu.memref_squeeze %dma_start3A_90 : memref<1x128xi32, #tpu.memory_space<vmem>> -> memref<128xi32, #tpu.memory_space<vmem>>
        %dma_start3A_92 = arith.constant 0 : i32
        %dma_start3A_93 = arith.constant 0 : i32
        %dma_start3A_94 = tpu.memref_slice %arg14[%dma_start3A_92, %dma_start3A_93] : memref<10240x24xf32, #tpu.memory_space<vmem_shared>> -> memref<10240x24xf32, #tpu.memory_space<vmem_shared>>
        tpu.enqueue_indirect_dma source(%arg12 : memref<128x24xf32, #tpu.memory_space<vmem>>) target(%dma_start3A_94 : memref<10240x24xf32, #tpu.memory_space<vmem_shared>>) offsets(%dma_start3A_91 : memref<128xi32, #tpu.memory_space<vmem>>) semaphore(%run_scoped3A : memref<!tpu.dma_semaphore, #tpu.memory_space<semaphore_mem>>) {add = true}
        %dma_wait3A_95 = arith.constant 0 : i32
        %dma_wait3A_96 = tpu.memref_slice %arg10[%add3A_77, %dma_wait3A_95] : memref<80x128xi32, #tpu.memory_space<vmem>> -> memref<1x128xi32, #tpu.memory_space<vmem>>
        %dma_wait3A_97 = tpu.memref_squeeze %dma_wait3A_96 : memref<1x128xi32, #tpu.memory_space<vmem>> -> memref<128xi32, #tpu.memory_space<vmem>>
        %dma_wait3A_98 = arith.constant 0 : i32
        %dma_wait3A_99 = arith.constant 0 : i32
        %dma_wait3A_100 = tpu.memref_slice %arg14[%dma_wait3A_98, %dma_wait3A_99] : memref<10240x24xf32, #tpu.memory_space<vmem_shared>> -> memref<10240x24xf32, #tpu.memory_space<vmem_shared>>
        tpu.wait_indirect_dma semaphore(%run_scoped3A : memref<!tpu.dma_semaphore, #tpu.memory_space<semaphore_mem>>) src(%arg12 : memref<128x24xf32, #tpu.memory_space<vmem>>) dst(%dma_wait3A_100 : memref<10240x24xf32, #tpu.memory_space<vmem_shared>>)
        tpu.yield
      }) : () -> ()
      %lt3A_84 = arith.constant 39 : i32
      %lt3A_85 = arith.cmpi slt, %scan3A_60, %lt3A_84 : i32
      %convert_element_type3A_86 = arith.extui %lt3A_85 : i1 to i32
      %cond3A_87 = arith.constant 0 : i32
      %cond3A_88 = arith.cmpi ne, %convert_element_type3A_86, %cond3A_87 : i32
      scf.if %cond3A_88 {
        %add3A_89 = arith.constant 2 : i32
        %add3A_90 = arith.addi %add3A_77, %add3A_89 : i32
        %dma_start3A_91 = arith.constant 0 : i32
        %dma_start3A_92 = tpu.memref_slice %arg9[%add3A_90, %dma_start3A_91] : memref<80x128xi32, #tpu.memory_space<vmem>> -> memref<1x128xi32, #tpu.memory_space<vmem>>
        %dma_start3A_93 = tpu.memref_squeeze %dma_start3A_92 : memref<1x128xi32, #tpu.memory_space<vmem>> -> memref<128xi32, #tpu.memory_space<vmem>>
        %dma_start3A_94 = arith.constant 0 : i32
        %dma_start3A_95 = arith.constant 0 : i32
        %dma_start3A_96 = tpu.memref_slice %arg13[%dma_start3A_94, %dma_start3A_95] : memref<10240x24xf32, #tpu.memory_space<vmem_shared>> -> memref<10240x24xf32, #tpu.memory_space<vmem_shared>>
        tpu.enqueue_indirect_dma source(%dma_start3A_96 : memref<10240x24xf32, #tpu.memory_space<vmem_shared>>) target(%arg12 : memref<128x24xf32, #tpu.memory_space<vmem>>) offsets(%dma_start3A_93 : memref<128xi32, #tpu.memory_space<vmem>>) semaphore(%arg16 : memref<!tpu.dma_semaphore, #tpu.memory_space<semaphore_mem>>)
      } else {
      }
    }
    %scan3A_48 = arith.constant 40 : i32
    %barrier3A_49 = arith.constant 0 : index
    tpu.barrier barrier_id(%barrier3A_49)
    %eq3A_50 = arith.constant 0 : i32
    %eq3A_51 = arith.cmpi eq, %arg0, %eq3A_50 : i32
    %convert_element_type3A_52 = arith.extui %eq3A_51 : i1 to i32
    %cond3A_53 = arith.constant 0 : i32
    %cond3A_54 = arith.cmpi ne, %convert_element_type3A_52, %cond3A_53 : i32
    scf.if %cond3A_54 {
      "tpu.region"() ({
        %run_scoped3A = tpu.sem_alloc : memref<!tpu.dma_semaphore, #tpu.memory_space<semaphore_mem>>
        %dma_start3A_60 = arith.constant 0 : i32
        %dma_start3A_61 = tpu.memref_slice %arg7[%multiple_of3A, %dma_start3A_60] : memref<10240x24xf32, #tpu.memory_space<hbm>> -> memref<640x24xf32, #tpu.memory_space<hbm>>
        %dma_start3A_62 = arith.constant 0 : i32
        %dma_start3A_63 = tpu.memref_slice %arg14[%multiple_of3A, %dma_start3A_62] : memref<10240x24xf32, #tpu.memory_space<vmem_shared>> -> memref<640x24xf32, #tpu.memory_space<vmem_shared>>
        tpu.enqueue_dma source(%dma_start3A_63 : memref<640x24xf32, #tpu.memory_space<vmem_shared>>) target(%dma_start3A_61 : memref<640x24xf32, #tpu.memory_space<hbm>>) target_semaphore(%run_scoped3A : memref<!tpu.dma_semaphore, #tpu.memory_space<semaphore_mem>>)
        %dma_wait3A_64 = arith.constant 0 : i32
        %dma_wait3A_65 = tpu.memref_slice %arg7[%multiple_of3A, %dma_wait3A_64] : memref<10240x24xf32, #tpu.memory_space<hbm>> -> memref<640x24xf32, #tpu.memory_space<hbm>>
        %dma_wait3A_66 = arith.constant 0 : i32
        %dma_wait3A_67 = tpu.memref_slice %arg14[%multiple_of3A, %dma_wait3A_66] : memref<10240x24xf32, #tpu.memory_space<vmem_shared>> -> memref<640x24xf32, #tpu.memory_space<vmem_shared>>
        tpu.wait_dma2 semaphore(%run_scoped3A : memref<!tpu.dma_semaphore, #tpu.memory_space<semaphore_mem>>) src(%dma_wait3A_67 : memref<640x24xf32, #tpu.memory_space<vmem_shared>>) dst(%dma_wait3A_65 : memref<640x24xf32, #tpu.memory_space<hbm>>)
        tpu.yield
      }) : () -> ()
    } else {
    }
    %eq3A_55 = arith.constant 1 : i32
    %eq3A_56 = arith.cmpi eq, %arg0, %eq3A_55 : i32
    %convert_element_type3A_57 = arith.extui %eq3A_56 : i1 to i32
    %cond3A_58 = arith.constant 0 : i32
    %cond3A_59 = arith.cmpi ne, %convert_element_type3A_57, %cond3A_58 : i32
    scf.if %cond3A_59 {
      "tpu.region"() ({
        %run_scoped3A = tpu.sem_alloc : memref<!tpu.dma_semaphore, #tpu.memory_space<semaphore_mem>>
        %dma_start3A_60 = arith.constant 0 : i32
        %dma_start3A_61 = tpu.memref_slice %arg8[%multiple_of3A, %dma_start3A_60] : memref<10240x24xf32, #tpu.memory_space<hbm>> -> memref<640x24xf32, #tpu.memory_space<hbm>>
        %dma_start3A_62 = arith.constant 0 : i32
        %dma_start3A_63 = tpu.memref_slice %arg14[%multiple_of3A, %dma_start3A_62] : memref<10240x24xf32, #tpu.memory_space<vmem_shared>> -> memref<640x24xf32, #tpu.memory_space<vmem_shared>>
        tpu.enqueue_dma source(%dma_start3A_63 : memref<640x24xf32, #tpu.memory_space<vmem_shared>>) target(%dma_start3A_61 : memref<640x24xf32, #tpu.memory_space<hbm>>) target_semaphore(%run_scoped3A : memref<!tpu.dma_semaphore, #tpu.memory_space<semaphore_mem>>)
        %dma_wait3A_64 = arith.constant 0 : i32
        %dma_wait3A_65 = tpu.memref_slice %arg8[%multiple_of3A, %dma_wait3A_64] : memref<10240x24xf32, #tpu.memory_space<hbm>> -> memref<640x24xf32, #tpu.memory_space<hbm>>
        %dma_wait3A_66 = arith.constant 0 : i32
        %dma_wait3A_67 = tpu.memref_slice %arg14[%multiple_of3A, %dma_wait3A_66] : memref<10240x24xf32, #tpu.memory_space<vmem_shared>> -> memref<640x24xf32, #tpu.memory_space<vmem_shared>>
        tpu.wait_dma2 semaphore(%run_scoped3A : memref<!tpu.dma_semaphore, #tpu.memory_space<semaphore_mem>>) src(%dma_wait3A_67 : memref<640x24xf32, #tpu.memory_space<vmem_shared>>) dst(%dma_wait3A_65 : memref<640x24xf32, #tpu.memory_space<hbm>>)
        tpu.yield
      }) : () -> ()
    } else {
    }
    return
  }
}

#map = affine_map<(d0, d1) -> (0, 0)>
#map1 = affine_map<(d0, d1) -> (0, 0, 0)>
module attributes {stable_mosaic.version = 14 : i64} {
  func.func @_seg(%arg0: i32, %arg1: i32, %arg2: memref<10240x24xf32, #tpu.memory_space<hbm>>, %arg3: memref<10240x24xf32, #tpu.memory_space<hbm>>, %arg4: memref<16x160x128xi32, #tpu.memory_space<hbm>>, %arg5: memref<16x160x128xi32, #tpu.memory_space<hbm>>, %arg6: memref<640x24xf32, #tpu.memory_space<hbm>>, %arg7: memref<10240x24xf32, #tpu.memory_space<hbm>>, %arg8: memref<10240x24xf32, #tpu.memory_space<hbm>>, %arg9: memref<80x128xi32, #tpu.memory_space<vmem>>, %arg10: memref<80x128xi32, #tpu.memory_space<vmem>>, %arg11: memref<128x24xf32, #tpu.memory_space<vmem>>, %arg12: memref<128x24xf32, #tpu.memory_space<vmem>>, %arg13: memref<10240x24xf32, #tpu.memory_space<vmem_shared>>, %arg14: memref<10240x24xf32, #tpu.memory_space<vmem_shared>>, %arg15: memref<!tpu.dma_semaphore, #tpu.memory_space<semaphore_mem>>, %arg16: memref<!tpu.dma_semaphore, #tpu.memory_space<semaphore_mem>>, %arg17: memref<!tpu.dma_semaphore, #tpu.memory_space<semaphore_mem>>) attributes {dimension_semantics = [#tpu.dimension_semantics<core_parallel>, #tpu.dimension_semantics<subcore_parallel>], iteration_bounds = array<i64: 2, 16>, scalar_prefetch = 0 : i64, scratch_operands = 9 : i64, tpu.core_type = #tpu.core_type<sc_vector_subcore>, window_params = [{transform_indices = #map}, {transform_indices = #map}, {transform_indices = #map1}, {transform_indices = #map1}, {transform_indices = #map}, {transform_indices = #map}, {transform_indices = #map}]} {
    %mul3A = arith.constant 640 : i32
    %mul3A_0 = arith.muli %arg1, %mul3A : i32
    %multiple_of3A = tpu.assume_multiple %mul3A_0, 8 : i32
    %dma_start3A = arith.constant 0 : i32
    %dma_start3A_1 = tpu.memref_slice %arg14[%multiple_of3A, %dma_start3A] : memref<10240x24xf32, #tpu.memory_space<vmem_shared>> -> memref<640x24xf32, #tpu.memory_space<vmem_shared>>
    tpu.enqueue_dma source(%arg6 : memref<640x24xf32, #tpu.memory_space<hbm>>) target(%dma_start3A_1 : memref<640x24xf32, #tpu.memory_space<vmem_shared>>) target_semaphore(%arg17 : memref<!tpu.dma_semaphore, #tpu.memory_space<semaphore_mem>>)
    %eq3A = arith.constant 0 : i32
    %eq3A_2 = arith.cmpi eq, %arg0, %eq3A : i32
    %convert_element_type3A = arith.extui %eq3A_2 : i1 to i32
    %cond3A = arith.constant 0 : i32
    %cond3A_3 = arith.cmpi ne, %convert_element_type3A, %cond3A : i32
    scf.if %cond3A_3 {
      "tpu.region"() ({
        %run_scoped3A = tpu.sem_alloc : memref<!tpu.dma_semaphore, #tpu.memory_space<semaphore_mem>>
        %dma_start3A_60 = arith.constant 0 : i32
        %dma_start3A_61 = tpu.memref_slice %arg13[%multiple_of3A, %dma_start3A_60] : memref<10240x24xf32, #tpu.memory_space<vmem_shared>> -> memref<640x24xf32, #tpu.memory_space<vmem_shared>>
        %dma_start3A_62 = arith.constant 0 : i32
        %dma_start3A_63 = tpu.memref_slice %arg2[%multiple_of3A, %dma_start3A_62] : memref<10240x24xf32, #tpu.memory_space<hbm>> -> memref<640x24xf32, #tpu.memory_space<hbm>>
        tpu.enqueue_dma source(%dma_start3A_63 : memref<640x24xf32, #tpu.memory_space<hbm>>) target(%dma_start3A_61 : memref<640x24xf32, #tpu.memory_space<vmem_shared>>) target_semaphore(%run_scoped3A : memref<!tpu.dma_semaphore, #tpu.memory_space<semaphore_mem>>)
        %dma_wait3A_64 = arith.constant 0 : i32
        %dma_wait3A_65 = tpu.memref_slice %arg13[%multiple_of3A, %dma_wait3A_64] : memref<10240x24xf32, #tpu.memory_space<vmem_shared>> -> memref<640x24xf32, #tpu.memory_space<vmem_shared>>
        %dma_wait3A_66 = arith.constant 0 : i32
        %dma_wait3A_67 = tpu.memref_slice %arg2[%multiple_of3A, %dma_wait3A_66] : memref<10240x24xf32, #tpu.memory_space<hbm>> -> memref<640x24xf32, #tpu.memory_space<hbm>>
        tpu.wait_dma2 semaphore(%run_scoped3A : memref<!tpu.dma_semaphore, #tpu.memory_space<semaphore_mem>>) src(%dma_wait3A_67 : memref<640x24xf32, #tpu.memory_space<hbm>>) dst(%dma_wait3A_65 : memref<640x24xf32, #tpu.memory_space<vmem_shared>>)
        tpu.yield
      }) : () -> ()
    } else {
    }
    %eq3A_4 = arith.constant 1 : i32
    %eq3A_5 = arith.cmpi eq, %arg0, %eq3A_4 : i32
    %convert_element_type3A_6 = arith.extui %eq3A_5 : i1 to i32
    %cond3A_7 = arith.constant 0 : i32
    %cond3A_8 = arith.cmpi ne, %convert_element_type3A_6, %cond3A_7 : i32
    scf.if %cond3A_8 {
      "tpu.region"() ({
        %run_scoped3A = tpu.sem_alloc : memref<!tpu.dma_semaphore, #tpu.memory_space<semaphore_mem>>
        %dma_start3A_60 = arith.constant 0 : i32
        %dma_start3A_61 = tpu.memref_slice %arg13[%multiple_of3A, %dma_start3A_60] : memref<10240x24xf32, #tpu.memory_space<vmem_shared>> -> memref<640x24xf32, #tpu.memory_space<vmem_shared>>
        %dma_start3A_62 = arith.constant 0 : i32
        %dma_start3A_63 = tpu.memref_slice %arg3[%multiple_of3A, %dma_start3A_62] : memref<10240x24xf32, #tpu.memory_space<hbm>> -> memref<640x24xf32, #tpu.memory_space<hbm>>
        tpu.enqueue_dma source(%dma_start3A_63 : memref<640x24xf32, #tpu.memory_space<hbm>>) target(%dma_start3A_61 : memref<640x24xf32, #tpu.memory_space<vmem_shared>>) target_semaphore(%run_scoped3A : memref<!tpu.dma_semaphore, #tpu.memory_space<semaphore_mem>>)
        %dma_wait3A_64 = arith.constant 0 : i32
        %dma_wait3A_65 = tpu.memref_slice %arg13[%multiple_of3A, %dma_wait3A_64] : memref<10240x24xf32, #tpu.memory_space<vmem_shared>> -> memref<640x24xf32, #tpu.memory_space<vmem_shared>>
        %dma_wait3A_66 = arith.constant 0 : i32
        %dma_wait3A_67 = tpu.memref_slice %arg3[%multiple_of3A, %dma_wait3A_66] : memref<10240x24xf32, #tpu.memory_space<hbm>> -> memref<640x24xf32, #tpu.memory_space<hbm>>
        tpu.wait_dma2 semaphore(%run_scoped3A : memref<!tpu.dma_semaphore, #tpu.memory_space<semaphore_mem>>) src(%dma_wait3A_67 : memref<640x24xf32, #tpu.memory_space<hbm>>) dst(%dma_wait3A_65 : memref<640x24xf32, #tpu.memory_space<vmem_shared>>)
        tpu.yield
      }) : () -> ()
    } else {
    }
    %dma_wait3A = arith.constant 0 : i32
    %dma_wait3A_9 = tpu.memref_slice %arg14[%multiple_of3A, %dma_wait3A] : memref<10240x24xf32, #tpu.memory_space<vmem_shared>> -> memref<640x24xf32, #tpu.memory_space<vmem_shared>>
    tpu.wait_dma2 semaphore(%arg17 : memref<!tpu.dma_semaphore, #tpu.memory_space<semaphore_mem>>) src(%arg6 : memref<640x24xf32, #tpu.memory_space<hbm>>) dst(%dma_wait3A_9 : memref<640x24xf32, #tpu.memory_space<vmem_shared>>)
    %barrier3A = arith.constant 0 : index
    tpu.barrier barrier_id(%barrier3A)
    "tpu.region"() ({
      %run_scoped3A = tpu.sem_alloc : memref<!tpu.dma_semaphore, #tpu.memory_space<semaphore_mem>>
      %dma_start3A_60 = arith.constant 0 : i32
      %dma_start3A_61 = arith.constant 0 : i32
      %dma_start3A_62 = tpu.memref_slice %arg4[%arg1, %dma_start3A_60, %dma_start3A_61] : memref<16x160x128xi32, #tpu.memory_space<hbm>> -> memref<1x80x128xi32, #tpu.memory_space<hbm>>
      %dma_start3A_63 = tpu.memref_squeeze %dma_start3A_62 : memref<1x80x128xi32, #tpu.memory_space<hbm>> -> memref<80x128xi32, #tpu.memory_space<hbm>>
      %dma_start3A_64 = arith.constant 0 : i32
      %dma_start3A_65 = arith.constant 0 : i32
      %dma_start3A_66 = tpu.memref_slice %arg4[%arg1, %dma_start3A_64, %dma_start3A_65] : memref<16x160x128xi32, #tpu.memory_space<hbm>> -> memref<1x80x128xi32, #tpu.memory_space<hbm>>
      %dma_start3A_67 = tpu.memref_squeeze %dma_start3A_66 : memref<1x80x128xi32, #tpu.memory_space<hbm>> -> memref<80x128xi32, #tpu.memory_space<hbm>>
      tpu.enqueue_dma source(%dma_start3A_67 : memref<80x128xi32, #tpu.memory_space<hbm>>) target(%arg9 : memref<80x128xi32, #tpu.memory_space<vmem>>) target_semaphore(%run_scoped3A : memref<!tpu.dma_semaphore, #tpu.memory_space<semaphore_mem>>)
      %dma_wait3A_68 = arith.constant 0 : i32
      %dma_wait3A_69 = arith.constant 0 : i32
      %dma_wait3A_70 = tpu.memref_slice %arg4[%arg1, %dma_wait3A_68, %dma_wait3A_69] : memref<16x160x128xi32, #tpu.memory_space<hbm>> -> memref<1x80x128xi32, #tpu.memory_space<hbm>>
      %dma_wait3A_71 = tpu.memref_squeeze %dma_wait3A_70 : memref<1x80x128xi32, #tpu.memory_space<hbm>> -> memref<80x128xi32, #tpu.memory_space<hbm>>
      %dma_wait3A_72 = arith.constant 0 : i32
      %dma_wait3A_73 = arith.constant 0 : i32
      %dma_wait3A_74 = tpu.memref_slice %arg4[%arg1, %dma_wait3A_72, %dma_wait3A_73] : memref<16x160x128xi32, #tpu.memory_space<hbm>> -> memref<1x80x128xi32, #tpu.memory_space<hbm>>
      %dma_wait3A_75 = tpu.memref_squeeze %dma_wait3A_74 : memref<1x80x128xi32, #tpu.memory_space<hbm>> -> memref<80x128xi32, #tpu.memory_space<hbm>>
      tpu.wait_dma2 semaphore(%run_scoped3A : memref<!tpu.dma_semaphore, #tpu.memory_space<semaphore_mem>>) src(%dma_wait3A_75 : memref<80x128xi32, #tpu.memory_space<hbm>>) dst(%arg9 : memref<80x128xi32, #tpu.memory_space<vmem>>)
      tpu.yield
    }) : () -> ()
    "tpu.region"() ({
      %run_scoped3A = tpu.sem_alloc : memref<!tpu.dma_semaphore, #tpu.memory_space<semaphore_mem>>
      %dma_start3A_60 = arith.constant 0 : i32
      %dma_start3A_61 = arith.constant 0 : i32
      %dma_start3A_62 = tpu.memref_slice %arg5[%arg1, %dma_start3A_60, %dma_start3A_61] : memref<16x160x128xi32, #tpu.memory_space<hbm>> -> memref<1x80x128xi32, #tpu.memory_space<hbm>>
      %dma_start3A_63 = tpu.memref_squeeze %dma_start3A_62 : memref<1x80x128xi32, #tpu.memory_space<hbm>> -> memref<80x128xi32, #tpu.memory_space<hbm>>
      %dma_start3A_64 = arith.constant 0 : i32
      %dma_start3A_65 = arith.constant 0 : i32
      %dma_start3A_66 = tpu.memref_slice %arg5[%arg1, %dma_start3A_64, %dma_start3A_65] : memref<16x160x128xi32, #tpu.memory_space<hbm>> -> memref<1x80x128xi32, #tpu.memory_space<hbm>>
      %dma_start3A_67 = tpu.memref_squeeze %dma_start3A_66 : memref<1x80x128xi32, #tpu.memory_space<hbm>> -> memref<80x128xi32, #tpu.memory_space<hbm>>
      tpu.enqueue_dma source(%dma_start3A_67 : memref<80x128xi32, #tpu.memory_space<hbm>>) target(%arg10 : memref<80x128xi32, #tpu.memory_space<vmem>>) target_semaphore(%run_scoped3A : memref<!tpu.dma_semaphore, #tpu.memory_space<semaphore_mem>>)
      %dma_wait3A_68 = arith.constant 0 : i32
      %dma_wait3A_69 = arith.constant 0 : i32
      %dma_wait3A_70 = tpu.memref_slice %arg5[%arg1, %dma_wait3A_68, %dma_wait3A_69] : memref<16x160x128xi32, #tpu.memory_space<hbm>> -> memref<1x80x128xi32, #tpu.memory_space<hbm>>
      %dma_wait3A_71 = tpu.memref_squeeze %dma_wait3A_70 : memref<1x80x128xi32, #tpu.memory_space<hbm>> -> memref<80x128xi32, #tpu.memory_space<hbm>>
      %dma_wait3A_72 = arith.constant 0 : i32
      %dma_wait3A_73 = arith.constant 0 : i32
      %dma_wait3A_74 = tpu.memref_slice %arg5[%arg1, %dma_wait3A_72, %dma_wait3A_73] : memref<16x160x128xi32, #tpu.memory_space<hbm>> -> memref<1x80x128xi32, #tpu.memory_space<hbm>>
      %dma_wait3A_75 = tpu.memref_squeeze %dma_wait3A_74 : memref<1x80x128xi32, #tpu.memory_space<hbm>> -> memref<80x128xi32, #tpu.memory_space<hbm>>
      tpu.wait_dma2 semaphore(%run_scoped3A : memref<!tpu.dma_semaphore, #tpu.memory_space<semaphore_mem>>) src(%dma_wait3A_75 : memref<80x128xi32, #tpu.memory_space<hbm>>) dst(%arg10 : memref<80x128xi32, #tpu.memory_space<vmem>>)
      tpu.yield
    }) : () -> ()
    %dma_start3A_10 = arith.constant 0 : i32
    %dma_start3A_11 = arith.constant 0 : i32
    %dma_start3A_12 = tpu.memref_slice %arg9[%dma_start3A_10, %dma_start3A_11] : memref<80x128xi32, #tpu.memory_space<vmem>> -> memref<1x128xi32, #tpu.memory_space<vmem>>
    %dma_start3A_13 = tpu.memref_squeeze %dma_start3A_12 : memref<1x128xi32, #tpu.memory_space<vmem>> -> memref<128xi32, #tpu.memory_space<vmem>>
    %dma_start3A_14 = arith.constant 0 : i32
    %dma_start3A_15 = arith.constant 0 : i32
    %dma_start3A_16 = tpu.memref_slice %arg13[%dma_start3A_14, %dma_start3A_15] : memref<10240x24xf32, #tpu.memory_space<vmem_shared>> -> memref<10240x24xf32, #tpu.memory_space<vmem_shared>>
    tpu.enqueue_indirect_dma source(%dma_start3A_16 : memref<10240x24xf32, #tpu.memory_space<vmem_shared>>) target(%arg11 : memref<128x24xf32, #tpu.memory_space<vmem>>) offsets(%dma_start3A_13 : memref<128xi32, #tpu.memory_space<vmem>>) semaphore(%arg15 : memref<!tpu.dma_semaphore, #tpu.memory_space<semaphore_mem>>)
    %dma_start3A_17 = arith.constant 1 : i32
    %dma_start3A_18 = arith.constant 0 : i32
    %dma_start3A_19 = tpu.memref_slice %arg9[%dma_start3A_17, %dma_start3A_18] : memref<80x128xi32, #tpu.memory_space<vmem>> -> memref<1x128xi32, #tpu.memory_space<vmem>>
    %dma_start3A_20 = tpu.memref_squeeze %dma_start3A_19 : memref<1x128xi32, #tpu.memory_space<vmem>> -> memref<128xi32, #tpu.memory_space<vmem>>
    %dma_start3A_21 = arith.constant 0 : i32
    %dma_start3A_22 = arith.constant 0 : i32
    %dma_start3A_23 = tpu.memref_slice %arg13[%dma_start3A_21, %dma_start3A_22] : memref<10240x24xf32, #tpu.memory_space<vmem_shared>> -> memref<10240x24xf32, #tpu.memory_space<vmem_shared>>
    tpu.enqueue_indirect_dma source(%dma_start3A_23 : memref<10240x24xf32, #tpu.memory_space<vmem_shared>>) target(%arg12 : memref<128x24xf32, #tpu.memory_space<vmem>>) offsets(%dma_start3A_20 : memref<128xi32, #tpu.memory_space<vmem>>) semaphore(%arg16 : memref<!tpu.dma_semaphore, #tpu.memory_space<semaphore_mem>>)
    %scan3A = arith.constant 0 : i32
    %scan3A_24 = arith.constant 0 : i32
    %scan3A_25 = arith.constant 40 : i32
    %scan3A_26 = arith.addi %scan3A_24, %scan3A_25 : i32
    %scan3A_27 = arith.constant 1 : i32
    scf.for %scan3A_60 = %scan3A_24 to %scan3A_26 step %scan3A_27  : i32 {
      %mul3A_61 = arith.constant 2 : i32
      %mul3A_62 = arith.muli %scan3A_60, %mul3A_61 : i32
      %add3A = arith.constant 0 : i32
      %add3A_63 = arith.addi %mul3A_62, %add3A : i32
      %dma_wait3A_64 = arith.constant 0 : i32
      %dma_wait3A_65 = tpu.memref_slice %arg9[%add3A_63, %dma_wait3A_64] : memref<80x128xi32, #tpu.memory_space<vmem>> -> memref<1x128xi32, #tpu.memory_space<vmem>>
      %dma_wait3A_66 = tpu.memref_squeeze %dma_wait3A_65 : memref<1x128xi32, #tpu.memory_space<vmem>> -> memref<128xi32, #tpu.memory_space<vmem>>
      %dma_wait3A_67 = arith.constant 0 : i32
      %dma_wait3A_68 = arith.constant 0 : i32
      %dma_wait3A_69 = tpu.memref_slice %arg13[%dma_wait3A_67, %dma_wait3A_68] : memref<10240x24xf32, #tpu.memory_space<vmem_shared>> -> memref<10240x24xf32, #tpu.memory_space<vmem_shared>>
      tpu.wait_indirect_dma semaphore(%arg15 : memref<!tpu.dma_semaphore, #tpu.memory_space<semaphore_mem>>) src(%dma_wait3A_69 : memref<10240x24xf32, #tpu.memory_space<vmem_shared>>) dst(%arg11 : memref<128x24xf32, #tpu.memory_space<vmem>>)
      "tpu.region"() ({
        %run_scoped3A = tpu.sem_alloc : memref<!tpu.dma_semaphore, #tpu.memory_space<semaphore_mem>>
        %dma_start3A_89 = arith.constant 0 : i32
        %dma_start3A_90 = tpu.memref_slice %arg10[%add3A_63, %dma_start3A_89] : memref<80x128xi32, #tpu.memory_space<vmem>> -> memref<1x128xi32, #tpu.memory_space<vmem>>
        %dma_start3A_91 = tpu.memref_squeeze %dma_start3A_90 : memref<1x128xi32, #tpu.memory_space<vmem>> -> memref<128xi32, #tpu.memory_space<vmem>>
        %dma_start3A_92 = arith.constant 0 : i32
        %dma_start3A_93 = arith.constant 0 : i32
        %dma_start3A_94 = tpu.memref_slice %arg14[%dma_start3A_92, %dma_start3A_93] : memref<10240x24xf32, #tpu.memory_space<vmem_shared>> -> memref<10240x24xf32, #tpu.memory_space<vmem_shared>>
        tpu.enqueue_indirect_dma source(%arg11 : memref<128x24xf32, #tpu.memory_space<vmem>>) target(%dma_start3A_94 : memref<10240x24xf32, #tpu.memory_space<vmem_shared>>) offsets(%dma_start3A_91 : memref<128xi32, #tpu.memory_space<vmem>>) semaphore(%run_scoped3A : memref<!tpu.dma_semaphore, #tpu.memory_space<semaphore_mem>>) {add = true}
        %dma_wait3A_95 = arith.constant 0 : i32
        %dma_wait3A_96 = tpu.memref_slice %arg10[%add3A_63, %dma_wait3A_95] : memref<80x128xi32, #tpu.memory_space<vmem>> -> memref<1x128xi32, #tpu.memory_space<vmem>>
        %dma_wait3A_97 = tpu.memref_squeeze %dma_wait3A_96 : memref<1x128xi32, #tpu.memory_space<vmem>> -> memref<128xi32, #tpu.memory_space<vmem>>
        %dma_wait3A_98 = arith.constant 0 : i32
        %dma_wait3A_99 = arith.constant 0 : i32
        %dma_wait3A_100 = tpu.memref_slice %arg14[%dma_wait3A_98, %dma_wait3A_99] : memref<10240x24xf32, #tpu.memory_space<vmem_shared>> -> memref<10240x24xf32, #tpu.memory_space<vmem_shared>>
        tpu.wait_indirect_dma semaphore(%run_scoped3A : memref<!tpu.dma_semaphore, #tpu.memory_space<semaphore_mem>>) src(%arg11 : memref<128x24xf32, #tpu.memory_space<vmem>>) dst(%dma_wait3A_100 : memref<10240x24xf32, #tpu.memory_space<vmem_shared>>)
        tpu.yield
      }) : () -> ()
      %lt3A = arith.constant 39 : i32
      %lt3A_70 = arith.cmpi slt, %scan3A_60, %lt3A : i32
      %convert_element_type3A_71 = arith.extui %lt3A_70 : i1 to i32
      %cond3A_72 = arith.constant 0 : i32
      %cond3A_73 = arith.cmpi ne, %convert_element_type3A_71, %cond3A_72 : i32
      scf.if %cond3A_73 {
        %add3A_89 = arith.constant 2 : i32
        %add3A_90 = arith.addi %add3A_63, %add3A_89 : i32
        %dma_start3A_91 = arith.constant 0 : i32
        %dma_start3A_92 = tpu.memref_slice %arg9[%add3A_90, %dma_start3A_91] : memref<80x128xi32, #tpu.memory_space<vmem>> -> memref<1x128xi32, #tpu.memory_space<vmem>>
        %dma_start3A_93 = tpu.memref_squeeze %dma_start3A_92 : memref<1x128xi32, #tpu.memory_space<vmem>> -> memref<128xi32, #tpu.memory_space<vmem>>
        %dma_start3A_94 = arith.constant 0 : i32
        %dma_start3A_95 = arith.constant 0 : i32
        %dma_start3A_96 = tpu.memref_slice %arg13[%dma_start3A_94, %dma_start3A_95] : memref<10240x24xf32, #tpu.memory_space<vmem_shared>> -> memref<10240x24xf32, #tpu.memory_space<vmem_shared>>
        tpu.enqueue_indirect_dma source(%dma_start3A_96 : memref<10240x24xf32, #tpu.memory_space<vmem_shared>>) target(%arg11 : memref<128x24xf32, #tpu.memory_space<vmem>>) offsets(%dma_start3A_93 : memref<128xi32, #tpu.memory_space<vmem>>) semaphore(%arg15 : memref<!tpu.dma_semaphore, #tpu.memory_space<semaphore_mem>>)
      } else {
      }
      %mul3A_74 = arith.constant 2 : i32
      %mul3A_75 = arith.muli %scan3A_60, %mul3A_74 : i32
      %add3A_76 = arith.constant 1 : i32
      %add3A_77 = arith.addi %mul3A_75, %add3A_76 : i32
      %dma_wait3A_78 = arith.constant 0 : i32
      %dma_wait3A_79 = tpu.memref_slice %arg9[%add3A_77, %dma_wait3A_78] : memref<80x128xi32, #tpu.memory_space<vmem>> -> memref<1x128xi32, #tpu.memory_space<vmem>>
      %dma_wait3A_80 = tpu.memref_squeeze %dma_wait3A_79 : memref<1x128xi32, #tpu.memory_space<vmem>> -> memref<128xi32, #tpu.memory_space<vmem>>
      %dma_wait3A_81 = arith.constant 0 : i32
      %dma_wait3A_82 = arith.constant 0 : i32
      %dma_wait3A_83 = tpu.memref_slice %arg13[%dma_wait3A_81, %dma_wait3A_82] : memref<10240x24xf32, #tpu.memory_space<vmem_shared>> -> memref<10240x24xf32, #tpu.memory_space<vmem_shared>>
      tpu.wait_indirect_dma semaphore(%arg16 : memref<!tpu.dma_semaphore, #tpu.memory_space<semaphore_mem>>) src(%dma_wait3A_83 : memref<10240x24xf32, #tpu.memory_space<vmem_shared>>) dst(%arg12 : memref<128x24xf32, #tpu.memory_space<vmem>>)
      "tpu.region"() ({
        %run_scoped3A = tpu.sem_alloc : memref<!tpu.dma_semaphore, #tpu.memory_space<semaphore_mem>>
        %dma_start3A_89 = arith.constant 0 : i32
        %dma_start3A_90 = tpu.memref_slice %arg10[%add3A_77, %dma_start3A_89] : memref<80x128xi32, #tpu.memory_space<vmem>> -> memref<1x128xi32, #tpu.memory_space<vmem>>
        %dma_start3A_91 = tpu.memref_squeeze %dma_start3A_90 : memref<1x128xi32, #tpu.memory_space<vmem>> -> memref<128xi32, #tpu.memory_space<vmem>>
        %dma_start3A_92 = arith.constant 0 : i32
        %dma_start3A_93 = arith.constant 0 : i32
        %dma_start3A_94 = tpu.memref_slice %arg14[%dma_start3A_92, %dma_start3A_93] : memref<10240x24xf32, #tpu.memory_space<vmem_shared>> -> memref<10240x24xf32, #tpu.memory_space<vmem_shared>>
        tpu.enqueue_indirect_dma source(%arg12 : memref<128x24xf32, #tpu.memory_space<vmem>>) target(%dma_start3A_94 : memref<10240x24xf32, #tpu.memory_space<vmem_shared>>) offsets(%dma_start3A_91 : memref<128xi32, #tpu.memory_space<vmem>>) semaphore(%run_scoped3A : memref<!tpu.dma_semaphore, #tpu.memory_space<semaphore_mem>>) {add = true}
        %dma_wait3A_95 = arith.constant 0 : i32
        %dma_wait3A_96 = tpu.memref_slice %arg10[%add3A_77, %dma_wait3A_95] : memref<80x128xi32, #tpu.memory_space<vmem>> -> memref<1x128xi32, #tpu.memory_space<vmem>>
        %dma_wait3A_97 = tpu.memref_squeeze %dma_wait3A_96 : memref<1x128xi32, #tpu.memory_space<vmem>> -> memref<128xi32, #tpu.memory_space<vmem>>
        %dma_wait3A_98 = arith.constant 0 : i32
        %dma_wait3A_99 = arith.constant 0 : i32
        %dma_wait3A_100 = tpu.memref_slice %arg14[%dma_wait3A_98, %dma_wait3A_99] : memref<10240x24xf32, #tpu.memory_space<vmem_shared>> -> memref<10240x24xf32, #tpu.memory_space<vmem_shared>>
        tpu.wait_indirect_dma semaphore(%run_scoped3A : memref<!tpu.dma_semaphore, #tpu.memory_space<semaphore_mem>>) src(%arg12 : memref<128x24xf32, #tpu.memory_space<vmem>>) dst(%dma_wait3A_100 : memref<10240x24xf32, #tpu.memory_space<vmem_shared>>)
        tpu.yield
      }) : () -> ()
      %lt3A_84 = arith.constant 39 : i32
      %lt3A_85 = arith.cmpi slt, %scan3A_60, %lt3A_84 : i32
      %convert_element_type3A_86 = arith.extui %lt3A_85 : i1 to i32
      %cond3A_87 = arith.constant 0 : i32
      %cond3A_88 = arith.cmpi ne, %convert_element_type3A_86, %cond3A_87 : i32
      scf.if %cond3A_88 {
        %add3A_89 = arith.constant 2 : i32
        %add3A_90 = arith.addi %add3A_77, %add3A_89 : i32
        %dma_start3A_91 = arith.constant 0 : i32
        %dma_start3A_92 = tpu.memref_slice %arg9[%add3A_90, %dma_start3A_91] : memref<80x128xi32, #tpu.memory_space<vmem>> -> memref<1x128xi32, #tpu.memory_space<vmem>>
        %dma_start3A_93 = tpu.memref_squeeze %dma_start3A_92 : memref<1x128xi32, #tpu.memory_space<vmem>> -> memref<128xi32, #tpu.memory_space<vmem>>
        %dma_start3A_94 = arith.constant 0 : i32
        %dma_start3A_95 = arith.constant 0 : i32
        %dma_start3A_96 = tpu.memref_slice %arg13[%dma_start3A_94, %dma_start3A_95] : memref<10240x24xf32, #tpu.memory_space<vmem_shared>> -> memref<10240x24xf32, #tpu.memory_space<vmem_shared>>
        tpu.enqueue_indirect_dma source(%dma_start3A_96 : memref<10240x24xf32, #tpu.memory_space<vmem_shared>>) target(%arg12 : memref<128x24xf32, #tpu.memory_space<vmem>>) offsets(%dma_start3A_93 : memref<128xi32, #tpu.memory_space<vmem>>) semaphore(%arg16 : memref<!tpu.dma_semaphore, #tpu.memory_space<semaphore_mem>>)
      } else {
      }
    }
    %scan3A_28 = arith.constant 40 : i32
    "tpu.region"() ({
      %run_scoped3A = tpu.sem_alloc : memref<!tpu.dma_semaphore, #tpu.memory_space<semaphore_mem>>
      %dma_start3A_60 = arith.constant 80 : i32
      %dma_start3A_61 = arith.constant 0 : i32
      %dma_start3A_62 = tpu.memref_slice %arg4[%arg1, %dma_start3A_60, %dma_start3A_61] : memref<16x160x128xi32, #tpu.memory_space<hbm>> -> memref<1x80x128xi32, #tpu.memory_space<hbm>>
      %dma_start3A_63 = tpu.memref_squeeze %dma_start3A_62 : memref<1x80x128xi32, #tpu.memory_space<hbm>> -> memref<80x128xi32, #tpu.memory_space<hbm>>
      %dma_start3A_64 = arith.constant 80 : i32
      %dma_start3A_65 = arith.constant 0 : i32
      %dma_start3A_66 = tpu.memref_slice %arg4[%arg1, %dma_start3A_64, %dma_start3A_65] : memref<16x160x128xi32, #tpu.memory_space<hbm>> -> memref<1x80x128xi32, #tpu.memory_space<hbm>>
      %dma_start3A_67 = tpu.memref_squeeze %dma_start3A_66 : memref<1x80x128xi32, #tpu.memory_space<hbm>> -> memref<80x128xi32, #tpu.memory_space<hbm>>
      tpu.enqueue_dma source(%dma_start3A_67 : memref<80x128xi32, #tpu.memory_space<hbm>>) target(%arg9 : memref<80x128xi32, #tpu.memory_space<vmem>>) target_semaphore(%run_scoped3A : memref<!tpu.dma_semaphore, #tpu.memory_space<semaphore_mem>>)
      %dma_wait3A_68 = arith.constant 80 : i32
      %dma_wait3A_69 = arith.constant 0 : i32
      %dma_wait3A_70 = tpu.memref_slice %arg4[%arg1, %dma_wait3A_68, %dma_wait3A_69] : memref<16x160x128xi32, #tpu.memory_space<hbm>> -> memref<1x80x128xi32, #tpu.memory_space<hbm>>
      %dma_wait3A_71 = tpu.memref_squeeze %dma_wait3A_70 : memref<1x80x128xi32, #tpu.memory_space<hbm>> -> memref<80x128xi32, #tpu.memory_space<hbm>>
      %dma_wait3A_72 = arith.constant 80 : i32
      %dma_wait3A_73 = arith.constant 0 : i32
      %dma_wait3A_74 = tpu.memref_slice %arg4[%arg1, %dma_wait3A_72, %dma_wait3A_73] : memref<16x160x128xi32, #tpu.memory_space<hbm>> -> memref<1x80x128xi32, #tpu.memory_space<hbm>>
      %dma_wait3A_75 = tpu.memref_squeeze %dma_wait3A_74 : memref<1x80x128xi32, #tpu.memory_space<hbm>> -> memref<80x128xi32, #tpu.memory_space<hbm>>
      tpu.wait_dma2 semaphore(%run_scoped3A : memref<!tpu.dma_semaphore, #tpu.memory_space<semaphore_mem>>) src(%dma_wait3A_75 : memref<80x128xi32, #tpu.memory_space<hbm>>) dst(%arg9 : memref<80x128xi32, #tpu.memory_space<vmem>>)
      tpu.yield
    }) : () -> ()
    "tpu.region"() ({
      %run_scoped3A = tpu.sem_alloc : memref<!tpu.dma_semaphore, #tpu.memory_space<semaphore_mem>>
      %dma_start3A_60 = arith.constant 80 : i32
      %dma_start3A_61 = arith.constant 0 : i32
      %dma_start3A_62 = tpu.memref_slice %arg5[%arg1, %dma_start3A_60, %dma_start3A_61] : memref<16x160x128xi32, #tpu.memory_space<hbm>> -> memref<1x80x128xi32, #tpu.memory_space<hbm>>
      %dma_start3A_63 = tpu.memref_squeeze %dma_start3A_62 : memref<1x80x128xi32, #tpu.memory_space<hbm>> -> memref<80x128xi32, #tpu.memory_space<hbm>>
      %dma_start3A_64 = arith.constant 80 : i32
      %dma_start3A_65 = arith.constant 0 : i32
      %dma_start3A_66 = tpu.memref_slice %arg5[%arg1, %dma_start3A_64, %dma_start3A_65] : memref<16x160x128xi32, #tpu.memory_space<hbm>> -> memref<1x80x128xi32, #tpu.memory_space<hbm>>
      %dma_start3A_67 = tpu.memref_squeeze %dma_start3A_66 : memref<1x80x128xi32, #tpu.memory_space<hbm>> -> memref<80x128xi32, #tpu.memory_space<hbm>>
      tpu.enqueue_dma source(%dma_start3A_67 : memref<80x128xi32, #tpu.memory_space<hbm>>) target(%arg10 : memref<80x128xi32, #tpu.memory_space<vmem>>) target_semaphore(%run_scoped3A : memref<!tpu.dma_semaphore, #tpu.memory_space<semaphore_mem>>)
      %dma_wait3A_68 = arith.constant 80 : i32
      %dma_wait3A_69 = arith.constant 0 : i32
      %dma_wait3A_70 = tpu.memref_slice %arg5[%arg1, %dma_wait3A_68, %dma_wait3A_69] : memref<16x160x128xi32, #tpu.memory_space<hbm>> -> memref<1x80x128xi32, #tpu.memory_space<hbm>>
      %dma_wait3A_71 = tpu.memref_squeeze %dma_wait3A_70 : memref<1x80x128xi32, #tpu.memory_space<hbm>> -> memref<80x128xi32, #tpu.memory_space<hbm>>
      %dma_wait3A_72 = arith.constant 80 : i32
      %dma_wait3A_73 = arith.constant 0 : i32
      %dma_wait3A_74 = tpu.memref_slice %arg5[%arg1, %dma_wait3A_72, %dma_wait3A_73] : memref<16x160x128xi32, #tpu.memory_space<hbm>> -> memref<1x80x128xi32, #tpu.memory_space<hbm>>
      %dma_wait3A_75 = tpu.memref_squeeze %dma_wait3A_74 : memref<1x80x128xi32, #tpu.memory_space<hbm>> -> memref<80x128xi32, #tpu.memory_space<hbm>>
      tpu.wait_dma2 semaphore(%run_scoped3A : memref<!tpu.dma_semaphore, #tpu.memory_space<semaphore_mem>>) src(%dma_wait3A_75 : memref<80x128xi32, #tpu.memory_space<hbm>>) dst(%arg10 : memref<80x128xi32, #tpu.memory_space<vmem>>)
      tpu.yield
    }) : () -> ()
    %dma_start3A_29 = arith.constant 0 : i32
    %dma_start3A_30 = arith.constant 0 : i32
    %dma_start3A_31 = tpu.memref_slice %arg9[%dma_start3A_29, %dma_start3A_30] : memref<80x128xi32, #tpu.memory_space<vmem>> -> memref<1x128xi32, #tpu.memory_space<vmem>>
    %dma_start3A_32 = tpu.memref_squeeze %dma_start3A_31 : memref<1x128xi32, #tpu.memory_space<vmem>> -> memref<128xi32, #tpu.memory_space<vmem>>
    %dma_start3A_33 = arith.constant 0 : i32
    %dma_start3A_34 = arith.constant 0 : i32
    %dma_start3A_35 = tpu.memref_slice %arg13[%dma_start3A_33, %dma_start3A_34] : memref<10240x24xf32, #tpu.memory_space<vmem_shared>> -> memref<10240x24xf32, #tpu.memory_space<vmem_shared>>
    tpu.enqueue_indirect_dma source(%dma_start3A_35 : memref<10240x24xf32, #tpu.memory_space<vmem_shared>>) target(%arg11 : memref<128x24xf32, #tpu.memory_space<vmem>>) offsets(%dma_start3A_32 : memref<128xi32, #tpu.memory_space<vmem>>) semaphore(%arg15 : memref<!tpu.dma_semaphore, #tpu.memory_space<semaphore_mem>>)
    %dma_start3A_36 = arith.constant 1 : i32
    %dma_start3A_37 = arith.constant 0 : i32
    %dma_start3A_38 = tpu.memref_slice %arg9[%dma_start3A_36, %dma_start3A_37] : memref<80x128xi32, #tpu.memory_space<vmem>> -> memref<1x128xi32, #tpu.memory_space<vmem>>
    %dma_start3A_39 = tpu.memref_squeeze %dma_start3A_38 : memref<1x128xi32, #tpu.memory_space<vmem>> -> memref<128xi32, #tpu.memory_space<vmem>>
    %dma_start3A_40 = arith.constant 0 : i32
    %dma_start3A_41 = arith.constant 0 : i32
    %dma_start3A_42 = tpu.memref_slice %arg13[%dma_start3A_40, %dma_start3A_41] : memref<10240x24xf32, #tpu.memory_space<vmem_shared>> -> memref<10240x24xf32, #tpu.memory_space<vmem_shared>>
    tpu.enqueue_indirect_dma source(%dma_start3A_42 : memref<10240x24xf32, #tpu.memory_space<vmem_shared>>) target(%arg12 : memref<128x24xf32, #tpu.memory_space<vmem>>) offsets(%dma_start3A_39 : memref<128xi32, #tpu.memory_space<vmem>>) semaphore(%arg16 : memref<!tpu.dma_semaphore, #tpu.memory_space<semaphore_mem>>)
    %scan3A_43 = arith.constant 0 : i32
    %scan3A_44 = arith.constant 0 : i32
    %scan3A_45 = arith.constant 40 : i32
    %scan3A_46 = arith.addi %scan3A_44, %scan3A_45 : i32
    %scan3A_47 = arith.constant 1 : i32
    scf.for %scan3A_60 = %scan3A_44 to %scan3A_46 step %scan3A_47  : i32 {
      %mul3A_61 = arith.constant 2 : i32
      %mul3A_62 = arith.muli %scan3A_60, %mul3A_61 : i32
      %add3A = arith.constant 0 : i32
      %add3A_63 = arith.addi %mul3A_62, %add3A : i32
      %dma_wait3A_64 = arith.constant 0 : i32
      %dma_wait3A_65 = tpu.memref_slice %arg9[%add3A_63, %dma_wait3A_64] : memref<80x128xi32, #tpu.memory_space<vmem>> -> memref<1x128xi32, #tpu.memory_space<vmem>>
      %dma_wait3A_66 = tpu.memref_squeeze %dma_wait3A_65 : memref<1x128xi32, #tpu.memory_space<vmem>> -> memref<128xi32, #tpu.memory_space<vmem>>
      %dma_wait3A_67 = arith.constant 0 : i32
      %dma_wait3A_68 = arith.constant 0 : i32
      %dma_wait3A_69 = tpu.memref_slice %arg13[%dma_wait3A_67, %dma_wait3A_68] : memref<10240x24xf32, #tpu.memory_space<vmem_shared>> -> memref<10240x24xf32, #tpu.memory_space<vmem_shared>>
      tpu.wait_indirect_dma semaphore(%arg15 : memref<!tpu.dma_semaphore, #tpu.memory_space<semaphore_mem>>) src(%dma_wait3A_69 : memref<10240x24xf32, #tpu.memory_space<vmem_shared>>) dst(%arg11 : memref<128x24xf32, #tpu.memory_space<vmem>>)
      "tpu.region"() ({
        %run_scoped3A = tpu.sem_alloc : memref<!tpu.dma_semaphore, #tpu.memory_space<semaphore_mem>>
        %dma_start3A_89 = arith.constant 0 : i32
        %dma_start3A_90 = tpu.memref_slice %arg10[%add3A_63, %dma_start3A_89] : memref<80x128xi32, #tpu.memory_space<vmem>> -> memref<1x128xi32, #tpu.memory_space<vmem>>
        %dma_start3A_91 = tpu.memref_squeeze %dma_start3A_90 : memref<1x128xi32, #tpu.memory_space<vmem>> -> memref<128xi32, #tpu.memory_space<vmem>>
        %dma_start3A_92 = arith.constant 0 : i32
        %dma_start3A_93 = arith.constant 0 : i32
        %dma_start3A_94 = tpu.memref_slice %arg14[%dma_start3A_92, %dma_start3A_93] : memref<10240x24xf32, #tpu.memory_space<vmem_shared>> -> memref<10240x24xf32, #tpu.memory_space<vmem_shared>>
        tpu.enqueue_indirect_dma source(%arg11 : memref<128x24xf32, #tpu.memory_space<vmem>>) target(%dma_start3A_94 : memref<10240x24xf32, #tpu.memory_space<vmem_shared>>) offsets(%dma_start3A_91 : memref<128xi32, #tpu.memory_space<vmem>>) semaphore(%run_scoped3A : memref<!tpu.dma_semaphore, #tpu.memory_space<semaphore_mem>>) {add = true}
        %dma_wait3A_95 = arith.constant 0 : i32
        %dma_wait3A_96 = tpu.memref_slice %arg10[%add3A_63, %dma_wait3A_95] : memref<80x128xi32, #tpu.memory_space<vmem>> -> memref<1x128xi32, #tpu.memory_space<vmem>>
        %dma_wait3A_97 = tpu.memref_squeeze %dma_wait3A_96 : memref<1x128xi32, #tpu.memory_space<vmem>> -> memref<128xi32, #tpu.memory_space<vmem>>
        %dma_wait3A_98 = arith.constant 0 : i32
        %dma_wait3A_99 = arith.constant 0 : i32
        %dma_wait3A_100 = tpu.memref_slice %arg14[%dma_wait3A_98, %dma_wait3A_99] : memref<10240x24xf32, #tpu.memory_space<vmem_shared>> -> memref<10240x24xf32, #tpu.memory_space<vmem_shared>>
        tpu.wait_indirect_dma semaphore(%run_scoped3A : memref<!tpu.dma_semaphore, #tpu.memory_space<semaphore_mem>>) src(%arg11 : memref<128x24xf32, #tpu.memory_space<vmem>>) dst(%dma_wait3A_100 : memref<10240x24xf32, #tpu.memory_space<vmem_shared>>)
        tpu.yield
      }) : () -> ()
      %lt3A = arith.constant 39 : i32
      %lt3A_70 = arith.cmpi slt, %scan3A_60, %lt3A : i32
      %convert_element_type3A_71 = arith.extui %lt3A_70 : i1 to i32
      %cond3A_72 = arith.constant 0 : i32
      %cond3A_73 = arith.cmpi ne, %convert_element_type3A_71, %cond3A_72 : i32
      scf.if %cond3A_73 {
        %add3A_89 = arith.constant 2 : i32
        %add3A_90 = arith.addi %add3A_63, %add3A_89 : i32
        %dma_start3A_91 = arith.constant 0 : i32
        %dma_start3A_92 = tpu.memref_slice %arg9[%add3A_90, %dma_start3A_91] : memref<80x128xi32, #tpu.memory_space<vmem>> -> memref<1x128xi32, #tpu.memory_space<vmem>>
        %dma_start3A_93 = tpu.memref_squeeze %dma_start3A_92 : memref<1x128xi32, #tpu.memory_space<vmem>> -> memref<128xi32, #tpu.memory_space<vmem>>
        %dma_start3A_94 = arith.constant 0 : i32
        %dma_start3A_95 = arith.constant 0 : i32
        %dma_start3A_96 = tpu.memref_slice %arg13[%dma_start3A_94, %dma_start3A_95] : memref<10240x24xf32, #tpu.memory_space<vmem_shared>> -> memref<10240x24xf32, #tpu.memory_space<vmem_shared>>
        tpu.enqueue_indirect_dma source(%dma_start3A_96 : memref<10240x24xf32, #tpu.memory_space<vmem_shared>>) target(%arg11 : memref<128x24xf32, #tpu.memory_space<vmem>>) offsets(%dma_start3A_93 : memref<128xi32, #tpu.memory_space<vmem>>) semaphore(%arg15 : memref<!tpu.dma_semaphore, #tpu.memory_space<semaphore_mem>>)
      } else {
      }
      %mul3A_74 = arith.constant 2 : i32
      %mul3A_75 = arith.muli %scan3A_60, %mul3A_74 : i32
      %add3A_76 = arith.constant 1 : i32
      %add3A_77 = arith.addi %mul3A_75, %add3A_76 : i32
      %dma_wait3A_78 = arith.constant 0 : i32
      %dma_wait3A_79 = tpu.memref_slice %arg9[%add3A_77, %dma_wait3A_78] : memref<80x128xi32, #tpu.memory_space<vmem>> -> memref<1x128xi32, #tpu.memory_space<vmem>>
      %dma_wait3A_80 = tpu.memref_squeeze %dma_wait3A_79 : memref<1x128xi32, #tpu.memory_space<vmem>> -> memref<128xi32, #tpu.memory_space<vmem>>
      %dma_wait3A_81 = arith.constant 0 : i32
      %dma_wait3A_82 = arith.constant 0 : i32
      %dma_wait3A_83 = tpu.memref_slice %arg13[%dma_wait3A_81, %dma_wait3A_82] : memref<10240x24xf32, #tpu.memory_space<vmem_shared>> -> memref<10240x24xf32, #tpu.memory_space<vmem_shared>>
      tpu.wait_indirect_dma semaphore(%arg16 : memref<!tpu.dma_semaphore, #tpu.memory_space<semaphore_mem>>) src(%dma_wait3A_83 : memref<10240x24xf32, #tpu.memory_space<vmem_shared>>) dst(%arg12 : memref<128x24xf32, #tpu.memory_space<vmem>>)
      "tpu.region"() ({
        %run_scoped3A = tpu.sem_alloc : memref<!tpu.dma_semaphore, #tpu.memory_space<semaphore_mem>>
        %dma_start3A_89 = arith.constant 0 : i32
        %dma_start3A_90 = tpu.memref_slice %arg10[%add3A_77, %dma_start3A_89] : memref<80x128xi32, #tpu.memory_space<vmem>> -> memref<1x128xi32, #tpu.memory_space<vmem>>
        %dma_start3A_91 = tpu.memref_squeeze %dma_start3A_90 : memref<1x128xi32, #tpu.memory_space<vmem>> -> memref<128xi32, #tpu.memory_space<vmem>>
        %dma_start3A_92 = arith.constant 0 : i32
        %dma_start3A_93 = arith.constant 0 : i32
        %dma_start3A_94 = tpu.memref_slice %arg14[%dma_start3A_92, %dma_start3A_93] : memref<10240x24xf32, #tpu.memory_space<vmem_shared>> -> memref<10240x24xf32, #tpu.memory_space<vmem_shared>>
        tpu.enqueue_indirect_dma source(%arg12 : memref<128x24xf32, #tpu.memory_space<vmem>>) target(%dma_start3A_94 : memref<10240x24xf32, #tpu.memory_space<vmem_shared>>) offsets(%dma_start3A_91 : memref<128xi32, #tpu.memory_space<vmem>>) semaphore(%run_scoped3A : memref<!tpu.dma_semaphore, #tpu.memory_space<semaphore_mem>>) {add = true}
        %dma_wait3A_95 = arith.constant 0 : i32
        %dma_wait3A_96 = tpu.memref_slice %arg10[%add3A_77, %dma_wait3A_95] : memref<80x128xi32, #tpu.memory_space<vmem>> -> memref<1x128xi32, #tpu.memory_space<vmem>>
        %dma_wait3A_97 = tpu.memref_squeeze %dma_wait3A_96 : memref<1x128xi32, #tpu.memory_space<vmem>> -> memref<128xi32, #tpu.memory_space<vmem>>
        %dma_wait3A_98 = arith.constant 0 : i32
        %dma_wait3A_99 = arith.constant 0 : i32
        %dma_wait3A_100 = tpu.memref_slice %arg14[%dma_wait3A_98, %dma_wait3A_99] : memref<10240x24xf32, #tpu.memory_space<vmem_shared>> -> memref<10240x24xf32, #tpu.memory_space<vmem_shared>>
        tpu.wait_indirect_dma semaphore(%run_scoped3A : memref<!tpu.dma_semaphore, #tpu.memory_space<semaphore_mem>>) src(%arg12 : memref<128x24xf32, #tpu.memory_space<vmem>>) dst(%dma_wait3A_100 : memref<10240x24xf32, #tpu.memory_space<vmem_shared>>)
        tpu.yield
      }) : () -> ()
      %lt3A_84 = arith.constant 39 : i32
      %lt3A_85 = arith.cmpi slt, %scan3A_60, %lt3A_84 : i32
      %convert_element_type3A_86 = arith.extui %lt3A_85 : i1 to i32
      %cond3A_87 = arith.constant 0 : i32
      %cond3A_88 = arith.cmpi ne, %convert_element_type3A_86, %cond3A_87 : i32
      scf.if %cond3A_88 {
        %add3A_89 = arith.constant 2 : i32
        %add3A_90 = arith.addi %add3A_77, %add3A_89 : i32
        %dma_start3A_91 = arith.constant 0 : i32
        %dma_start3A_92 = tpu.memref_slice %arg9[%add3A_90, %dma_start3A_91] : memref<80x128xi32, #tpu.memory_space<vmem>> -> memref<1x128xi32, #tpu.memory_space<vmem>>
        %dma_start3A_93 = tpu.memref_squeeze %dma_start3A_92 : memref<1x128xi32, #tpu.memory_space<vmem>> -> memref<128xi32, #tpu.memory_space<vmem>>
        %dma_start3A_94 = arith.constant 0 : i32
        %dma_start3A_95 = arith.constant 0 : i32
        %dma_start3A_96 = tpu.memref_slice %arg13[%dma_start3A_94, %dma_start3A_95] : memref<10240x24xf32, #tpu.memory_space<vmem_shared>> -> memref<10240x24xf32, #tpu.memory_space<vmem_shared>>
        tpu.enqueue_indirect_dma source(%dma_start3A_96 : memref<10240x24xf32, #tpu.memory_space<vmem_shared>>) target(%arg12 : memref<128x24xf32, #tpu.memory_space<vmem>>) offsets(%dma_start3A_93 : memref<128xi32, #tpu.memory_space<vmem>>) semaphore(%arg16 : memref<!tpu.dma_semaphore, #tpu.memory_space<semaphore_mem>>)
      } else {
      }
    }
    %scan3A_48 = arith.constant 40 : i32
    %barrier3A_49 = arith.constant 0 : index
    tpu.barrier barrier_id(%barrier3A_49)
    %eq3A_50 = arith.constant 0 : i32
    %eq3A_51 = arith.cmpi eq, %arg0, %eq3A_50 : i32
    %convert_element_type3A_52 = arith.extui %eq3A_51 : i1 to i32
    %cond3A_53 = arith.constant 0 : i32
    %cond3A_54 = arith.cmpi ne, %convert_element_type3A_52, %cond3A_53 : i32
    scf.if %cond3A_54 {
      "tpu.region"() ({
        %run_scoped3A = tpu.sem_alloc : memref<!tpu.dma_semaphore, #tpu.memory_space<semaphore_mem>>
        %dma_start3A_60 = arith.constant 0 : i32
        %dma_start3A_61 = tpu.memref_slice %arg7[%multiple_of3A, %dma_start3A_60] : memref<10240x24xf32, #tpu.memory_space<hbm>> -> memref<640x24xf32, #tpu.memory_space<hbm>>
        %dma_start3A_62 = arith.constant 0 : i32
        %dma_start3A_63 = tpu.memref_slice %arg14[%multiple_of3A, %dma_start3A_62] : memref<10240x24xf32, #tpu.memory_space<vmem_shared>> -> memref<640x24xf32, #tpu.memory_space<vmem_shared>>
        tpu.enqueue_dma source(%dma_start3A_63 : memref<640x24xf32, #tpu.memory_space<vmem_shared>>) target(%dma_start3A_61 : memref<640x24xf32, #tpu.memory_space<hbm>>) target_semaphore(%run_scoped3A : memref<!tpu.dma_semaphore, #tpu.memory_space<semaphore_mem>>)
        %dma_wait3A_64 = arith.constant 0 : i32
        %dma_wait3A_65 = tpu.memref_slice %arg7[%multiple_of3A, %dma_wait3A_64] : memref<10240x24xf32, #tpu.memory_space<hbm>> -> memref<640x24xf32, #tpu.memory_space<hbm>>
        %dma_wait3A_66 = arith.constant 0 : i32
        %dma_wait3A_67 = tpu.memref_slice %arg14[%multiple_of3A, %dma_wait3A_66] : memref<10240x24xf32, #tpu.memory_space<vmem_shared>> -> memref<640x24xf32, #tpu.memory_space<vmem_shared>>
        tpu.wait_dma2 semaphore(%run_scoped3A : memref<!tpu.dma_semaphore, #tpu.memory_space<semaphore_mem>>) src(%dma_wait3A_67 : memref<640x24xf32, #tpu.memory_space<vmem_shared>>) dst(%dma_wait3A_65 : memref<640x24xf32, #tpu.memory_space<hbm>>)
        tpu.yield
      }) : () -> ()
    } else {
    }
    %eq3A_55 = arith.constant 1 : i32
    %eq3A_56 = arith.cmpi eq, %arg0, %eq3A_55 : i32
    %convert_element_type3A_57 = arith.extui %eq3A_56 : i1 to i32
    %cond3A_58 = arith.constant 0 : i32
    %cond3A_59 = arith.cmpi ne, %convert_element_type3A_57, %cond3A_58 : i32
    scf.if %cond3A_59 {
      "tpu.region"() ({
        %run_scoped3A = tpu.sem_alloc : memref<!tpu.dma_semaphore, #tpu.memory_space<semaphore_mem>>
        %dma_start3A_60 = arith.constant 0 : i32
        %dma_start3A_61 = tpu.memref_slice %arg8[%multiple_of3A, %dma_start3A_60] : memref<10240x24xf32, #tpu.memory_space<hbm>> -> memref<640x24xf32, #tpu.memory_space<hbm>>
        %dma_start3A_62 = arith.constant 0 : i32
        %dma_start3A_63 = tpu.memref_slice %arg14[%multiple_of3A, %dma_start3A_62] : memref<10240x24xf32, #tpu.memory_space<vmem_shared>> -> memref<640x24xf32, #tpu.memory_space<vmem_shared>>
        tpu.enqueue_dma source(%dma_start3A_63 : memref<640x24xf32, #tpu.memory_space<vmem_shared>>) target(%dma_start3A_61 : memref<640x24xf32, #tpu.memory_space<hbm>>) target_semaphore(%run_scoped3A : memref<!tpu.dma_semaphore, #tpu.memory_space<semaphore_mem>>)
        %dma_wait3A_64 = arith.constant 0 : i32
        %dma_wait3A_65 = tpu.memref_slice %arg8[%multiple_of3A, %dma_wait3A_64] : memref<10240x24xf32, #tpu.memory_space<hbm>> -> memref<640x24xf32, #tpu.memory_space<hbm>>
        %dma_wait3A_66 = arith.constant 0 : i32
        %dma_wait3A_67 = tpu.memref_slice %arg14[%multiple_of3A, %dma_wait3A_66] : memref<10240x24xf32, #tpu.memory_space<vmem_shared>> -> memref<640x24xf32, #tpu.memory_space<vmem_shared>>
        tpu.wait_dma2 semaphore(%run_scoped3A : memref<!tpu.dma_semaphore, #tpu.memory_space<semaphore_mem>>) src(%dma_wait3A_67 : memref<640x24xf32, #tpu.memory_space<vmem_shared>>) dst(%dma_wait3A_65 : memref<640x24xf32, #tpu.memory_space<hbm>>)
        tpu.yield
      }) : () -> ()
    } else {
    }
    return
  }
}

module attributes {stable_mosaic.version = 14 : i64} {
  func.func @_tc1_body(%arg0: i32, %arg1: memref<2048x128xf32, #tpu.memory_space<vmem>>, %arg2: memref<128x128xf32, #tpu.memory_space<vmem>>, %arg3: memref<2048x64xf32, #tpu.memory_space<vmem>>, %arg4: memref<2048x64xf32, #tpu.memory_space<vmem>>) attributes {dimension_semantics = [#tpu.dimension_semantics<arbitrary>], iteration_bounds = array<i64: 5>, scalar_prefetch = 0 : i64, scratch_operands = 0 : i64, tpu.core_type = #tpu.core_type<tc>, window_params = [{transform_indices = @transform_0, window_bounds = array<i64: 2048, 128>}, {pipeline_mode = #tpu.pipeline_mode<synchronous>, transform_indices = @transform_1, window_bounds = array<i64: 128, 128>}, {transform_indices = @transform_2, window_bounds = array<i64: 2048, 64>}, {transform_indices = @transform_3, window_bounds = array<i64: 2048, 64>}]} {
    %get3A = arith.constant 0 : index
    %get3A_0 = arith.constant 0 : index
    %get3A_1 = vector.load %arg1[%get3A, %get3A_0] : memref<2048x128xf32, #tpu.memory_space<vmem>>, vector<2048x128xf32>
    %get3A_2 = arith.constant 0 : index
    %get3A_3 = arith.constant 0 : index
    %get3A_4 = vector.load %arg2[%get3A_2, %get3A_3] : memref<128x128xf32, #tpu.memory_space<vmem>>, vector<128x128xf32>
    %dot_general3A = arith.constant dense<0.000000e+00> : vector<2048x128xf32>
    %dot_general3A_5 = tpu.matmul %get3A_1, %get3A_4, %dot_general3A {dimension_numbers = #tpu.dot_dimension_numbers<[1], [0], [0], [1], [0, 0, 1, 1], [], []>, transpose_lhs_hint = false} : vector<2048x128xf32>, vector<128x128xf32>, vector<2048x128xf32> -> vector<2048x128xf32>
    %slice3A = vector.extract_strided_slice %dot_general3A_5 {offsets = [0, 0], sizes = [2048, 64], strides = [1, 1]} : vector<2048x128xf32> to vector<2048x64xf32>
    %swap3A = arith.constant 0 : index
    %swap3A_6 = arith.constant 0 : index
    %swap3A_7 = vector.load %arg3[%swap3A, %swap3A_6] : memref<2048x64xf32, #tpu.memory_space<vmem>>, vector<2048x64xf32>
    tpu.vector_store %arg3[%swap3A, %swap3A_6], %slice3A {strides = array<i32>} : memref<2048x64xf32, #tpu.memory_space<vmem>>, vector<2048x64xf32>,
    %slice3A_8 = vector.extract_strided_slice %dot_general3A_5 {offsets = [0, 64], sizes = [2048, 64], strides = [1, 1]} : vector<2048x128xf32> to vector<2048x64xf32>
    %swap3A_9 = arith.constant 0 : index
    %swap3A_10 = arith.constant 0 : index
    %swap3A_11 = vector.load %arg4[%swap3A_9, %swap3A_10] : memref<2048x64xf32, #tpu.memory_space<vmem>>, vector<2048x64xf32>
    tpu.vector_store %arg4[%swap3A_9, %swap3A_10], %slice3A_8 {strides = array<i32>} : memref<2048x64xf32, #tpu.memory_space<vmem>>, vector<2048x64xf32>,
    return
  }
  func.func @transform_0(%arg0: i32) -> (i32, i32) {
    %c0_i32 = arith.constant 0 : i32
    %c0_i32_0 = arith.constant 0 : i32
    return %arg0, %c0_i32 : i32, i32
  }
  func.func @transform_1(%arg0: i32) -> (i32, i32) {
    %c0_i32 = arith.constant 0 : i32
    %c0_i32_0 = arith.constant 0 : i32
    %c0_i32_1 = arith.constant 0 : i32
    return %c0_i32, %c0_i32_0 : i32, i32
  }
  func.func @transform_2(%arg0: i32) -> (i32, i32) {
    %c0_i32 = arith.constant 0 : i32
    %c0_i32_0 = arith.constant 0 : i32
    return %arg0, %c0_i32 : i32, i32
  }
  func.func @transform_3(%arg0: i32) -> (i32, i32) {
    %c0_i32 = arith.constant 0 : i32
    %c0_i32_0 = arith.constant 0 : i32
    return %arg0, %c0_i32 : i32, i32
  }
}

module attributes {stable_mosaic.version = 14 : i64} {
  func.func @_tc2_body(%arg0: i32, %arg1: memref<2048x64xf32, #tpu.memory_space<vmem>>, %arg2: memref<2048x64xf32, #tpu.memory_space<vmem>>, %arg3: memref<2048x16xf32, #tpu.memory_space<vmem>>, %arg4: memref<128x128xf32, #tpu.memory_space<vmem>>, %arg5: memref<2048x64xf32, #tpu.memory_space<vmem>>, %arg6: memref<2048x64xf32, #tpu.memory_space<vmem>>) attributes {dimension_semantics = [#tpu.dimension_semantics<arbitrary>], iteration_bounds = array<i64: 5>, scalar_prefetch = 0 : i64, scratch_operands = 0 : i64, tpu.core_type = #tpu.core_type<tc>, window_params = [{transform_indices = @transform_0, window_bounds = array<i64: 2048, 64>}, {transform_indices = @transform_1, window_bounds = array<i64: 2048, 64>}, {transform_indices = @transform_2, window_bounds = array<i64: 2048, 16>}, {pipeline_mode = #tpu.pipeline_mode<synchronous>, transform_indices = @transform_3, window_bounds = array<i64: 128, 128>}, {transform_indices = @transform_4, window_bounds = array<i64: 2048, 64>}, {transform_indices = @transform_5, window_bounds = array<i64: 2048, 64>}]} {
    %get3A = arith.constant 0 : index
    %get3A_0 = arith.constant 0 : index
    %get3A_1 = vector.load %arg3[%get3A, %get3A_0] : memref<2048x16xf32, #tpu.memory_space<vmem>>, vector<2048x16xf32>
    %slice3A = vector.extract_strided_slice %get3A_1 {offsets = [0, 0], sizes = [2048, 1], strides = [1, 1]} : vector<2048x16xf32> to vector<2048x1xf32>
    %get3A_2 = arith.constant 0 : index
    %get3A_3 = arith.constant 0 : index
    %get3A_4 = vector.load %arg1[%get3A_2, %get3A_3] : memref<2048x64xf32, #tpu.memory_space<vmem>>, vector<2048x64xf32>
    %get3A_5 = arith.constant 0 : index
    %get3A_6 = arith.constant 0 : index
    %get3A_7 = vector.load %arg2[%get3A_5, %get3A_6] : memref<2048x64xf32, #tpu.memory_space<vmem>>, vector<2048x64xf32>
    %concatenate3A = tpu.concatenate %get3A_4, %get3A_7 in 1 : vector<2048x64xf32>, vector<2048x64xf32> -> vector<2048x128xf32>
    %max3A = arith.constant 1.000000e+00 : f32
    %max3A_8 = vector.broadcast %max3A : f32 to vector<2048x1xf32>
    %max3A_9 = arith.maximumf %slice3A, %max3A_8 : vector<2048x1xf32>
    %div3A = vector.broadcast %max3A_9 : vector<2048x1xf32> to vector<2048x128xf32>
    %div3A_10 = arith.divf %concatenate3A, %div3A : vector<2048x128xf32>
    %max3A_11 = arith.constant 0.000000e+00 : f32
    %max3A_12 = vector.broadcast %max3A_11 : f32 to vector<2048x128xf32>
    %max3A_13 = arith.maximumf %div3A_10, %max3A_12 : vector<2048x128xf32>
    %get3A_14 = arith.constant 0 : index
    %get3A_15 = arith.constant 0 : index
    %get3A_16 = vector.load %arg4[%get3A_14, %get3A_15] : memref<128x128xf32, #tpu.memory_space<vmem>>, vector<128x128xf32>
    %dot_general3A = arith.constant dense<0.000000e+00> : vector<2048x128xf32>
    %dot_general3A_17 = tpu.matmul %max3A_13, %get3A_16, %dot_general3A {dimension_numbers = #tpu.dot_dimension_numbers<[1], [0], [0], [1], [0, 0, 1, 1], [], []>, transpose_lhs_hint = false} : vector<2048x128xf32>, vector<128x128xf32>, vector<2048x128xf32> -> vector<2048x128xf32>
    %slice3A_18 = vector.extract_strided_slice %dot_general3A_17 {offsets = [0, 0], sizes = [2048, 64], strides = [1, 1]} : vector<2048x128xf32> to vector<2048x64xf32>
    %swap3A = arith.constant 0 : index
    %swap3A_19 = arith.constant 0 : index
    %swap3A_20 = vector.load %arg5[%swap3A, %swap3A_19] : memref<2048x64xf32, #tpu.memory_space<vmem>>, vector<2048x64xf32>
    tpu.vector_store %arg5[%swap3A, %swap3A_19], %slice3A_18 {strides = array<i32>} : memref<2048x64xf32, #tpu.memory_space<vmem>>, vector<2048x64xf32>,
    %slice3A_21 = vector.extract_strided_slice %dot_general3A_17 {offsets = [0, 64], sizes = [2048, 64], strides = [1, 1]} : vector<2048x128xf32> to vector<2048x64xf32>
    %swap3A_22 = arith.constant 0 : index
    %swap3A_23 = arith.constant 0 : index
    %swap3A_24 = vector.load %arg6[%swap3A_22, %swap3A_23] : memref<2048x64xf32, #tpu.memory_space<vmem>>, vector<2048x64xf32>
    tpu.vector_store %arg6[%swap3A_22, %swap3A_23], %slice3A_21 {strides = array<i32>} : memref<2048x64xf32, #tpu.memory_space<vmem>>, vector<2048x64xf32>,
    return
  }
  func.func @transform_0(%arg0: i32) -> (i32, i32) {
    %c0_i32 = arith.constant 0 : i32
    %c0_i32_0 = arith.constant 0 : i32
    return %arg0, %c0_i32 : i32, i32
  }
  func.func @transform_1(%arg0: i32) -> (i32, i32) {
    %c0_i32 = arith.constant 0 : i32
    %c0_i32_0 = arith.constant 0 : i32
    return %arg0, %c0_i32 : i32, i32
  }
  func.func @transform_2(%arg0: i32) -> (i32, i32) {
    %c0_i32 = arith.constant 0 : i32
    %c0_i32_0 = arith.constant 0 : i32
    return %arg0, %c0_i32 : i32, i32
  }
  func.func @transform_3(%arg0: i32) -> (i32, i32) {
    %c0_i32 = arith.constant 0 : i32
    %c0_i32_0 = arith.constant 0 : i32
    %c0_i32_1 = arith.constant 0 : i32
    return %c0_i32, %c0_i32_0 : i32, i32
  }
  func.func @transform_4(%arg0: i32) -> (i32, i32) {
    %c0_i32 = arith.constant 0 : i32
    %c0_i32_0 = arith.constant 0 : i32
    return %arg0, %c0_i32 : i32, i32
  }
  func.func @transform_5(%arg0: i32) -> (i32, i32) {
    %c0_i32 = arith.constant 0 : i32
    %c0_i32_0 = arith.constant 0 : i32
    return %arg0, %c0_i32 : i32, i32
  }
}

module attributes {stable_mosaic.version = 14 : i64} {
  func.func @_tc3_body(%arg0: i32, %arg1: memref<2048x64xf32, #tpu.memory_space<vmem>>, %arg2: memref<2048x64xf32, #tpu.memory_space<vmem>>, %arg3: memref<2048x16xf32, #tpu.memory_space<vmem>>, %arg4: memref<1x128xf32, #tpu.memory_space<vmem>>, %arg5: memref<1x128xf32, #tpu.memory_space<vmem>>, %arg6: memref<128x48xf32, #tpu.memory_space<vmem>>, %arg7: memref<2048x24xf32, #tpu.memory_space<vmem>>, %arg8: memref<2048x24xf32, #tpu.memory_space<vmem>>) attributes {dimension_semantics = [#tpu.dimension_semantics<arbitrary>], iteration_bounds = array<i64: 5>, scalar_prefetch = 0 : i64, scratch_operands = 0 : i64, tpu.core_type = #tpu.core_type<tc>, window_params = [{transform_indices = @transform_0, window_bounds = array<i64: 2048, 64>}, {transform_indices = @transform_1, window_bounds = array<i64: 2048, 64>}, {transform_indices = @transform_2, window_bounds = array<i64: 2048, 16>}, {pipeline_mode = #tpu.pipeline_mode<synchronous>, transform_indices = @transform_3, window_bounds = array<i64: 1, 128>}, {pipeline_mode = #tpu.pipeline_mode<synchronous>, transform_indices = @transform_4, window_bounds = array<i64: 1, 128>}, {pipeline_mode = #tpu.pipeline_mode<synchronous>, transform_indices = @transform_5, window_bounds = array<i64: 128, 48>}, {transform_indices = @transform_6, window_bounds = array<i64: 2048, 24>}, {transform_indices = @transform_7, window_bounds = array<i64: 2048, 24>}]} {
    %get3A = arith.constant 0 : index
    %get3A_0 = arith.constant 0 : index
    %get3A_1 = vector.load %arg3[%get3A, %get3A_0] : memref<2048x16xf32, #tpu.memory_space<vmem>>, vector<2048x16xf32>
    %slice3A = vector.extract_strided_slice %get3A_1 {offsets = [0, 0], sizes = [2048, 1], strides = [1, 1]} : vector<2048x16xf32> to vector<2048x1xf32>
    %get3A_2 = arith.constant 0 : index
    %get3A_3 = arith.constant 0 : index
    %get3A_4 = vector.load %arg1[%get3A_2, %get3A_3] : memref<2048x64xf32, #tpu.memory_space<vmem>>, vector<2048x64xf32>
    %get3A_5 = arith.constant 0 : index
    %get3A_6 = arith.constant 0 : index
    %get3A_7 = vector.load %arg2[%get3A_5, %get3A_6] : memref<2048x64xf32, #tpu.memory_space<vmem>>, vector<2048x64xf32>
    %concatenate3A = tpu.concatenate %get3A_4, %get3A_7 in 1 : vector<2048x64xf32>, vector<2048x64xf32> -> vector<2048x128xf32>
    %max3A = arith.constant 1.000000e+00 : f32
    %max3A_8 = vector.broadcast %max3A : f32 to vector<2048x1xf32>
    %max3A_9 = arith.maximumf %slice3A, %max3A_8 : vector<2048x1xf32>
    %div3A = vector.broadcast %max3A_9 : vector<2048x1xf32> to vector<2048x128xf32>
    %div3A_10 = arith.divf %concatenate3A, %div3A : vector<2048x128xf32>
    %max3A_11 = arith.constant 0.000000e+00 : f32
    %max3A_12 = vector.broadcast %max3A_11 : f32 to vector<2048x128xf32>
    %max3A_13 = arith.maximumf %div3A_10, %max3A_12 : vector<2048x128xf32>
    %get3A_14 = arith.constant 0 : index
    %get3A_15 = arith.constant 0 : index
    %get3A_16 = vector.load %arg4[%get3A_14, %get3A_15] : memref<1x128xf32, #tpu.memory_space<vmem>>, vector<1x128xf32>
    %mul3A = arith.constant 0.999994993 : f32
    %mul3A_17 = vector.broadcast %mul3A : f32 to vector<1x128xf32>
    %mul3A_18 = arith.mulf %get3A_16, %mul3A_17 : vector<1x128xf32>
    %mul3A_19 = vector.broadcast %mul3A_18 : vector<1x128xf32> to vector<2048x128xf32>
    %mul3A_20 = arith.mulf %max3A_13, %mul3A_19 : vector<2048x128xf32>
    %get3A_21 = arith.constant 0 : index
    %get3A_22 = arith.constant 0 : index
    %get3A_23 = vector.load %arg5[%get3A_21, %get3A_22] : memref<1x128xf32, #tpu.memory_space<vmem>>, vector<1x128xf32>
    %add3A = vector.broadcast %get3A_23 : vector<1x128xf32> to vector<2048x128xf32>
    %add3A_24 = arith.addf %mul3A_20, %add3A : vector<2048x128xf32>
    %get3A_25 = arith.constant 0 : index
    %get3A_26 = arith.constant 0 : index
    %get3A_27 = vector.load %arg6[%get3A_25, %get3A_26] : memref<128x48xf32, #tpu.memory_space<vmem>>, vector<128x48xf32>
    %dot_general3A = arith.constant dense<0.000000e+00> : vector<2048x48xf32>
    %dot_general3A_28 = tpu.matmul %add3A_24, %get3A_27, %dot_general3A {dimension_numbers = #tpu.dot_dimension_numbers<[1], [0], [0], [1], [0, 0, 1, 1], [], []>, transpose_lhs_hint = false} : vector<2048x128xf32>, vector<128x48xf32>, vector<2048x48xf32> -> vector<2048x48xf32>
    %slice3A_29 = vector.extract_strided_slice %dot_general3A_28 {offsets = [0, 0], sizes = [2048, 24], strides = [1, 1]} : vector<2048x48xf32> to vector<2048x24xf32>
    %swap3A = arith.constant 0 : index
    %swap3A_30 = arith.constant 0 : index
    %swap3A_31 = vector.load %arg7[%swap3A, %swap3A_30] : memref<2048x24xf32, #tpu.memory_space<vmem>>, vector<2048x24xf32>
    tpu.vector_store %arg7[%swap3A, %swap3A_30], %slice3A_29 {strides = array<i32>} : memref<2048x24xf32, #tpu.memory_space<vmem>>, vector<2048x24xf32>,
    %slice3A_32 = vector.extract_strided_slice %dot_general3A_28 {offsets = [0, 24], sizes = [2048, 24], strides = [1, 1]} : vector<2048x48xf32> to vector<2048x24xf32>
    %swap3A_33 = arith.constant 0 : index
    %swap3A_34 = arith.constant 0 : index
    %swap3A_35 = vector.load %arg8[%swap3A_33, %swap3A_34] : memref<2048x24xf32, #tpu.memory_space<vmem>>, vector<2048x24xf32>
    tpu.vector_store %arg8[%swap3A_33, %swap3A_34], %slice3A_32 {strides = array<i32>} : memref<2048x24xf32, #tpu.memory_space<vmem>>, vector<2048x24xf32>,
    return
  }
  func.func @transform_0(%arg0: i32) -> (i32, i32) {
    %c0_i32 = arith.constant 0 : i32
    %c0_i32_0 = arith.constant 0 : i32
    return %arg0, %c0_i32 : i32, i32
  }
  func.func @transform_1(%arg0: i32) -> (i32, i32) {
    %c0_i32 = arith.constant 0 : i32
    %c0_i32_0 = arith.constant 0 : i32
    return %arg0, %c0_i32 : i32, i32
  }
  func.func @transform_2(%arg0: i32) -> (i32, i32) {
    %c0_i32 = arith.constant 0 : i32
    %c0_i32_0 = arith.constant 0 : i32
    return %arg0, %c0_i32 : i32, i32
  }
  func.func @transform_3(%arg0: i32) -> (i32, i32) {
    %c0_i32 = arith.constant 0 : i32
    %c0_i32_0 = arith.constant 0 : i32
    %c0_i32_1 = arith.constant 0 : i32
    return %c0_i32, %c0_i32_0 : i32, i32
  }
  func.func @transform_4(%arg0: i32) -> (i32, i32) {
    %c0_i32 = arith.constant 0 : i32
    %c0_i32_0 = arith.constant 0 : i32
    %c0_i32_1 = arith.constant 0 : i32
    return %c0_i32, %c0_i32_0 : i32, i32
  }
  func.func @transform_5(%arg0: i32) -> (i32, i32) {
    %c0_i32 = arith.constant 0 : i32
    %c0_i32_0 = arith.constant 0 : i32
    %c0_i32_1 = arith.constant 0 : i32
    return %c0_i32, %c0_i32_0 : i32, i32
  }
  func.func @transform_6(%arg0: i32) -> (i32, i32) {
    %c0_i32 = arith.constant 0 : i32
    %c0_i32_0 = arith.constant 0 : i32
    return %arg0, %c0_i32 : i32, i32
  }
  func.func @transform_7(%arg0: i32) -> (i32, i32) {
    %c0_i32 = arith.constant 0 : i32
    %c0_i32_0 = arith.constant 0 : i32
    return %arg0, %c0_i32 : i32, i32
  }
}

module attributes {stable_mosaic.version = 14 : i64} {
  func.func @_tc4_body(%arg0: i32, %arg1: memref<2048x24xf32, #tpu.memory_space<vmem>>, %arg2: memref<2048x24xf32, #tpu.memory_space<vmem>>, %arg3: memref<2048x16xf32, #tpu.memory_space<vmem>>, %arg4: memref<48x48xf32, #tpu.memory_space<vmem>>, %arg5: memref<2048x24xf32, #tpu.memory_space<vmem>>, %arg6: memref<2048x24xf32, #tpu.memory_space<vmem>>) attributes {dimension_semantics = [#tpu.dimension_semantics<arbitrary>], iteration_bounds = array<i64: 5>, scalar_prefetch = 0 : i64, scratch_operands = 0 : i64, tpu.core_type = #tpu.core_type<tc>, window_params = [{transform_indices = @transform_0, window_bounds = array<i64: 2048, 24>}, {transform_indices = @transform_1, window_bounds = array<i64: 2048, 24>}, {transform_indices = @transform_2, window_bounds = array<i64: 2048, 16>}, {pipeline_mode = #tpu.pipeline_mode<synchronous>, transform_indices = @transform_3, window_bounds = array<i64: 48, 48>}, {transform_indices = @transform_4, window_bounds = array<i64: 2048, 24>}, {transform_indices = @transform_5, window_bounds = array<i64: 2048, 24>}]} {
    %get3A = arith.constant 0 : index
    %get3A_0 = arith.constant 0 : index
    %get3A_1 = vector.load %arg3[%get3A, %get3A_0] : memref<2048x16xf32, #tpu.memory_space<vmem>>, vector<2048x16xf32>
    %slice3A = vector.extract_strided_slice %get3A_1 {offsets = [0, 0], sizes = [2048, 1], strides = [1, 1]} : vector<2048x16xf32> to vector<2048x1xf32>
    %get3A_2 = arith.constant 0 : index
    %get3A_3 = arith.constant 0 : index
    %get3A_4 = vector.load %arg1[%get3A_2, %get3A_3] : memref<2048x24xf32, #tpu.memory_space<vmem>>, vector<2048x24xf32>
    %get3A_5 = arith.constant 0 : index
    %get3A_6 = arith.constant 0 : index
    %get3A_7 = vector.load %arg2[%get3A_5, %get3A_6] : memref<2048x24xf32, #tpu.memory_space<vmem>>, vector<2048x24xf32>
    %concatenate3A = tpu.concatenate %get3A_4, %get3A_7 in 1 : vector<2048x24xf32>, vector<2048x24xf32> -> vector<2048x48xf32>
    %max3A = arith.constant 1.000000e+00 : f32
    %max3A_8 = vector.broadcast %max3A : f32 to vector<2048x1xf32>
    %max3A_9 = arith.maximumf %slice3A, %max3A_8 : vector<2048x1xf32>
    %div3A = vector.broadcast %max3A_9 : vector<2048x1xf32> to vector<2048x48xf32>
    %div3A_10 = arith.divf %concatenate3A, %div3A : vector<2048x48xf32>
    %max3A_11 = arith.constant 0.000000e+00 : f32
    %max3A_12 = vector.broadcast %max3A_11 : f32 to vector<2048x48xf32>
    %max3A_13 = arith.maximumf %div3A_10, %max3A_12 : vector<2048x48xf32>
    %get3A_14 = arith.constant 0 : index
    %get3A_15 = arith.constant 0 : index
    %get3A_16 = vector.load %arg4[%get3A_14, %get3A_15] : memref<48x48xf32, #tpu.memory_space<vmem>>, vector<48x48xf32>
    %dot_general3A = arith.constant dense<0.000000e+00> : vector<2048x48xf32>
    %dot_general3A_17 = tpu.matmul %max3A_13, %get3A_16, %dot_general3A {dimension_numbers = #tpu.dot_dimension_numbers<[1], [0], [0], [1], [0, 0, 1, 1], [], []>, transpose_lhs_hint = false} : vector<2048x48xf32>, vector<48x48xf32>, vector<2048x48xf32> -> vector<2048x48xf32>
    %slice3A_18 = vector.extract_strided_slice %dot_general3A_17 {offsets = [0, 0], sizes = [2048, 24], strides = [1, 1]} : vector<2048x48xf32> to vector<2048x24xf32>
    %swap3A = arith.constant 0 : index
    %swap3A_19 = arith.constant 0 : index
    %swap3A_20 = vector.load %arg5[%swap3A, %swap3A_19] : memref<2048x24xf32, #tpu.memory_space<vmem>>, vector<2048x24xf32>
    tpu.vector_store %arg5[%swap3A, %swap3A_19], %slice3A_18 {strides = array<i32>} : memref<2048x24xf32, #tpu.memory_space<vmem>>, vector<2048x24xf32>,
    %slice3A_21 = vector.extract_strided_slice %dot_general3A_17 {offsets = [0, 24], sizes = [2048, 24], strides = [1, 1]} : vector<2048x48xf32> to vector<2048x24xf32>
    %swap3A_22 = arith.constant 0 : index
    %swap3A_23 = arith.constant 0 : index
    %swap3A_24 = vector.load %arg6[%swap3A_22, %swap3A_23] : memref<2048x24xf32, #tpu.memory_space<vmem>>, vector<2048x24xf32>
    tpu.vector_store %arg6[%swap3A_22, %swap3A_23], %slice3A_21 {strides = array<i32>} : memref<2048x24xf32, #tpu.memory_space<vmem>>, vector<2048x24xf32>,
    return
  }
  func.func @transform_0(%arg0: i32) -> (i32, i32) {
    %c0_i32 = arith.constant 0 : i32
    %c0_i32_0 = arith.constant 0 : i32
    return %arg0, %c0_i32 : i32, i32
  }
  func.func @transform_1(%arg0: i32) -> (i32, i32) {
    %c0_i32 = arith.constant 0 : i32
    %c0_i32_0 = arith.constant 0 : i32
    return %arg0, %c0_i32 : i32, i32
  }
  func.func @transform_2(%arg0: i32) -> (i32, i32) {
    %c0_i32 = arith.constant 0 : i32
    %c0_i32_0 = arith.constant 0 : i32
    return %arg0, %c0_i32 : i32, i32
  }
  func.func @transform_3(%arg0: i32) -> (i32, i32) {
    %c0_i32 = arith.constant 0 : i32
    %c0_i32_0 = arith.constant 0 : i32
    %c0_i32_1 = arith.constant 0 : i32
    return %c0_i32, %c0_i32_0 : i32, i32
  }
  func.func @transform_4(%arg0: i32) -> (i32, i32) {
    %c0_i32 = arith.constant 0 : i32
    %c0_i32_0 = arith.constant 0 : i32
    return %arg0, %c0_i32 : i32, i32
  }
  func.func @transform_5(%arg0: i32) -> (i32, i32) {
    %c0_i32 = arith.constant 0 : i32
    %c0_i32_0 = arith.constant 0 : i32
    return %arg0, %c0_i32 : i32, i32
  }
}

module attributes {stable_mosaic.version = 14 : i64} {
  func.func @_tc5_body(%arg0: i32, %arg1: memref<2048x24xf32, #tpu.memory_space<vmem>>, %arg2: memref<2048x24xf32, #tpu.memory_space<vmem>>, %arg3: memref<2048x16xf32, #tpu.memory_space<vmem>>, %arg4: memref<2048x48xf32, #tpu.memory_space<vmem>>) attributes {dimension_semantics = [#tpu.dimension_semantics<arbitrary>], iteration_bounds = array<i64: 5>, scalar_prefetch = 0 : i64, scratch_operands = 0 : i64, tpu.core_type = #tpu.core_type<tc>, window_params = [{transform_indices = @transform_0, window_bounds = array<i64: 2048, 24>}, {transform_indices = @transform_1, window_bounds = array<i64: 2048, 24>}, {transform_indices = @transform_2, window_bounds = array<i64: 2048, 16>}, {transform_indices = @transform_3, window_bounds = array<i64: 2048, 48>}]} {
    %get3A = arith.constant 0 : index
    %get3A_0 = arith.constant 0 : index
    %get3A_1 = vector.load %arg3[%get3A, %get3A_0] : memref<2048x16xf32, #tpu.memory_space<vmem>>, vector<2048x16xf32>
    %slice3A = vector.extract_strided_slice %get3A_1 {offsets = [0, 0], sizes = [2048, 1], strides = [1, 1]} : vector<2048x16xf32> to vector<2048x1xf32>
    %get3A_2 = arith.constant 0 : index
    %get3A_3 = arith.constant 0 : index
    %get3A_4 = vector.load %arg1[%get3A_2, %get3A_3] : memref<2048x24xf32, #tpu.memory_space<vmem>>, vector<2048x24xf32>
    %get3A_5 = arith.constant 0 : index
    %get3A_6 = arith.constant 0 : index
    %get3A_7 = vector.load %arg2[%get3A_5, %get3A_6] : memref<2048x24xf32, #tpu.memory_space<vmem>>, vector<2048x24xf32>
    %concatenate3A = tpu.concatenate %get3A_4, %get3A_7 in 1 : vector<2048x24xf32>, vector<2048x24xf32> -> vector<2048x48xf32>
    %max3A = arith.constant 1.000000e+00 : f32
    %max3A_8 = vector.broadcast %max3A : f32 to vector<2048x1xf32>
    %max3A_9 = arith.maximumf %slice3A, %max3A_8 : vector<2048x1xf32>
    %div3A = vector.broadcast %max3A_9 : vector<2048x1xf32> to vector<2048x48xf32>
    %div3A_10 = arith.divf %concatenate3A, %div3A : vector<2048x48xf32>
    %iota3A = tpu.iota {dimensions = array<i32: 1>} : vector<2048x48xi32>
    %lt3A = arith.constant 40 : i32
    %lt3A_11 = vector.broadcast %lt3A : i32 to vector<2048x48xi32>
    %lt3A_12 = arith.cmpi slt, %iota3A, %lt3A_11 : vector<2048x48xi32>
    %jit3A = arith.constant 0xFF800000 : f32
    %broadcast_in_dim3A = vector.broadcast %jit3A : f32 to vector<2048x48xf32>
    %select_n3A = arith.select %lt3A_12, %div3A_10, %broadcast_in_dim3A : vector<2048x48xi1>, vector<2048x48xf32>
    %reduce_max3A = arith.constant dense<0xFF800000> : vector<2048xf32>
    %reduce_max3A_13 = vector.multi_reduction <maximumf>, %select_n3A, %reduce_max3A [1] : vector<2048x48xf32> to vector<2048xf32>
    %broadcast_in_dim3A_14 = vector.shape_cast %reduce_max3A_13 : vector<2048xf32> to vector<2048x1xf32>
    %sub3A = vector.broadcast %broadcast_in_dim3A_14 : vector<2048x1xf32> to vector<2048x48xf32>
    %sub3A_15 = arith.subf %div3A_10, %sub3A : vector<2048x48xf32>
    %exp3A = math.exp %sub3A_15 : vector<2048x48xf32>
    %jit3A_16 = arith.constant 0.000000e+00 : f32
    %broadcast_in_dim3A_17 = vector.broadcast %jit3A_16 : f32 to vector<2048x48xf32>
    %select_n3A_18 = arith.select %lt3A_12, %exp3A, %broadcast_in_dim3A_17 : vector<2048x48xi1>, vector<2048x48xf32>
    %reduce_sum3A = arith.constant dense<0.000000e+00> : vector<2048xf32>
    %reduce_sum3A_19 = vector.multi_reduction <add>, %select_n3A_18, %reduce_sum3A [1] : vector<2048x48xf32> to vector<2048xf32>
    %broadcast_in_dim3A_20 = vector.shape_cast %reduce_sum3A_19 : vector<2048xf32> to vector<2048x1xf32>
    %log3A = math.log %broadcast_in_dim3A_20 : vector<2048x1xf32>
    %sub3A_21 = vector.broadcast %broadcast_in_dim3A_14 : vector<2048x1xf32> to vector<2048x48xf32>
    %sub3A_22 = arith.subf %div3A_10, %sub3A_21 : vector<2048x48xf32>
    %sub3A_23 = vector.broadcast %log3A : vector<2048x1xf32> to vector<2048x48xf32>
    %sub3A_24 = arith.subf %sub3A_22, %sub3A_23 : vector<2048x48xf32>
    %jit3A_25 = arith.constant 0.000000e+00 : f32
    %broadcast_in_dim3A_26 = vector.broadcast %jit3A_25 : f32 to vector<2048x48xf32>
    %select_n3A_27 = arith.select %lt3A_12, %sub3A_24, %broadcast_in_dim3A_26 : vector<2048x48xi1>, vector<2048x48xf32>
    %swap3A = arith.constant 0 : index
    %swap3A_28 = arith.constant 0 : index
    %swap3A_29 = vector.load %arg4[%swap3A, %swap3A_28] : memref<2048x48xf32, #tpu.memory_space<vmem>>, vector<2048x48xf32>
    tpu.vector_store %arg4[%swap3A, %swap3A_28], %select_n3A_27 {strides = array<i32>} : memref<2048x48xf32, #tpu.memory_space<vmem>>, vector<2048x48xf32>,
    return
  }
  func.func @transform_0(%arg0: i32) -> (i32, i32) {
    %c0_i32 = arith.constant 0 : i32
    %c0_i32_0 = arith.constant 0 : i32
    return %arg0, %c0_i32 : i32, i32
  }
  func.func @transform_1(%arg0: i32) -> (i32, i32) {
    %c0_i32 = arith.constant 0 : i32
    %c0_i32_0 = arith.constant 0 : i32
    return %arg0, %c0_i32 : i32, i32
  }
  func.func @transform_2(%arg0: i32) -> (i32, i32) {
    %c0_i32 = arith.constant 0 : i32
    %c0_i32_0 = arith.constant 0 : i32
    return %arg0, %c0_i32 : i32, i32
  }
  func.func @transform_3(%arg0: i32) -> (i32, i32) {
    %c0_i32 = arith.constant 0 : i32
    %c0_i32_0 = arith.constant 0 : i32
    return %arg0, %c0_i32 : i32, i32
  }
}

</mosaic_0001>

<sc_bundles>
// kernel: kernel.12.cloned.1.call-start
scs
__scs_entry_jumppad:
0x0: {  	(pc) =	sbr.rel $0x88, $3  }
0x1: {  	(tag) =	ssettag $0x0;
	lr =	simm.s32 $0x1  }
0x2: {  	[smem:$0x3F99] =	sst lr;
	_ =	strace $0xD0000000  }
0x3: {  	_ = 	snop  }
0x4: {  	_ = 	snop  }
0x5: {  	_ = 	snop  }
0x6: {  	_ = 	snop  }
0x7: {  	_ = 	snop  }
__scs_overlays_trampoline_lowered:
0x8: {  	[smem:$0x3FA8] =	sst s0  }
0x9: {  	[smem:$0x3FA9] =	sst s1  }
0xa: {  	[smem:$0x3FAA] =	sst s2  }
0xb: {  	[smem:$0x3FAB] =	sst s3  }
0xc: {  	[smem:$0x3FAC] =	sst s4  }
0xd: {  	[smem:$0x3FAD] =	sst s5  }
0xe: {  	[smem:$0x3FAE] =	sst s6  }
0xf: {  	[smem:$0x3FAF] =	sst s7  }
0x10: {  	[smem:$0x3FB0] =	sst s8  }
0x11: {  	[smem:$0x3FB1] =	sst s9;
	s0 =	simm.s32 @!p0 $0x0  }
0x12: {  	s1 =	sld [smem:$0x3F97];
	s0 =	simm.s32 @p0 $0x1  }
0x13: {  	[smem:$0x3FB2] =	sst s0;
	s0 =	simm.s32 @!p1 $0x0  }
0x14: {  	s2 =	sld [smem:$0x3F96];
	s0 =	simm.s32 @p1 $0x1  }
0x15: {  	[smem:$0x3FB3] =	sst s0;
	s0 =	simm.s32 @!p2 $0x0  }
0x16: {  	s3 =	sld [smem:$0x3FDB];
	s0 =	simm.s32 @p2 $0x1  }
0x17: {  	s4 =	simm.s32 $0x1BF5;
	[smem:$0x3FB5] =	sst s0  }
0x18: {  	s0 =	sld [smem:$0x3F98];
	_ =	swait.ge [sflag:s4], $0x0  }
0x19: {  	s7 =	sld [smem:$0x3F99]  }
0x1a: {  	s8 =	sadd.s32 $0xFFFFE003, lr  }
0x1b: {  	s9 =	sadd.s32 $0xFFFFFEF7, lr;
	s5 =	simm.s32 $0xFFFFFFFF;
	p2 =	slt.u32 s8, $0xFFFFF086  }
0x1c: {  	p1 =	slt.u32 s9, $0xF7A;
	s5 =	simm.s32 @!p2 $0x0  }
0x1d: {  	s5 =	simm.s32 @p1 $0x1;
	p0 =	seq.s32 s7, s2  }
0x1e: {  	s7 =	smul.u32 @!p0 $0xF7A, s2;
	p2 =	seq.s32 @!p0 s5, $0x0  }
0x1f: {  	s9 =	smul.u32 $0xF7A, s1;
	s8 =	simm.s32 @!p0 $0x1BF5;
	p2 =	por !p2, p0  }
0x20: {  	[sflag:s8] =	ssyncset.s32 @!p0 $0xFFFFF086;
	s6 =	sadd.s32 @!p0 s3, s7;
	s7 =	simm.s32 @!p0 $0x108  }
0x21: {  	s3 =	sadd.s32 s3, s9;
	s6 =	sadd.s32 @!p0 $0x88, s6;
	s7 =	simm.s32 @p2 $0x1082  }
0x22: {  	[simem:s7], [sflag:s8] =	dma.local @!p0 [hbm:s6], $0xF7A  }
0x23: {  	s9 =	sor.u32 $0xD0000000, s2;
	s6 =	simm.s32 $0x108;
	_ =	swait.ge @!p0 [sflag:s8], $0x0  }
0x24: {  	s3 =	sadd.s32 $0x88, s3;
	s6 =	simm.s32 @!p1 $0x1082;
	[sflag:s4] =	ssyncset.s32 $0xFFFFF086  }
0x25: {  	[simem:s6], [sflag:s4] =	dma.local [hbm:s3], $0xF7A  }
0x26: {  	[smem:$0x3F99] =	sst s1;
	(tag) =	ssettag s2;
	_ =	strace s9  }
0x27: {  	s1 =	sld [smem:$0x3FA9]  }
0x28: {  	s2 =	sld [smem:$0x3FAA]  }
0x29: {  	s4 =	sld [smem:$0x3FAC]  }
0x2a: {  	p0 =	seq.s32 s5, $0x0;
	s5 =	sld [smem:$0x3FAD]  }
0x2b: {  	s6 =	sld [smem:$0x3FAE]  }
0x2c: {  	s7 =	sld [smem:$0x3FAF]  }
0x2d: {  	s3 =	simm.s32 $0x108;
	s8 =	sld [smem:$0x3FB0]  }
0x2e: {  	s3 =	simm.s32 @!p0 $0x1082;
	s9 =	sld [smem:$0x3FB1]  }
0x2f: {  	lr =	sadd.s32 s0, s3;
	s0 =	sld [smem:$0x3FA8]  }
0x30: {  	s3 =	sld [smem:$0x3FAB]  }
0x31: {  	[smem:$0x3FB4] =	sst s10  }
0x32: {  	s10 =	sld [smem:$0x3FB2];
	_ =	sdelay $0x3  }
0x33: {  	p0 =	seq.s32 s10, $0x1;
	s10 =	sld [smem:$0x3FB4];
	_ =	sdelay $0x3  }
0x34: {  	[smem:$0x3FB4] =	sst s10  }
0x35: {  	s10 =	sld [smem:$0x3FB3];
	_ =	sdelay $0x3  }
0x36: {  	p1 =	seq.s32 s10, $0x1;
	s10 =	sld [smem:$0x3FB4];
	_ =	sdelay $0x3  }
0x37: {  	[smem:$0x3FB4] =	sst s10  }
0x38: {  	s10 =	sld [smem:$0x3FB5]  }
0x39: {  	_ = 	snop;
	(pc) =	sbr.ind lr, $3  }
0x3a: {  	_ = 	snop  }
0x3b: {  	_ = 	snop  }
0x3c: {  	p2 =	seq.s32 s10, $0x1;
	s10 =	sld [smem:$0x3FB4]  }
0x3d: {  	_ =	shalt  }
0x3e: {  	_ =	shalt  }
0x3f: {  	_ =	shalt  }
0x40: {  	_ =	shalt  }
0x41: {  	_ =	shalt  }
0x42: {  	_ =	shalt  }
0x43: {  	_ =	shalt  }
0x44: {  	_ =	shalt  }
0x45: {  	_ =	shalt  }
0x46: {  	_ =	shalt  }
0x47: {  	_ =	shalt  }
0x48: {  	_ =	shalt  }
0x49: {  	_ =	shalt  }
0x4a: {  	_ =	shalt  }
0x4b: {  	_ =	shalt  }
0x4c: {  	_ =	shalt  }
0x4d: {  	_ =	shalt  }
0x4e: {  	_ =	shalt  }
0x4f: {  	_ =	shalt  }
0x50: {  	_ =	shalt  }
0x51: {  	_ =	shalt  }
0x52: {  	_ =	shalt  }
0x53: {  	_ =	shalt  }
0x54: {  	_ =	shalt  }
0x55: {  	_ =	shalt  }
0x56: {  	_ =	shalt  }
0x57: {  	_ =	shalt  }
0x58: {  	_ =	shalt  }
0x59: {  	_ =	shalt  }
0x5a: {  	_ =	shalt  }
0x5b: {  	_ =	shalt  }
0x5c: {  	_ =	shalt  }
0x5d: {  	_ =	shalt  }
0x5e: {  	_ =	shalt  }
0x5f: {  	_ =	shalt  }
0x60: {  	_ =	shalt  }
0x61: {  	_ =	shalt  }
0x62: {  	_ =	shalt  }
0x63: {  	_ =	shalt  }
0x64: {  	_ =	shalt  }
0x65: {  	_ =	shalt  }
0x66: {  	_ =	shalt  }
0x67: {  	_ =	shalt  }
0x68: {  	_ =	shalt  }
0x69: {  	_ =	shalt  }
0x6a: {  	_ =	shalt  }
0x6b: {  	_ =	shalt  }
0x6c: {  	_ =	shalt  }
0x6d: {  	_ =	shalt  }
0x6e: {  	_ =	shalt  }
0x6f: {  	_ =	shalt  }
0x70: {  	_ =	shalt  }
0x71: {  	_ =	shalt  }
0x72: {  	_ =	shalt  }
0x73: {  	_ =	shalt  }
0x74: {  	_ =	shalt  }
0x75: {  	_ =	shalt  }
0x76: {  	_ =	shalt  }
0x77: {  	_ =	shalt  }
0x78: {  	_ =	shalt  }
0x79: {  	_ =	shalt  }
0x7a: {  	_ =	shalt  }
0x7b: {  	_ =	shalt  }
0x7c: {  	_ =	shalt  }
0x7d: {  	_ =	shalt  }
0x7e: {  	_ =	shalt  }
0x7f: {  	_ =	shalt  }
0x80: {  	_ =	shalt  }
0x81: {  	_ =	shalt  }
0x82: {  	_ =	shalt  }
0x83: {  	_ =	shalt  }
0x84: {  	_ =	shalt  }
0x85: {  	_ =	shalt  }
0x86: {  	_ =	shalt  }
0x87: {  	_ =	shalt  }
.Lfunc_end0:
.L_simem_size_0:
called_computation_lowered:
.L_overlay_start_0:
0x88: {  	s2 =	sld [smem:$0x3FD9]  }
0x89: {  	s3 =	sld [smem:$0x3FFE];
	_ =	sdelay $0x1  }
0x8a: {  	s1 =	srdreg.scid  }
0x8b: {  	s0 =	sand.u32 $0x1, s1  }
0x8c: {  	s17 =	sshll.u32 s0, $0xA;
	s2 =	sadd.s32 s3, s2  }
0x8d: {  	s2 =	sadd.s32 s2, s17  }
0x8e: {  	[smem:$0x3FC0] =	sst s2  }
0x8f: {  	_ = 	snop  }
0x90: {  	(tm) =	ssettm $0x1  }
0x91: {  	s18 =	sld [smem:$0x3FFB];
	_ =	sdelay $0x3  }
0x92: {  	_ =	strace s18  }
0x93: {  	s2 =	sld [smem:$0x3FFC];
	_ =	sdelay $0x3  }
0x94: {  	_ =	strace s2  }
0x95: {  	s2 =	sld [smem:$0x3FFD];
	_ =	sdelay $0x3  }
0x96: {  	_ =	strace s2  }
0x97: {  	_ =	strace $0x8FFFFFFF  }
0x98: {  	s19 =	sld [smem:$0x3FDB];
	_ =	sdelay $0x1  }
0x99: {  	s20 =	simm.s32 $_scs_section_size  }
0x9a: {  	s4 =	simm.s32 $_size__tile_overlayer_lowered;
	s5 =	simm.s32 $_tile_overlayer_lowered  }
0x9b: {  	s6 =	simm.s32 $0x1BFF;
	s21 =	sshll.u32 s5, $0x1;
	s3 =	sadd.s32 s20, s19  }
0x9c: {  	s22 =	simm.s32 $0x0;
	s4 =	sshll.u32 s4, $0x1;
	s5 =	sadd.s32 s21, s3  }
0x9d: {  	[timem:s22], [sflag:s6] =	dma.local [hbm:s5], s4  }
0x9e: {  	_ =	swait.ge [sflag:s6], s4  }
0x9f: {  	s4 =	ssub.s32 $0x0, s4;
	[sflag:s6] =	ssyncset.done $0x0  }
0xa0: {  	[sflag:s6] =	ssyncadd.s32 s4;
	_ =	sdelay $0x1  }
0xa1: {  	s23 =	simm.s32 $0x1B8B  }
0xa2: {  	_ =	swait.ge [sflag:s23], $0x1  }
0xa3: {  	[sflag:s23] =	ssyncset.done $0x0  }
0xa4: {  	[sflag:s23] =	ssyncadd.s32 $0xFFFFFFFF  }
0xa5: {  	s4 =	sld [smem:$0x0]  }
0xa6: {  	s5 =	sand.u32 $0xFFFFFFFE, s1  }
0xa7: {  	p0 =	sne.s32 s1, s5  }
0xa8: {  	s5 =	sshll.u32 @p0 s5, $0xE  }
0xa9: {  	s5 =	sadd.s32 @p0 $0x11B8D, s5;
	s6 =	sshll.u32 @p0 s4, $0x11  }
0xaa: {  	s5 =	sor.u32 @p0 s6, s5  }
0xab: {  	[sflag:s5] =	ssyncadd.remote.s32 @p0 $0x1;
	_ =	sdelay $0x1  }
0xac: {  	s5 =	simm.s32 @p0 $0x1B8D  }
0xad: {  	_ =	swait.eq @p0 [sflag:s5], $0x1  }
0xae: {  	[sflag:s5] =	ssyncadd.s32 @p0 $0xFFFFFFFF  }
0xaf: {  	s6 =	sshll.u32 @!p0 s1, $0xE  }
0xb0: {  	s6 =	sor.u32 @!p0 $0x4000, s6;
	s5 =	simm.s32 @!p0 $0x1B8D  }
0xb1: {  	s4 =	sshll.u32 @!p0 s4, $0x11;
	s6 =	sadd.s32 @!p0 $0x11B8D, s6;
	_ =	swait.eq @!p0 [sflag:s5], $0x1  }
0xb2: {  	s4 =	sor.u32 @!p0 s4, s6;
	[sflag:s5] =	ssyncadd.s32 @!p0 $0xFFFFFFFF  }
0xb3: {  	s25 =	simm.s32 $0x1B8E;
	s24 =	sld [smem:$0x3FFE];
	[sflag:s4] =	ssyncadd.remote.s32 @!p0 $0x1  }
0xb4: {  	s26 =	simm.s32 $execute0_lowered;
	[smem:$0x3FD2] =	sst s25  }
0xb5: {  	s5 =	sshll.u32 s26, $0x1;
	_ =	strace $0x80000049;
	[dreg:$0x1] =	wrdreg $0xFFFFFFFF  }
0xb6: {  	s28 =	simm.s32 $_size_execute0_lowered;
	s3 =	sadd.s32 s3, s5;
	[dreg:$0x0] =	wrdreg $0x0  }
0xb7: {  	s5 =	sshll.u32 s28, $0x1;
	[dreg:$0x2] =	wrdreg s3  }
0xb8: {  	[dreg:$0x3] =	wrdreg s5  }
0xb9: {  	[dreg:$0x4] =	wrdreg $0xC0  }
0xba: {  	_ =	task [dreg:s22], $0x5FFFF  }
0xbb: {  	[dreg:$0x1] =	wrdreg $0xFFFFFFFF  }
0xbc: {  	[dreg:$0x0] =	wrdreg $0x60  }
0xbd: {  	[dreg:$0x2] =	wrdreg s24  }
0xbe: {  	[dreg:$0x3] =	wrdreg $0x30000  }
0xbf: {  	[dreg:$0x4] =	wrdreg $0x9  }
0xc0: {  	_ =	task.clear_ibuf [dreg:s22], $0x5FFFF;
	_ =	strace $0x90000049  }
0xc1: {  	s29 =	simm.s32 $0x9;
	_ =	strace $0x8000004B  }
0xc2: {  	_ =	swait.ge [sflag:s29], $0x1  }
0xc3: {  	[sflag:s29] =	ssyncadd.s32 $0xFFFFFFFF  }
0xc4: {  	_ =	strace $0x9000004B  }
0xc5: {  	_ =	sfence  }
0xc6: {  	s30 =	sld [smem:$0x0];
	_ =	sdelay $0x2  }
0xc7: {  	s31 =	sshll.u32 s1, $0xD;
	s1 =	sshrl.u32 s1, $0x2  }
0xc8: {  	s4 =	sand.u32 $0x4000, s31;
	s1 =	sadd.s32 s1, s30  }
0xc9: {  	s0 =	sor.u32 s4, s0;
	s1 =	sshll.u32 s1, $0x11  }
0xca: {  	s0 =	sor.u32 s1, s0  }
0xcb: {  	s0 =	sadd.s32 $0x8F2B, s0  }
0xcc: {  	[sflag:s0] =	ssyncadd.remote.s32 $0x1  }
0xcd: {  	_ =	sfence.sel $0xFFFF  }
0xce: {  	[dreg:$0x0] =	wrdreg $0xFFFFFFFF;
	(pc) =	sbr.abs _section_cstart, $3  }
0xcf: {  	[dreg:$0x1] =	wrdreg $0xFFFFFFFF  }
0xd0: {  	_ =	task.clear_ibuf [dreg:s22], $0x2FFFF;
	_ =	strace $0x9FFFFFFF  }
0xd1: {  	(tm) =	ssettm $0x7FFFFFFF  }
tec
execute0_lowered:
.L_overlay_start_1:
0x0: {  	(tag) =	ssettag $0x1  }
0x1: {  	s6 =	rddreg [dreg:$0x0]  }
0x2: {  	s1 =	rddreg [dreg:$0x1]  }
0x3: {  	s0 =	rddreg [dreg:$0x2];
	s2 =	simm.s32 $0x0;
	s3 =	srdreg.scid  }
0x4: {  	s17 =	simm.s32 $0x0;
	[smem:$0x7FF] =	sst s2;
	s7 =	sadd.s32 $0x2BE00, s6  }
0x5: {  	s8 =	sadd.s32 $0x3FE00, s6;
	s4 =	sadd.s32 $0x73200, s6;
	s9 =	sand.u32 $0x1, s3  }
0x6: {  	s5 =	sadd.s32 $0x73400, s6;
	s3 =	stileid.u32;
	s11 =	sadd.s32 $0x73A00, s6  }
0x7: {  	s14 =	sadd.s32 $0x78A00, s6;
	_ =	strace $0x8000004A;
	s13 =	smul.u32 $0x2800, s3  }
0x8: {  	s10 =	ssub.s32 $0x2, s9;
	s29 =	smul.u32 $0x5000, s3;
	s16 =	sshll.u32 s3, $0x6  }
0x9: {  	p0 =	seq.s32 s9, $0x0;
	s31 =	smul.u32 $0xA00, s3;
	s12 =	sshrl.u32 s10, $0x1  }
0xa: {  	s8 =	smov.u32 @p0 s7;
	s6 =	sor.u32 $0x1C01, s16;
	s14 =	smov.u32 @p0 s11  }
0xb: {  	s16 =	sor.u32 $0x1C02, s16;
	s10 =	ssub.s32 s10, s12;
	s30 =	sadd.s32 s13, s1  }
0xc: {  	s15 =	sshrl.u32 s29, $0x3;
	s13 =	sshrl.u32 s13, $0x3;
	s12 =	simm.s32 $0x2800  }
0xd: {  	s15 =	sadd.s32 s8, s15;
	s7 =	smax.u32 s10, $0x1;
	s8 =	sadd.s32 s8, s31  }
0xe: {  	s10 =	sadd.s32 s14, s13;
	s11 =	sshrl.u32 s30, $0x3;
	s13 =	simm.s32 $0x2  }
0xf: {  	s14 =	simm.s32 $0x1;
	s9 =	sadd.s32 $0x500, s15;
	s15 =	simm.s32 $0x80  }
.LBB2_1:
0x10: {  	[spmem:s11], [sflag:s6] =	dma.local [hbm:s5], $0x500  }
0x11: {  	[tilespmem:s12], [sflag:$0x2] =	stream.linear.gather [hbm4b:s4+s2], $0x800, $0x38;
	[tilespmem:$0x5800] =	vst v63  }
0x12: {  	_ =	swait.ge [sflag:s13], $0x800  }
0x13: {  	[sflag:s13] =	ssyncset.done $0x0  }
0x14: {  	[sflag:s13] =	ssyncadd.s32 $0xFFFFF800  }
0x15: {  	_ =	swait.ge [sflag:s14], $0x500  }
0x16: {  	[sflag:s14] =	ssyncset.done $0x0  }
0x17: {  	[sflag:s14] =	ssyncadd.s32 $0xFFFFFB00  }
0x18: {  	[bflag:$0x0] =	sbarrier.arrive $0xFFFF  }
0x19: {  	[tilespmem:s2], [sflag:$0x2] =	stream.linear.gather [hbm4b:s8+s2], $0x2800, $0x38;
	[tilespmem:$0x5800] =	vst v63  }
0x1a: {  	_ =	swait.ge [sflag:s13], $0x2800  }
0x1b: {  	[sflag:s13] =	ssyncset.done $0x0  }
0x1c: {  	s18 =	simm.s32 $0x0;
	[sflag:s13] =	ssyncadd.s32 $0xFFFFD800  }
0x1d: {  	[spmem:s1] =	stream.indirect.scatter.add.f32 [tilespmem:s12], [sflag:$0x2], $0x10, s18, s15, $0xb8;
	[tilespmem:$0x5800] =	vst v63  }
0x1e: {  	_ =	swait.ge [sflag:s13], $0x800  }
0x1f: {  	s18 =	simm.s32 $0x200;
	[sflag:s13] =	ssyncset.done $0x0  }
.LBB2_2:
0x20: {  	s19 =	sshra.s32 s18, $0x2;
	[sflag:s13] =	ssyncadd.s32 $0xFFFFF800;
	p0 =	sne.s32 s18, $0x9E00  }
0x21: {  	[spmem:s1] =	stream.indirect.scatter.add.f32 [tilespmem:s12], [sflag:$0x2], $0x10, s19, s15, $0xb8;
	[tilespmem:$0x5800] =	vst v63  }
.Ltmp0:
0x22: {  	_ = 	snop;
	(pc) =	sbr.rel @p0 .LBB2_2-.Ltmp0, $4  }
0x23: {  	_ = 	snop  }
0x24: {  	s18 =	sadd.s32 $0x200, s18  }
0x25: {  	_ =	swait.ge [sflag:s13], $0x800  }
0x26: {  	[sflag:s13] =	ssyncset.done $0x0  }
0x27: {  	[sflag:s13] =	ssyncadd.s32 $0xFFFFF800;
	s18 =	simm.s32 $0x0  }
0x28: {  	[tilespmem:s18], [sflag:$0x2] =	stream.linear.gather [hbm4b:s9+s18], $0x2800, $0x38;
	[tilespmem:$0x5800] =	vst v63  }
0x29: {  	_ =	swait.ge [sflag:s13], $0x2800  }
0x2a: {  	[sflag:s13] =	ssyncset.done $0x0  }
0x2b: {  	s31 =	simm.s32 $0x0;
	[sflag:s13] =	ssyncadd.s32 $0xFFFFD800  }
0x2c: {  	[spmem:s1] =	stream.indirect.scatter.add.f32 [tilespmem:s12], [sflag:$0x2], $0x10, s31, s15, $0xb8;
	[tilespmem:$0x5800] =	vst v63  }
0x2d: {  	_ =	swait.ge [sflag:s13], $0x800  }
0x2e: {  	s18 =	simm.s32 $0x200;
	[sflag:s13] =	ssyncset.done $0x0  }
.LBB2_4:
0x2f: {  	s19 =	sshra.s32 s18, $0x2;
	[sflag:s13] =	ssyncadd.s32 $0xFFFFF800;
	p0 =	sne.s32 s18, $0x9E00  }
0x30: {  	[spmem:s1] =	stream.indirect.scatter.add.f32 [tilespmem:s12], [sflag:$0x2], $0x10, s19, s15, $0xb8;
	[tilespmem:$0x5800] =	vst v63  }
.Ltmp1:
0x31: {  	_ = 	snop;
	(pc) =	sbr.rel @p0 .LBB2_4-.Ltmp1, $4  }
0x32: {  	_ = 	snop  }
0x33: {  	s18 =	sadd.s32 $0x200, s18  }
0x34: {  	_ =	swait.ge [sflag:s13], $0x800  }
0x35: {  	[sflag:s13] =	ssyncset.done $0x0  }
0x36: {  	s17 =	sadd.s32 $0x1, s17  }
0x37: {  	[sflag:s13] =	ssyncadd.s32 $0xFFFFF800;
	p0 =	sne.s32 s17, s7  }
.Ltmp2:
0x38: {  	[bflag:$0x0] =	sbarrier.arrive $0xFFFF;
	(pc) =	sbr.rel @p0 .LBB2_1-.Ltmp2, $4  }
0x39: {  	[hbm:s10], [sflag:s16] =	dma.local [spmem:s11], $0x500  }
0x3a: {  	_ =	swait.ge [sflag:s13], $0x500  }
0x3b: {  	[sflag:s13] =	ssyncset.done $0x0  }
0x3c: {  	[sflag:s13] =	ssyncadd.s32 $0xFFFFFB00  }
0x3d: {  	_ =	sfence.sel $0x180000  }
0x3e: {  	[bflag:$0x0] =	sbarrier.arrive $0xFFFF  }
0x3f: {  	p0 =	sne.s32 s3, $0x0;
	_ =	strace $0x9000004A  }
0x40: {  	s0 =	sadd.s32 @!p0 $0x100000, s0;
	[bflag:$0x2] =	sbarrier.arrive $0xFFFF  }
0x41: {  	[sflag:s0] =	ssyncadd.tile.s32 @!p0 $0x1;
	_ =	shalt  }
.Lfunc_end2:
_tile_overlayer_lowered:
.L_overlay_start_2:
0x42: {  	(tag) =	ssettag $0x2  }
0x43: {  	s0 =	rddreg [dreg:$0x0];
	s2 =	stileid.u32  }
0x44: {  	s1 =	rddreg [dreg:$0x1];
	p0 =	sne.s32 s2, $0x0  }
0x45: {  	s3 =	rddreg [dreg:$0x2];
	[bflag:$0x3] =	sbarrier.arrive $0xFFFF;
	s2 =	simm.s32 @!p0 $0x1C02  }
0x46: {  	[timem:s3], [sflag:s2] =	dma.local @!p0 [hbm:s0], s1  }
0x47: {  	s0 =	simm.s32 @!p0 $0x2  }
0x48: {  	_ =	swait.ge @!p0 [sflag:s0], s1  }
0x49: {  	s1 =	ssub.s32 @!p0 $0x0, s1;
	[sflag:s0] =	ssyncset.done @!p0 $0x0  }
0x4a: {  	[sflag:s0] =	ssyncadd.s32 @!p0 s1  }
0x4b: {  	[bflag:$0x3] =	sbarrier.arrive $0xFFFF  }
0x4c: {  	_ =	shalt  }

// kernel: kernel.15.cloned.1.call-start
scs
__scs_entry_jumppad:
0x0: {  	(pc) =	sbr.rel $0x88, $3  }
0x1: {  	(tag) =	ssettag $0x0;
	lr =	simm.s32 $0x1  }
0x2: {  	[smem:$0x3F99] =	sst lr;
	_ =	strace $0xD0000000  }
0x3: {  	_ = 	snop  }
0x4: {  	_ = 	snop  }
0x5: {  	_ = 	snop  }
0x6: {  	_ = 	snop  }
0x7: {  	_ = 	snop  }
__scs_overlays_trampoline_lowered:
0x8: {  	[smem:$0x3FA8] =	sst s0  }
0x9: {  	[smem:$0x3FA9] =	sst s1  }
0xa: {  	[smem:$0x3FAA] =	sst s2  }
0xb: {  	[smem:$0x3FAB] =	sst s3  }
0xc: {  	[smem:$0x3FAC] =	sst s4  }
0xd: {  	[smem:$0x3FAD] =	sst s5  }
0xe: {  	[smem:$0x3FAE] =	sst s6  }
0xf: {  	[smem:$0x3FAF] =	sst s7  }
0x10: {  	[smem:$0x3FB0] =	sst s8  }
0x11: {  	[smem:$0x3FB1] =	sst s9;
	s0 =	simm.s32 @!p0 $0x0  }
0x12: {  	s1 =	sld [smem:$0x3F97];
	s0 =	simm.s32 @p0 $0x1  }
0x13: {  	[smem:$0x3FB2] =	sst s0;
	s0 =	simm.s32 @!p1 $0x0  }
0x14: {  	s2 =	sld [smem:$0x3F96];
	s0 =	simm.s32 @p1 $0x1  }
0x15: {  	[smem:$0x3FB3] =	sst s0;
	s0 =	simm.s32 @!p2 $0x0  }
0x16: {  	s3 =	sld [smem:$0x3FDB];
	s0 =	simm.s32 @p2 $0x1  }
0x17: {  	s4 =	simm.s32 $0x1BF5;
	[smem:$0x3FB5] =	sst s0  }
0x18: {  	s0 =	sld [smem:$0x3F98];
	_ =	swait.ge [sflag:s4], $0x0  }
0x19: {  	s7 =	sld [smem:$0x3F99]  }
0x1a: {  	s8 =	sadd.s32 $0xFFFFE003, lr  }
0x1b: {  	s9 =	sadd.s32 $0xFFFFFEF7, lr;
	s5 =	simm.s32 $0xFFFFFFFF;
	p2 =	slt.u32 s8, $0xFFFFF086  }
0x1c: {  	p1 =	slt.u32 s9, $0xF7A;
	s5 =	simm.s32 @!p2 $0x0  }
0x1d: {  	s5 =	simm.s32 @p1 $0x1;
	p0 =	seq.s32 s7, s2  }
0x1e: {  	s7 =	smul.u32 @!p0 $0xF7A, s2;
	p2 =	seq.s32 @!p0 s5, $0x0  }
0x1f: {  	s9 =	smul.u32 $0xF7A, s1;
	s8 =	simm.s32 @!p0 $0x1BF5;
	p2 =	por !p2, p0  }
0x20: {  	[sflag:s8] =	ssyncset.s32 @!p0 $0xFFFFF086;
	s6 =	sadd.s32 @!p0 s3, s7;
	s7 =	simm.s32 @!p0 $0x108  }
0x21: {  	s3 =	sadd.s32 s3, s9;
	s6 =	sadd.s32 @!p0 $0x88, s6;
	s7 =	simm.s32 @p2 $0x1082  }
0x22: {  	[simem:s7], [sflag:s8] =	dma.local @!p0 [hbm:s6], $0xF7A  }
0x23: {  	s9 =	sor.u32 $0xD0000000, s2;
	s6 =	simm.s32 $0x108;
	_ =	swait.ge @!p0 [sflag:s8], $0x0  }
0x24: {  	s3 =	sadd.s32 $0x88, s3;
	s6 =	simm.s32 @!p1 $0x1082;
	[sflag:s4] =	ssyncset.s32 $0xFFFFF086  }
0x25: {  	[simem:s6], [sflag:s4] =	dma.local [hbm:s3], $0xF7A  }
0x26: {  	[smem:$0x3F99] =	sst s1;
	(tag) =	ssettag s2;
	_ =	strace s9  }
0x27: {  	s1 =	sld [smem:$0x3FA9]  }
0x28: {  	s2 =	sld [smem:$0x3FAA]  }
0x29: {  	s4 =	sld [smem:$0x3FAC]  }
0x2a: {  	p0 =	seq.s32 s5, $0x0;
	s5 =	sld [smem:$0x3FAD]  }
0x2b: {  	s6 =	sld [smem:$0x3FAE]  }
0x2c: {  	s7 =	sld [smem:$0x3FAF]  }
0x2d: {  	s3 =	simm.s32 $0x108;
	s8 =	sld [smem:$0x3FB0]  }
0x2e: {  	s3 =	simm.s32 @!p0 $0x1082;
	s9 =	sld [smem:$0x3FB1]  }
0x2f: {  	lr =	sadd.s32 s0, s3;
	s0 =	sld [smem:$0x3FA8]  }
0x30: {  	s3 =	sld [smem:$0x3FAB]  }
0x31: {  	[smem:$0x3FB4] =	sst s10  }
0x32: {  	s10 =	sld [smem:$0x3FB2];
	_ =	sdelay $0x3  }
0x33: {  	p0 =	seq.s32 s10, $0x1;
	s10 =	sld [smem:$0x3FB4];
	_ =	sdelay $0x3  }
0x34: {  	[smem:$0x3FB4] =	sst s10  }
0x35: {  	s10 =	sld [smem:$0x3FB3];
	_ =	sdelay $0x3  }
0x36: {  	p1 =	seq.s32 s10, $0x1;
	s10 =	sld [smem:$0x3FB4];
	_ =	sdelay $0x3  }
0x37: {  	[smem:$0x3FB4] =	sst s10  }
0x38: {  	s10 =	sld [smem:$0x3FB5]  }
0x39: {  	_ = 	snop;
	(pc) =	sbr.ind lr, $3  }
0x3a: {  	_ = 	snop  }
0x3b: {  	_ = 	snop  }
0x3c: {  	p2 =	seq.s32 s10, $0x1;
	s10 =	sld [smem:$0x3FB4]  }
0x3d: {  	_ =	shalt  }
0x3e: {  	_ =	shalt  }
0x3f: {  	_ =	shalt  }
0x40: {  	_ =	shalt  }
0x41: {  	_ =	shalt  }
0x42: {  	_ =	shalt  }
0x43: {  	_ =	shalt  }
0x44: {  	_ =	shalt  }
0x45: {  	_ =	shalt  }
0x46: {  	_ =	shalt  }
0x47: {  	_ =	shalt  }
0x48: {  	_ =	shalt  }
0x49: {  	_ =	shalt  }
0x4a: {  	_ =	shalt  }
0x4b: {  	_ =	shalt  }
0x4c: {  	_ =	shalt  }
0x4d: {  	_ =	shalt  }
0x4e: {  	_ =	shalt  }
0x4f: {  	_ =	shalt  }
0x50: {  	_ =	shalt  }
0x51: {  	_ =	shalt  }
0x52: {  	_ =	shalt  }
0x53: {  	_ =	shalt  }
0x54: {  	_ =	shalt  }
0x55: {  	_ =	shalt  }
0x56: {  	_ =	shalt  }
0x57: {  	_ =	shalt  }
0x58: {  	_ =	shalt  }
0x59: {  	_ =	shalt  }
0x5a: {  	_ =	shalt  }
0x5b: {  	_ =	shalt  }
0x5c: {  	_ =	shalt  }
0x5d: {  	_ =	shalt  }
0x5e: {  	_ =	shalt  }
0x5f: {  	_ =	shalt  }
0x60: {  	_ =	shalt  }
0x61: {  	_ =	shalt  }
0x62: {  	_ =	shalt  }
0x63: {  	_ =	shalt  }
0x64: {  	_ =	shalt  }
0x65: {  	_ =	shalt  }
0x66: {  	_ =	shalt  }
0x67: {  	_ =	shalt  }
0x68: {  	_ =	shalt  }
0x69: {  	_ =	shalt  }
0x6a: {  	_ =	shalt  }
0x6b: {  	_ =	shalt  }
0x6c: {  	_ =	shalt  }
0x6d: {  	_ =	shalt  }
0x6e: {  	_ =	shalt  }
0x6f: {  	_ =	shalt  }
0x70: {  	_ =	shalt  }
0x71: {  	_ =	shalt  }
0x72: {  	_ =	shalt  }
0x73: {  	_ =	shalt  }
0x74: {  	_ =	shalt  }
0x75: {  	_ =	shalt  }
0x76: {  	_ =	shalt  }
0x77: {  	_ =	shalt  }
0x78: {  	_ =	shalt  }
0x79: {  	_ =	shalt  }
0x7a: {  	_ =	shalt  }
0x7b: {  	_ =	shalt  }
0x7c: {  	_ =	shalt  }
0x7d: {  	_ =	shalt  }
0x7e: {  	_ =	shalt  }
0x7f: {  	_ =	shalt  }
0x80: {  	_ =	shalt  }
0x81: {  	_ =	shalt  }
0x82: {  	_ =	shalt  }
0x83: {  	_ =	shalt  }
0x84: {  	_ =	shalt  }
0x85: {  	_ =	shalt  }
0x86: {  	_ =	shalt  }
0x87: {  	_ =	shalt  }
.Lfunc_end0:
.L_simem_size_0:
called_computation.1_lowered:
.L_overlay_start_0:
0x88: {  	s2 =	sld [smem:$0x3FD9]  }
0x89: {  	s3 =	sld [smem:$0x3FFE];
	_ =	sdelay $0x1  }
0x8a: {  	s1 =	srdreg.scid  }
0x8b: {  	s0 =	sand.u32 $0x1, s1  }
0x8c: {  	s16 =	sshll.u32 s0, $0xA;
	s2 =	sadd.s32 s3, s2  }
0x8d: {  	s2 =	sadd.s32 s2, s16  }
0x8e: {  	[smem:$0x3FC0] =	sst s2  }
0x8f: {  	_ = 	snop  }
0x90: {  	(tm) =	ssettm $0x1  }
0x91: {  	s17 =	sld [smem:$0x3FFB];
	_ =	sdelay $0x3  }
0x92: {  	_ =	strace s17  }
0x93: {  	s2 =	sld [smem:$0x3FFC];
	_ =	sdelay $0x3  }
0x94: {  	_ =	strace s2  }
0x95: {  	s2 =	sld [smem:$0x3FFD];
	_ =	sdelay $0x3  }
0x96: {  	_ =	strace s2  }
0x97: {  	_ =	strace $0x8FFFFFFF  }
0x98: {  	s18 =	sld [smem:$0x3FDB];
	_ =	sdelay $0x1  }
0x99: {  	s19 =	simm.s32 $_scs_section_size  }
0x9a: {  	s4 =	simm.s32 $_size__tile_overlayer_lowered;
	s5 =	simm.s32 $_tile_overlayer_lowered  }
0x9b: {  	s22 =	simm.s32 $0x1BFF;
	s21 =	sshll.u32 s5, $0x1;
	s2 =	sadd.s32 s19, s18  }
0x9c: {  	s6 =	simm.s32 $0x0;
	s20 =	sshll.u32 s4, $0x1;
	s4 =	sadd.s32 s21, s2  }
0x9d: {  	[timem:s6], [sflag:s22] =	dma.local [hbm:s4], s20  }
0x9e: {  	_ =	swait.ge [sflag:s22], s20  }
0x9f: {  	s3 =	ssub.s32 $0x0, s20;
	[sflag:s22] =	ssyncset.done $0x0  }
0xa0: {  	[sflag:s22] =	ssyncadd.s32 s3;
	_ =	sdelay $0x1  }
0xa1: {  	s23 =	simm.s32 $0x1B8B  }
0xa2: {  	_ =	swait.ge [sflag:s23], $0x1  }
0xa3: {  	[sflag:s23] =	ssyncset.done $0x0  }
0xa4: {  	s25 =	simm.s32 $0x1B8E;
	s24 =	sld [smem:$0x3FFE];
	[sflag:s23] =	ssyncadd.s32 $0xFFFFFFFF  }
0xa5: {  	s26 =	simm.s32 $execute0_lowered;
	[smem:$0x3FD2] =	sst s25  }
0xa6: {  	s4 =	sshll.u32 s26, $0x1;
	_ =	strace $0x80000046;
	[dreg:$0x1] =	wrdreg $0xFFFFFFFF  }
0xa7: {  	s28 =	simm.s32 $_size_execute0_lowered;
	s2 =	sadd.s32 s2, s4;
	[dreg:$0x0] =	wrdreg $0x0  }
0xa8: {  	s4 =	sshll.u32 s28, $0x1;
	[dreg:$0x2] =	wrdreg s2  }
0xa9: {  	[dreg:$0x3] =	wrdreg s4  }
0xaa: {  	[dreg:$0x4] =	wrdreg $0xC0  }
0xab: {  	_ =	task [dreg:s6], $0x5FFFF  }
0xac: {  	[dreg:$0x1] =	wrdreg $0xFFFFFFFF  }
0xad: {  	[dreg:$0x0] =	wrdreg $0x60  }
0xae: {  	[dreg:$0x2] =	wrdreg s24  }
0xaf: {  	[dreg:$0x3] =	wrdreg $0x130000  }
0xb0: {  	[dreg:$0x4] =	wrdreg $0x90000  }
0xb1: {  	[dreg:$0x5] =	wrdreg $0xA  }
0xb2: {  	_ =	task.clear_ibuf [dreg:s6], $0x6FFFF;
	_ =	strace $0x90000046  }
0xb3: {  	s29 =	simm.s32 $0xA;
	_ =	strace $0x80000048  }
0xb4: {  	_ =	swait.ge [sflag:s29], $0x1  }
0xb5: {  	[sflag:s29] =	ssyncadd.s32 $0xFFFFFFFF  }
0xb6: {  	_ =	strace $0x90000048  }
0xb7: {  	_ =	sfence  }
0xb8: {  	s30 =	sld [smem:$0x0];
	_ =	sdelay $0x2  }
0xb9: {  	s31 =	sshll.u32 s1, $0xD;
	s1 =	sshrl.u32 s1, $0x2  }
0xba: {  	s3 =	sand.u32 $0x4000, s31;
	s1 =	sadd.s32 s1, s30  }
0xbb: {  	s0 =	sor.u32 s3, s0;
	s1 =	sshll.u32 s1, $0x11  }
0xbc: {  	s0 =	sor.u32 s1, s0  }
0xbd: {  	s0 =	sadd.s32 $0x8F2B, s0  }
0xbe: {  	[sflag:s0] =	ssyncadd.remote.s32 $0x1  }
0xbf: {  	_ =	sfence.sel $0xFFFF  }
0xc0: {  	[dreg:$0x0] =	wrdreg $0xFFFFFFFF;
	(pc) =	sbr.abs _section_cstart, $3  }
0xc1: {  	[dreg:$0x1] =	wrdreg $0xFFFFFFFF  }
0xc2: {  	_ =	task.clear_ibuf [dreg:s6], $0x2FFFF;
	_ =	strace $0x9FFFFFFF  }
0xc3: {  	(tm) =	ssettm $0x7FFFFFFF  }
tec
execute0_lowered:
.L_overlay_start_1:
0x0: {  	(tag) =	ssettag $0x1  }
0x1: {  	s6 =	rddreg [dreg:$0x0]  }
0x2: {  	s1 =	rddreg [dreg:$0x1]  }
0x3: {  	s2 =	rddreg [dreg:$0x2]  }
0x4: {  	s0 =	rddreg [dreg:$0x3];
	s3 =	simm.s32 $0x0  }
0x5: {  	s4 =	srdreg.scid;
	s21 =	simm.s32 $0x5000;
	s22 =	simm.s32 $0x7000  }
0x6: {  	s23 =	simm.s32 $0x1;
	s24 =	simm.s32 $0x2;
	s25 =	simm.s32 $0x4F00  }
0x7: {  	s26 =	simm.s32 $0x4F80;
	s28 =	simm.s32 $0x0;
	[smem:$0x7FF] =	sst s3  }
0x8: {  	s11 =	sadd.s32 $0x17E00, s6;
	s12 =	sadd.s32 $0x3E00, s6;
	s9 =	sadd.s32 $0x35E00, s6  }
0x9: {  	s10 =	sadd.s32 $0x2BE00, s6;
	s5 =	sadd.s32 $0x49E00, s6;
	s7 =	sand.u32 $0x1, s4  }
0xa: {  	s13 =	sadd.s32 $0x5F200, s6;
	s4 =	stileid.u32;
	s14 =	sadd.s32 $0x4B200, s6  }
0xb: {  	_ =	strace $0x80000047;
	s8 =	ssub.s32 $0x2, s7;
	s15 =	smul.u32 $0xA000, s4  }
0xc: {  	s17 =	sshll.u32 s4, $0x6;
	s31 =	smul.u32 $0x5000, s4;
	p0 =	seq.s32 s7, $0x0  }
0xd: {  	s30 =	sshrl.u32 s8, $0x1;
	s6 =	sor.u32 $0x1C03, s17;
	s12 =	smov.u32 @p0 s11  }
0xe: {  	s14 =	smov.u32 @p0 s13;
	s16 =	ssub.s32 s8, s30;
	s18 =	sadd.s32 s15, s1  }
0xf: {  	s19 =	sadd.s32 s15, s2;
	s15 =	sshrl.u32 s15, $0x3;
	s20 =	sshrl.u32 s31, $0x3  }
0x10: {  	s7 =	sadd.s32 s9, s20;
	s8 =	sadd.s32 s10, s20;
	s20 =	sadd.s32 $0x500, s20  }
0x11: {  	s11 =	smax.u32 s16, $0x1;
	s12 =	sadd.s32 s12, s15;
	s13 =	sadd.s32 s14, s15  }
0x12: {  	s14 =	sshrl.u32 s18, $0x3;
	s15 =	sor.u32 $0x1C04, s17;
	s16 =	sshrl.u32 s19, $0x3  }
0x13: {  	s17 =	simm.s32 $0x4;
	s18 =	simm.s32 $0x3;
	s19 =	simm.s32 $0x2800  }
0x14: {  	s9 =	sadd.s32 s9, s20;
	s10 =	sadd.s32 s10, s20;
	s20 =	simm.s32 $0x80  }
.LBB2_1:
0x15: {  	[spmem:s14], [sflag:s6] =	dma.local [hbm:s5], $0x1400  }
0x16: {  	[spmem:s16], [sflag:s15] =	dma.local [hbm:s12], $0x1400  }
0x17: {  	_ =	swait.ge [sflag:s17], $0x1400  }
0x18: {  	[sflag:s17] =	ssyncset.done $0x0  }
0x19: {  	[sflag:s17] =	ssyncadd.s32 $0xFFFFEC00  }
0x1a: {  	_ =	swait.ge [sflag:s18], $0x1400  }
0x1b: {  	[sflag:s18] =	ssyncset.done $0x0  }
0x1c: {  	[sflag:s18] =	ssyncadd.s32 $0xFFFFEC00  }
0x1d: {  	[bflag:$0x0] =	sbarrier.arrive $0xFFFF  }
0x1e: {  	[tilespmem:s3], [sflag:$0x4] =	stream.linear.gather [hbm4b:s7+s3], $0x2800, $0x38;
	[tilespmem:$0x1D000] =	vst v63  }
0x1f: {  	_ =	swait.ge [sflag:s17], $0x2800  }
0x20: {  	[sflag:s17] =	ssyncset.done $0x0  }
0x21: {  	[sflag:s17] =	ssyncadd.s32 $0xFFFFD800  }
0x22: {  	[tilespmem:s19], [sflag:$0x4] =	stream.linear.gather [hbm4b:s8+s3], $0x2800, $0x38;
	[tilespmem:$0x1D000] =	vst v63  }
0x23: {  	_ =	swait.ge [sflag:s17], $0x2800  }
0x24: {  	[sflag:s17] =	ssyncset.done $0x0  }
0x25: {  	[sflag:s17] =	ssyncadd.s32 $0xFFFFD800  }
0x26: {  	[tilespmem:s21], [sflag:$0x1] =	stream.indirect.gather [spmem:s2], $0x40, s3, s20, $0xb8;
	[tilespmem:$0x1D000] =	vst v63  }
0x27: {  	_ = 	snop  }
0x28: {  	[tilespmem:s22], [sflag:$0x2] =	stream.indirect.gather [spmem:s2], $0x40, s20, s20, $0xb8;
	[tilespmem:$0x1D000] =	vst v63  }
0x29: {  	_ =	swait.ge [sflag:s23], $0x2000  }
0x2a: {  	[sflag:s23] =	ssyncset.done $0x0  }
0x2b: {  	s29 =	simm.s32 $0x2800;
	[sflag:s23] =	ssyncadd.s32 $0xFFFFE000  }
0x2c: {  	[spmem:s1] =	stream.indirect.scatter.add.f32 [tilespmem:s21], [sflag:$0x4], $0x40, s29, s20, $0xb8;
	[tilespmem:$0x1D000] =	vst v63  }
0x2d: {  	_ =	swait.ge [sflag:s17], $0x2000  }
0x2e: {  	[sflag:s17] =	ssyncset.done $0x0  }
0x2f: {  	s29 =	simm.s32 $0x100;
	[sflag:s17] =	ssyncadd.s32 $0xFFFFE000  }
0x30: {  	[tilespmem:s21], [sflag:$0x1] =	stream.indirect.gather [spmem:s2], $0x40, s29, s20, $0xb8;
	[tilespmem:$0x1D000] =	vst v63  }
0x31: {  	_ =	swait.ge [sflag:s24], $0x2000  }
0x32: {  	[sflag:s24] =	ssyncset.done $0x0  }
0x33: {  	s29 =	simm.s32 $0x2880;
	[sflag:s24] =	ssyncadd.s32 $0xFFFFE000  }
0x34: {  	[spmem:s1] =	stream.indirect.scatter.add.f32 [tilespmem:s22], [sflag:$0x4], $0x40, s29, s20, $0xb8;
	[tilespmem:$0x1D000] =	vst v63  }
0x35: {  	_ =	swait.ge [sflag:s17], $0x2000  }
0x36: {  	[sflag:s17] =	ssyncset.done $0x0  }
0x37: {  	s30 =	simm.s32 $0x180;
	s29 =	simm.s32 $0x400;
	[sflag:s17] =	ssyncadd.s32 $0xFFFFE000  }
.LBB2_2:
0x38: {  	[tilespmem:s22], [sflag:$0x2] =	stream.indirect.gather [spmem:s2], $0x40, s30, s20, $0xb8;
	[tilespmem:$0x1D000] =	vst v63  }
0x39: {  	s30 =	smov.u32 s29  }
0x3a: {  	p0 =	sne.s32 s29, $0x9800;
	s29 =	sadd.s32 $0x400, s29;
	_ =	swait.ge [sflag:s23], $0x2000  }
0x3b: {  	s30 =	sshra.s32 s30, $0x2;
	[sflag:s23] =	ssyncset.done $0x0  }
0x3c: {  	s31 =	sadd.s32 $0x2800, s30;
	[sflag:s23] =	ssyncadd.s32 $0xFFFFE000  }
0x3d: {  	[spmem:s1] =	stream.indirect.scatter.add.f32 [tilespmem:s21], [sflag:$0x4], $0x40, s31, s20, $0xb8;
	[tilespmem:$0x1D000] =	vst v63  }
0x3e: {  	_ =	swait.ge [sflag:s17], $0x2000  }
0x3f: {  	[sflag:s17] =	ssyncset.done $0x0  }
0x40: {  	s31 =	sadd.s32 $0x100, s30;
	[sflag:s17] =	ssyncadd.s32 $0xFFFFE000  }
0x41: {  	[tilespmem:s21], [sflag:$0x1] =	stream.indirect.gather [spmem:s2], $0x40, s31, s20, $0xb8;
	[tilespmem:$0x1D000] =	vst v63  }
0x42: {  	_ =	swait.ge [sflag:s24], $0x2000  }
0x43: {  	[sflag:s24] =	ssyncset.done $0x0  }
.Ltmp0:
0x44: {  	s31 =	sadd.s32 $0x2880, s30;
	[sflag:s24] =	ssyncadd.s32 $0xFFFFE000;
	(pc) =	sbr.rel @p0 .LBB2_2-.Ltmp0, $4  }
0x45: {  	[spmem:s1] =	stream.indirect.scatter.add.f32 [tilespmem:s22], [sflag:$0x4], $0x40, s31, s20, $0xb8;
	[tilespmem:$0x1D000] =	vst v63  }
0x46: {  	_ =	swait.ge [sflag:s17], $0x2000  }
0x47: {  	[sflag:s17] =	ssyncset.done $0x0  }
0x48: {  	s30 =	sadd.s32 $0x180, s30;
	[sflag:s17] =	ssyncadd.s32 $0xFFFFE000  }
0x49: {  	[tilespmem:s22], [sflag:$0x2] =	stream.indirect.gather [spmem:s2], $0x40, s30, s20, $0xb8;
	[tilespmem:$0x1D000] =	vst v63  }
0x4a: {  	_ =	swait.ge [sflag:s23], $0x2000  }
0x4b: {  	[sflag:s23] =	ssyncset.done $0x0  }
0x4c: {  	[sflag:s23] =	ssyncadd.s32 $0xFFFFE000  }
0x4d: {  	[spmem:s1] =	stream.indirect.scatter.add.f32 [tilespmem:s21], [sflag:$0x4], $0x40, s25, s20, $0xb8;
	[tilespmem:$0x1D000] =	vst v63  }
0x4e: {  	_ =	swait.ge [sflag:s17], $0x2000  }
0x4f: {  	[sflag:s17] =	ssyncset.done $0x0  }
0x50: {  	[sflag:s17] =	ssyncadd.s32 $0xFFFFE000  }
0x51: {  	_ =	swait.ge [sflag:s24], $0x2000  }
0x52: {  	[sflag:s24] =	ssyncset.done $0x0  }
0x53: {  	[sflag:s24] =	ssyncadd.s32 $0xFFFFE000  }
0x54: {  	[spmem:s1] =	stream.indirect.scatter.add.f32 [tilespmem:s22], [sflag:$0x4], $0x40, s26, s20, $0xb8;
	[tilespmem:$0x1D000] =	vst v63  }
0x55: {  	_ =	swait.ge [sflag:s17], $0x2000  }
0x56: {  	[sflag:s17] =	ssyncset.done $0x0  }
0x57: {  	s29 =	simm.s32 $0x0;
	[sflag:s17] =	ssyncadd.s32 $0xFFFFE000  }
0x58: {  	[tilespmem:s29], [sflag:$0x4] =	stream.linear.gather [hbm4b:s9+s29], $0x2800, $0x38;
	[tilespmem:$0x1D000] =	vst v63  }
0x59: {  	_ =	swait.ge [sflag:s17], $0x2800  }
0x5a: {  	[sflag:s17] =	ssyncset.done $0x0  }
0x5b: {  	[sflag:s17] =	ssyncadd.s32 $0xFFFFD800  }
0x5c: {  	[tilespmem:s19], [sflag:$0x4] =	stream.linear.gather [hbm4b:s10+s29], $0x2800, $0x38;
	[tilespmem:$0x1D000] =	vst v63  }
0x5d: {  	_ =	swait.ge [sflag:s17], $0x2800  }
0x5e: {  	[sflag:s17] =	ssyncset.done $0x0  }
0x5f: {  	[sflag:s17] =	ssyncadd.s32 $0xFFFFD800  }
0x60: {  	[tilespmem:s21], [sflag:$0x1] =	stream.indirect.gather [spmem:s2], $0x40, s29, s20, $0xb8;
	[tilespmem:$0x1D000] =	vst v63  }
0x61: {  	_ = 	snop  }
0x62: {  	[tilespmem:s22], [sflag:$0x2] =	stream.indirect.gather [spmem:s2], $0x40, s20, s20, $0xb8;
	[tilespmem:$0x1D000] =	vst v63  }
0x63: {  	_ =	swait.ge [sflag:s23], $0x2000  }
0x64: {  	[sflag:s23] =	ssyncset.done $0x0  }
0x65: {  	s29 =	simm.s32 $0x2800;
	[sflag:s23] =	ssyncadd.s32 $0xFFFFE000  }
0x66: {  	[spmem:s1] =	stream.indirect.scatter.add.f32 [tilespmem:s21], [sflag:$0x4], $0x40, s29, s20, $0xb8;
	[tilespmem:$0x1D000] =	vst v63  }
0x67: {  	_ =	swait.ge [sflag:s17], $0x2000  }
0x68: {  	[sflag:s17] =	ssyncset.done $0x0  }
0x69: {  	s29 =	simm.s32 $0x100;
	[sflag:s17] =	ssyncadd.s32 $0xFFFFE000  }
0x6a: {  	[tilespmem:s21], [sflag:$0x1] =	stream.indirect.gather [spmem:s2], $0x40, s29, s20, $0xb8;
	[tilespmem:$0x1D000] =	vst v63  }
0x6b: {  	_ =	swait.ge [sflag:s24], $0x2000  }
0x6c: {  	[sflag:s24] =	ssyncset.done $0x0  }
0x6d: {  	s29 =	simm.s32 $0x2880;
	[sflag:s24] =	ssyncadd.s32 $0xFFFFE000  }
0x6e: {  	[spmem:s1] =	stream.indirect.scatter.add.f32 [tilespmem:s22], [sflag:$0x4], $0x40, s29, s20, $0xb8;
	[tilespmem:$0x1D000] =	vst v63  }
0x6f: {  	_ =	swait.ge [sflag:s17], $0x2000  }
0x70: {  	[sflag:s17] =	ssyncset.done $0x0  }
0x71: {  	s30 =	simm.s32 $0x180;
	s29 =	simm.s32 $0x400;
	[sflag:s17] =	ssyncadd.s32 $0xFFFFE000  }
.LBB2_4:
0x72: {  	[tilespmem:s22], [sflag:$0x2] =	stream.indirect.gather [spmem:s2], $0x40, s30, s20, $0xb8;
	[tilespmem:$0x1D000] =	vst v63  }
0x73: {  	s30 =	smov.u32 s29  }
0x74: {  	p0 =	sne.s32 s29, $0x9800;
	s29 =	sadd.s32 $0x400, s29;
	_ =	swait.ge [sflag:s23], $0x2000  }
0x75: {  	s30 =	sshra.s32 s30, $0x2;
	[sflag:s23] =	ssyncset.done $0x0  }
0x76: {  	s31 =	sadd.s32 $0x2800, s30;
	[sflag:s23] =	ssyncadd.s32 $0xFFFFE000  }
0x77: {  	[spmem:s1] =	stream.indirect.scatter.add.f32 [tilespmem:s21], [sflag:$0x4], $0x40, s31, s20, $0xb8;
	[tilespmem:$0x1D000] =	vst v63  }
0x78: {  	_ =	swait.ge [sflag:s17], $0x2000  }
0x79: {  	[sflag:s17] =	ssyncset.done $0x0  }
0x7a: {  	s31 =	sadd.s32 $0x100, s30;
	[sflag:s17] =	ssyncadd.s32 $0xFFFFE000  }
0x7b: {  	[tilespmem:s21], [sflag:$0x1] =	stream.indirect.gather [spmem:s2], $0x40, s31, s20, $0xb8;
	[tilespmem:$0x1D000] =	vst v63  }
0x7c: {  	_ =	swait.ge [sflag:s24], $0x2000  }
0x7d: {  	[sflag:s24] =	ssyncset.done $0x0  }
.Ltmp1:
0x7e: {  	s31 =	sadd.s32 $0x2880, s30;
	[sflag:s24] =	ssyncadd.s32 $0xFFFFE000;
	(pc) =	sbr.rel @p0 .LBB2_4-.Ltmp1, $4  }
0x7f: {  	[spmem:s1] =	stream.indirect.scatter.add.f32 [tilespmem:s22], [sflag:$0x4], $0x40, s31, s20, $0xb8;
	[tilespmem:$0x1D000] =	vst v63  }
0x80: {  	_ =	swait.ge [sflag:s17], $0x2000  }
0x81: {  	[sflag:s17] =	ssyncset.done $0x0  }
0x82: {  	s30 =	sadd.s32 $0x180, s30;
	[sflag:s17] =	ssyncadd.s32 $0xFFFFE000  }
0x83: {  	[tilespmem:s22], [sflag:$0x2] =	stream.indirect.gather [spmem:s2], $0x40, s30, s20, $0xb8;
	[tilespmem:$0x1D000] =	vst v63  }
0x84: {  	_ =	swait.ge [sflag:s23], $0x2000  }
0x85: {  	[sflag:s23] =	ssyncset.done $0x0  }
0x86: {  	[sflag:s23] =	ssyncadd.s32 $0xFFFFE000  }
0x87: {  	[spmem:s1] =	stream.indirect.scatter.add.f32 [tilespmem:s21], [sflag:$0x4], $0x40, s25, s20, $0xb8;
	[tilespmem:$0x1D000] =	vst v63  }
0x88: {  	_ =	swait.ge [sflag:s17], $0x2000  }
0x89: {  	[sflag:s17] =	ssyncset.done $0x0  }
0x8a: {  	[sflag:s17] =	ssyncadd.s32 $0xFFFFE000  }
0x8b: {  	_ =	swait.ge [sflag:s24], $0x2000  }
0x8c: {  	[sflag:s24] =	ssyncset.done $0x0  }
0x8d: {  	[sflag:s24] =	ssyncadd.s32 $0xFFFFE000  }
0x8e: {  	[spmem:s1] =	stream.indirect.scatter.add.f32 [tilespmem:s22], [sflag:$0x4], $0x40, s26, s20, $0xb8;
	[tilespmem:$0x1D000] =	vst v63  }
0x8f: {  	_ =	swait.ge [sflag:s17], $0x2000  }
0x90: {  	s28 =	sadd.s32 $0x1, s28;
	[sflag:s17] =	ssyncset.done $0x0  }
0x91: {  	p0 =	sne.s32 s28, s11;
	[sflag:s17] =	ssyncadd.s32 $0xFFFFE000  }
.Ltmp2:
0x92: {  	[bflag:$0x0] =	sbarrier.arrive $0xFFFF;
	(pc) =	sbr.rel @p0 .LBB2_1-.Ltmp2, $4  }
0x93: {  	[hbm:s13], [sflag:s15] =	dma.local [spmem:s14], $0x1400  }
0x94: {  	_ =	swait.ge [sflag:s17], $0x1400  }
0x95: {  	[sflag:s17] =	ssyncset.done $0x0  }
0x96: {  	[sflag:s17] =	ssyncadd.s32 $0xFFFFEC00  }
0x97: {  	_ =	sfence.sel $0x180000  }
0x98: {  	[bflag:$0x0] =	sbarrier.arrive $0xFFFF  }
0x99: {  	p0 =	sne.s32 s4, $0x0;
	_ =	strace $0x90000047  }
0x9a: {  	s0 =	sadd.s32 @!p0 $0x100000, s0;
	[bflag:$0x2] =	sbarrier.arrive $0xFFFF  }
0x9b: {  	[sflag:s0] =	ssyncadd.tile.s32 @!p0 $0x1;
	_ =	shalt  }
.Lfunc_end2:
_tile_overlayer_lowered:
.L_overlay_start_2:
0x9c: {  	(tag) =	ssettag $0x2  }
0x9d: {  	s0 =	rddreg [dreg:$0x0];
	s2 =	stileid.u32  }
0x9e: {  	s1 =	rddreg [dreg:$0x1];
	p0 =	sne.s32 s2, $0x0  }
0x9f: {  	s3 =	rddreg [dreg:$0x2];
	[bflag:$0x3] =	sbarrier.arrive $0xFFFF;
	s2 =	simm.s32 @!p0 $0x1C04  }
0xa0: {  	[timem:s3], [sflag:s2] =	dma.local @!p0 [hbm:s0], s1  }
0xa1: {  	s0 =	simm.s32 @!p0 $0x4  }
0xa2: {  	_ =	swait.ge @!p0 [sflag:s0], s1  }
0xa3: {  	s1 =	ssub.s32 @!p0 $0x0, s1;
	[sflag:s0] =	ssyncset.done @!p0 $0x0  }
0xa4: {  	[sflag:s0] =	ssyncadd.s32 @!p0 s1  }
0xa5: {  	[bflag:$0x3] =	sbarrier.arrive $0xFFFF  }
0xa6: {  	_ =	shalt  }

// kernel: kernel.18.cloned.1.call-start
scs
__scs_entry_jumppad:
0x0: {  	(pc) =	sbr.rel $0x88, $3  }
0x1: {  	(tag) =	ssettag $0x0;
	lr =	simm.s32 $0x1  }
0x2: {  	[smem:$0x3F99] =	sst lr;
	_ =	strace $0xD0000000  }
0x3: {  	_ = 	snop  }
0x4: {  	_ = 	snop  }
0x5: {  	_ = 	snop  }
0x6: {  	_ = 	snop  }
0x7: {  	_ = 	snop  }
__scs_overlays_trampoline_lowered:
0x8: {  	[smem:$0x3FA8] =	sst s0  }
0x9: {  	[smem:$0x3FA9] =	sst s1  }
0xa: {  	[smem:$0x3FAA] =	sst s2  }
0xb: {  	[smem:$0x3FAB] =	sst s3  }
0xc: {  	[smem:$0x3FAC] =	sst s4  }
0xd: {  	[smem:$0x3FAD] =	sst s5  }
0xe: {  	[smem:$0x3FAE] =	sst s6  }
0xf: {  	[smem:$0x3FAF] =	sst s7  }
0x10: {  	[smem:$0x3FB0] =	sst s8  }
0x11: {  	[smem:$0x3FB1] =	sst s9;
	s0 =	simm.s32 @!p0 $0x0  }
0x12: {  	s1 =	sld [smem:$0x3F97];
	s0 =	simm.s32 @p0 $0x1  }
0x13: {  	[smem:$0x3FB2] =	sst s0;
	s0 =	simm.s32 @!p1 $0x0  }
0x14: {  	s2 =	sld [smem:$0x3F96];
	s0 =	simm.s32 @p1 $0x1  }
0x15: {  	[smem:$0x3FB3] =	sst s0;
	s0 =	simm.s32 @!p2 $0x0  }
0x16: {  	s3 =	sld [smem:$0x3FDB];
	s0 =	simm.s32 @p2 $0x1  }
0x17: {  	s4 =	simm.s32 $0x1BF5;
	[smem:$0x3FB5] =	sst s0  }
0x18: {  	s0 =	sld [smem:$0x3F98];
	_ =	swait.ge [sflag:s4], $0x0  }
0x19: {  	s7 =	sld [smem:$0x3F99]  }
0x1a: {  	s8 =	sadd.s32 $0xFFFFE003, lr  }
0x1b: {  	s9 =	sadd.s32 $0xFFFFFEF7, lr;
	s5 =	simm.s32 $0xFFFFFFFF;
	p2 =	slt.u32 s8, $0xFFFFF086  }
0x1c: {  	p1 =	slt.u32 s9, $0xF7A;
	s5 =	simm.s32 @!p2 $0x0  }
0x1d: {  	s5 =	simm.s32 @p1 $0x1;
	p0 =	seq.s32 s7, s2  }
0x1e: {  	s7 =	smul.u32 @!p0 $0xF7A, s2;
	p2 =	seq.s32 @!p0 s5, $0x0  }
0x1f: {  	s9 =	smul.u32 $0xF7A, s1;
	s8 =	simm.s32 @!p0 $0x1BF5;
	p2 =	por !p2, p0  }
0x20: {  	[sflag:s8] =	ssyncset.s32 @!p0 $0xFFFFF086;
	s6 =	sadd.s32 @!p0 s3, s7;
	s7 =	simm.s32 @!p0 $0x108  }
0x21: {  	s3 =	sadd.s32 s3, s9;
	s6 =	sadd.s32 @!p0 $0x88, s6;
	s7 =	simm.s32 @p2 $0x1082  }
0x22: {  	[simem:s7], [sflag:s8] =	dma.local @!p0 [hbm:s6], $0xF7A  }
0x23: {  	s9 =	sor.u32 $0xD0000000, s2;
	s6 =	simm.s32 $0x108;
	_ =	swait.ge @!p0 [sflag:s8], $0x0  }
0x24: {  	s3 =	sadd.s32 $0x88, s3;
	s6 =	simm.s32 @!p1 $0x1082;
	[sflag:s4] =	ssyncset.s32 $0xFFFFF086  }
0x25: {  	[simem:s6], [sflag:s4] =	dma.local [hbm:s3], $0xF7A  }
0x26: {  	[smem:$0x3F99] =	sst s1;
	(tag) =	ssettag s2;
	_ =	strace s9  }
0x27: {  	s1 =	sld [smem:$0x3FA9]  }
0x28: {  	s2 =	sld [smem:$0x3FAA]  }
0x29: {  	s4 =	sld [smem:$0x3FAC]  }
0x2a: {  	p0 =	seq.s32 s5, $0x0;
	s5 =	sld [smem:$0x3FAD]  }
0x2b: {  	s6 =	sld [smem:$0x3FAE]  }
0x2c: {  	s7 =	sld [smem:$0x3FAF]  }
0x2d: {  	s3 =	simm.s32 $0x108;
	s8 =	sld [smem:$0x3FB0]  }
0x2e: {  	s3 =	simm.s32 @!p0 $0x1082;
	s9 =	sld [smem:$0x3FB1]  }
0x2f: {  	lr =	sadd.s32 s0, s3;
	s0 =	sld [smem:$0x3FA8]  }
0x30: {  	s3 =	sld [smem:$0x3FAB]  }
0x31: {  	[smem:$0x3FB4] =	sst s10  }
0x32: {  	s10 =	sld [smem:$0x3FB2];
	_ =	sdelay $0x3  }
0x33: {  	p0 =	seq.s32 s10, $0x1;
	s10 =	sld [smem:$0x3FB4];
	_ =	sdelay $0x3  }
0x34: {  	[smem:$0x3FB4] =	sst s10  }
0x35: {  	s10 =	sld [smem:$0x3FB3];
	_ =	sdelay $0x3  }
0x36: {  	p1 =	seq.s32 s10, $0x1;
	s10 =	sld [smem:$0x3FB4];
	_ =	sdelay $0x3  }
0x37: {  	[smem:$0x3FB4] =	sst s10  }
0x38: {  	s10 =	sld [smem:$0x3FB5]  }
0x39: {  	_ = 	snop;
	(pc) =	sbr.ind lr, $3  }
0x3a: {  	_ = 	snop  }
0x3b: {  	_ = 	snop  }
0x3c: {  	p2 =	seq.s32 s10, $0x1;
	s10 =	sld [smem:$0x3FB4]  }
0x3d: {  	_ =	shalt  }
0x3e: {  	_ =	shalt  }
0x3f: {  	_ =	shalt  }
0x40: {  	_ =	shalt  }
0x41: {  	_ =	shalt  }
0x42: {  	_ =	shalt  }
0x43: {  	_ =	shalt  }
0x44: {  	_ =	shalt  }
0x45: {  	_ =	shalt  }
0x46: {  	_ =	shalt  }
0x47: {  	_ =	shalt  }
0x48: {  	_ =	shalt  }
0x49: {  	_ =	shalt  }
0x4a: {  	_ =	shalt  }
0x4b: {  	_ =	shalt  }
0x4c: {  	_ =	shalt  }
0x4d: {  	_ =	shalt  }
0x4e: {  	_ =	shalt  }
0x4f: {  	_ =	shalt  }
0x50: {  	_ =	shalt  }
0x51: {  	_ =	shalt  }
0x52: {  	_ =	shalt  }
0x53: {  	_ =	shalt  }
0x54: {  	_ =	shalt  }
0x55: {  	_ =	shalt  }
0x56: {  	_ =	shalt  }
0x57: {  	_ =	shalt  }
0x58: {  	_ =	shalt  }
0x59: {  	_ =	shalt  }
0x5a: {  	_ =	shalt  }
0x5b: {  	_ =	shalt  }
0x5c: {  	_ =	shalt  }
0x5d: {  	_ =	shalt  }
0x5e: {  	_ =	shalt  }
0x5f: {  	_ =	shalt  }
0x60: {  	_ =	shalt  }
0x61: {  	_ =	shalt  }
0x62: {  	_ =	shalt  }
0x63: {  	_ =	shalt  }
0x64: {  	_ =	shalt  }
0x65: {  	_ =	shalt  }
0x66: {  	_ =	shalt  }
0x67: {  	_ =	shalt  }
0x68: {  	_ =	shalt  }
0x69: {  	_ =	shalt  }
0x6a: {  	_ =	shalt  }
0x6b: {  	_ =	shalt  }
0x6c: {  	_ =	shalt  }
0x6d: {  	_ =	shalt  }
0x6e: {  	_ =	shalt  }
0x6f: {  	_ =	shalt  }
0x70: {  	_ =	shalt  }
0x71: {  	_ =	shalt  }
0x72: {  	_ =	shalt  }
0x73: {  	_ =	shalt  }
0x74: {  	_ =	shalt  }
0x75: {  	_ =	shalt  }
0x76: {  	_ =	shalt  }
0x77: {  	_ =	shalt  }
0x78: {  	_ =	shalt  }
0x79: {  	_ =	shalt  }
0x7a: {  	_ =	shalt  }
0x7b: {  	_ =	shalt  }
0x7c: {  	_ =	shalt  }
0x7d: {  	_ =	shalt  }
0x7e: {  	_ =	shalt  }
0x7f: {  	_ =	shalt  }
0x80: {  	_ =	shalt  }
0x81: {  	_ =	shalt  }
0x82: {  	_ =	shalt  }
0x83: {  	_ =	shalt  }
0x84: {  	_ =	shalt  }
0x85: {  	_ =	shalt  }
0x86: {  	_ =	shalt  }
0x87: {  	_ =	shalt  }
.Lfunc_end0:
.L_simem_size_0:
called_computation.2_lowered:
.L_overlay_start_0:
0x88: {  	s2 =	sld [smem:$0x3FD9]  }
0x89: {  	s3 =	sld [smem:$0x3FFE];
	_ =	sdelay $0x1  }
0x8a: {  	s1 =	srdreg.scid  }
0x8b: {  	s0 =	sand.u32 $0x1, s1  }
0x8c: {  	s17 =	sshll.u32 s0, $0xA;
	s2 =	sadd.s32 s3, s2  }
0x8d: {  	s2 =	sadd.s32 s2, s17  }
0x8e: {  	[smem:$0x3FC0] =	sst s2  }
0x8f: {  	_ = 	snop  }
0x90: {  	s2 =	sld [smem:$0x3FD0];
	(tm) =	ssettm $0x1  }
0x91: {  	s18 =	sld [smem:$0x3FFB];
	_ =	sdelay $0x3  }
0x92: {  	_ =	strace s18  }
0x93: {  	s3 =	sld [smem:$0x3FFC];
	_ =	sdelay $0x3  }
0x94: {  	_ =	strace s3  }
0x95: {  	s3 =	sld [smem:$0x3FFD];
	_ =	sdelay $0x3  }
0x96: {  	_ =	strace s3  }
0x97: {  	_ =	strace $0x8FFFFFFF  }
0x98: {  	s19 =	sld [smem:$0x3FDB];
	_ =	sdelay $0x1  }
0x99: {  	s4 =	simm.s32 $_scs_section_size  }
0x9a: {  	s5 =	simm.s32 $_size__tile_overlayer_lowered;
	s6 =	simm.s32 $_tile_overlayer_lowered  }
0x9b: {  	s22 =	simm.s32 $0x1BFF;
	s21 =	sshll.u32 s6, $0x1;
	s3 =	sadd.s32 s4, s19  }
0x9c: {  	s7 =	simm.s32 $0x0;
	s20 =	sshll.u32 s5, $0x1;
	s5 =	sadd.s32 s21, s3  }
0x9d: {  	[timem:s7], [sflag:s22] =	dma.local [hbm:s5], s20  }
0x9e: {  	_ =	swait.ge [sflag:s22], s20  }
0x9f: {  	s4 =	ssub.s32 $0x0, s20;
	[sflag:s22] =	ssyncset.done $0x0  }
0xa0: {  	[sflag:s22] =	ssyncadd.s32 s4;
	_ =	sdelay $0x1  }
0xa1: {  	s23 =	simm.s32 $0x1B8B  }
0xa2: {  	_ =	swait.ge [sflag:s23], $0x1  }
0xa3: {  	[sflag:s23] =	ssyncset.done $0x0  }
0xa4: {  	s25 =	simm.s32 $0x1B8E;
	s24 =	sld [smem:$0x3FFE];
	[sflag:s23] =	ssyncadd.s32 $0xFFFFFFFF  }
0xa5: {  	s26 =	simm.s32 $execute0_lowered;
	[smem:$0x3FD2] =	sst s25  }
0xa6: {  	s5 =	sshll.u32 s26, $0x1;
	_ =	strace $0x8000004C;
	[dreg:$0x1] =	wrdreg $0xFFFFFFFF  }
0xa7: {  	s28 =	simm.s32 $_size_execute0_lowered;
	s3 =	sadd.s32 s3, s5;
	[dreg:$0x0] =	wrdreg $0x0  }
0xa8: {  	s5 =	sshll.u32 s28, $0x1;
	[dreg:$0x2] =	wrdreg s3  }
0xa9: {  	[dreg:$0x3] =	wrdreg s5  }
0xaa: {  	[dreg:$0x4] =	wrdreg $0xC0  }
0xab: {  	_ =	task [dreg:s7], $0x5FFFF  }
0xac: {  	[dreg:$0x1] =	wrdreg $0xFFFFFFFF  }
0xad: {  	[dreg:$0x0] =	wrdreg $0x60  }
0xae: {  	[dreg:$0x2] =	wrdreg s24  }
0xaf: {  	[dreg:$0x3] =	wrdreg s2  }
0xb0: {  	[dreg:$0x4] =	wrdreg $0x130000  }
0xb1: {  	[dreg:$0x5] =	wrdreg $0x90000  }
0xb2: {  	[dreg:$0x6] =	wrdreg $0x9  }
0xb3: {  	_ =	task.clear_ibuf [dreg:s7], $0x7FFFF;
	_ =	strace $0x9000004C  }
0xb4: {  	s29 =	simm.s32 $0x9;
	_ =	strace $0x8000004E  }
0xb5: {  	_ =	swait.ge [sflag:s29], $0x1  }
0xb6: {  	[sflag:s29] =	ssyncadd.s32 $0xFFFFFFFF  }
0xb7: {  	_ =	strace $0x9000004E  }
0xb8: {  	_ =	sfence  }
0xb9: {  	s30 =	sld [smem:$0x0];
	_ =	sdelay $0x2  }
0xba: {  	s31 =	sshll.u32 s1, $0xD;
	s1 =	sshrl.u32 s1, $0x2  }
0xbb: {  	s3 =	sand.u32 $0x4000, s31;
	s1 =	sadd.s32 s1, s30  }
0xbc: {  	s0 =	sor.u32 s3, s0;
	s1 =	sshll.u32 s1, $0x11  }
0xbd: {  	s0 =	sor.u32 s1, s0  }
0xbe: {  	s0 =	sadd.s32 $0x8F2B, s0  }
0xbf: {  	[sflag:s0] =	ssyncadd.remote.s32 $0x1  }
0xc0: {  	_ =	sfence.sel $0xFFFF  }
0xc1: {  	[dreg:$0x0] =	wrdreg $0xFFFFFFFF;
	(pc) =	sbr.abs _section_cstart, $3  }
0xc2: {  	[dreg:$0x1] =	wrdreg $0xFFFFFFFF  }
0xc3: {  	_ =	task.clear_ibuf [dreg:s7], $0x2FFFF;
	_ =	strace $0x9FFFFFFF  }
0xc4: {  	(tm) =	ssettm $0x7FFFFFFF  }
0xc5: {  	_ =	shalt  }
tec
execute0_lowered:
.L_overlay_start_1:
0x0: {  	(tag) =	ssettag $0x1  }
0x1: {  	s6 =	rddreg [dreg:$0x0]  }
0x2: {  	s9 =	rddreg [dreg:$0x1]  }
0x3: {  	s1 =	rddreg [dreg:$0x2]  }
0x4: {  	s2 =	rddreg [dreg:$0x3]  }
0x5: {  	s0 =	rddreg [dreg:$0x4]  }
0x6: {  	s3 =	simm.s32 $0x0;
	s4 =	srdreg.scid;
	s21 =	simm.s32 $0x5000  }
0x7: {  	s22 =	simm.s32 $0x7000;
	s23 =	simm.s32 $0x1;
	s24 =	simm.s32 $0x2  }
0x8: {  	s25 =	simm.s32 $0x4F00;
	s26 =	simm.s32 $0x4F80;
	s28 =	simm.s32 $0x0  }
0x9: {  	[smem:$0x7FF] =	sst s3;
	s11 =	sadd.s32 $0x5F200, s6;
	s12 =	sadd.s32 $0x4B200, s6  }
0xa: {  	s10 =	sadd.s32 $0x3FE00, s6;
	s5 =	sadd.s32 $0x49E00, s6;
	s7 =	sand.u32 $0x1, s4  }
0xb: {  	s13 =	sadd.s32 $0x91A00, s6;
	s4 =	stileid.u32;
	s14 =	sadd.s32 $0x7DA00, s6  }
0xc: {  	_ =	strace $0x8000004D;
	s8 =	ssub.s32 $0x2, s7;
	s15 =	smul.u32 $0xA000, s4  }
0xd: {  	s17 =	sshll.u32 s4, $0x6;
	s31 =	smul.u32 $0x5000, s4;
	p0 =	seq.s32 s7, $0x0  }
0xe: {  	s30 =	sshrl.u32 s8, $0x1;
	s6 =	sor.u32 $0x1C03, s17;
	s12 =	smov.u32 @p0 s11  }
0xf: {  	s14 =	smov.u32 @p0 s13;
	s16 =	ssub.s32 s8, s30;
	s18 =	sadd.s32 s15, s1  }
0x10: {  	s19 =	sadd.s32 s15, s2;
	s15 =	sshrl.u32 s15, $0x3;
	s20 =	sshrl.u32 s31, $0x3  }
0x11: {  	s7 =	sadd.s32 s9, s20;
	s8 =	sadd.s32 s10, s20;
	s20 =	sadd.s32 $0x500, s20  }
0x12: {  	s11 =	smax.u32 s16, $0x1;
	s12 =	sadd.s32 s12, s15;
	s13 =	sadd.s32 s14, s15  }
0x13: {  	s14 =	sshrl.u32 s18, $0x3;
	s15 =	sor.u32 $0x1C04, s17;
	s16 =	sshrl.u32 s19, $0x3  }
0x14: {  	s17 =	simm.s32 $0x4;
	s18 =	simm.s32 $0x3;
	s19 =	simm.s32 $0x2800  }
0x15: {  	s9 =	sadd.s32 s9, s20;
	s10 =	sadd.s32 s10, s20;
	s20 =	simm.s32 $0x80  }
.LBB2_1:
0x16: {  	[spmem:s14], [sflag:s6] =	dma.local [hbm:s5], $0x1400  }
0x17: {  	[spmem:s16], [sflag:s15] =	dma.local [hbm:s12], $0x1400  }
0x18: {  	_ =	swait.ge [sflag:s17], $0x1400  }
0x19: {  	[sflag:s17] =	ssyncset.done $0x0  }
0x1a: {  	[sflag:s17] =	ssyncadd.s32 $0xFFFFEC00  }
0x1b: {  	_ =	swait.ge [sflag:s18], $0x1400  }
0x1c: {  	[sflag:s18] =	ssyncset.done $0x0  }
0x1d: {  	[sflag:s18] =	ssyncadd.s32 $0xFFFFEC00  }
0x1e: {  	[bflag:$0x0] =	sbarrier.arrive $0xFFFF  }
0x1f: {  	[tilespmem:s3], [sflag:$0x4] =	stream.linear.gather [hbm4b:s7+s3], $0x2800, $0x38;
	[tilespmem:$0x1D000] =	vst v63  }
0x20: {  	_ =	swait.ge [sflag:s17], $0x2800  }
0x21: {  	[sflag:s17] =	ssyncset.done $0x0  }
0x22: {  	[sflag:s17] =	ssyncadd.s32 $0xFFFFD800  }
0x23: {  	[tilespmem:s19], [sflag:$0x4] =	stream.linear.gather [hbm4b:s8+s3], $0x2800, $0x38;
	[tilespmem:$0x1D000] =	vst v63  }
0x24: {  	_ =	swait.ge [sflag:s17], $0x2800  }
0x25: {  	[sflag:s17] =	ssyncset.done $0x0  }
0x26: {  	[sflag:s17] =	ssyncadd.s32 $0xFFFFD800  }
0x27: {  	[tilespmem:s21], [sflag:$0x1] =	stream.indirect.gather [spmem:s2], $0x40, s3, s20, $0xb8;
	[tilespmem:$0x1D000] =	vst v63  }
0x28: {  	_ = 	snop  }
0x29: {  	[tilespmem:s22], [sflag:$0x2] =	stream.indirect.gather [spmem:s2], $0x40, s20, s20, $0xb8;
	[tilespmem:$0x1D000] =	vst v63  }
0x2a: {  	_ =	swait.ge [sflag:s23], $0x2000  }
0x2b: {  	[sflag:s23] =	ssyncset.done $0x0  }
0x2c: {  	s29 =	simm.s32 $0x2800;
	[sflag:s23] =	ssyncadd.s32 $0xFFFFE000  }
0x2d: {  	[spmem:s1] =	stream.indirect.scatter.add.f32 [tilespmem:s21], [sflag:$0x4], $0x40, s29, s20, $0xb8;
	[tilespmem:$0x1D000] =	vst v63  }
0x2e: {  	_ =	swait.ge [sflag:s17], $0x2000  }
0x2f: {  	[sflag:s17] =	ssyncset.done $0x0  }
0x30: {  	s29 =	simm.s32 $0x100;
	[sflag:s17] =	ssyncadd.s32 $0xFFFFE000  }
0x31: {  	[tilespmem:s21], [sflag:$0x1] =	stream.indirect.gather [spmem:s2], $0x40, s29, s20, $0xb8;
	[tilespmem:$0x1D000] =	vst v63  }
0x32: {  	_ =	swait.ge [sflag:s24], $0x2000  }
0x33: {  	[sflag:s24] =	ssyncset.done $0x0  }
0x34: {  	s29 =	simm.s32 $0x2880;
	[sflag:s24] =	ssyncadd.s32 $0xFFFFE000  }
0x35: {  	[spmem:s1] =	stream.indirect.scatter.add.f32 [tilespmem:s22], [sflag:$0x4], $0x40, s29, s20, $0xb8;
	[tilespmem:$0x1D000] =	vst v63  }
0x36: {  	_ =	swait.ge [sflag:s17], $0x2000  }
0x37: {  	[sflag:s17] =	ssyncset.done $0x0  }
0x38: {  	s30 =	simm.s32 $0x180;
	s29 =	simm.s32 $0x400;
	[sflag:s17] =	ssyncadd.s32 $0xFFFFE000  }
.LBB2_2:
0x39: {  	[tilespmem:s22], [sflag:$0x2] =	stream.indirect.gather [spmem:s2], $0x40, s30, s20, $0xb8;
	[tilespmem:$0x1D000] =	vst v63  }
0x3a: {  	s30 =	smov.u32 s29  }
0x3b: {  	p0 =	sne.s32 s29, $0x9800;
	s29 =	sadd.s32 $0x400, s29;
	_ =	swait.ge [sflag:s23], $0x2000  }
0x3c: {  	s30 =	sshra.s32 s30, $0x2;
	[sflag:s23] =	ssyncset.done $0x0  }
0x3d: {  	s31 =	sadd.s32 $0x2800, s30;
	[sflag:s23] =	ssyncadd.s32 $0xFFFFE000  }
0x3e: {  	[spmem:s1] =	stream.indirect.scatter.add.f32 [tilespmem:s21], [sflag:$0x4], $0x40, s31, s20, $0xb8;
	[tilespmem:$0x1D000] =	vst v63  }
0x3f: {  	_ =	swait.ge [sflag:s17], $0x2000  }
0x40: {  	[sflag:s17] =	ssyncset.done $0x0  }
0x41: {  	s31 =	sadd.s32 $0x100, s30;
	[sflag:s17] =	ssyncadd.s32 $0xFFFFE000  }
0x42: {  	[tilespmem:s21], [sflag:$0x1] =	stream.indirect.gather [spmem:s2], $0x40, s31, s20, $0xb8;
	[tilespmem:$0x1D000] =	vst v63  }
0x43: {  	_ =	swait.ge [sflag:s24], $0x2000  }
0x44: {  	[sflag:s24] =	ssyncset.done $0x0  }
.Ltmp0:
0x45: {  	s31 =	sadd.s32 $0x2880, s30;
	[sflag:s24] =	ssyncadd.s32 $0xFFFFE000;
	(pc) =	sbr.rel @p0 .LBB2_2-.Ltmp0, $4  }
0x46: {  	[spmem:s1] =	stream.indirect.scatter.add.f32 [tilespmem:s22], [sflag:$0x4], $0x40, s31, s20, $0xb8;
	[tilespmem:$0x1D000] =	vst v63  }
0x47: {  	_ =	swait.ge [sflag:s17], $0x2000  }
0x48: {  	[sflag:s17] =	ssyncset.done $0x0  }
0x49: {  	s30 =	sadd.s32 $0x180, s30;
	[sflag:s17] =	ssyncadd.s32 $0xFFFFE000  }
0x4a: {  	[tilespmem:s22], [sflag:$0x2] =	stream.indirect.gather [spmem:s2], $0x40, s30, s20, $0xb8;
	[tilespmem:$0x1D000] =	vst v63  }
0x4b: {  	_ =	swait.ge [sflag:s23], $0x2000  }
0x4c: {  	[sflag:s23] =	ssyncset.done $0x0  }
0x4d: {  	[sflag:s23] =	ssyncadd.s32 $0xFFFFE000  }
0x4e: {  	[spmem:s1] =	stream.indirect.scatter.add.f32 [tilespmem:s21], [sflag:$0x4], $0x40, s25, s20, $0xb8;
	[tilespmem:$0x1D000] =	vst v63  }
0x4f: {  	_ =	swait.ge [sflag:s17], $0x2000  }
0x50: {  	[sflag:s17] =	ssyncset.done $0x0  }
0x51: {  	[sflag:s17] =	ssyncadd.s32 $0xFFFFE000  }
0x52: {  	_ =	swait.ge [sflag:s24], $0x2000  }
0x53: {  	[sflag:s24] =	ssyncset.done $0x0  }
0x54: {  	[sflag:s24] =	ssyncadd.s32 $0xFFFFE000  }
0x55: {  	[spmem:s1] =	stream.indirect.scatter.add.f32 [tilespmem:s22], [sflag:$0x4], $0x40, s26, s20, $0xb8;
	[tilespmem:$0x1D000] =	vst v63  }
0x56: {  	_ =	swait.ge [sflag:s17], $0x2000  }
0x57: {  	[sflag:s17] =	ssyncset.done $0x0  }
0x58: {  	s29 =	simm.s32 $0x0;
	[sflag:s17] =	ssyncadd.s32 $0xFFFFE000  }
0x59: {  	[tilespmem:s29], [sflag:$0x4] =	stream.linear.gather [hbm4b:s9+s29], $0x2800, $0x38;
	[tilespmem:$0x1D000] =	vst v63  }
0x5a: {  	_ =	swait.ge [sflag:s17], $0x2800  }
0x5b: {  	[sflag:s17] =	ssyncset.done $0x0  }
0x5c: {  	[sflag:s17] =	ssyncadd.s32 $0xFFFFD800  }
0x5d: {  	[tilespmem:s19], [sflag:$0x4] =	stream.linear.gather [hbm4b:s10+s29], $0x2800, $0x38;
	[tilespmem:$0x1D000] =	vst v63  }
0x5e: {  	_ =	swait.ge [sflag:s17], $0x2800  }
0x5f: {  	[sflag:s17] =	ssyncset.done $0x0  }
0x60: {  	[sflag:s17] =	ssyncadd.s32 $0xFFFFD800  }
0x61: {  	[tilespmem:s21], [sflag:$0x1] =	stream.indirect.gather [spmem:s2], $0x40, s29, s20, $0xb8;
	[tilespmem:$0x1D000] =	vst v63  }
0x62: {  	_ = 	snop  }
0x63: {  	[tilespmem:s22], [sflag:$0x2] =	stream.indirect.gather [spmem:s2], $0x40, s20, s20, $0xb8;
	[tilespmem:$0x1D000] =	vst v63  }
0x64: {  	_ =	swait.ge [sflag:s23], $0x2000  }
0x65: {  	[sflag:s23] =	ssyncset.done $0x0  }
0x66: {  	s29 =	simm.s32 $0x2800;
	[sflag:s23] =	ssyncadd.s32 $0xFFFFE000  }
0x67: {  	[spmem:s1] =	stream.indirect.scatter.add.f32 [tilespmem:s21], [sflag:$0x4], $0x40, s29, s20, $0xb8;
	[tilespmem:$0x1D000] =	vst v63  }
0x68: {  	_ =	swait.ge [sflag:s17], $0x2000  }
0x69: {  	[sflag:s17] =	ssyncset.done $0x0  }
0x6a: {  	s29 =	simm.s32 $0x100;
	[sflag:s17] =	ssyncadd.s32 $0xFFFFE000  }
0x6b: {  	[tilespmem:s21], [sflag:$0x1] =	stream.indirect.gather [spmem:s2], $0x40, s29, s20, $0xb8;
	[tilespmem:$0x1D000] =	vst v63  }
0x6c: {  	_ =	swait.ge [sflag:s24], $0x2000  }
0x6d: {  	[sflag:s24] =	ssyncset.done $0x0  }
0x6e: {  	s29 =	simm.s32 $0x2880;
	[sflag:s24] =	ssyncadd.s32 $0xFFFFE000  }
0x6f: {  	[spmem:s1] =	stream.indirect.scatter.add.f32 [tilespmem:s22], [sflag:$0x4], $0x40, s29, s20, $0xb8;
	[tilespmem:$0x1D000] =	vst v63  }
0x70: {  	_ =	swait.ge [sflag:s17], $0x2000  }
0x71: {  	[sflag:s17] =	ssyncset.done $0x0  }
0x72: {  	s30 =	simm.s32 $0x180;
	s29 =	simm.s32 $0x400;
	[sflag:s17] =	ssyncadd.s32 $0xFFFFE000  }
.LBB2_4:
0x73: {  	[tilespmem:s22], [sflag:$0x2] =	stream.indirect.gather [spmem:s2], $0x40, s30, s20, $0xb8;
	[tilespmem:$0x1D000] =	vst v63  }
0x74: {  	s30 =	smov.u32 s29  }
0x75: {  	p0 =	sne.s32 s29, $0x9800;
	s29 =	sadd.s32 $0x400, s29;
	_ =	swait.ge [sflag:s23], $0x2000  }
0x76: {  	s30 =	sshra.s32 s30, $0x2;
	[sflag:s23] =	ssyncset.done $0x0  }
0x77: {  	s31 =	sadd.s32 $0x2800, s30;
	[sflag:s23] =	ssyncadd.s32 $0xFFFFE000  }
0x78: {  	[spmem:s1] =	stream.indirect.scatter.add.f32 [tilespmem:s21], [sflag:$0x4], $0x40, s31, s20, $0xb8;
	[tilespmem:$0x1D000] =	vst v63  }
0x79: {  	_ =	swait.ge [sflag:s17], $0x2000  }
0x7a: {  	[sflag:s17] =	ssyncset.done $0x0  }
0x7b: {  	s31 =	sadd.s32 $0x100, s30;
	[sflag:s17] =	ssyncadd.s32 $0xFFFFE000  }
0x7c: {  	[tilespmem:s21], [sflag:$0x1] =	stream.indirect.gather [spmem:s2], $0x40, s31, s20, $0xb8;
	[tilespmem:$0x1D000] =	vst v63  }
0x7d: {  	_ =	swait.ge [sflag:s24], $0x2000  }
0x7e: {  	[sflag:s24] =	ssyncset.done $0x0  }
.Ltmp1:
0x7f: {  	s31 =	sadd.s32 $0x2880, s30;
	[sflag:s24] =	ssyncadd.s32 $0xFFFFE000;
	(pc) =	sbr.rel @p0 .LBB2_4-.Ltmp1, $4  }
0x80: {  	[spmem:s1] =	stream.indirect.scatter.add.f32 [tilespmem:s22], [sflag:$0x4], $0x40, s31, s20, $0xb8;
	[tilespmem:$0x1D000] =	vst v63  }
0x81: {  	_ =	swait.ge [sflag:s17], $0x2000  }
0x82: {  	[sflag:s17] =	ssyncset.done $0x0  }
0x83: {  	s30 =	sadd.s32 $0x180, s30;
	[sflag:s17] =	ssyncadd.s32 $0xFFFFE000  }
0x84: {  	[tilespmem:s22], [sflag:$0x2] =	stream.indirect.gather [spmem:s2], $0x40, s30, s20, $0xb8;
	[tilespmem:$0x1D000] =	vst v63  }
0x85: {  	_ =	swait.ge [sflag:s23], $0x2000  }
0x86: {  	[sflag:s23] =	ssyncset.done $0x0  }
0x87: {  	[sflag:s23] =	ssyncadd.s32 $0xFFFFE000  }
0x88: {  	[spmem:s1] =	stream.indirect.scatter.add.f32 [tilespmem:s21], [sflag:$0x4], $0x40, s25, s20, $0xb8;
	[tilespmem:$0x1D000] =	vst v63  }
0x89: {  	_ =	swait.ge [sflag:s17], $0x2000  }
0x8a: {  	[sflag:s17] =	ssyncset.done $0x0  }
0x8b: {  	[sflag:s17] =	ssyncadd.s32 $0xFFFFE000  }
0x8c: {  	_ =	swait.ge [sflag:s24], $0x2000  }
0x8d: {  	[sflag:s24] =	ssyncset.done $0x0  }
0x8e: {  	[sflag:s24] =	ssyncadd.s32 $0xFFFFE000  }
0x8f: {  	[spmem:s1] =	stream.indirect.scatter.add.f32 [tilespmem:s22], [sflag:$0x4], $0x40, s26, s20, $0xb8;
	[tilespmem:$0x1D000] =	vst v63  }
0x90: {  	_ =	swait.ge [sflag:s17], $0x2000  }
0x91: {  	s28 =	sadd.s32 $0x1, s28;
	[sflag:s17] =	ssyncset.done $0x0  }
0x92: {  	p0 =	sne.s32 s28, s11;
	[sflag:s17] =	ssyncadd.s32 $0xFFFFE000  }
.Ltmp2:
0x93: {  	[bflag:$0x0] =	sbarrier.arrive $0xFFFF;
	(pc) =	sbr.rel @p0 .LBB2_1-.Ltmp2, $4  }
0x94: {  	[hbm:s13], [sflag:s15] =	dma.local [spmem:s14], $0x1400  }
0x95: {  	_ =	swait.ge [sflag:s17], $0x1400  }
0x96: {  	[sflag:s17] =	ssyncset.done $0x0  }
0x97: {  	[sflag:s17] =	ssyncadd.s32 $0xFFFFEC00  }
0x98: {  	_ =	sfence.sel $0x180000  }
0x99: {  	[bflag:$0x0] =	sbarrier.arrive $0xFFFF  }
0x9a: {  	p0 =	sne.s32 s4, $0x0;
	_ =	strace $0x9000004D  }
0x9b: {  	s0 =	sadd.s32 @!p0 $0x100000, s0;
	[bflag:$0x2] =	sbarrier.arrive $0xFFFF  }
0x9c: {  	[sflag:s0] =	ssyncadd.tile.s32 @!p0 $0x1;
	_ =	shalt  }
.Lfunc_end2:
_tile_overlayer_lowered:
.L_overlay_start_2:
0x9d: {  	(tag) =	ssettag $0x2  }
0x9e: {  	s0 =	rddreg [dreg:$0x0];
	s2 =	stileid.u32  }
0x9f: {  	s1 =	rddreg [dreg:$0x1];
	p0 =	sne.s32 s2, $0x0  }
0xa0: {  	s3 =	rddreg [dreg:$0x2];
	[bflag:$0x3] =	sbarrier.arrive $0xFFFF;
	s2 =	simm.s32 @!p0 $0x1C04  }
0xa1: {  	[timem:s3], [sflag:s2] =	dma.local @!p0 [hbm:s0], s1  }
0xa2: {  	s0 =	simm.s32 @!p0 $0x4  }
0xa3: {  	_ =	swait.ge @!p0 [sflag:s0], s1  }
0xa4: {  	s1 =	ssub.s32 @!p0 $0x0, s1;
	[sflag:s0] =	ssyncset.done @!p0 $0x0  }
0xa5: {  	[sflag:s0] =	ssyncadd.s32 @!p0 s1  }
0xa6: {  	[bflag:$0x3] =	sbarrier.arrive $0xFFFF  }
0xa7: {  	_ =	shalt  }

// kernel: kernel.21.cloned.1.call-start
scs
__scs_entry_jumppad:
0x0: {  	(pc) =	sbr.rel $0x88, $3  }
0x1: {  	(tag) =	ssettag $0x0;
	lr =	simm.s32 $0x1  }
0x2: {  	[smem:$0x3F99] =	sst lr;
	_ =	strace $0xD0000000  }
0x3: {  	_ = 	snop  }
0x4: {  	_ = 	snop  }
0x5: {  	_ = 	snop  }
0x6: {  	_ = 	snop  }
0x7: {  	_ = 	snop  }
__scs_overlays_trampoline_lowered:
0x8: {  	[smem:$0x3FA8] =	sst s0  }
0x9: {  	[smem:$0x3FA9] =	sst s1  }
0xa: {  	[smem:$0x3FAA] =	sst s2  }
0xb: {  	[smem:$0x3FAB] =	sst s3  }
0xc: {  	[smem:$0x3FAC] =	sst s4  }
0xd: {  	[smem:$0x3FAD] =	sst s5  }
0xe: {  	[smem:$0x3FAE] =	sst s6  }
0xf: {  	[smem:$0x3FAF] =	sst s7  }
0x10: {  	[smem:$0x3FB0] =	sst s8  }
0x11: {  	[smem:$0x3FB1] =	sst s9;
	s0 =	simm.s32 @!p0 $0x0  }
0x12: {  	s1 =	sld [smem:$0x3F97];
	s0 =	simm.s32 @p0 $0x1  }
0x13: {  	[smem:$0x3FB2] =	sst s0;
	s0 =	simm.s32 @!p1 $0x0  }
0x14: {  	s2 =	sld [smem:$0x3F96];
	s0 =	simm.s32 @p1 $0x1  }
0x15: {  	[smem:$0x3FB3] =	sst s0;
	s0 =	simm.s32 @!p2 $0x0  }
0x16: {  	s3 =	sld [smem:$0x3FDB];
	s0 =	simm.s32 @p2 $0x1  }
0x17: {  	s4 =	simm.s32 $0x1BF5;
	[smem:$0x3FB5] =	sst s0  }
0x18: {  	s0 =	sld [smem:$0x3F98];
	_ =	swait.ge [sflag:s4], $0x0  }
0x19: {  	s7 =	sld [smem:$0x3F99]  }
0x1a: {  	s8 =	sadd.s32 $0xFFFFE003, lr  }
0x1b: {  	s9 =	sadd.s32 $0xFFFFFEF7, lr;
	s5 =	simm.s32 $0xFFFFFFFF;
	p2 =	slt.u32 s8, $0xFFFFF086  }
0x1c: {  	p1 =	slt.u32 s9, $0xF7A;
	s5 =	simm.s32 @!p2 $0x0  }
0x1d: {  	s5 =	simm.s32 @p1 $0x1;
	p0 =	seq.s32 s7, s2  }
0x1e: {  	s7 =	smul.u32 @!p0 $0xF7A, s2;
	p2 =	seq.s32 @!p0 s5, $0x0  }
0x1f: {  	s9 =	smul.u32 $0xF7A, s1;
	s8 =	simm.s32 @!p0 $0x1BF5;
	p2 =	por !p2, p0  }
0x20: {  	[sflag:s8] =	ssyncset.s32 @!p0 $0xFFFFF086;
	s6 =	sadd.s32 @!p0 s3, s7;
	s7 =	simm.s32 @!p0 $0x108  }
0x21: {  	s3 =	sadd.s32 s3, s9;
	s6 =	sadd.s32 @!p0 $0x88, s6;
	s7 =	simm.s32 @p2 $0x1082  }
0x22: {  	[simem:s7], [sflag:s8] =	dma.local @!p0 [hbm:s6], $0xF7A  }
0x23: {  	s9 =	sor.u32 $0xD0000000, s2;
	s6 =	simm.s32 $0x108;
	_ =	swait.ge @!p0 [sflag:s8], $0x0  }
0x24: {  	s3 =	sadd.s32 $0x88, s3;
	s6 =	simm.s32 @!p1 $0x1082;
	[sflag:s4] =	ssyncset.s32 $0xFFFFF086  }
0x25: {  	[simem:s6], [sflag:s4] =	dma.local [hbm:s3], $0xF7A  }
0x26: {  	[smem:$0x3F99] =	sst s1;
	(tag) =	ssettag s2;
	_ =	strace s9  }
0x27: {  	s1 =	sld [smem:$0x3FA9]  }
0x28: {  	s2 =	sld [smem:$0x3FAA]  }
0x29: {  	s4 =	sld [smem:$0x3FAC]  }
0x2a: {  	p0 =	seq.s32 s5, $0x0;
	s5 =	sld [smem:$0x3FAD]  }
0x2b: {  	s6 =	sld [smem:$0x3FAE]  }
0x2c: {  	s7 =	sld [smem:$0x3FAF]  }
0x2d: {  	s3 =	simm.s32 $0x108;
	s8 =	sld [smem:$0x3FB0]  }
0x2e: {  	s3 =	simm.s32 @!p0 $0x1082;
	s9 =	sld [smem:$0x3FB1]  }
0x2f: {  	lr =	sadd.s32 s0, s3;
	s0 =	sld [smem:$0x3FA8]  }
0x30: {  	s3 =	sld [smem:$0x3FAB]  }
0x31: {  	[smem:$0x3FB4] =	sst s10  }
0x32: {  	s10 =	sld [smem:$0x3FB2];
	_ =	sdelay $0x3  }
0x33: {  	p0 =	seq.s32 s10, $0x1;
	s10 =	sld [smem:$0x3FB4];
	_ =	sdelay $0x3  }
0x34: {  	[smem:$0x3FB4] =	sst s10  }
0x35: {  	s10 =	sld [smem:$0x3FB3];
	_ =	sdelay $0x3  }
0x36: {  	p1 =	seq.s32 s10, $0x1;
	s10 =	sld [smem:$0x3FB4];
	_ =	sdelay $0x3  }
0x37: {  	[smem:$0x3FB4] =	sst s10  }
0x38: {  	s10 =	sld [smem:$0x3FB5]  }
0x39: {  	_ = 	snop;
	(pc) =	sbr.ind lr, $3  }
0x3a: {  	_ = 	snop  }
0x3b: {  	_ = 	snop  }
0x3c: {  	p2 =	seq.s32 s10, $0x1;
	s10 =	sld [smem:$0x3FB4]  }
0x3d: {  	_ =	shalt  }
0x3e: {  	_ =	shalt  }
0x3f: {  	_ =	shalt  }
0x40: {  	_ =	shalt  }
0x41: {  	_ =	shalt  }
0x42: {  	_ =	shalt  }
0x43: {  	_ =	shalt  }
0x44: {  	_ =	shalt  }
0x45: {  	_ =	shalt  }
0x46: {  	_ =	shalt  }
0x47: {  	_ =	shalt  }
0x48: {  	_ =	shalt  }
0x49: {  	_ =	shalt  }
0x4a: {  	_ =	shalt  }
0x4b: {  	_ =	shalt  }
0x4c: {  	_ =	shalt  }
0x4d: {  	_ =	shalt  }
0x4e: {  	_ =	shalt  }
0x4f: {  	_ =	shalt  }
0x50: {  	_ =	shalt  }
0x51: {  	_ =	shalt  }
0x52: {  	_ =	shalt  }
0x53: {  	_ =	shalt  }
0x54: {  	_ =	shalt  }
0x55: {  	_ =	shalt  }
0x56: {  	_ =	shalt  }
0x57: {  	_ =	shalt  }
0x58: {  	_ =	shalt  }
0x59: {  	_ =	shalt  }
0x5a: {  	_ =	shalt  }
0x5b: {  	_ =	shalt  }
0x5c: {  	_ =	shalt  }
0x5d: {  	_ =	shalt  }
0x5e: {  	_ =	shalt  }
0x5f: {  	_ =	shalt  }
0x60: {  	_ =	shalt  }
0x61: {  	_ =	shalt  }
0x62: {  	_ =	shalt  }
0x63: {  	_ =	shalt  }
0x64: {  	_ =	shalt  }
0x65: {  	_ =	shalt  }
0x66: {  	_ =	shalt  }
0x67: {  	_ =	shalt  }
0x68: {  	_ =	shalt  }
0x69: {  	_ =	shalt  }
0x6a: {  	_ =	shalt  }
0x6b: {  	_ =	shalt  }
0x6c: {  	_ =	shalt  }
0x6d: {  	_ =	shalt  }
0x6e: {  	_ =	shalt  }
0x6f: {  	_ =	shalt  }
0x70: {  	_ =	shalt  }
0x71: {  	_ =	shalt  }
0x72: {  	_ =	shalt  }
0x73: {  	_ =	shalt  }
0x74: {  	_ =	shalt  }
0x75: {  	_ =	shalt  }
0x76: {  	_ =	shalt  }
0x77: {  	_ =	shalt  }
0x78: {  	_ =	shalt  }
0x79: {  	_ =	shalt  }
0x7a: {  	_ =	shalt  }
0x7b: {  	_ =	shalt  }
0x7c: {  	_ =	shalt  }
0x7d: {  	_ =	shalt  }
0x7e: {  	_ =	shalt  }
0x7f: {  	_ =	shalt  }
0x80: {  	_ =	shalt  }
0x81: {  	_ =	shalt  }
0x82: {  	_ =	shalt  }
0x83: {  	_ =	shalt  }
0x84: {  	_ =	shalt  }
0x85: {  	_ =	shalt  }
0x86: {  	_ =	shalt  }
0x87: {  	_ =	shalt  }
.Lfunc_end0:
.L_simem_size_0:
called_computation.3_lowered:
.L_overlay_start_0:
0x88: {  	s2 =	sld [smem:$0x3FD9]  }
0x89: {  	s3 =	sld [smem:$0x3FFE];
	_ =	sdelay $0x1  }
0x8a: {  	s1 =	srdreg.scid  }
0x8b: {  	s0 =	sand.u32 $0x1, s1  }
0x8c: {  	s16 =	sshll.u32 s0, $0xA;
	s2 =	sadd.s32 s3, s2  }
0x8d: {  	s2 =	sadd.s32 s2, s16  }
0x8e: {  	[smem:$0x3FC0] =	sst s2  }
0x8f: {  	_ = 	snop  }
0x90: {  	(tm) =	ssettm $0x1  }
0x91: {  	s17 =	sld [smem:$0x3FFB];
	_ =	sdelay $0x3  }
0x92: {  	_ =	strace s17  }
0x93: {  	s2 =	sld [smem:$0x3FFC];
	_ =	sdelay $0x3  }
0x94: {  	_ =	strace s2  }
0x95: {  	s2 =	sld [smem:$0x3FFD];
	_ =	sdelay $0x3  }
0x96: {  	_ =	strace s2  }
0x97: {  	_ =	strace $0x8FFFFFFF  }
0x98: {  	s18 =	sld [smem:$0x3FDB];
	_ =	sdelay $0x1  }
0x99: {  	s19 =	simm.s32 $_scs_section_size  }
0x9a: {  	s4 =	simm.s32 $_size__tile_overlayer_lowered;
	s5 =	simm.s32 $_tile_overlayer_lowered  }
0x9b: {  	s22 =	simm.s32 $0x1BFF;
	s21 =	sshll.u32 s5, $0x1;
	s2 =	sadd.s32 s19, s18  }
0x9c: {  	s6 =	simm.s32 $0x0;
	s20 =	sshll.u32 s4, $0x1;
	s4 =	sadd.s32 s21, s2  }
0x9d: {  	[timem:s6], [sflag:s22] =	dma.local [hbm:s4], s20  }
0x9e: {  	_ =	swait.ge [sflag:s22], s20  }
0x9f: {  	s3 =	ssub.s32 $0x0, s20;
	[sflag:s22] =	ssyncset.done $0x0  }
0xa0: {  	[sflag:s22] =	ssyncadd.s32 s3;
	_ =	sdelay $0x1  }
0xa1: {  	s23 =	simm.s32 $0x1B8B  }
0xa2: {  	_ =	swait.ge [sflag:s23], $0x1  }
0xa3: {  	[sflag:s23] =	ssyncset.done $0x0  }
0xa4: {  	s25 =	simm.s32 $0x1B8E;
	s24 =	sld [smem:$0x3FFE];
	[sflag:s23] =	ssyncadd.s32 $0xFFFFFFFF  }
0xa5: {  	s26 =	simm.s32 $execute0_lowered;
	[smem:$0x3FD2] =	sst s25  }
0xa6: {  	s4 =	sshll.u32 s26, $0x1;
	_ =	strace $0x8000004F;
	[dreg:$0x1] =	wrdreg $0xFFFFFFFF  }
0xa7: {  	s28 =	simm.s32 $_size_execute0_lowered;
	s2 =	sadd.s32 s2, s4;
	[dreg:$0x0] =	wrdreg $0x0  }
0xa8: {  	s4 =	sshll.u32 s28, $0x1;
	[dreg:$0x2] =	wrdreg s2  }
0xa9: {  	[dreg:$0x3] =	wrdreg s4  }
0xaa: {  	[dreg:$0x4] =	wrdreg $0xC0  }
0xab: {  	_ =	task [dreg:s6], $0x5FFFF  }
0xac: {  	[dreg:$0x1] =	wrdreg $0xFFFFFFFF  }
0xad: {  	[dreg:$0x0] =	wrdreg $0x60  }
0xae: {  	[dreg:$0x2] =	wrdreg s24  }
0xaf: {  	[dreg:$0x3] =	wrdreg $0xA4000  }
0xb0: {  	[dreg:$0x4] =	wrdreg $0x68000  }
0xb1: {  	[dreg:$0x5] =	wrdreg $0x9  }
0xb2: {  	_ =	task.clear_ibuf [dreg:s6], $0x6FFFF;
	_ =	strace $0x9000004F  }
0xb3: {  	s29 =	simm.s32 $0x9;
	_ =	strace $0x80000051  }
0xb4: {  	_ =	swait.ge [sflag:s29], $0x1  }
0xb5: {  	[sflag:s29] =	ssyncadd.s32 $0xFFFFFFFF  }
0xb6: {  	_ =	strace $0x90000051  }
0xb7: {  	_ =	sfence  }
0xb8: {  	s30 =	sld [smem:$0x0];
	_ =	sdelay $0x2  }
0xb9: {  	s31 =	sshll.u32 s1, $0xD;
	s1 =	sshrl.u32 s1, $0x2  }
0xba: {  	s3 =	sand.u32 $0x4000, s31;
	s1 =	sadd.s32 s1, s30  }
0xbb: {  	s0 =	sor.u32 s3, s0;
	s1 =	sshll.u32 s1, $0x11  }
0xbc: {  	s0 =	sor.u32 s1, s0  }
0xbd: {  	s0 =	sadd.s32 $0x8F2B, s0  }
0xbe: {  	[sflag:s0] =	ssyncadd.remote.s32 $0x1  }
0xbf: {  	_ =	sfence.sel $0xFFFF  }
0xc0: {  	[dreg:$0x0] =	wrdreg $0xFFFFFFFF;
	(pc) =	sbr.abs _section_cstart, $3  }
0xc1: {  	[dreg:$0x1] =	wrdreg $0xFFFFFFFF  }
0xc2: {  	_ =	task.clear_ibuf [dreg:s6], $0x2FFFF;
	_ =	strace $0x9FFFFFFF  }
0xc3: {  	(tm) =	ssettm $0x7FFFFFFF  }
tec
execute0_lowered:
.L_overlay_start_1:
0x0: {  	(tag) =	ssettag $0x1  }
0x1: {  	s6 =	rddreg [dreg:$0x0]  }
0x2: {  	s1 =	rddreg [dreg:$0x1]  }
0x3: {  	s2 =	rddreg [dreg:$0x2]  }
0x4: {  	s0 =	rddreg [dreg:$0x3];
	s3 =	simm.s32 $0x0  }
0x5: {  	s4 =	srdreg.scid;
	s21 =	simm.s32 $0x5000;
	s22 =	simm.s32 $0x5C00  }
0x6: {  	s23 =	simm.s32 $0x1;
	s24 =	simm.s32 $0x2;
	s25 =	simm.s32 $0x4F00  }
0x7: {  	s26 =	simm.s32 $0x4F80;
	s28 =	simm.s32 $0x0;
	[smem:$0x7FF] =	sst s3  }
0x8: {  	s11 =	sadd.s32 $0x51600, s6;
	s12 =	sadd.s32 $0x49E00, s6;
	s9 =	sadd.s32 $0x35E00, s6  }
0x9: {  	s10 =	sadd.s32 $0x2BE00, s6;
	s5 =	sadd.s32 $0x58E00, s6;
	s7 =	sand.u32 $0x1, s4  }
0xa: {  	s13 =	sadd.s32 $0x60E00, s6;
	s4 =	stileid.u32;
	s14 =	sadd.s32 $0x59600, s6  }
0xb: {  	_ =	strace $0x80000050;
	s8 =	ssub.s32 $0x2, s7;
	s15 =	smul.u32 $0x3C00, s4  }
0xc: {  	s17 =	sshll.u32 s4, $0x6;
	s31 =	smul.u32 $0x5000, s4;
	p0 =	seq.s32 s7, $0x0  }
0xd: {  	s30 =	sshrl.u32 s8, $0x1;
	s6 =	sor.u32 $0x1C03, s17;
	s12 =	smov.u32 @p0 s11  }
0xe: {  	s14 =	smov.u32 @p0 s13;
	s16 =	ssub.s32 s8, s30;
	s18 =	sadd.s32 s15, s1  }
0xf: {  	s19 =	sadd.s32 s15, s2;
	s15 =	sshrl.u32 s15, $0x3;
	s20 =	sshrl.u32 s31, $0x3  }
0x10: {  	s7 =	sadd.s32 s9, s20;
	s8 =	sadd.s32 s10, s20;
	s20 =	sadd.s32 $0x500, s20  }
0x11: {  	s11 =	smax.u32 s16, $0x1;
	s12 =	sadd.s32 s12, s15;
	s13 =	sadd.s32 s14, s15  }
0x12: {  	s14 =	sshrl.u32 s18, $0x3;
	s15 =	sor.u32 $0x1C04, s17;
	s16 =	sshrl.u32 s19, $0x3  }
0x13: {  	s17 =	simm.s32 $0x4;
	s18 =	simm.s32 $0x3;
	s19 =	simm.s32 $0x2800  }
0x14: {  	s9 =	sadd.s32 s9, s20;
	s10 =	sadd.s32 s10, s20;
	s20 =	simm.s32 $0x80  }
.LBB2_1:
0x15: {  	[spmem:s14], [sflag:s6] =	dma.local [hbm:s5], $0x780  }
0x16: {  	[spmem:s16], [sflag:s15] =	dma.local [hbm:s12], $0x780  }
0x17: {  	_ =	swait.ge [sflag:s17], $0x780  }
0x18: {  	[sflag:s17] =	ssyncset.done $0x0  }
0x19: {  	[sflag:s17] =	ssyncadd.s32 $0xFFFFF880  }
0x1a: {  	_ =	swait.ge [sflag:s18], $0x780  }
0x1b: {  	[sflag:s18] =	ssyncset.done $0x0  }
0x1c: {  	[sflag:s18] =	ssyncadd.s32 $0xFFFFF880  }
0x1d: {  	[bflag:$0x0] =	sbarrier.arrive $0xFFFF  }
0x1e: {  	[tilespmem:s3], [sflag:$0x4] =	stream.linear.gather [hbm4b:s7+s3], $0x2800, $0x38;
	[tilespmem:$0xE000] =	vst v63  }
0x1f: {  	_ =	swait.ge [sflag:s17], $0x2800  }
0x20: {  	[sflag:s17] =	ssyncset.done $0x0  }
0x21: {  	[sflag:s17] =	ssyncadd.s32 $0xFFFFD800  }
0x22: {  	[tilespmem:s19], [sflag:$0x4] =	stream.linear.gather [hbm4b:s8+s3], $0x2800, $0x38;
	[tilespmem:$0xE000] =	vst v63  }
0x23: {  	_ =	swait.ge [sflag:s17], $0x2800  }
0x24: {  	[sflag:s17] =	ssyncset.done $0x0  }
0x25: {  	[sflag:s17] =	ssyncadd.s32 $0xFFFFD800  }
0x26: {  	[tilespmem:s21], [sflag:$0x1] =	stream.indirect.gather [spmem:s2], $0x18, s3, s20, $0xb8;
	[tilespmem:$0xE000] =	vst v63  }
0x27: {  	_ = 	snop  }
0x28: {  	[tilespmem:s22], [sflag:$0x2] =	stream.indirect.gather [spmem:s2], $0x18, s20, s20, $0xb8;
	[tilespmem:$0xE000] =	vst v63  }
0x29: {  	_ =	swait.ge [sflag:s23], $0xC00  }
0x2a: {  	[sflag:s23] =	ssyncset.done $0x0  }
0x2b: {  	s29 =	simm.s32 $0x2800;
	[sflag:s23] =	ssyncadd.s32 $0xFFFFF400  }
0x2c: {  	[spmem:s1] =	stream.indirect.scatter.add.f32 [tilespmem:s21], [sflag:$0x4], $0x18, s29, s20, $0xb8;
	[tilespmem:$0xE000] =	vst v63  }
0x2d: {  	_ =	swait.ge [sflag:s17], $0xC00  }
0x2e: {  	[sflag:s17] =	ssyncset.done $0x0  }
0x2f: {  	s29 =	simm.s32 $0x100;
	[sflag:s17] =	ssyncadd.s32 $0xFFFFF400  }
0x30: {  	[tilespmem:s21], [sflag:$0x1] =	stream.indirect.gather [spmem:s2], $0x18, s29, s20, $0xb8;
	[tilespmem:$0xE000] =	vst v63  }
0x31: {  	_ =	swait.ge [sflag:s24], $0xC00  }
0x32: {  	[sflag:s24] =	ssyncset.done $0x0  }
0x33: {  	s29 =	simm.s32 $0x2880;
	[sflag:s24] =	ssyncadd.s32 $0xFFFFF400  }
0x34: {  	[spmem:s1] =	stream.indirect.scatter.add.f32 [tilespmem:s22], [sflag:$0x4], $0x18, s29, s20, $0xb8;
	[tilespmem:$0xE000] =	vst v63  }
0x35: {  	_ =	swait.ge [sflag:s17], $0xC00  }
0x36: {  	[sflag:s17] =	ssyncset.done $0x0  }
0x37: {  	s30 =	simm.s32 $0x180;
	s29 =	simm.s32 $0x400;
	[sflag:s17] =	ssyncadd.s32 $0xFFFFF400  }
.LBB2_2:
0x38: {  	[tilespmem:s22], [sflag:$0x2] =	stream.indirect.gather [spmem:s2], $0x18, s30, s20, $0xb8;
	[tilespmem:$0xE000] =	vst v63  }
0x39: {  	s30 =	smov.u32 s29  }
0x3a: {  	p0 =	sne.s32 s29, $0x9800;
	s29 =	sadd.s32 $0x400, s29;
	_ =	swait.ge [sflag:s23], $0xC00  }
0x3b: {  	s30 =	sshra.s32 s30, $0x2;
	[sflag:s23] =	ssyncset.done $0x0  }
0x3c: {  	s31 =	sadd.s32 $0x2800, s30;
	[sflag:s23] =	ssyncadd.s32 $0xFFFFF400  }
0x3d: {  	[spmem:s1] =	stream.indirect.scatter.add.f32 [tilespmem:s21], [sflag:$0x4], $0x18, s31, s20, $0xb8;
	[tilespmem:$0xE000] =	vst v63  }
0x3e: {  	_ =	swait.ge [sflag:s17], $0xC00  }
0x3f: {  	[sflag:s17] =	ssyncset.done $0x0  }
0x40: {  	s31 =	sadd.s32 $0x100, s30;
	[sflag:s17] =	ssyncadd.s32 $0xFFFFF400  }
0x41: {  	[tilespmem:s21], [sflag:$0x1] =	stream.indirect.gather [spmem:s2], $0x18, s31, s20, $0xb8;
	[tilespmem:$0xE000] =	vst v63  }
0x42: {  	_ =	swait.ge [sflag:s24], $0xC00  }
0x43: {  	[sflag:s24] =	ssyncset.done $0x0  }
.Ltmp0:
0x44: {  	s31 =	sadd.s32 $0x2880, s30;
	[sflag:s24] =	ssyncadd.s32 $0xFFFFF400;
	(pc) =	sbr.rel @p0 .LBB2_2-.Ltmp0, $4  }
0x45: {  	[spmem:s1] =	stream.indirect.scatter.add.f32 [tilespmem:s22], [sflag:$0x4], $0x18, s31, s20, $0xb8;
	[tilespmem:$0xE000] =	vst v63  }
0x46: {  	_ =	swait.ge [sflag:s17], $0xC00  }
0x47: {  	[sflag:s17] =	ssyncset.done $0x0  }
0x48: {  	s30 =	sadd.s32 $0x180, s30;
	[sflag:s17] =	ssyncadd.s32 $0xFFFFF400  }
0x49: {  	[tilespmem:s22], [sflag:$0x2] =	stream.indirect.gather [spmem:s2], $0x18, s30, s20, $0xb8;
	[tilespmem:$0xE000] =	vst v63  }
0x4a: {  	_ =	swait.ge [sflag:s23], $0xC00  }
0x4b: {  	[sflag:s23] =	ssyncset.done $0x0  }
0x4c: {  	[sflag:s23] =	ssyncadd.s32 $0xFFFFF400  }
0x4d: {  	[spmem:s1] =	stream.indirect.scatter.add.f32 [tilespmem:s21], [sflag:$0x4], $0x18, s25, s20, $0xb8;
	[tilespmem:$0xE000] =	vst v63  }
0x4e: {  	_ =	swait.ge [sflag:s17], $0xC00  }
0x4f: {  	[sflag:s17] =	ssyncset.done $0x0  }
0x50: {  	[sflag:s17] =	ssyncadd.s32 $0xFFFFF400  }
0x51: {  	_ =	swait.ge [sflag:s24], $0xC00  }
0x52: {  	[sflag:s24] =	ssyncset.done $0x0  }
0x53: {  	[sflag:s24] =	ssyncadd.s32 $0xFFFFF400  }
0x54: {  	[spmem:s1] =	stream.indirect.scatter.add.f32 [tilespmem:s22], [sflag:$0x4], $0x18, s26, s20, $0xb8;
	[tilespmem:$0xE000] =	vst v63  }
0x55: {  	_ =	swait.ge [sflag:s17], $0xC00  }
0x56: {  	[sflag:s17] =	ssyncset.done $0x0  }
0x57: {  	s29 =	simm.s32 $0x0;
	[sflag:s17] =	ssyncadd.s32 $0xFFFFF400  }
0x58: {  	[tilespmem:s29], [sflag:$0x4] =	stream.linear.gather [hbm4b:s9+s29], $0x2800, $0x38;
	[tilespmem:$0xE000] =	vst v63  }
0x59: {  	_ =	swait.ge [sflag:s17], $0x2800  }
0x5a: {  	[sflag:s17] =	ssyncset.done $0x0  }
0x5b: {  	[sflag:s17] =	ssyncadd.s32 $0xFFFFD800  }
0x5c: {  	[tilespmem:s19], [sflag:$0x4] =	stream.linear.gather [hbm4b:s10+s29], $0x2800, $0x38;
	[tilespmem:$0xE000] =	vst v63  }
0x5d: {  	_ =	swait.ge [sflag:s17], $0x2800  }
0x5e: {  	[sflag:s17] =	ssyncset.done $0x0  }
0x5f: {  	[sflag:s17] =	ssyncadd.s32 $0xFFFFD800  }
0x60: {  	[tilespmem:s21], [sflag:$0x1] =	stream.indirect.gather [spmem:s2], $0x18, s29, s20, $0xb8;
	[tilespmem:$0xE000] =	vst v63  }
0x61: {  	_ = 	snop  }
0x62: {  	[tilespmem:s22], [sflag:$0x2] =	stream.indirect.gather [spmem:s2], $0x18, s20, s20, $0xb8;
	[tilespmem:$0xE000] =	vst v63  }
0x63: {  	_ =	swait.ge [sflag:s23], $0xC00  }
0x64: {  	[sflag:s23] =	ssyncset.done $0x0  }
0x65: {  	s29 =	simm.s32 $0x2800;
	[sflag:s23] =	ssyncadd.s32 $0xFFFFF400  }
0x66: {  	[spmem:s1] =	stream.indirect.scatter.add.f32 [tilespmem:s21], [sflag:$0x4], $0x18, s29, s20, $0xb8;
	[tilespmem:$0xE000] =	vst v63  }
0x67: {  	_ =	swait.ge [sflag:s17], $0xC00  }
0x68: {  	[sflag:s17] =	ssyncset.done $0x0  }
0x69: {  	s29 =	simm.s32 $0x100;
	[sflag:s17] =	ssyncadd.s32 $0xFFFFF400  }
0x6a: {  	[tilespmem:s21], [sflag:$0x1] =	stream.indirect.gather [spmem:s2], $0x18, s29, s20, $0xb8;
	[tilespmem:$0xE000] =	vst v63  }
0x6b: {  	_ =	swait.ge [sflag:s24], $0xC00  }
0x6c: {  	[sflag:s24] =	ssyncset.done $0x0  }
0x6d: {  	s29 =	simm.s32 $0x2880;
	[sflag:s24] =	ssyncadd.s32 $0xFFFFF400  }
0x6e: {  	[spmem:s1] =	stream.indirect.scatter.add.f32 [tilespmem:s22], [sflag:$0x4], $0x18, s29, s20, $0xb8;
	[tilespmem:$0xE000] =	vst v63  }
0x6f: {  	_ =	swait.ge [sflag:s17], $0xC00  }
0x70: {  	[sflag:s17] =	ssyncset.done $0x0  }
0x71: {  	s30 =	simm.s32 $0x180;
	s29 =	simm.s32 $0x400;
	[sflag:s17] =	ssyncadd.s32 $0xFFFFF400  }
.LBB2_4:
0x72: {  	[tilespmem:s22], [sflag:$0x2] =	stream.indirect.gather [spmem:s2], $0x18, s30, s20, $0xb8;
	[tilespmem:$0xE000] =	vst v63  }
0x73: {  	s30 =	smov.u32 s29  }
0x74: {  	p0 =	sne.s32 s29, $0x9800;
	s29 =	sadd.s32 $0x400, s29;
	_ =	swait.ge [sflag:s23], $0xC00  }
0x75: {  	s30 =	sshra.s32 s30, $0x2;
	[sflag:s23] =	ssyncset.done $0x0  }
0x76: {  	s31 =	sadd.s32 $0x2800, s30;
	[sflag:s23] =	ssyncadd.s32 $0xFFFFF400  }
0x77: {  	[spmem:s1] =	stream.indirect.scatter.add.f32 [tilespmem:s21], [sflag:$0x4], $0x18, s31, s20, $0xb8;
	[tilespmem:$0xE000] =	vst v63  }
0x78: {  	_ =	swait.ge [sflag:s17], $0xC00  }
0x79: {  	[sflag:s17] =	ssyncset.done $0x0  }
0x7a: {  	s31 =	sadd.s32 $0x100, s30;
	[sflag:s17] =	ssyncadd.s32 $0xFFFFF400  }
0x7b: {  	[tilespmem:s21], [sflag:$0x1] =	stream.indirect.gather [spmem:s2], $0x18, s31, s20, $0xb8;
	[tilespmem:$0xE000] =	vst v63  }
0x7c: {  	_ =	swait.ge [sflag:s24], $0xC00  }
0x7d: {  	[sflag:s24] =	ssyncset.done $0x0  }
.Ltmp1:
0x7e: {  	s31 =	sadd.s32 $0x2880, s30;
	[sflag:s24] =	ssyncadd.s32 $0xFFFFF400;
	(pc) =	sbr.rel @p0 .LBB2_4-.Ltmp1, $4  }
0x7f: {  	[spmem:s1] =	stream.indirect.scatter.add.f32 [tilespmem:s22], [sflag:$0x4], $0x18, s31, s20, $0xb8;
	[tilespmem:$0xE000] =	vst v63  }
0x80: {  	_ =	swait.ge [sflag:s17], $0xC00  }
0x81: {  	[sflag:s17] =	ssyncset.done $0x0  }
0x82: {  	s30 =	sadd.s32 $0x180, s30;
	[sflag:s17] =	ssyncadd.s32 $0xFFFFF400  }
0x83: {  	[tilespmem:s22], [sflag:$0x2] =	stream.indirect.gather [spmem:s2], $0x18, s30, s20, $0xb8;
	[tilespmem:$0xE000] =	vst v63  }
0x84: {  	_ =	swait.ge [sflag:s23], $0xC00  }
0x85: {  	[sflag:s23] =	ssyncset.done $0x0  }
0x86: {  	[sflag:s23] =	ssyncadd.s32 $0xFFFFF400  }
0x87: {  	[spmem:s1] =	stream.indirect.scatter.add.f32 [tilespmem:s21], [sflag:$0x4], $0x18, s25, s20, $0xb8;
	[tilespmem:$0xE000] =	vst v63  }
0x88: {  	_ =	swait.ge [sflag:s17], $0xC00  }
0x89: {  	[sflag:s17] =	ssyncset.done $0x0  }
0x8a: {  	[sflag:s17] =	ssyncadd.s32 $0xFFFFF400  }
0x8b: {  	_ =	swait.ge [sflag:s24], $0xC00  }
0x8c: {  	[sflag:s24] =	ssyncset.done $0x0  }
0x8d: {  	[sflag:s24] =	ssyncadd.s32 $0xFFFFF400  }
0x8e: {  	[spmem:s1] =	stream.indirect.scatter.add.f32 [tilespmem:s22], [sflag:$0x4], $0x18, s26, s20, $0xb8;
	[tilespmem:$0xE000] =	vst v63  }
0x8f: {  	_ =	swait.ge [sflag:s17], $0xC00  }
0x90: {  	s28 =	sadd.s32 $0x1, s28;
	[sflag:s17] =	ssyncset.done $0x0  }
0x91: {  	p0 =	sne.s32 s28, s11;
	[sflag:s17] =	ssyncadd.s32 $0xFFFFF400  }
.Ltmp2:
0x92: {  	[bflag:$0x0] =	sbarrier.arrive $0xFFFF;
	(pc) =	sbr.rel @p0 .LBB2_1-.Ltmp2, $4  }
0x93: {  	[hbm:s13], [sflag:s15] =	dma.local [spmem:s14], $0x780  }
0x94: {  	_ =	swait.ge [sflag:s17], $0x780  }
0x95: {  	[sflag:s17] =	ssyncset.done $0x0  }
0x96: {  	[sflag:s17] =	ssyncadd.s32 $0xFFFFF880  }
0x97: {  	_ =	sfence.sel $0x180000  }
0x98: {  	[bflag:$0x0] =	sbarrier.arrive $0xFFFF  }
0x99: {  	p0 =	sne.s32 s4, $0x0;
	_ =	strace $0x90000050  }
0x9a: {  	s0 =	sadd.s32 @!p0 $0x100000, s0;
	[bflag:$0x2] =	sbarrier.arrive $0xFFFF  }
0x9b: {  	[sflag:s0] =	ssyncadd.tile.s32 @!p0 $0x1;
	_ =	shalt  }
.Lfunc_end2:
_tile_overlayer_lowered:
.L_overlay_start_2:
0x9c: {  	(tag) =	ssettag $0x2  }
0x9d: {  	s0 =	rddreg [dreg:$0x0];
	s2 =	stileid.u32  }
0x9e: {  	s1 =	rddreg [dreg:$0x1];
	p0 =	sne.s32 s2, $0x0  }
0x9f: {  	s3 =	rddreg [dreg:$0x2];
	[bflag:$0x3] =	sbarrier.arrive $0xFFFF;
	s2 =	simm.s32 @!p0 $0x1C04  }
0xa0: {  	[timem:s3], [sflag:s2] =	dma.local @!p0 [hbm:s0], s1  }
0xa1: {  	s0 =	simm.s32 @!p0 $0x4  }
0xa2: {  	_ =	swait.ge @!p0 [sflag:s0], s1  }
0xa3: {  	s1 =	ssub.s32 @!p0 $0x0, s1;
	[sflag:s0] =	ssyncset.done @!p0 $0x0  }
0xa4: {  	[sflag:s0] =	ssyncadd.s32 @!p0 s1  }
0xa5: {  	[bflag:$0x3] =	sbarrier.arrive $0xFFFF  }
0xa6: {  	_ =	shalt  }

// kernel: kernel.24.cloned.1.call-start
scs
__scs_entry_jumppad:
0x0: {  	(pc) =	sbr.rel $0x88, $3  }
0x1: {  	(tag) =	ssettag $0x0;
	lr =	simm.s32 $0x1  }
0x2: {  	[smem:$0x3F99] =	sst lr;
	_ =	strace $0xD0000000  }
0x3: {  	_ = 	snop  }
0x4: {  	_ = 	snop  }
0x5: {  	_ = 	snop  }
0x6: {  	_ = 	snop  }
0x7: {  	_ = 	snop  }
__scs_overlays_trampoline_lowered:
0x8: {  	[smem:$0x3FA8] =	sst s0  }
0x9: {  	[smem:$0x3FA9] =	sst s1  }
0xa: {  	[smem:$0x3FAA] =	sst s2  }
0xb: {  	[smem:$0x3FAB] =	sst s3  }
0xc: {  	[smem:$0x3FAC] =	sst s4  }
0xd: {  	[smem:$0x3FAD] =	sst s5  }
0xe: {  	[smem:$0x3FAE] =	sst s6  }
0xf: {  	[smem:$0x3FAF] =	sst s7  }
0x10: {  	[smem:$0x3FB0] =	sst s8  }
0x11: {  	[smem:$0x3FB1] =	sst s9;
	s0 =	simm.s32 @!p0 $0x0  }
0x12: {  	s1 =	sld [smem:$0x3F97];
	s0 =	simm.s32 @p0 $0x1  }
0x13: {  	[smem:$0x3FB2] =	sst s0;
	s0 =	simm.s32 @!p1 $0x0  }
0x14: {  	s2 =	sld [smem:$0x3F96];
	s0 =	simm.s32 @p1 $0x1  }
0x15: {  	[smem:$0x3FB3] =	sst s0;
	s0 =	simm.s32 @!p2 $0x0  }
0x16: {  	s3 =	sld [smem:$0x3FDB];
	s0 =	simm.s32 @p2 $0x1  }
0x17: {  	s4 =	simm.s32 $0x1BF5;
	[smem:$0x3FB5] =	sst s0  }
0x18: {  	s0 =	sld [smem:$0x3F98];
	_ =	swait.ge [sflag:s4], $0x0  }
0x19: {  	s7 =	sld [smem:$0x3F99]  }
0x1a: {  	s8 =	sadd.s32 $0xFFFFE003, lr  }
0x1b: {  	s9 =	sadd.s32 $0xFFFFFEF7, lr;
	s5 =	simm.s32 $0xFFFFFFFF;
	p2 =	slt.u32 s8, $0xFFFFF086  }
0x1c: {  	p1 =	slt.u32 s9, $0xF7A;
	s5 =	simm.s32 @!p2 $0x0  }
0x1d: {  	s5 =	simm.s32 @p1 $0x1;
	p0 =	seq.s32 s7, s2  }
0x1e: {  	s7 =	smul.u32 @!p0 $0xF7A, s2;
	p2 =	seq.s32 @!p0 s5, $0x0  }
0x1f: {  	s9 =	smul.u32 $0xF7A, s1;
	s8 =	simm.s32 @!p0 $0x1BF5;
	p2 =	por !p2, p0  }
0x20: {  	[sflag:s8] =	ssyncset.s32 @!p0 $0xFFFFF086;
	s6 =	sadd.s32 @!p0 s3, s7;
	s7 =	simm.s32 @!p0 $0x108  }
0x21: {  	s3 =	sadd.s32 s3, s9;
	s6 =	sadd.s32 @!p0 $0x88, s6;
	s7 =	simm.s32 @p2 $0x1082  }
0x22: {  	[simem:s7], [sflag:s8] =	dma.local @!p0 [hbm:s6], $0xF7A  }
0x23: {  	s9 =	sor.u32 $0xD0000000, s2;
	s6 =	simm.s32 $0x108;
	_ =	swait.ge @!p0 [sflag:s8], $0x0  }
0x24: {  	s3 =	sadd.s32 $0x88, s3;
	s6 =	simm.s32 @!p1 $0x1082;
	[sflag:s4] =	ssyncset.s32 $0xFFFFF086  }
0x25: {  	[simem:s6], [sflag:s4] =	dma.local [hbm:s3], $0xF7A  }
0x26: {  	[smem:$0x3F99] =	sst s1;
	(tag) =	ssettag s2;
	_ =	strace s9  }
0x27: {  	s1 =	sld [smem:$0x3FA9]  }
0x28: {  	s2 =	sld [smem:$0x3FAA]  }
0x29: {  	s4 =	sld [smem:$0x3FAC]  }
0x2a: {  	p0 =	seq.s32 s5, $0x0;
	s5 =	sld [smem:$0x3FAD]  }
0x2b: {  	s6 =	sld [smem:$0x3FAE]  }
0x2c: {  	s7 =	sld [smem:$0x3FAF]  }
0x2d: {  	s3 =	simm.s32 $0x108;
	s8 =	sld [smem:$0x3FB0]  }
0x2e: {  	s3 =	simm.s32 @!p0 $0x1082;
	s9 =	sld [smem:$0x3FB1]  }
0x2f: {  	lr =	sadd.s32 s0, s3;
	s0 =	sld [smem:$0x3FA8]  }
0x30: {  	s3 =	sld [smem:$0x3FAB]  }
0x31: {  	[smem:$0x3FB4] =	sst s10  }
0x32: {  	s10 =	sld [smem:$0x3FB2];
	_ =	sdelay $0x3  }
0x33: {  	p0 =	seq.s32 s10, $0x1;
	s10 =	sld [smem:$0x3FB4];
	_ =	sdelay $0x3  }
0x34: {  	[smem:$0x3FB4] =	sst s10  }
0x35: {  	s10 =	sld [smem:$0x3FB3];
	_ =	sdelay $0x3  }
0x36: {  	p1 =	seq.s32 s10, $0x1;
	s10 =	sld [smem:$0x3FB4];
	_ =	sdelay $0x3  }
0x37: {  	[smem:$0x3FB4] =	sst s10  }
0x38: {  	s10 =	sld [smem:$0x3FB5]  }
0x39: {  	_ = 	snop;
	(pc) =	sbr.ind lr, $3  }
0x3a: {  	_ = 	snop  }
0x3b: {  	_ = 	snop  }
0x3c: {  	p2 =	seq.s32 s10, $0x1;
	s10 =	sld [smem:$0x3FB4]  }
0x3d: {  	_ =	shalt  }
0x3e: {  	_ =	shalt  }
0x3f: {  	_ =	shalt  }
0x40: {  	_ =	shalt  }
0x41: {  	_ =	shalt  }
0x42: {  	_ =	shalt  }
0x43: {  	_ =	shalt  }
0x44: {  	_ =	shalt  }
0x45: {  	_ =	shalt  }
0x46: {  	_ =	shalt  }
0x47: {  	_ =	shalt  }
0x48: {  	_ =	shalt  }
0x49: {  	_ =	shalt  }
0x4a: {  	_ =	shalt  }
0x4b: {  	_ =	shalt  }
0x4c: {  	_ =	shalt  }
0x4d: {  	_ =	shalt  }
0x4e: {  	_ =	shalt  }
0x4f: {  	_ =	shalt  }
0x50: {  	_ =	shalt  }
0x51: {  	_ =	shalt  }
0x52: {  	_ =	shalt  }
0x53: {  	_ =	shalt  }
0x54: {  	_ =	shalt  }
0x55: {  	_ =	shalt  }
0x56: {  	_ =	shalt  }
0x57: {  	_ =	shalt  }
0x58: {  	_ =	shalt  }
0x59: {  	_ =	shalt  }
0x5a: {  	_ =	shalt  }
0x5b: {  	_ =	shalt  }
0x5c: {  	_ =	shalt  }
0x5d: {  	_ =	shalt  }
0x5e: {  	_ =	shalt  }
0x5f: {  	_ =	shalt  }
0x60: {  	_ =	shalt  }
0x61: {  	_ =	shalt  }
0x62: {  	_ =	shalt  }
0x63: {  	_ =	shalt  }
0x64: {  	_ =	shalt  }
0x65: {  	_ =	shalt  }
0x66: {  	_ =	shalt  }
0x67: {  	_ =	shalt  }
0x68: {  	_ =	shalt  }
0x69: {  	_ =	shalt  }
0x6a: {  	_ =	shalt  }
0x6b: {  	_ =	shalt  }
0x6c: {  	_ =	shalt  }
0x6d: {  	_ =	shalt  }
0x6e: {  	_ =	shalt  }
0x6f: {  	_ =	shalt  }
0x70: {  	_ =	shalt  }
0x71: {  	_ =	shalt  }
0x72: {  	_ =	shalt  }
0x73: {  	_ =	shalt  }
0x74: {  	_ =	shalt  }
0x75: {  	_ =	shalt  }
0x76: {  	_ =	shalt  }
0x77: {  	_ =	shalt  }
0x78: {  	_ =	shalt  }
0x79: {  	_ =	shalt  }
0x7a: {  	_ =	shalt  }
0x7b: {  	_ =	shalt  }
0x7c: {  	_ =	shalt  }
0x7d: {  	_ =	shalt  }
0x7e: {  	_ =	shalt  }
0x7f: {  	_ =	shalt  }
0x80: {  	_ =	shalt  }
0x81: {  	_ =	shalt  }
0x82: {  	_ =	shalt  }
0x83: {  	_ =	shalt  }
0x84: {  	_ =	shalt  }
0x85: {  	_ =	shalt  }
0x86: {  	_ =	shalt  }
0x87: {  	_ =	shalt  }
.Lfunc_end0:
.L_simem_size_0:
called_computation.4_lowered:
.L_overlay_start_0:
0x88: {  	s2 =	sld [smem:$0x3FD9]  }
0x89: {  	s3 =	sld [smem:$0x3FFE];
	_ =	sdelay $0x1  }
0x8a: {  	s1 =	srdreg.scid  }
0x8b: {  	s0 =	sand.u32 $0x1, s1  }
0x8c: {  	s17 =	sshll.u32 s0, $0xA;
	s2 =	sadd.s32 s3, s2  }
0x8d: {  	s2 =	sadd.s32 s2, s17  }
0x8e: {  	[smem:$0x3FC0] =	sst s2  }
0x8f: {  	_ = 	snop  }
0x90: {  	s2 =	sld [smem:$0x3FD0];
	(tm) =	ssettm $0x1  }
0x91: {  	s18 =	sld [smem:$0x3FFB];
	_ =	sdelay $0x3  }
0x92: {  	_ =	strace s18  }
0x93: {  	s3 =	sld [smem:$0x3FFC];
	_ =	sdelay $0x3  }
0x94: {  	_ =	strace s3  }
0x95: {  	s3 =	sld [smem:$0x3FFD];
	_ =	sdelay $0x3  }
0x96: {  	_ =	strace s3  }
0x97: {  	_ =	strace $0x8FFFFFFF  }
0x98: {  	s19 =	sld [smem:$0x3FDB];
	_ =	sdelay $0x1  }
0x99: {  	s4 =	simm.s32 $_scs_section_size  }
0x9a: {  	s5 =	simm.s32 $_size__tile_overlayer_lowered;
	s6 =	simm.s32 $_tile_overlayer_lowered  }
0x9b: {  	s22 =	simm.s32 $0x1BFF;
	s21 =	sshll.u32 s6, $0x1;
	s3 =	sadd.s32 s4, s19  }
0x9c: {  	s7 =	simm.s32 $0x0;
	s20 =	sshll.u32 s5, $0x1;
	s5 =	sadd.s32 s21, s3  }
0x9d: {  	[timem:s7], [sflag:s22] =	dma.local [hbm:s5], s20  }
0x9e: {  	_ =	swait.ge [sflag:s22], s20  }
0x9f: {  	s4 =	ssub.s32 $0x0, s20;
	[sflag:s22] =	ssyncset.done $0x0  }
0xa0: {  	[sflag:s22] =	ssyncadd.s32 s4;
	_ =	sdelay $0x1  }
0xa1: {  	s23 =	simm.s32 $0x1B8B  }
0xa2: {  	_ =	swait.ge [sflag:s23], $0x1  }
0xa3: {  	[sflag:s23] =	ssyncset.done $0x0  }
0xa4: {  	s25 =	simm.s32 $0x1B8E;
	s24 =	sld [smem:$0x3FFE];
	[sflag:s23] =	ssyncadd.s32 $0xFFFFFFFF  }
0xa5: {  	s26 =	simm.s32 $execute0_lowered;
	[smem:$0x3FD2] =	sst s25  }
0xa6: {  	s5 =	sshll.u32 s26, $0x1;
	_ =	strace $0x80000052;
	[dreg:$0x1] =	wrdreg $0xFFFFFFFF  }
0xa7: {  	s28 =	simm.s32 $_size_execute0_lowered;
	s3 =	sadd.s32 s3, s5;
	[dreg:$0x0] =	wrdreg $0x0  }
0xa8: {  	s5 =	sshll.u32 s28, $0x1;
	[dreg:$0x2] =	wrdreg s3  }
0xa9: {  	[dreg:$0x3] =	wrdreg s5  }
0xaa: {  	[dreg:$0x4] =	wrdreg $0xC0  }
0xab: {  	_ =	task [dreg:s7], $0x5FFFF  }
0xac: {  	[dreg:$0x1] =	wrdreg $0xFFFFFFFF  }
0xad: {  	[dreg:$0x0] =	wrdreg $0x60  }
0xae: {  	[dreg:$0x2] =	wrdreg s24  }
0xaf: {  	[dreg:$0x3] =	wrdreg s2  }
0xb0: {  	[dreg:$0x4] =	wrdreg $0xA4000  }
0xb1: {  	[dreg:$0x5] =	wrdreg $0x68000  }
0xb2: {  	[dreg:$0x6] =	wrdreg $0x9  }
0xb3: {  	_ =	task.clear_ibuf [dreg:s7], $0x7FFFF;
	_ =	strace $0x90000052  }
0xb4: {  	s29 =	simm.s32 $0x9;
	_ =	strace $0x80000054  }
0xb5: {  	_ =	swait.ge [sflag:s29], $0x1  }
0xb6: {  	[sflag:s29] =	ssyncadd.s32 $0xFFFFFFFF  }
0xb7: {  	_ =	strace $0x90000054  }
0xb8: {  	_ =	sfence  }
0xb9: {  	s30 =	sld [smem:$0x0];
	_ =	sdelay $0x2  }
0xba: {  	s31 =	sshll.u32 s1, $0xD;
	s1 =	sshrl.u32 s1, $0x2  }
0xbb: {  	s3 =	sand.u32 $0x4000, s31;
	s1 =	sadd.s32 s1, s30  }
0xbc: {  	s0 =	sor.u32 s3, s0;
	s1 =	sshll.u32 s1, $0x11  }
0xbd: {  	s0 =	sor.u32 s1, s0  }
0xbe: {  	s0 =	sadd.s32 $0x8F2B, s0  }
0xbf: {  	[sflag:s0] =	ssyncadd.remote.s32 $0x1  }
0xc0: {  	_ =	sfence.sel $0xFFFF  }
0xc1: {  	[dreg:$0x0] =	wrdreg $0xFFFFFFFF;
	(pc) =	sbr.abs _section_cstart, $3  }
0xc2: {  	[dreg:$0x1] =	wrdreg $0xFFFFFFFF  }
0xc3: {  	_ =	task.clear_ibuf [dreg:s7], $0x2FFFF;
	_ =	strace $0x9FFFFFFF  }
0xc4: {  	(tm) =	ssettm $0x7FFFFFFF  }
0xc5: {  	_ =	shalt  }
tec
execute0_lowered:
.L_overlay_start_1:
0x0: {  	(tag) =	ssettag $0x1  }
0x1: {  	s6 =	rddreg [dreg:$0x0]  }
0x2: {  	s9 =	rddreg [dreg:$0x1]  }
0x3: {  	s1 =	rddreg [dreg:$0x2]  }
0x4: {  	s2 =	rddreg [dreg:$0x3]  }
0x5: {  	s0 =	rddreg [dreg:$0x4]  }
0x6: {  	s3 =	simm.s32 $0x0;
	s4 =	srdreg.scid;
	s21 =	simm.s32 $0x5000  }
0x7: {  	s22 =	simm.s32 $0x5C00;
	s23 =	simm.s32 $0x1;
	s24 =	simm.s32 $0x2  }
0x8: {  	s25 =	simm.s32 $0x4F00;
	s26 =	simm.s32 $0x4F80;
	s28 =	simm.s32 $0x0  }
0x9: {  	[smem:$0x7FF] =	sst s3;
	s11 =	sadd.s32 $0x51600, s6;
	s12 =	sadd.s32 $0x49E00, s6  }
0xa: {  	s10 =	sadd.s32 $0x3FE00, s6;
	s5 =	sadd.s32 $0x58E00, s6;
	s7 =	sand.u32 $0x1, s4  }
0xb: {  	s13 =	sadd.s32 $0xB600, s6;
	s4 =	stileid.u32;
	s14 =	sadd.s32 $0x3E00, s6  }
0xc: {  	_ =	strace $0x80000053;
	s8 =	ssub.s32 $0x2, s7;
	s15 =	smul.u32 $0x3C00, s4  }
0xd: {  	s17 =	sshll.u32 s4, $0x6;
	s31 =	smul.u32 $0x5000, s4;
	p0 =	seq.s32 s7, $0x0  }
0xe: {  	s30 =	sshrl.u32 s8, $0x1;
	s6 =	sor.u32 $0x1C03, s17;
	s12 =	smov.u32 @p0 s11  }
0xf: {  	s14 =	smov.u32 @p0 s13;
	s16 =	ssub.s32 s8, s30;
	s18 =	sadd.s32 s15, s1  }
0x10: {  	s19 =	sadd.s32 s15, s2;
	s15 =	sshrl.u32 s15, $0x3;
	s20 =	sshrl.u32 s31, $0x3  }
0x11: {  	s7 =	sadd.s32 s9, s20;
	s8 =	sadd.s32 s10, s20;
	s20 =	sadd.s32 $0x500, s20  }
0x12: {  	s11 =	smax.u32 s16, $0x1;
	s12 =	sadd.s32 s12, s15;
	s13 =	sadd.s32 s14, s15  }
0x13: {  	s14 =	sshrl.u32 s18, $0x3;
	s15 =	sor.u32 $0x1C04, s17;
	s16 =	sshrl.u32 s19, $0x3  }
0x14: {  	s17 =	simm.s32 $0x4;
	s18 =	simm.s32 $0x3;
	s19 =	simm.s32 $0x2800  }
0x15: {  	s9 =	sadd.s32 s9, s20;
	s10 =	sadd.s32 s10, s20;
	s20 =	simm.s32 $0x80  }
.LBB2_1:
0x16: {  	[spmem:s14], [sflag:s6] =	dma.local [hbm:s5], $0x780  }
0x17: {  	[spmem:s16], [sflag:s15] =	dma.local [hbm:s12], $0x780  }
0x18: {  	_ =	swait.ge [sflag:s17], $0x780  }
0x19: {  	[sflag:s17] =	ssyncset.done $0x0  }
0x1a: {  	[sflag:s17] =	ssyncadd.s32 $0xFFFFF880  }
0x1b: {  	_ =	swait.ge [sflag:s18], $0x780  }
0x1c: {  	[sflag:s18] =	ssyncset.done $0x0  }
0x1d: {  	[sflag:s18] =	ssyncadd.s32 $0xFFFFF880  }
0x1e: {  	[bflag:$0x0] =	sbarrier.arrive $0xFFFF  }
0x1f: {  	[tilespmem:s3], [sflag:$0x4] =	stream.linear.gather [hbm4b:s7+s3], $0x2800, $0x38;
	[tilespmem:$0xE000] =	vst v63  }
0x20: {  	_ =	swait.ge [sflag:s17], $0x2800  }
0x21: {  	[sflag:s17] =	ssyncset.done $0x0  }
0x22: {  	[sflag:s17] =	ssyncadd.s32 $0xFFFFD800  }
0x23: {  	[tilespmem:s19], [sflag:$0x4] =	stream.linear.gather [hbm4b:s8+s3], $0x2800, $0x38;
	[tilespmem:$0xE000] =	vst v63  }
0x24: {  	_ =	swait.ge [sflag:s17], $0x2800  }
0x25: {  	[sflag:s17] =	ssyncset.done $0x0  }
0x26: {  	[sflag:s17] =	ssyncadd.s32 $0xFFFFD800  }
0x27: {  	[tilespmem:s21], [sflag:$0x1] =	stream.indirect.gather [spmem:s2], $0x18, s3, s20, $0xb8;
	[tilespmem:$0xE000] =	vst v63  }
0x28: {  	_ = 	snop  }
0x29: {  	[tilespmem:s22], [sflag:$0x2] =	stream.indirect.gather [spmem:s2], $0x18, s20, s20, $0xb8;
	[tilespmem:$0xE000] =	vst v63  }
0x2a: {  	_ =	swait.ge [sflag:s23], $0xC00  }
0x2b: {  	[sflag:s23] =	ssyncset.done $0x0  }
0x2c: {  	s29 =	simm.s32 $0x2800;
	[sflag:s23] =	ssyncadd.s32 $0xFFFFF400  }
0x2d: {  	[spmem:s1] =	stream.indirect.scatter.add.f32 [tilespmem:s21], [sflag:$0x4], $0x18, s29, s20, $0xb8;
	[tilespmem:$0xE000] =	vst v63  }
0x2e: {  	_ =	swait.ge [sflag:s17], $0xC00  }
0x2f: {  	[sflag:s17] =	ssyncset.done $0x0  }
0x30: {  	s29 =	simm.s32 $0x100;
	[sflag:s17] =	ssyncadd.s32 $0xFFFFF400  }
0x31: {  	[tilespmem:s21], [sflag:$0x1] =	stream.indirect.gather [spmem:s2], $0x18, s29, s20, $0xb8;
	[tilespmem:$0xE000] =	vst v63  }
0x32: {  	_ =	swait.ge [sflag:s24], $0xC00  }
0x33: {  	[sflag:s24] =	ssyncset.done $0x0  }
0x34: {  	s29 =	simm.s32 $0x2880;
	[sflag:s24] =	ssyncadd.s32 $0xFFFFF400  }
0x35: {  	[spmem:s1] =	stream.indirect.scatter.add.f32 [tilespmem:s22], [sflag:$0x4], $0x18, s29, s20, $0xb8;
	[tilespmem:$0xE000] =	vst v63  }
0x36: {  	_ =	swait.ge [sflag:s17], $0xC00  }
0x37: {  	[sflag:s17] =	ssyncset.done $0x0  }
0x38: {  	s30 =	simm.s32 $0x180;
	s29 =	simm.s32 $0x400;
	[sflag:s17] =	ssyncadd.s32 $0xFFFFF400  }
.LBB2_2:
0x39: {  	[tilespmem:s22], [sflag:$0x2] =	stream.indirect.gather [spmem:s2], $0x18, s30, s20, $0xb8;
	[tilespmem:$0xE000] =	vst v63  }
0x3a: {  	s30 =	smov.u32 s29  }
0x3b: {  	p0 =	sne.s32 s29, $0x9800;
	s29 =	sadd.s32 $0x400, s29;
	_ =	swait.ge [sflag:s23], $0xC00  }
0x3c: {  	s30 =	sshra.s32 s30, $0x2;
	[sflag:s23] =	ssyncset.done $0x0  }
0x3d: {  	s31 =	sadd.s32 $0x2800, s30;
	[sflag:s23] =	ssyncadd.s32 $0xFFFFF400  }
0x3e: {  	[spmem:s1] =	stream.indirect.scatter.add.f32 [tilespmem:s21], [sflag:$0x4], $0x18, s31, s20, $0xb8;
	[tilespmem:$0xE000] =	vst v63  }
0x3f: {  	_ =	swait.ge [sflag:s17], $0xC00  }
0x40: {  	[sflag:s17] =	ssyncset.done $0x0  }
0x41: {  	s31 =	sadd.s32 $0x100, s30;
	[sflag:s17] =	ssyncadd.s32 $0xFFFFF400  }
0x42: {  	[tilespmem:s21], [sflag:$0x1] =	stream.indirect.gather [spmem:s2], $0x18, s31, s20, $0xb8;
	[tilespmem:$0xE000] =	vst v63  }
0x43: {  	_ =	swait.ge [sflag:s24], $0xC00  }
0x44: {  	[sflag:s24] =	ssyncset.done $0x0  }
.Ltmp0:
0x45: {  	s31 =	sadd.s32 $0x2880, s30;
	[sflag:s24] =	ssyncadd.s32 $0xFFFFF400;
	(pc) =	sbr.rel @p0 .LBB2_2-.Ltmp0, $4  }
0x46: {  	[spmem:s1] =	stream.indirect.scatter.add.f32 [tilespmem:s22], [sflag:$0x4], $0x18, s31, s20, $0xb8;
	[tilespmem:$0xE000] =	vst v63  }
0x47: {  	_ =	swait.ge [sflag:s17], $0xC00  }
0x48: {  	[sflag:s17] =	ssyncset.done $0x0  }
0x49: {  	s30 =	sadd.s32 $0x180, s30;
	[sflag:s17] =	ssyncadd.s32 $0xFFFFF400  }
0x4a: {  	[tilespmem:s22], [sflag:$0x2] =	stream.indirect.gather [spmem:s2], $0x18, s30, s20, $0xb8;
	[tilespmem:$0xE000] =	vst v63  }
0x4b: {  	_ =	swait.ge [sflag:s23], $0xC00  }
0x4c: {  	[sflag:s23] =	ssyncset.done $0x0  }
0x4d: {  	[sflag:s23] =	ssyncadd.s32 $0xFFFFF400  }
0x4e: {  	[spmem:s1] =	stream.indirect.scatter.add.f32 [tilespmem:s21], [sflag:$0x4], $0x18, s25, s20, $0xb8;
	[tilespmem:$0xE000] =	vst v63  }
0x4f: {  	_ =	swait.ge [sflag:s17], $0xC00  }
0x50: {  	[sflag:s17] =	ssyncset.done $0x0  }
0x51: {  	[sflag:s17] =	ssyncadd.s32 $0xFFFFF400  }
0x52: {  	_ =	swait.ge [sflag:s24], $0xC00  }
0x53: {  	[sflag:s24] =	ssyncset.done $0x0  }
0x54: {  	[sflag:s24] =	ssyncadd.s32 $0xFFFFF400  }
0x55: {  	[spmem:s1] =	stream.indirect.scatter.add.f32 [tilespmem:s22], [sflag:$0x4], $0x18, s26, s20, $0xb8;
	[tilespmem:$0xE000] =	vst v63  }
0x56: {  	_ =	swait.ge [sflag:s17], $0xC00  }
0x57: {  	[sflag:s17] =	ssyncset.done $0x0  }
0x58: {  	s29 =	simm.s32 $0x0;
	[sflag:s17] =	ssyncadd.s32 $0xFFFFF400  }
0x59: {  	[tilespmem:s29], [sflag:$0x4] =	stream.linear.gather [hbm4b:s9+s29], $0x2800, $0x38;
	[tilespmem:$0xE000] =	vst v63  }
0x5a: {  	_ =	swait.ge [sflag:s17], $0x2800  }
0x5b: {  	[sflag:s17] =	ssyncset.done $0x0  }
0x5c: {  	[sflag:s17] =	ssyncadd.s32 $0xFFFFD800  }
0x5d: {  	[tilespmem:s19], [sflag:$0x4] =	stream.linear.gather [hbm4b:s10+s29], $0x2800, $0x38;
	[tilespmem:$0xE000] =	vst v63  }
0x5e: {  	_ =	swait.ge [sflag:s17], $0x2800  }
0x5f: {  	[sflag:s17] =	ssyncset.done $0x0  }
0x60: {  	[sflag:s17] =	ssyncadd.s32 $0xFFFFD800  }
0x61: {  	[tilespmem:s21], [sflag:$0x1] =	stream.indirect.gather [spmem:s2], $0x18, s29, s20, $0xb8;
	[tilespmem:$0xE000] =	vst v63  }
0x62: {  	_ = 	snop  }
0x63: {  	[tilespmem:s22], [sflag:$0x2] =	stream.indirect.gather [spmem:s2], $0x18, s20, s20, $0xb8;
	[tilespmem:$0xE000] =	vst v63  }
0x64: {  	_ =	swait.ge [sflag:s23], $0xC00  }
0x65: {  	[sflag:s23] =	ssyncset.done $0x0  }
0x66: {  	s29 =	simm.s32 $0x2800;
	[sflag:s23] =	ssyncadd.s32 $0xFFFFF400  }
0x67: {  	[spmem:s1] =	stream.indirect.scatter.add.f32 [tilespmem:s21], [sflag:$0x4], $0x18, s29, s20, $0xb8;
	[tilespmem:$0xE000] =	vst v63  }
0x68: {  	_ =	swait.ge [sflag:s17], $0xC00  }
0x69: {  	[sflag:s17] =	ssyncset.done $0x0  }
0x6a: {  	s29 =	simm.s32 $0x100;
	[sflag:s17] =	ssyncadd.s32 $0xFFFFF400  }
0x6b: {  	[tilespmem:s21], [sflag:$0x1] =	stream.indirect.gather [spmem:s2], $0x18, s29, s20, $0xb8;
	[tilespmem:$0xE000] =	vst v63  }
0x6c: {  	_ =	swait.ge [sflag:s24], $0xC00  }
0x6d: {  	[sflag:s24] =	ssyncset.done $0x0  }
0x6e: {  	s29 =	simm.s32 $0x2880;
	[sflag:s24] =	ssyncadd.s32 $0xFFFFF400  }
0x6f: {  	[spmem:s1] =	stream.indirect.scatter.add.f32 [tilespmem:s22], [sflag:$0x4], $0x18, s29, s20, $0xb8;
	[tilespmem:$0xE000] =	vst v63  }
0x70: {  	_ =	swait.ge [sflag:s17], $0xC00  }
0x71: {  	[sflag:s17] =	ssyncset.done $0x0  }
0x72: {  	s30 =	simm.s32 $0x180;
	s29 =	simm.s32 $0x400;
	[sflag:s17] =	ssyncadd.s32 $0xFFFFF400  }
.LBB2_4:
0x73: {  	[tilespmem:s22], [sflag:$0x2] =	stream.indirect.gather [spmem:s2], $0x18, s30, s20, $0xb8;
	[tilespmem:$0xE000] =	vst v63  }
0x74: {  	s30 =	smov.u32 s29  }
0x75: {  	p0 =	sne.s32 s29, $0x9800;
	s29 =	sadd.s32 $0x400, s29;
	_ =	swait.ge [sflag:s23], $0xC00  }
0x76: {  	s30 =	sshra.s32 s30, $0x2;
	[sflag:s23] =	ssyncset.done $0x0  }
0x77: {  	s31 =	sadd.s32 $0x2800, s30;
	[sflag:s23] =	ssyncadd.s32 $0xFFFFF400  }
0x78: {  	[spmem:s1] =	stream.indirect.scatter.add.f32 [tilespmem:s21], [sflag:$0x4], $0x18, s31, s20, $0xb8;
	[tilespmem:$0xE000] =	vst v63  }
0x79: {  	_ =	swait.ge [sflag:s17], $0xC00  }
0x7a: {  	[sflag:s17] =	ssyncset.done $0x0  }
0x7b: {  	s31 =	sadd.s32 $0x100, s30;
	[sflag:s17] =	ssyncadd.s32 $0xFFFFF400  }
0x7c: {  	[tilespmem:s21], [sflag:$0x1] =	stream.indirect.gather [spmem:s2], $0x18, s31, s20, $0xb8;
	[tilespmem:$0xE000] =	vst v63  }
0x7d: {  	_ =	swait.ge [sflag:s24], $0xC00  }
0x7e: {  	[sflag:s24] =	ssyncset.done $0x0  }
.Ltmp1:
0x7f: {  	s31 =	sadd.s32 $0x2880, s30;
	[sflag:s24] =	ssyncadd.s32 $0xFFFFF400;
	(pc) =	sbr.rel @p0 .LBB2_4-.Ltmp1, $4  }
0x80: {  	[spmem:s1] =	stream.indirect.scatter.add.f32 [tilespmem:s22], [sflag:$0x4], $0x18, s31, s20, $0xb8;
	[tilespmem:$0xE000] =	vst v63  }
0x81: {  	_ =	swait.ge [sflag:s17], $0xC00  }
0x82: {  	[sflag:s17] =	ssyncset.done $0x0  }
0x83: {  	s30 =	sadd.s32 $0x180, s30;
	[sflag:s17] =	ssyncadd.s32 $0xFFFFF400  }
0x84: {  	[tilespmem:s22], [sflag:$0x2] =	stream.indirect.gather [spmem:s2], $0x18, s30, s20, $0xb8;
	[tilespmem:$0xE000] =	vst v63  }
0x85: {  	_ =	swait.ge [sflag:s23], $0xC00  }
0x86: {  	[sflag:s23] =	ssyncset.done $0x0  }
0x87: {  	[sflag:s23] =	ssyncadd.s32 $0xFFFFF400  }
0x88: {  	[spmem:s1] =	stream.indirect.scatter.add.f32 [tilespmem:s21], [sflag:$0x4], $0x18, s25, s20, $0xb8;
	[tilespmem:$0xE000] =	vst v63  }
0x89: {  	_ =	swait.ge [sflag:s17], $0xC00  }
0x8a: {  	[sflag:s17] =	ssyncset.done $0x0  }
0x8b: {  	[sflag:s17] =	ssyncadd.s32 $0xFFFFF400  }
0x8c: {  	_ =	swait.ge [sflag:s24], $0xC00  }
0x8d: {  	[sflag:s24] =	ssyncset.done $0x0  }
0x8e: {  	[sflag:s24] =	ssyncadd.s32 $0xFFFFF400  }
0x8f: {  	[spmem:s1] =	stream.indirect.scatter.add.f32 [tilespmem:s22], [sflag:$0x4], $0x18, s26, s20, $0xb8;
	[tilespmem:$0xE000] =	vst v63  }
0x90: {  	_ =	swait.ge [sflag:s17], $0xC00  }
0x91: {  	s28 =	sadd.s32 $0x1, s28;
	[sflag:s17] =	ssyncset.done $0x0  }
0x92: {  	p0 =	sne.s32 s28, s11;
	[sflag:s17] =	ssyncadd.s32 $0xFFFFF400  }
.Ltmp2:
0x93: {  	[bflag:$0x0] =	sbarrier.arrive $0xFFFF;
	(pc) =	sbr.rel @p0 .LBB2_1-.Ltmp2, $4  }
0x94: {  	[hbm:s13], [sflag:s15] =	dma.local [spmem:s14], $0x780  }
0x95: {  	_ =	swait.ge [sflag:s17], $0x780  }
0x96: {  	[sflag:s17] =	ssyncset.done $0x0  }
0x97: {  	[sflag:s17] =	ssyncadd.s32 $0xFFFFF880  }
0x98: {  	_ =	sfence.sel $0x180000  }
0x99: {  	[bflag:$0x0] =	sbarrier.arrive $0xFFFF  }
0x9a: {  	p0 =	sne.s32 s4, $0x0;
	_ =	strace $0x90000053  }
0x9b: {  	s0 =	sadd.s32 @!p0 $0x100000, s0;
	[bflag:$0x2] =	sbarrier.arrive $0xFFFF  }
0x9c: {  	[sflag:s0] =	ssyncadd.tile.s32 @!p0 $0x1;
	_ =	shalt  }
.Lfunc_end2:
_tile_overlayer_lowered:
.L_overlay_start_2:
0x9d: {  	(tag) =	ssettag $0x2  }
0x9e: {  	s0 =	rddreg [dreg:$0x0];
	s2 =	stileid.u32  }
0x9f: {  	s1 =	rddreg [dreg:$0x1];
	p0 =	sne.s32 s2, $0x0  }
0xa0: {  	s3 =	rddreg [dreg:$0x2];
	[bflag:$0x3] =	sbarrier.arrive $0xFFFF;
	s2 =	simm.s32 @!p0 $0x1C04  }
0xa1: {  	[timem:s3], [sflag:s2] =	dma.local @!p0 [hbm:s0], s1  }
0xa2: {  	s0 =	simm.s32 @!p0 $0x4  }
0xa3: {  	_ =	swait.ge @!p0 [sflag:s0], s1  }
0xa4: {  	s1 =	ssub.s32 @!p0 $0x0, s1;
	[sflag:s0] =	ssyncset.done @!p0 $0x0  }
0xa5: {  	[sflag:s0] =	ssyncadd.s32 @!p0 s1  }
0xa6: {  	[bflag:$0x3] =	sbarrier.arrive $0xFFFF  }
0xa7: {  	_ =	shalt  }

</sc_bundles>
